<compile_context>
chip_gen: v7x
topology: tpu7x:2x2x1
jax: 0.10.2.dev20260603
libtpu: 0.0.44.dev20260713+nightly
codegen_flags: <defaults>
</compile_context>

<pallas_src>
import functools

import jax
import jax.numpy as jnp
from jax import lax
from jax.experimental import pallas as pl
from jax.experimental.pallas import tpu as pltpu
from jax.experimental.pallas import tpu_sc as plsc

_N = 10000
_E = 160000
_D = 128

_NC = 2
_NS = 16
_NW = _NC * _NS
_CH = 32
_NCHUNK = 160
_EPT = _CH * _NCHUNK
_EPAD = _NW * _EPT
_NPAD = 10240
_RPT = _NPAD // _NS
_DUMP = 10008

_F32 = jnp.float32



def _proj_body(e_ref, we_ref, b_ref, x_ref, wa_ref, wc_ref, p_ref, ac_ref):
    p_ref[...] = (
        jnp.dot(e_ref[...], we_ref[...], preferred_element_type=_F32)
        + b_ref[...]
    )
    x = x_ref[...]
    ac_ref[0] = jnp.dot(x, wa_ref[...], preferred_element_type=_F32)
    ac_ref[1] = jnp.dot(x, wc_ref[...], preferred_element_type=_F32)


def _proj(e, we, b, h_aug, wa, wc):
    be = 6400
    bn = _N // (_E // be)
    mat = lambda i: (0, 0)
    return pl.pallas_call(
        _proj_body,
        grid=(_E // be,),
        in_specs=[
            pl.BlockSpec((be, _D), lambda i: (i, 0)),
            pl.BlockSpec((_D, _D), mat),
            pl.BlockSpec((1, _D), mat),
            pl.BlockSpec((bn, 2 * _D), lambda i: (i, 0)),
            pl.BlockSpec((2 * _D, _D), mat),
            pl.BlockSpec((2 * _D, _D), mat),
        ],
        out_specs=[
            pl.BlockSpec((be, _D), lambda i: (i, 0)),
            pl.BlockSpec((2, bn, _D), lambda i: (0, i, 0)),
        ],
        out_shape=[
            jax.ShapeDtypeStruct((_EPAD, _D), _F32),
            jax.ShapeDtypeStruct((2, _NPAD, _D), _F32),
        ],
    )(e, we, b.reshape(1, _D), h_aug, wa, wc)


def _update_body(s0_ref, s1_ref, h_ref, w2_ref, u1m_ref, u1h_ref, bu1_ref,
                 u2_ref, bu2_ref, o_ref):
    m_sum = jnp.dot(s0_ref[...] + s1_ref[...], w2_ref[...],
                    preferred_element_type=_F32)
    pre = (
        jnp.dot(m_sum, u1m_ref[...], preferred_element_type=_F32)
        + jnp.dot(h_ref[...], u1h_ref[...], preferred_element_type=_F32)
        + bu1_ref[...]
    )
    o_ref[...] = (
        jnp.dot(jnp.maximum(pre, 0.0), u2_ref[...],
                preferred_element_type=_F32)
        + bu2_ref[...]
    )


def _update(s0, s1, h, w2, u1m, u1h, bu1, u2, bu2):
    bn = 2000
    mat = lambda i: (0, 0)
    return pl.pallas_call(
        _update_body,
        grid=(_N // bn,),
        in_specs=[
            pl.BlockSpec((bn, _D), lambda i: (i, 0)),
            pl.BlockSpec((bn, _D), lambda i: (i, 0)),
            pl.BlockSpec((bn, _D), lambda i: (i, 0)),
            pl.BlockSpec((_D, _D), mat),
            pl.BlockSpec((_D, _D), mat),
            pl.BlockSpec((_D, _D), mat),
            pl.BlockSpec((1, _D), mat),
            pl.BlockSpec((_D, _D), mat),
            pl.BlockSpec((1, _D), mat),
        ],
        out_specs=pl.BlockSpec((bn, _D), lambda i: (i, 0)),
        out_shape=jax.ShapeDtypeStruct((_N, _D), _F32),
    )(s0, s1, h, w2, u1m, u1h, bu1.reshape(1, _D), u2, bu2.reshape(1, _D))



def _sc_body(ac_hbm, p_hbm, gx_hbm, sx_hbm, out_hbm,
             gx0, gx1, sx0, sx1, acb0, pb0, acb1, pb1,
             s_sh, g0, g1, si, ss0, ss1):
    cid = lax.axis_index("c")
    sid = lax.axis_index("s")
    wid = cid * _NS + sid
    base = wid * _EPT

    def zrow(r, carry):
        for j in range(8):
            acb0[r, pl.ds(j * 16, 16)] = jnp.zeros((16,), _F32)
        return carry

    lax.fori_loop(0, 2 * _CH, zrow, 0)

    def zcp(k, carry):
        pltpu.sync_copy(
            acb0, s_sh.at[pl.ds(sid * _RPT + k * 2 * _CH, 2 * _CH)])
        return carry

    lax.fori_loop(0, _RPT // (2 * _CH), zcp, 0)
    plsc.subcore_barrier()

    gxr = (gx0, gx1)
    sxr = (sx0, sx1)
    sets = ((acb0, pb0), (acb1, pb1))
    gsems = (g0, g1)
    ssems = (ss0, ss1)

    def issue_ac(gslot, bufs, gsem):
        pltpu.async_copy(ac_hbm.at[gslot], bufs[0], gsem)

    def issue_p(i, bufs, gsem):
        pltpu.async_copy(p_hbm.at[pl.ds(base + i * _CH, _CH)], bufs[1],
                         gsem)

    def wait_gathers(i, gslot, bufs, gsem):
        acb, pb = bufs
        pltpu.make_async_copy(ac_hbm.at[gslot], acb, gsem).wait()
        pltpu.make_async_copy(p_hbm.at[pl.ds(base + i * _CH, _CH)], pb,
                              gsem).wait()

    def compute(bufs):
        acb, pb = bufs

        def row(r, carry):
            for j in range(8):
                sl = pl.ds(j * 16, 16)
                v = acb[r, sl] + acb[_CH + r, sl] + pb[r, sl]
                pb[r, sl] = jnp.maximum(v, 0.0)
            return carry

        lax.fori_loop(0, _CH, row, 0, unroll=2)

    def load_ring(quad, gring, sring):
        pltpu.async_copy(gx_hbm.at[wid, quad], gring, si)
        pltpu.async_copy(sx_hbm.at[wid, quad], sring, si)

    def wait_ring(gring, sring):
        pltpu.make_async_copy(gx_hbm.at[wid, 0], gring, si).wait()
        pltpu.make_async_copy(sx_hbm.at[wid, 0], sring, si).wait()

    pltpu.sync_copy(gx_hbm.at[wid, 0], gx0)
    pltpu.sync_copy(sx_hbm.at[wid, 0], sx0)
    issue_ac(gx0.at[0], sets[0], g0)
    issue_p(0, sets[0], g0)

    nk = _NCHUNK // 8

    def step(k, carry):
        for p in range(8):
            i = 8 * k + p
            q = p % 2
            cur = sets[q]
            nxt = sets[1 - q]
            ring = (p // 4) % 2
            slot = p % 4
            ss = ssems[q]
            ssn = ssems[1 - q]

            if p == 3:
                wait_ring(gx1, sx1)
            elif p == 7:
                @pl.when(k < nk - 1)
                def _():
                    wait_ring(gx0, sx0)

            rn, sn = ((p + 1) // 4) % 2, (p + 1) % 4
            if p == 7:
                @pl.when(k < nk - 1)
                def _(rn=rn, sn=sn, nxt=nxt, q=q):
                    issue_ac(gxr[rn].at[sn], nxt, gsems[1 - q])
            else:
                issue_ac(gxr[rn].at[sn], nxt, gsems[1 - q])

            wait_gathers(i, gxr[ring].at[slot], cur, gsems[q])

            r1, s1 = ((p - 1) // 4) % 2, (p - 1) % 4
            if p == 0:
                @pl.when(k > 0)
                def _(nxt=nxt, ssn=ssn, r1=r1, s1=s1):
                    pltpu.make_async_copy(
                        nxt[1], s_sh.at[sxr[r1].at[s1]], ssn).wait()
            else:
                pltpu.make_async_copy(
                    nxt[1], s_sh.at[sxr[r1].at[s1]], ssn).wait()

            if p == 7:
                @pl.when(k < nk - 1)
                def _(i=i, nxt=nxt, q=q):
                    issue_p(i + 1, nxt, gsems[1 - q])
            else:
                issue_p(i + 1, nxt, gsems[1 - q])

            if p == 1:
                load_ring(2 * k + 1, gx1, sx1)
            elif p == 5:
                @pl.when(k < nk - 1)
                def _(k=k):
                    load_ring(2 * k + 2, gx0, sx0)

            compute(cur)
            pltpu.async_copy(cur[1], s_sh.at[sxr[ring].at[slot]], ss,
                             add=True)
        return carry

    lax.fori_loop(0, nk, step, 0)

    pltpu.make_async_copy(sets[1][1], s_sh.at[sx1.at[3]], ss1).wait()
    plsc.subcore_barrier()
    pltpu.sync_copy(
        s_sh.at[pl.ds(sid * _RPT, _RPT)],
        out_hbm.at[cid, pl.ds(sid * _RPT, _RPT)],
    )


_sc_scatter = functools.partial(
    pl.kernel,
    out_type=jax.ShapeDtypeStruct((_NC, _NPAD, _D), _F32),
    mesh=plsc.VectorSubcoreMesh(core_axis_name="c", subcore_axis_name="s"),
    scratch_types=[
        pltpu.VMEM((4, 2 * _CH), jnp.int32),
        pltpu.VMEM((4, 2 * _CH), jnp.int32),
        pltpu.VMEM((4, _CH), jnp.int32),
        pltpu.VMEM((4, _CH), jnp.int32),
        pltpu.VMEM((2 * _CH, _D), _F32),
        pltpu.VMEM((_CH, _D), _F32),
        pltpu.VMEM((2 * _CH, _D), _F32),
        pltpu.VMEM((_CH, _D), _F32),
        pltpu.VMEM_SHARED((_NPAD, _D), _F32),
        pltpu.SemaphoreType.DMA,
        pltpu.SemaphoreType.DMA,
        pltpu.SemaphoreType.DMA,
        pltpu.SemaphoreType.DMA,
        pltpu.SemaphoreType.DMA,
    ],
)(_sc_body)



def kernel(h, e, edge_index, W1, b1, W2, b2, U1, bu1, U2, bu2):
    rnf = jax.random.normal(jax.random.key(42), h.shape, dtype=h.dtype)
    h_aug = jnp.concatenate([h, rnf], axis=-1)
    p, ac = _proj(e, W1[2 * _D : 3 * _D], b1, h_aug,
                  W1[: 2 * _D], W1[3 * _D :])
    npad = _EPAD - _E
    src = jnp.concatenate(
        [edge_index[0], jnp.full((npad,), _DUMP, jnp.int32)]
    ).reshape(_NW, _NCHUNK, _CH)
    dst = jnp.concatenate(
        [edge_index[1], jnp.full((npad,), _DUMP, jnp.int32)]
    ).reshape(_NW, _NCHUNK, _CH)
    gx = jnp.concatenate([src, dst + _NPAD], axis=-1).reshape(
        _NW, _NCHUNK // 4, 4, 2 * _CH)
    sx = dst.reshape(_NW, _NCHUNK // 4, 4, _CH)
    s = _sc_scatter(ac.reshape(2 * _NPAD, _D), p, gx, sx)
    h_new = _update(s[0], s[1], h, W2, U1[:_D], U1[_D:], bu1, U2, bu2)
    return (h_new, e)

# --- scband reference (transcript-rebuilt; emitter-appended) ---
"""Pipeline reference for scband-mpnnlayer-30382598652103 (READ-ONLY COPY).

The authoritative reference and input builder live on the scoring server;
editing this copy changes nothing except your own understanding.
"""

import jax, jax.numpy as jnp
import numpy as np

N = 10000
E = 160000
D = 128


def setup_inputs(seed: int = 0) -> dict:
    key = jax.random.key(seed)
    ks = jax.random.split(key, 12)
    h = jax.random.normal(ks[0], (N, D), dtype=jnp.float32)
    e = jax.random.normal(ks[1], (E, D), dtype=jnp.float32)
    edge_index = jax.random.randint(ks[2], (2, E), 0, N, dtype=jnp.int32)
    # message_fn: Linear(5D -> D), ReLU, Linear(D -> D)
    W1 = jax.random.normal(ks[3], (5 * D, D), dtype=jnp.float32) * (1.0 / np.sqrt(5 * D))
    b1 = jnp.zeros((D,), dtype=jnp.float32)
    W2 = jax.random.normal(ks[4], (D, D), dtype=jnp.float32) * (1.0 / np.sqrt(D))
    b2 = jnp.zeros((D,), dtype=jnp.float32)
    # update_fn: Linear(2D -> D), ReLU, Linear(D -> D)
    U1 = jax.random.normal(ks[5], (2 * D, D), dtype=jnp.float32) * (1.0 / np.sqrt(2 * D))
    bu1 = jnp.zeros((D,), dtype=jnp.float32)
    U2 = jax.random.normal(ks[6], (D, D), dtype=jnp.float32) * (1.0 / np.sqrt(D))
    bu2 = jnp.zeros((D,), dtype=jnp.float32)
    return {"h": h, "e": e, "edge_index": edge_index,
            "W1": W1, "b1": b1, "W2": W2, "b2": b2,
            "U1": U1, "bu1": bu1, "U2": U2, "bu2": bu2}


def reference(h, e, edge_index, W1, b1, W2, b2, U1, bu1, U2, bu2):
    src = edge_index[0]
    dst = edge_index[1]
    # rnf=True branch: concat random node features onto h
    rnf = jax.random.normal(jax.random.key(42), h.shape, dtype=h.dtype)
    h_aug = jnp.concatenate([h, rnf], axis=-1)  # [N, 2D]
    # message: cat([src_h, e, dst_h]) -> MLP  => [E, 5D] -> [E, D]
    msg_input = jnp.concatenate([h_aug[src], e, h_aug[dst]], axis=1)
    m = jax.nn.relu(msg_input @ W1 + b1) @ W2 + b2  # [E, D]
    # fn.sum('m', 'm_sum'): scatter-add messages onto destination nodes
    m_sum = jax.ops.segment_sum(m, dst, num_segments=N)  # [N, D]
    # update: cat([m_sum, h]) -> MLP
    upd_input = jnp.concatenate([m_sum, h], axis=-1)  # [N, 2D]
    h_new = jax.nn.relu(upd_input @ U1 + bu1) @ U2 + bu2  # [N, D]
    return (h_new, e)

if __name__ == "__main__":
    import jax
    _d = setup_inputs()
    print(jax.jit(kernel)(*tuple(_d.values())))

</pallas_src>

<mosaic_0001>
#map = affine_map<(d0, d1) -> (0, 0)>
#map1 = affine_map<(d0, d1) -> (0, 0, 0, 0)>
#map2 = affine_map<(d0, d1) -> (0, 0, 0)>
module attributes {stable_mosaic.version = 14 : i64} {
  func.func @_sc_body(%arg0: i32, %arg1: i32, %arg2: memref<20480x128xf32, #tpu.memory_space<hbm>>, %arg3: memref<163840x128xf32, #tpu.memory_space<hbm>>, %arg4: memref<32x40x4x64xi32, #tpu.memory_space<hbm>>, %arg5: memref<32x40x4x32xi32, #tpu.memory_space<hbm>>, %arg6: memref<2x10240x128xf32, #tpu.memory_space<hbm>>, %arg7: memref<4x64xi32, #tpu.memory_space<vmem>>, %arg8: memref<4x64xi32, #tpu.memory_space<vmem>>, %arg9: memref<4x32xi32, #tpu.memory_space<vmem>>, %arg10: memref<4x32xi32, #tpu.memory_space<vmem>>, %arg11: memref<64x128xf32, #tpu.memory_space<vmem>>, %arg12: memref<32x128xf32, #tpu.memory_space<vmem>>, %arg13: memref<64x128xf32, #tpu.memory_space<vmem>>, %arg14: memref<32x128xf32, #tpu.memory_space<vmem>>, %arg15: memref<10240x128xf32, #tpu.memory_space<vmem_shared>>, %arg16: memref<!tpu.dma_semaphore, #tpu.memory_space<semaphore_mem>>, %arg17: memref<!tpu.dma_semaphore, #tpu.memory_space<semaphore_mem>>, %arg18: memref<!tpu.dma_semaphore, #tpu.memory_space<semaphore_mem>>, %arg19: memref<!tpu.dma_semaphore, #tpu.memory_space<semaphore_mem>>, %arg20: memref<!tpu.dma_semaphore, #tpu.memory_space<semaphore_mem>>) attributes {dimension_semantics = [#tpu.dimension_semantics<core_parallel>, #tpu.dimension_semantics<subcore_parallel>], iteration_bounds = array<i64: 2, 16>, scalar_prefetch = 0 : i64, scratch_operands = 14 : i64, tpu.core_type = #tpu.core_type<sc_vector_subcore>, window_params = [{transform_indices = #map}, {transform_indices = #map}, {transform_indices = #map1}, {transform_indices = #map1}, {transform_indices = #map2}]} {
    %mul3A = arith.constant 16 : i32
    %mul3A_0 = arith.muli %arg0, %mul3A : i32
    %add3A = arith.addi %mul3A_0, %arg1 : i32
    %mul3A_1 = arith.constant 5120 : i32
    %mul3A_2 = arith.muli %add3A, %mul3A_1 : i32
    %scan3A = arith.constant 0 : i32
    %scan3A_3 = arith.constant 0 : i32
    %scan3A_4 = arith.constant 64 : i32
    %scan3A_5 = arith.addi %scan3A_3, %scan3A_4 : i32
    %scan3A_6 = arith.constant 1 : i32
    scf.for %scan3A_44 = %scan3A_3 to %scan3A_5 step %scan3A_6  : i32 {
      %broadcast_in_dim3A = arith.constant 0.000000e+00 : f32
      %broadcast_in_dim3A_45 = vector.broadcast %broadcast_in_dim3A : f32 to vector<16xf32>
      %swap3A = arith.index_cast %scan3A_44 : i32 to index
      %swap3A_46 = arith.constant 0 : index
      %swap3A_47 = tpu.vector_load %arg11[%swap3A, %swap3A_46] {strides = array<i32>} : memref<64x128xf32, #tpu.memory_space<vmem>>, vector<1x16xf32>,
      %swap3A_48 = vector.shape_cast %swap3A_47 : vector<1x16xf32> to vector<16xf32>
      %swap3A_49 = vector.shape_cast %broadcast_in_dim3A_45 : vector<16xf32> to vector<1x16xf32>
      tpu.vector_store %arg11[%swap3A, %swap3A_46], %swap3A_49 {strides = array<i32>} : memref<64x128xf32, #tpu.memory_space<vmem>>, vector<1x16xf32>,
      %broadcast_in_dim3A_50 = arith.constant 0.000000e+00 : f32
      %broadcast_in_dim3A_51 = vector.broadcast %broadcast_in_dim3A_50 : f32 to vector<16xf32>
      %swap3A_52 = arith.index_cast %scan3A_44 : i32 to index
      %swap3A_53 = arith.constant 16 : index
      %swap3A_54 = tpu.vector_load %arg11[%swap3A_52, %swap3A_53] {strides = array<i32>} : memref<64x128xf32, #tpu.memory_space<vmem>>, vector<1x16xf32>,
      %swap3A_55 = vector.shape_cast %swap3A_54 : vector<1x16xf32> to vector<16xf32>
      %swap3A_56 = vector.shape_cast %broadcast_in_dim3A_51 : vector<16xf32> to vector<1x16xf32>
      tpu.vector_store %arg11[%swap3A_52, %swap3A_53], %swap3A_56 {strides = array<i32>} : memref<64x128xf32, #tpu.memory_space<vmem>>, vector<1x16xf32>,
      %broadcast_in_dim3A_57 = arith.constant 0.000000e+00 : f32
      %broadcast_in_dim3A_58 = vector.broadcast %broadcast_in_dim3A_57 : f32 to vector<16xf32>
      %swap3A_59 = arith.index_cast %scan3A_44 : i32 to index
      %swap3A_60 = arith.constant 32 : index
      %swap3A_61 = tpu.vector_load %arg11[%swap3A_59, %swap3A_60] {strides = array<i32>} : memref<64x128xf32, #tpu.memory_space<vmem>>, vector<1x16xf32>,
      %swap3A_62 = vector.shape_cast %swap3A_61 : vector<1x16xf32> to vector<16xf32>
      %swap3A_63 = vector.shape_cast %broadcast_in_dim3A_58 : vector<16xf32> to vector<1x16xf32>
      tpu.vector_store %arg11[%swap3A_59, %swap3A_60], %swap3A_63 {strides = array<i32>} : memref<64x128xf32, #tpu.memory_space<vmem>>, vector<1x16xf32>,
      %broadcast_in_dim3A_64 = arith.constant 0.000000e+00 : f32
      %broadcast_in_dim3A_65 = vector.broadcast %broadcast_in_dim3A_64 : f32 to vector<16xf32>
      %swap3A_66 = arith.index_cast %scan3A_44 : i32 to index
      %swap3A_67 = arith.constant 48 : index
      %swap3A_68 = tpu.vector_load %arg11[%swap3A_66, %swap3A_67] {strides = array<i32>} : memref<64x128xf32, #tpu.memory_space<vmem>>, vector<1x16xf32>,
      %swap3A_69 = vector.shape_cast %swap3A_68 : vector<1x16xf32> to vector<16xf32>
      %swap3A_70 = vector.shape_cast %broadcast_in_dim3A_65 : vector<16xf32> to vector<1x16xf32>
      tpu.vector_store %arg11[%swap3A_66, %swap3A_67], %swap3A_70 {strides = array<i32>} : memref<64x128xf32, #tpu.memory_space<vmem>>, vector<1x16xf32>,
      %broadcast_in_dim3A_71 = arith.constant 0.000000e+00 : f32
      %broadcast_in_dim3A_72 = vector.broadcast %broadcast_in_dim3A_71 : f32 to vector<16xf32>
      %swap3A_73 = arith.index_cast %scan3A_44 : i32 to index
      %swap3A_74 = arith.constant 64 : index
      %swap3A_75 = tpu.vector_load %arg11[%swap3A_73, %swap3A_74] {strides = array<i32>} : memref<64x128xf32, #tpu.memory_space<vmem>>, vector<1x16xf32>,
      %swap3A_76 = vector.shape_cast %swap3A_75 : vector<1x16xf32> to vector<16xf32>
      %swap3A_77 = vector.shape_cast %broadcast_in_dim3A_72 : vector<16xf32> to vector<1x16xf32>
      tpu.vector_store %arg11[%swap3A_73, %swap3A_74], %swap3A_77 {strides = array<i32>} : memref<64x128xf32, #tpu.memory_space<vmem>>, vector<1x16xf32>,
      %broadcast_in_dim3A_78 = arith.constant 0.000000e+00 : f32
      %broadcast_in_dim3A_79 = vector.broadcast %broadcast_in_dim3A_78 : f32 to vector<16xf32>
      %swap3A_80 = arith.index_cast %scan3A_44 : i32 to index
      %swap3A_81 = arith.constant 80 : index
      %swap3A_82 = tpu.vector_load %arg11[%swap3A_80, %swap3A_81] {strides = array<i32>} : memref<64x128xf32, #tpu.memory_space<vmem>>, vector<1x16xf32>,
      %swap3A_83 = vector.shape_cast %swap3A_82 : vector<1x16xf32> to vector<16xf32>
      %swap3A_84 = vector.shape_cast %broadcast_in_dim3A_79 : vector<16xf32> to vector<1x16xf32>
      tpu.vector_store %arg11[%swap3A_80, %swap3A_81], %swap3A_84 {strides = array<i32>} : memref<64x128xf32, #tpu.memory_space<vmem>>, vector<1x16xf32>,
      %broadcast_in_dim3A_85 = arith.constant 0.000000e+00 : f32
      %broadcast_in_dim3A_86 = vector.broadcast %broadcast_in_dim3A_85 : f32 to vector<16xf32>
      %swap3A_87 = arith.index_cast %scan3A_44 : i32 to index
      %swap3A_88 = arith.constant 96 : index
      %swap3A_89 = tpu.vector_load %arg11[%swap3A_87, %swap3A_88] {strides = array<i32>} : memref<64x128xf32, #tpu.memory_space<vmem>>, vector<1x16xf32>,
      %swap3A_90 = vector.shape_cast %swap3A_89 : vector<1x16xf32> to vector<16xf32>
      %swap3A_91 = vector.shape_cast %broadcast_in_dim3A_86 : vector<16xf32> to vector<1x16xf32>
      tpu.vector_store %arg11[%swap3A_87, %swap3A_88], %swap3A_91 {strides = array<i32>} : memref<64x128xf32, #tpu.memory_space<vmem>>, vector<1x16xf32>,
      %broadcast_in_dim3A_92 = arith.constant 0.000000e+00 : f32
      %broadcast_in_dim3A_93 = vector.broadcast %broadcast_in_dim3A_92 : f32 to vector<16xf32>
      %swap3A_94 = arith.index_cast %scan3A_44 : i32 to index
      %swap3A_95 = arith.constant 112 : index
      %swap3A_96 = tpu.vector_load %arg11[%swap3A_94, %swap3A_95] {strides = array<i32>} : memref<64x128xf32, #tpu.memory_space<vmem>>, vector<1x16xf32>,
      %swap3A_97 = vector.shape_cast %swap3A_96 : vector<1x16xf32> to vector<16xf32>
      %swap3A_98 = vector.shape_cast %broadcast_in_dim3A_93 : vector<16xf32> to vector<1x16xf32>
      tpu.vector_store %arg11[%swap3A_94, %swap3A_95], %swap3A_98 {strides = array<i32>} : memref<64x128xf32, #tpu.memory_space<vmem>>, vector<1x16xf32>,
    }
    %scan3A_7 = arith.constant 64 : i32
    %scan3A_8 = arith.constant 0 : i32
    %scan3A_9 = arith.constant 0 : i32
    %scan3A_10 = arith.constant 10 : i32
    %scan3A_11 = arith.addi %scan3A_9, %scan3A_10 : i32
    %scan3A_12 = arith.constant 1 : i32
    scf.for %scan3A_44 = %scan3A_9 to %scan3A_11 step %scan3A_12  : i32 {
      %mul3A_45 = arith.constant 640 : i32
      %mul3A_46 = arith.muli %arg1, %mul3A_45 : i32
      %mul3A_47 = arith.constant 2 : i32
      %mul3A_48 = arith.muli %scan3A_44, %mul3A_47 : i32
      %mul3A_49 = arith.constant 32 : i32
      %mul3A_50 = arith.muli %mul3A_48, %mul3A_49 : i32
      %add3A_51 = arith.addi %mul3A_46, %mul3A_50 : i32
      "tpu.region"() ({
        %run_scoped3A_52 = tpu.sem_alloc : memref<!tpu.dma_semaphore, #tpu.memory_space<semaphore_mem>>
        %dma_start3A_53 = arith.constant 0 : i32
        %dma_start3A_54 = tpu.memref_slice %arg15[%add3A_51, %dma_start3A_53] : memref<10240x128xf32, #tpu.memory_space<vmem_shared>> -> memref<64x128xf32, #tpu.memory_space<vmem_shared>>
        %dma_start3A_55 = arith.constant 0 : i32
        %dma_start3A_56 = tpu.memref_slice %arg15[%add3A_51, %dma_start3A_55] : memref<10240x128xf32, #tpu.memory_space<vmem_shared>> -> memref<64x128xf32, #tpu.memory_space<vmem_shared>>
        tpu.enqueue_dma source(%arg11 : memref<64x128xf32, #tpu.memory_space<vmem>>) target(%dma_start3A_56 : memref<64x128xf32, #tpu.memory_space<vmem_shared>>) target_semaphore(%run_scoped3A_52 : memref<!tpu.dma_semaphore, #tpu.memory_space<semaphore_mem>>)
        %dma_wait3A_57 = arith.constant 0 : i32
        %dma_wait3A_58 = tpu.memref_slice %arg15[%add3A_51, %dma_wait3A_57] : memref<10240x128xf32, #tpu.memory_space<vmem_shared>> -> memref<64x128xf32, #tpu.memory_space<vmem_shared>>
        %dma_wait3A_59 = arith.constant 0 : i32
        %dma_wait3A_60 = tpu.memref_slice %arg15[%add3A_51, %dma_wait3A_59] : memref<10240x128xf32, #tpu.memory_space<vmem_shared>> -> memref<64x128xf32, #tpu.memory_space<vmem_shared>>
        tpu.wait_dma2 semaphore(%run_scoped3A_52 : memref<!tpu.dma_semaphore, #tpu.memory_space<semaphore_mem>>) src(%arg11 : memref<64x128xf32, #tpu.memory_space<vmem>>) dst(%dma_wait3A_60 : memref<64x128xf32, #tpu.memory_space<vmem_shared>>)
        tpu.yield
      }) : () -> ()
    }
    %scan3A_13 = arith.constant 10 : i32
    %barrier3A = arith.constant 0 : index
    tpu.barrier barrier_id(%barrier3A)
    %run_scoped3A = arith.constant 0 : i32
    "tpu.region"() ({
      %run_scoped3A_44 = tpu.sem_alloc : memref<!tpu.dma_semaphore, #tpu.memory_space<semaphore_mem>>
      %dma_start3A_45 = arith.constant 0 : i32
      %dma_start3A_46 = arith.constant 0 : i32
      %dma_start3A_47 = tpu.memref_slice %arg4[%add3A, %run_scoped3A, %dma_start3A_45, %dma_start3A_46] : memref<32x40x4x64xi32, #tpu.memory_space<hbm>> -> memref<1x1x4x64xi32, #tpu.memory_space<hbm>>
      %dma_start3A_48 = tpu.memref_squeeze %dma_start3A_47 : memref<1x1x4x64xi32, #tpu.memory_space<hbm>> -> memref<4x64xi32, #tpu.memory_space<hbm>>
      %dma_start3A_49 = arith.constant 0 : i32
      %dma_start3A_50 = arith.constant 0 : i32
      %dma_start3A_51 = tpu.memref_slice %arg4[%add3A, %run_scoped3A, %dma_start3A_49, %dma_start3A_50] : memref<32x40x4x64xi32, #tpu.memory_space<hbm>> -> memref<1x1x4x64xi32, #tpu.memory_space<hbm>>
      %dma_start3A_52 = tpu.memref_squeeze %dma_start3A_51 : memref<1x1x4x64xi32, #tpu.memory_space<hbm>> -> memref<4x64xi32, #tpu.memory_space<hbm>>
      tpu.enqueue_dma source(%dma_start3A_52 : memref<4x64xi32, #tpu.memory_space<hbm>>) target(%arg7 : memref<4x64xi32, #tpu.memory_space<vmem>>) target_semaphore(%run_scoped3A_44 : memref<!tpu.dma_semaphore, #tpu.memory_space<semaphore_mem>>)
      %dma_wait3A_53 = arith.constant 0 : i32
      %dma_wait3A_54 = arith.constant 0 : i32
      %dma_wait3A_55 = tpu.memref_slice %arg4[%add3A, %run_scoped3A, %dma_wait3A_53, %dma_wait3A_54] : memref<32x40x4x64xi32, #tpu.memory_space<hbm>> -> memref<1x1x4x64xi32, #tpu.memory_space<hbm>>
      %dma_wait3A_56 = tpu.memref_squeeze %dma_wait3A_55 : memref<1x1x4x64xi32, #tpu.memory_space<hbm>> -> memref<4x64xi32, #tpu.memory_space<hbm>>
      %dma_wait3A_57 = arith.constant 0 : i32
      %dma_wait3A_58 = arith.constant 0 : i32
      %dma_wait3A_59 = tpu.memref_slice %arg4[%add3A, %run_scoped3A, %dma_wait3A_57, %dma_wait3A_58] : memref<32x40x4x64xi32, #tpu.memory_space<hbm>> -> memref<1x1x4x64xi32, #tpu.memory_space<hbm>>
      %dma_wait3A_60 = tpu.memref_squeeze %dma_wait3A_59 : memref<1x1x4x64xi32, #tpu.memory_space<hbm>> -> memref<4x64xi32, #tpu.memory_space<hbm>>
      tpu.wait_dma2 semaphore(%run_scoped3A_44 : memref<!tpu.dma_semaphore, #tpu.memory_space<semaphore_mem>>) src(%dma_wait3A_60 : memref<4x64xi32, #tpu.memory_space<hbm>>) dst(%arg7 : memref<4x64xi32, #tpu.memory_space<vmem>>)
      tpu.yield
    }) : () -> ()
    %run_scoped3A_14 = arith.constant 0 : i32
    "tpu.region"() ({
      %run_scoped3A_44 = tpu.sem_alloc : memref<!tpu.dma_semaphore, #tpu.memory_space<semaphore_mem>>
      %dma_start3A_45 = arith.constant 0 : i32
      %dma_start3A_46 = arith.constant 0 : i32
      %dma_start3A_47 = tpu.memref_slice %arg5[%add3A, %run_scoped3A_14, %dma_start3A_45, %dma_start3A_46] : memref<32x40x4x32xi32, #tpu.memory_space<hbm>> -> memref<1x1x4x32xi32, #tpu.memory_space<hbm>>
      %dma_start3A_48 = tpu.memref_squeeze %dma_start3A_47 : memref<1x1x4x32xi32, #tpu.memory_space<hbm>> -> memref<4x32xi32, #tpu.memory_space<hbm>>
      %dma_start3A_49 = arith.constant 0 : i32
      %dma_start3A_50 = arith.constant 0 : i32
      %dma_start3A_51 = tpu.memref_slice %arg5[%add3A, %run_scoped3A_14, %dma_start3A_49, %dma_start3A_50] : memref<32x40x4x32xi32, #tpu.memory_space<hbm>> -> memref<1x1x4x32xi32, #tpu.memory_space<hbm>>
      %dma_start3A_52 = tpu.memref_squeeze %dma_start3A_51 : memref<1x1x4x32xi32, #tpu.memory_space<hbm>> -> memref<4x32xi32, #tpu.memory_space<hbm>>
      tpu.enqueue_dma source(%dma_start3A_52 : memref<4x32xi32, #tpu.memory_space<hbm>>) target(%arg9 : memref<4x32xi32, #tpu.memory_space<vmem>>) target_semaphore(%run_scoped3A_44 : memref<!tpu.dma_semaphore, #tpu.memory_space<semaphore_mem>>)
      %dma_wait3A_53 = arith.constant 0 : i32
      %dma_wait3A_54 = arith.constant 0 : i32
      %dma_wait3A_55 = tpu.memref_slice %arg5[%add3A, %run_scoped3A_14, %dma_wait3A_53, %dma_wait3A_54] : memref<32x40x4x32xi32, #tpu.memory_space<hbm>> -> memref<1x1x4x32xi32, #tpu.memory_space<hbm>>
      %dma_wait3A_56 = tpu.memref_squeeze %dma_wait3A_55 : memref<1x1x4x32xi32, #tpu.memory_space<hbm>> -> memref<4x32xi32, #tpu.memory_space<hbm>>
      %dma_wait3A_57 = arith.constant 0 : i32
      %dma_wait3A_58 = arith.constant 0 : i32
      %dma_wait3A_59 = tpu.memref_slice %arg5[%add3A, %run_scoped3A_14, %dma_wait3A_57, %dma_wait3A_58] : memref<32x40x4x32xi32, #tpu.memory_space<hbm>> -> memref<1x1x4x32xi32, #tpu.memory_space<hbm>>
      %dma_wait3A_60 = tpu.memref_squeeze %dma_wait3A_59 : memref<1x1x4x32xi32, #tpu.memory_space<hbm>> -> memref<4x32xi32, #tpu.memory_space<hbm>>
      tpu.wait_dma2 semaphore(%run_scoped3A_44 : memref<!tpu.dma_semaphore, #tpu.memory_space<semaphore_mem>>) src(%dma_wait3A_60 : memref<4x32xi32, #tpu.memory_space<hbm>>) dst(%arg9 : memref<4x32xi32, #tpu.memory_space<vmem>>)
      tpu.yield
    }) : () -> ()
    %dma_start3A = arith.constant 0 : i32
    %dma_start3A_15 = arith.constant 0 : i32
    %dma_start3A_16 = tpu.memref_slice %arg7[%dma_start3A, %dma_start3A_15] : memref<4x64xi32, #tpu.memory_space<vmem>> -> memref<1x64xi32, #tpu.memory_space<vmem>>
    %dma_start3A_17 = tpu.memref_squeeze %dma_start3A_16 : memref<1x64xi32, #tpu.memory_space<vmem>> -> memref<64xi32, #tpu.memory_space<vmem>>
    %dma_start3A_18 = arith.constant 0 : i32
    %dma_start3A_19 = arith.constant 0 : i32
    %dma_start3A_20 = tpu.memref_slice %arg2[%dma_start3A_18, %dma_start3A_19] : memref<20480x128xf32, #tpu.memory_space<hbm>> -> memref<20480x128xf32, #tpu.memory_space<hbm>>
    tpu.enqueue_indirect_dma source(%dma_start3A_20 : memref<20480x128xf32, #tpu.memory_space<hbm>>) target(%arg11 : memref<64x128xf32, #tpu.memory_space<vmem>>) offsets(%dma_start3A_17 : memref<64xi32, #tpu.memory_space<vmem>>) semaphore(%arg16 : memref<!tpu.dma_semaphore, #tpu.memory_space<semaphore_mem>>)
    %add3A_21 = arith.constant 0 : i32
    %add3A_22 = arith.addi %mul3A_2, %add3A_21 : i32
    %dma_start3A_23 = arith.constant 0 : i32
    %dma_start3A_24 = tpu.memref_slice %arg3[%add3A_22, %dma_start3A_23] : memref<163840x128xf32, #tpu.memory_space<hbm>> -> memref<32x128xf32, #tpu.memory_space<hbm>>
    %dma_start3A_25 = arith.constant 0 : i32
    %dma_start3A_26 = tpu.memref_slice %arg3[%add3A_22, %dma_start3A_25] : memref<163840x128xf32, #tpu.memory_space<hbm>> -> memref<32x128xf32, #tpu.memory_space<hbm>>
    tpu.enqueue_dma source(%dma_start3A_26 : memref<32x128xf32, #tpu.memory_space<hbm>>) target(%arg12 : memref<32x128xf32, #tpu.memory_space<vmem>>) target_semaphore(%arg16 : memref<!tpu.dma_semaphore, #tpu.memory_space<semaphore_mem>>)
    %scan3A_27 = arith.constant 0 : i32
    %scan3A_28 = arith.constant 0 : i32
    %scan3A_29 = arith.constant 20 : i32
    %scan3A_30 = arith.addi %scan3A_28, %scan3A_29 : i32
    %scan3A_31 = arith.constant 1 : i32
    scf.for %scan3A_44 = %scan3A_28 to %scan3A_30 step %scan3A_31  : i32 {
      %mul3A_45 = arith.constant 8 : i32
      %mul3A_46 = arith.muli %mul3A_45, %scan3A_44 : i32
      %add3A_47 = arith.constant 0 : i32
      %add3A_48 = arith.addi %mul3A_46, %add3A_47 : i32
      %dma_start3A_49 = arith.constant 1 : i32
      %dma_start3A_50 = arith.constant 0 : i32
      %dma_start3A_51 = tpu.memref_slice %arg7[%dma_start3A_49, %dma_start3A_50] : memref<4x64xi32, #tpu.memory_space<vmem>> -> memref<1x64xi32, #tpu.memory_space<vmem>>
      %dma_start3A_52 = tpu.memref_squeeze %dma_start3A_51 : memref<1x64xi32, #tpu.memory_space<vmem>> -> memref<64xi32, #tpu.memory_space<vmem>>
      %dma_start3A_53 = arith.constant 0 : i32
      %dma_start3A_54 = arith.constant 0 : i32
      %dma_start3A_55 = tpu.memref_slice %arg2[%dma_start3A_53, %dma_start3A_54] : memref<20480x128xf32, #tpu.memory_space<hbm>> -> memref<20480x128xf32, #tpu.memory_space<hbm>>
      tpu.enqueue_indirect_dma source(%dma_start3A_55 : memref<20480x128xf32, #tpu.memory_space<hbm>>) target(%arg13 : memref<64x128xf32, #tpu.memory_space<vmem>>) offsets(%dma_start3A_52 : memref<64xi32, #tpu.memory_space<vmem>>) semaphore(%arg17 : memref<!tpu.dma_semaphore, #tpu.memory_space<semaphore_mem>>)
      %dma_wait3A_56 = arith.constant 0 : i32
      %dma_wait3A_57 = arith.constant 0 : i32
      %dma_wait3A_58 = tpu.memref_slice %arg7[%dma_wait3A_56, %dma_wait3A_57] : memref<4x64xi32, #tpu.memory_space<vmem>> -> memref<1x64xi32, #tpu.memory_space<vmem>>
      %dma_wait3A_59 = tpu.memref_squeeze %dma_wait3A_58 : memref<1x64xi32, #tpu.memory_space<vmem>> -> memref<64xi32, #tpu.memory_space<vmem>>
      %dma_wait3A_60 = arith.constant 0 : i32
      %dma_wait3A_61 = arith.constant 0 : i32
      %dma_wait3A_62 = tpu.memref_slice %arg2[%dma_wait3A_60, %dma_wait3A_61] : memref<20480x128xf32, #tpu.memory_space<hbm>> -> memref<20480x128xf32, #tpu.memory_space<hbm>>
      tpu.wait_indirect_dma semaphore(%arg16 : memref<!tpu.dma_semaphore, #tpu.memory_space<semaphore_mem>>) src(%dma_wait3A_62 : memref<20480x128xf32, #tpu.memory_space<hbm>>) dst(%arg11 : memref<64x128xf32, #tpu.memory_space<vmem>>)
      %mul3A_63 = arith.constant 32 : i32
      %mul3A_64 = arith.muli %add3A_48, %mul3A_63 : i32
      %add3A_65 = arith.addi %mul3A_2, %mul3A_64 : i32
      %dma_wait3A_66 = arith.constant 0 : i32
      %dma_wait3A_67 = tpu.memref_slice %arg3[%add3A_65, %dma_wait3A_66] : memref<163840x128xf32, #tpu.memory_space<hbm>> -> memref<32x128xf32, #tpu.memory_space<hbm>>
      %dma_wait3A_68 = arith.constant 0 : i32
      %dma_wait3A_69 = tpu.memref_slice %arg3[%add3A_65, %dma_wait3A_68] : memref<163840x128xf32, #tpu.memory_space<hbm>> -> memref<32x128xf32, #tpu.memory_space<hbm>>
      tpu.wait_dma2 semaphore(%arg16 : memref<!tpu.dma_semaphore, #tpu.memory_space<semaphore_mem>>) src(%dma_wait3A_69 : memref<32x128xf32, #tpu.memory_space<hbm>>) dst(%arg12 : memref<32x128xf32, #tpu.memory_space<vmem>>)
      %gt3A = arith.constant 0 : i32
      %gt3A_70 = arith.cmpi sgt, %scan3A_44, %gt3A : i32
      %convert_element_type3A = arith.extui %gt3A_70 : i1 to i32
      %cond3A = arith.constant 0 : i32
      %cond3A_71 = arith.cmpi ne, %convert_element_type3A, %cond3A : i32
      scf.if %cond3A_71 {
        %dma_wait3A_513 = arith.constant 3 : i32
        %dma_wait3A_514 = arith.constant 0 : i32
        %dma_wait3A_515 = tpu.memref_slice %arg10[%dma_wait3A_513, %dma_wait3A_514] : memref<4x32xi32, #tpu.memory_space<vmem>> -> memref<1x32xi32, #tpu.memory_space<vmem>>
        %dma_wait3A_516 = tpu.memref_squeeze %dma_wait3A_515 : memref<1x32xi32, #tpu.memory_space<vmem>> -> memref<32xi32, #tpu.memory_space<vmem>>
        %dma_wait3A_517 = arith.constant 0 : i32
        %dma_wait3A_518 = arith.constant 0 : i32
        %dma_wait3A_519 = tpu.memref_slice %arg15[%dma_wait3A_517, %dma_wait3A_518] : memref<10240x128xf32, #tpu.memory_space<vmem_shared>> -> memref<10240x128xf32, #tpu.memory_space<vmem_shared>>
        tpu.wait_indirect_dma semaphore(%arg20 : memref<!tpu.dma_semaphore, #tpu.memory_space<semaphore_mem>>) src(%arg14 : memref<32x128xf32, #tpu.memory_space<vmem>>) dst(%dma_wait3A_519 : memref<10240x128xf32, #tpu.memory_space<vmem_shared>>)
      } else {
      }
      %add3A_72 = arith.constant 1 : i32
      %add3A_73 = arith.addi %add3A_48, %add3A_72 : i32
      %mul3A_74 = arith.constant 32 : i32
      %mul3A_75 = arith.muli %add3A_73, %mul3A_74 : i32
      %add3A_76 = arith.addi %mul3A_2, %mul3A_75 : i32
      %dma_start3A_77 = arith.constant 0 : i32
      %dma_start3A_78 = tpu.memref_slice %arg3[%add3A_76, %dma_start3A_77] : memref<163840x128xf32, #tpu.memory_space<hbm>> -> memref<32x128xf32, #tpu.memory_space<hbm>>
      %dma_start3A_79 = arith.constant 0 : i32
      %dma_start3A_80 = tpu.memref_slice %arg3[%add3A_76, %dma_start3A_79] : memref<163840x128xf32, #tpu.memory_space<hbm>> -> memref<32x128xf32, #tpu.memory_space<hbm>>
      tpu.enqueue_dma source(%dma_start3A_80 : memref<32x128xf32, #tpu.memory_space<hbm>>) target(%arg14 : memref<32x128xf32, #tpu.memory_space<vmem>>) target_semaphore(%arg17 : memref<!tpu.dma_semaphore, #tpu.memory_space<semaphore_mem>>)
      %scan3A_81 = arith.constant 0 : i32
      %scan3A_82 = arith.constant 0 : i32
      %scan3A_83 = arith.constant 32 : i32
      %scan3A_84 = arith.addi %scan3A_82, %scan3A_83 : i32
      %scan3A_85 = arith.constant 2 : i32
      scf.for %scan3A_513 = %scan3A_82 to %scan3A_84 step %scan3A_85  : i32 {
        %get3A = arith.index_cast %scan3A_513 : i32 to index
        %get3A_514 = arith.constant 0 : index
        %get3A_515 = tpu.vector_load %arg11[%get3A, %get3A_514] {strides = array<i32>} : memref<64x128xf32, #tpu.memory_space<vmem>>, vector<1x16xf32>,
        %get3A_516 = vector.shape_cast %get3A_515 : vector<1x16xf32> to vector<16xf32>
        %add3A_517 = arith.constant 32 : i32
        %add3A_518 = arith.addi %add3A_517, %scan3A_513 : i32
        %get3A_519 = arith.index_cast %add3A_518 : i32 to index
        %get3A_520 = arith.constant 0 : index
        %get3A_521 = tpu.vector_load %arg11[%get3A_519, %get3A_520] {strides = array<i32>} : memref<64x128xf32, #tpu.memory_space<vmem>>, vector<1x16xf32>,
        %get3A_522 = vector.shape_cast %get3A_521 : vector<1x16xf32> to vector<16xf32>
        %add3A_523 = arith.addf %get3A_516, %get3A_522 : vector<16xf32>
        %get3A_524 = arith.index_cast %scan3A_513 : i32 to index
        %get3A_525 = arith.constant 0 : index
        %get3A_526 = tpu.vector_load %arg12[%get3A_524, %get3A_525] {strides = array<i32>} : memref<32x128xf32, #tpu.memory_space<vmem>>, vector<1x16xf32>,
        %get3A_527 = vector.shape_cast %get3A_526 : vector<1x16xf32> to vector<16xf32>
        %add3A_528 = arith.addf %add3A_523, %get3A_527 : vector<16xf32>
        %max3A = arith.constant 0.000000e+00 : f32
        %max3A_529 = vector.broadcast %max3A : f32 to vector<16xf32>
        %max3A_530 = arith.maximumf %add3A_528, %max3A_529 : vector<16xf32>
        %swap3A = arith.index_cast %scan3A_513 : i32 to index
        %swap3A_531 = arith.constant 0 : index
        %swap3A_532 = tpu.vector_load %arg12[%swap3A, %swap3A_531] {strides = array<i32>} : memref<32x128xf32, #tpu.memory_space<vmem>>, vector<1x16xf32>,
        %swap3A_533 = vector.shape_cast %swap3A_532 : vector<1x16xf32> to vector<16xf32>
        %swap3A_534 = vector.shape_cast %max3A_530 : vector<16xf32> to vector<1x16xf32>
        tpu.vector_store %arg12[%swap3A, %swap3A_531], %swap3A_534 {strides = array<i32>} : memref<32x128xf32, #tpu.memory_space<vmem>>, vector<1x16xf32>,
        %get3A_535 = arith.index_cast %scan3A_513 : i32 to index
        %get3A_536 = arith.constant 16 : index
        %get3A_537 = tpu.vector_load %arg11[%get3A_535, %get3A_536] {strides = array<i32>} : memref<64x128xf32, #tpu.memory_space<vmem>>, vector<1x16xf32>,
        %get3A_538 = vector.shape_cast %get3A_537 : vector<1x16xf32> to vector<16xf32>
        %add3A_539 = arith.constant 32 : i32
        %add3A_540 = arith.addi %add3A_539, %scan3A_513 : i32
        %get3A_541 = arith.index_cast %add3A_540 : i32 to index
        %get3A_542 = arith.constant 16 : index
        %get3A_543 = tpu.vector_load %arg11[%get3A_541, %get3A_542] {strides = array<i32>} : memref<64x128xf32, #tpu.memory_space<vmem>>, vector<1x16xf32>,
        %get3A_544 = vector.shape_cast %get3A_543 : vector<1x16xf32> to vector<16xf32>
        %add3A_545 = arith.addf %get3A_538, %get3A_544 : vector<16xf32>
        %get3A_546 = arith.index_cast %scan3A_513 : i32 to index
        %get3A_547 = arith.constant 16 : index
        %get3A_548 = tpu.vector_load %arg12[%get3A_546, %get3A_547] {strides = array<i32>} : memref<32x128xf32, #tpu.memory_space<vmem>>, vector<1x16xf32>,
        %get3A_549 = vector.shape_cast %get3A_548 : vector<1x16xf32> to vector<16xf32>
        %add3A_550 = arith.addf %add3A_545, %get3A_549 : vector<16xf32>
        %max3A_551 = arith.constant 0.000000e+00 : f32
        %max3A_552 = vector.broadcast %max3A_551 : f32 to vector<16xf32>
        %max3A_553 = arith.maximumf %add3A_550, %max3A_552 : vector<16xf32>
        %swap3A_554 = arith.index_cast %scan3A_513 : i32 to index
        %swap3A_555 = arith.constant 16 : index
        %swap3A_556 = tpu.vector_load %arg12[%swap3A_554, %swap3A_555] {strides = array<i32>} : memref<32x128xf32, #tpu.memory_space<vmem>>, vector<1x16xf32>,
        %swap3A_557 = vector.shape_cast %swap3A_556 : vector<1x16xf32> to vector<16xf32>
        %swap3A_558 = vector.shape_cast %max3A_553 : vector<16xf32> to vector<1x16xf32>
        tpu.vector_store %arg12[%swap3A_554, %swap3A_555], %swap3A_558 {strides = array<i32>} : memref<32x128xf32, #tpu.memory_space<vmem>>, vector<1x16xf32>,
        %get3A_559 = arith.index_cast %scan3A_513 : i32 to index
        %get3A_560 = arith.constant 32 : index
        %get3A_561 = tpu.vector_load %arg11[%get3A_559, %get3A_560] {strides = array<i32>} : memref<64x128xf32, #tpu.memory_space<vmem>>, vector<1x16xf32>,
        %get3A_562 = vector.shape_cast %get3A_561 : vector<1x16xf32> to vector<16xf32>
        %add3A_563 = arith.constant 32 : i32
        %add3A_564 = arith.addi %add3A_563, %scan3A_513 : i32
        %get3A_565 = arith.index_cast %add3A_564 : i32 to index
        %get3A_566 = arith.constant 32 : index
        %get3A_567 = tpu.vector_load %arg11[%get3A_565, %get3A_566] {strides = array<i32>} : memref<64x128xf32, #tpu.memory_space<vmem>>, vector<1x16xf32>,
        %get3A_568 = vector.shape_cast %get3A_567 : vector<1x16xf32> to vector<16xf32>
        %add3A_569 = arith.addf %get3A_562, %get3A_568 : vector<16xf32>
        %get3A_570 = arith.index_cast %scan3A_513 : i32 to index
        %get3A_571 = arith.constant 32 : index
        %get3A_572 = tpu.vector_load %arg12[%get3A_570, %get3A_571] {strides = array<i32>} : memref<32x128xf32, #tpu.memory_space<vmem>>, vector<1x16xf32>,
        %get3A_573 = vector.shape_cast %get3A_572 : vector<1x16xf32> to vector<16xf32>
        %add3A_574 = arith.addf %add3A_569, %get3A_573 : vector<16xf32>
        %max3A_575 = arith.constant 0.000000e+00 : f32
        %max3A_576 = vector.broadcast %max3A_575 : f32 to vector<16xf32>
        %max3A_577 = arith.maximumf %add3A_574, %max3A_576 : vector<16xf32>
        %swap3A_578 = arith.index_cast %scan3A_513 : i32 to index
        %swap3A_579 = arith.constant 32 : index
        %swap3A_580 = tpu.vector_load %arg12[%swap3A_578, %swap3A_579] {strides = array<i32>} : memref<32x128xf32, #tpu.memory_space<vmem>>, vector<1x16xf32>,
        %swap3A_581 = vector.shape_cast %swap3A_580 : vector<1x16xf32> to vector<16xf32>
        %swap3A_582 = vector.shape_cast %max3A_577 : vector<16xf32> to vector<1x16xf32>
        tpu.vector_store %arg12[%swap3A_578, %swap3A_579], %swap3A_582 {strides = array<i32>} : memref<32x128xf32, #tpu.memory_space<vmem>>, vector<1x16xf32>,
        %get3A_583 = arith.index_cast %scan3A_513 : i32 to index
        %get3A_584 = arith.constant 48 : index
        %get3A_585 = tpu.vector_load %arg11[%get3A_583, %get3A_584] {strides = array<i32>} : memref<64x128xf32, #tpu.memory_space<vmem>>, vector<1x16xf32>,
        %get3A_586 = vector.shape_cast %get3A_585 : vector<1x16xf32> to vector<16xf32>
        %add3A_587 = arith.constant 32 : i32
        %add3A_588 = arith.addi %add3A_587, %scan3A_513 : i32
        %get3A_589 = arith.index_cast %add3A_588 : i32 to index
        %get3A_590 = arith.constant 48 : index
        %get3A_591 = tpu.vector_load %arg11[%get3A_589, %get3A_590] {strides = array<i32>} : memref<64x128xf32, #tpu.memory_space<vmem>>, vector<1x16xf32>,
        %get3A_592 = vector.shape_cast %get3A_591 : vector<1x16xf32> to vector<16xf32>
        %add3A_593 = arith.addf %get3A_586, %get3A_592 : vector<16xf32>
        %get3A_594 = arith.index_cast %scan3A_513 : i32 to index
        %get3A_595 = arith.constant 48 : index
        %get3A_596 = tpu.vector_load %arg12[%get3A_594, %get3A_595] {strides = array<i32>} : memref<32x128xf32, #tpu.memory_space<vmem>>, vector<1x16xf32>,
        %get3A_597 = vector.shape_cast %get3A_596 : vector<1x16xf32> to vector<16xf32>
        %add3A_598 = arith.addf %add3A_593, %get3A_597 : vector<16xf32>
        %max3A_599 = arith.constant 0.000000e+00 : f32
        %max3A_600 = vector.broadcast %max3A_599 : f32 to vector<16xf32>
        %max3A_601 = arith.maximumf %add3A_598, %max3A_600 : vector<16xf32>
        %swap3A_602 = arith.index_cast %scan3A_513 : i32 to index
        %swap3A_603 = arith.constant 48 : index
        %swap3A_604 = tpu.vector_load %arg12[%swap3A_602, %swap3A_603] {strides = array<i32>} : memref<32x128xf32, #tpu.memory_space<vmem>>, vector<1x16xf32>,
        %swap3A_605 = vector.shape_cast %swap3A_604 : vector<1x16xf32> to vector<16xf32>
        %swap3A_606 = vector.shape_cast %max3A_601 : vector<16xf32> to vector<1x16xf32>
        tpu.vector_store %arg12[%swap3A_602, %swap3A_603], %swap3A_606 {strides = array<i32>} : memref<32x128xf32, #tpu.memory_space<vmem>>, vector<1x16xf32>,
        %get3A_607 = arith.index_cast %scan3A_513 : i32 to index
        %get3A_608 = arith.constant 64 : index
        %get3A_609 = tpu.vector_load %arg11[%get3A_607, %get3A_608] {strides = array<i32>} : memref<64x128xf32, #tpu.memory_space<vmem>>, vector<1x16xf32>,
        %get3A_610 = vector.shape_cast %get3A_609 : vector<1x16xf32> to vector<16xf32>
        %add3A_611 = arith.constant 32 : i32
        %add3A_612 = arith.addi %add3A_611, %scan3A_513 : i32
        %get3A_613 = arith.index_cast %add3A_612 : i32 to index
        %get3A_614 = arith.constant 64 : index
        %get3A_615 = tpu.vector_load %arg11[%get3A_613, %get3A_614] {strides = array<i32>} : memref<64x128xf32, #tpu.memory_space<vmem>>, vector<1x16xf32>,
        %get3A_616 = vector.shape_cast %get3A_615 : vector<1x16xf32> to vector<16xf32>
        %add3A_617 = arith.addf %get3A_610, %get3A_616 : vector<16xf32>
        %get3A_618 = arith.index_cast %scan3A_513 : i32 to index
        %get3A_619 = arith.constant 64 : index
        %get3A_620 = tpu.vector_load %arg12[%get3A_618, %get3A_619] {strides = array<i32>} : memref<32x128xf32, #tpu.memory_space<vmem>>, vector<1x16xf32>,
        %get3A_621 = vector.shape_cast %get3A_620 : vector<1x16xf32> to vector<16xf32>
        %add3A_622 = arith.addf %add3A_617, %get3A_621 : vector<16xf32>
        %max3A_623 = arith.constant 0.000000e+00 : f32
        %max3A_624 = vector.broadcast %max3A_623 : f32 to vector<16xf32>
        %max3A_625 = arith.maximumf %add3A_622, %max3A_624 : vector<16xf32>
        %swap3A_626 = arith.index_cast %scan3A_513 : i32 to index
        %swap3A_627 = arith.constant 64 : index
        %swap3A_628 = tpu.vector_load %arg12[%swap3A_626, %swap3A_627] {strides = array<i32>} : memref<32x128xf32, #tpu.memory_space<vmem>>, vector<1x16xf32>,
        %swap3A_629 = vector.shape_cast %swap3A_628 : vector<1x16xf32> to vector<16xf32>
        %swap3A_630 = vector.shape_cast %max3A_625 : vector<16xf32> to vector<1x16xf32>
        tpu.vector_store %arg12[%swap3A_626, %swap3A_627], %swap3A_630 {strides = array<i32>} : memref<32x128xf32, #tpu.memory_space<vmem>>, vector<1x16xf32>,
        %get3A_631 = arith.index_cast %scan3A_513 : i32 to index
        %get3A_632 = arith.constant 80 : index
        %get3A_633 = tpu.vector_load %arg11[%get3A_631, %get3A_632] {strides = array<i32>} : memref<64x128xf32, #tpu.memory_space<vmem>>, vector<1x16xf32>,
        %get3A_634 = vector.shape_cast %get3A_633 : vector<1x16xf32> to vector<16xf32>
        %add3A_635 = arith.constant 32 : i32
        %add3A_636 = arith.addi %add3A_635, %scan3A_513 : i32
        %get3A_637 = arith.index_cast %add3A_636 : i32 to index
        %get3A_638 = arith.constant 80 : index
        %get3A_639 = tpu.vector_load %arg11[%get3A_637, %get3A_638] {strides = array<i32>} : memref<64x128xf32, #tpu.memory_space<vmem>>, vector<1x16xf32>,
        %get3A_640 = vector.shape_cast %get3A_639 : vector<1x16xf32> to vector<16xf32>
        %add3A_641 = arith.addf %get3A_634, %get3A_640 : vector<16xf32>
        %get3A_642 = arith.index_cast %scan3A_513 : i32 to index
        %get3A_643 = arith.constant 80 : index
        %get3A_644 = tpu.vector_load %arg12[%get3A_642, %get3A_643] {strides = array<i32>} : memref<32x128xf32, #tpu.memory_space<vmem>>, vector<1x16xf32>,
        %get3A_645 = vector.shape_cast %get3A_644 : vector<1x16xf32> to vector<16xf32>
        %add3A_646 = arith.addf %add3A_641, %get3A_645 : vector<16xf32>
        %max3A_647 = arith.constant 0.000000e+00 : f32
        %max3A_648 = vector.broadcast %max3A_647 : f32 to vector<16xf32>
        %max3A_649 = arith.maximumf %add3A_646, %max3A_648 : vector<16xf32>
        %swap3A_650 = arith.index_cast %scan3A_513 : i32 to index
        %swap3A_651 = arith.constant 80 : index
        %swap3A_652 = tpu.vector_load %arg12[%swap3A_650, %swap3A_651] {strides = array<i32>} : memref<32x128xf32, #tpu.memory_space<vmem>>, vector<1x16xf32>,
        %swap3A_653 = vector.shape_cast %swap3A_652 : vector<1x16xf32> to vector<16xf32>
        %swap3A_654 = vector.shape_cast %max3A_649 : vector<16xf32> to vector<1x16xf32>
        tpu.vector_store %arg12[%swap3A_650, %swap3A_651], %swap3A_654 {strides = array<i32>} : memref<32x128xf32, #tpu.memory_space<vmem>>, vector<1x16xf32>,
        %get3A_655 = arith.index_cast %scan3A_513 : i32 to index
        %get3A_656 = arith.constant 96 : index
        %get3A_657 = tpu.vector_load %arg11[%get3A_655, %get3A_656] {strides = array<i32>} : memref<64x128xf32, #tpu.memory_space<vmem>>, vector<1x16xf32>,
        %get3A_658 = vector.shape_cast %get3A_657 : vector<1x16xf32> to vector<16xf32>
        %add3A_659 = arith.constant 32 : i32
        %add3A_660 = arith.addi %add3A_659, %scan3A_513 : i32
        %get3A_661 = arith.index_cast %add3A_660 : i32 to index
        %get3A_662 = arith.constant 96 : index
        %get3A_663 = tpu.vector_load %arg11[%get3A_661, %get3A_662] {strides = array<i32>} : memref<64x128xf32, #tpu.memory_space<vmem>>, vector<1x16xf32>,
        %get3A_664 = vector.shape_cast %get3A_663 : vector<1x16xf32> to vector<16xf32>
        %add3A_665 = arith.addf %get3A_658, %get3A_664 : vector<16xf32>
        %get3A_666 = arith.index_cast %scan3A_513 : i32 to index
        %get3A_667 = arith.constant 96 : index
        %get3A_668 = tpu.vector_load %arg12[%get3A_666, %get3A_667] {strides = array<i32>} : memref<32x128xf32, #tpu.memory_space<vmem>>, vector<1x16xf32>,
        %get3A_669 = vector.shape_cast %get3A_668 : vector<1x16xf32> to vector<16xf32>
        %add3A_670 = arith.addf %add3A_665, %get3A_669 : vector<16xf32>
        %max3A_671 = arith.constant 0.000000e+00 : f32
        %max3A_672 = vector.broadcast %max3A_671 : f32 to vector<16xf32>
        %max3A_673 = arith.maximumf %add3A_670, %max3A_672 : vector<16xf32>
        %swap3A_674 = arith.index_cast %scan3A_513 : i32 to index
        %swap3A_675 = arith.constant 96 : index
        %swap3A_676 = tpu.vector_load %arg12[%swap3A_674, %swap3A_675] {strides = array<i32>} : memref<32x128xf32, #tpu.memory_space<vmem>>, vector<1x16xf32>,
        %swap3A_677 = vector.shape_cast %swap3A_676 : vector<1x16xf32> to vector<16xf32>
        %swap3A_678 = vector.shape_cast %max3A_673 : vector<16xf32> to vector<1x16xf32>
        tpu.vector_store %arg12[%swap3A_674, %swap3A_675], %swap3A_678 {strides = array<i32>} : memref<32x128xf32, #tpu.memory_space<vmem>>, vector<1x16xf32>,
        %get3A_679 = arith.index_cast %scan3A_513 : i32 to index
        %get3A_680 = arith.constant 112 : index
        %get3A_681 = tpu.vector_load %arg11[%get3A_679, %get3A_680] {strides = array<i32>} : memref<64x128xf32, #tpu.memory_space<vmem>>, vector<1x16xf32>,
        %get3A_682 = vector.shape_cast %get3A_681 : vector<1x16xf32> to vector<16xf32>
        %add3A_683 = arith.constant 32 : i32
        %add3A_684 = arith.addi %add3A_683, %scan3A_513 : i32
        %get3A_685 = arith.index_cast %add3A_684 : i32 to index
        %get3A_686 = arith.constant 112 : index
        %get3A_687 = tpu.vector_load %arg11[%get3A_685, %get3A_686] {strides = array<i32>} : memref<64x128xf32, #tpu.memory_space<vmem>>, vector<1x16xf32>,
        %get3A_688 = vector.shape_cast %get3A_687 : vector<1x16xf32> to vector<16xf32>
        %add3A_689 = arith.addf %get3A_682, %get3A_688 : vector<16xf32>
        %get3A_690 = arith.index_cast %scan3A_513 : i32 to index
        %get3A_691 = arith.constant 112 : index
        %get3A_692 = tpu.vector_load %arg12[%get3A_690, %get3A_691] {strides = array<i32>} : memref<32x128xf32, #tpu.memory_space<vmem>>, vector<1x16xf32>,
        %get3A_693 = vector.shape_cast %get3A_692 : vector<1x16xf32> to vector<16xf32>
        %add3A_694 = arith.addf %add3A_689, %get3A_693 : vector<16xf32>
        %max3A_695 = arith.constant 0.000000e+00 : f32
        %max3A_696 = vector.broadcast %max3A_695 : f32 to vector<16xf32>
        %max3A_697 = arith.maximumf %add3A_694, %max3A_696 : vector<16xf32>
        %swap3A_698 = arith.index_cast %scan3A_513 : i32 to index
        %swap3A_699 = arith.constant 112 : index
        %swap3A_700 = tpu.vector_load %arg12[%swap3A_698, %swap3A_699] {strides = array<i32>} : memref<32x128xf32, #tpu.memory_space<vmem>>, vector<1x16xf32>,
        %swap3A_701 = vector.shape_cast %swap3A_700 : vector<1x16xf32> to vector<16xf32>
        %swap3A_702 = vector.shape_cast %max3A_697 : vector<16xf32> to vector<1x16xf32>
        tpu.vector_store %arg12[%swap3A_698, %swap3A_699], %swap3A_702 {strides = array<i32>} : memref<32x128xf32, #tpu.memory_space<vmem>>, vector<1x16xf32>,
        %scan3A_703 = arith.constant 1 : i32
        %scan3A_704 = arith.addi %scan3A_513, %scan3A_703 : i32
        %get3A_705 = arith.index_cast %scan3A_704 : i32 to index
        %get3A_706 = arith.constant 0 : index
        %get3A_707 = tpu.vector_load %arg11[%get3A_705, %get3A_706] {strides = array<i32>} : memref<64x128xf32, #tpu.memory_space<vmem>>, vector<1x16xf32>,
        %get3A_708 = vector.shape_cast %get3A_707 : vector<1x16xf32> to vector<16xf32>
        %add3A_709 = arith.constant 32 : i32
        %add3A_710 = arith.addi %add3A_709, %scan3A_704 : i32
        %get3A_711 = arith.index_cast %add3A_710 : i32 to index
        %get3A_712 = arith.constant 0 : index
        %get3A_713 = tpu.vector_load %arg11[%get3A_711, %get3A_712] {strides = array<i32>} : memref<64x128xf32, #tpu.memory_space<vmem>>, vector<1x16xf32>,
        %get3A_714 = vector.shape_cast %get3A_713 : vector<1x16xf32> to vector<16xf32>
        %add3A_715 = arith.addf %get3A_708, %get3A_714 : vector<16xf32>
        %get3A_716 = arith.index_cast %scan3A_704 : i32 to index
        %get3A_717 = arith.constant 0 : index
        %get3A_718 = tpu.vector_load %arg12[%get3A_716, %get3A_717] {strides = array<i32>} : memref<32x128xf32, #tpu.memory_space<vmem>>, vector<1x16xf32>,
        %get3A_719 = vector.shape_cast %get3A_718 : vector<1x16xf32> to vector<16xf32>
        %add3A_720 = arith.addf %add3A_715, %get3A_719 : vector<16xf32>
        %max3A_721 = arith.constant 0.000000e+00 : f32
        %max3A_722 = vector.broadcast %max3A_721 : f32 to vector<16xf32>
        %max3A_723 = arith.maximumf %add3A_720, %max3A_722 : vector<16xf32>
        %swap3A_724 = arith.index_cast %scan3A_704 : i32 to index
        %swap3A_725 = arith.constant 0 : index
        %swap3A_726 = tpu.vector_load %arg12[%swap3A_724, %swap3A_725] {strides = array<i32>} : memref<32x128xf32, #tpu.memory_space<vmem>>, vector<1x16xf32>,
        %swap3A_727 = vector.shape_cast %swap3A_726 : vector<1x16xf32> to vector<16xf32>
        %swap3A_728 = vector.shape_cast %max3A_723 : vector<16xf32> to vector<1x16xf32>
        tpu.vector_store %arg12[%swap3A_724, %swap3A_725], %swap3A_728 {strides = array<i32>} : memref<32x128xf32, #tpu.memory_space<vmem>>, vector<1x16xf32>,
        %get3A_729 = arith.index_cast %scan3A_704 : i32 to index
        %get3A_730 = arith.constant 16 : index
        %get3A_731 = tpu.vector_load %arg11[%get3A_729, %get3A_730] {strides = array<i32>} : memref<64x128xf32, #tpu.memory_space<vmem>>, vector<1x16xf32>,
        %get3A_732 = vector.shape_cast %get3A_731 : vector<1x16xf32> to vector<16xf32>
        %add3A_733 = arith.constant 32 : i32
        %add3A_734 = arith.addi %add3A_733, %scan3A_704 : i32
        %get3A_735 = arith.index_cast %add3A_734 : i32 to index
        %get3A_736 = arith.constant 16 : index
        %get3A_737 = tpu.vector_load %arg11[%get3A_735, %get3A_736] {strides = array<i32>} : memref<64x128xf32, #tpu.memory_space<vmem>>, vector<1x16xf32>,
        %get3A_738 = vector.shape_cast %get3A_737 : vector<1x16xf32> to vector<16xf32>
        %add3A_739 = arith.addf %get3A_732, %get3A_738 : vector<16xf32>
        %get3A_740 = arith.index_cast %scan3A_704 : i32 to index
        %get3A_741 = arith.constant 16 : index
        %get3A_742 = tpu.vector_load %arg12[%get3A_740, %get3A_741] {strides = array<i32>} : memref<32x128xf32, #tpu.memory_space<vmem>>, vector<1x16xf32>,
        %get3A_743 = vector.shape_cast %get3A_742 : vector<1x16xf32> to vector<16xf32>
        %add3A_744 = arith.addf %add3A_739, %get3A_743 : vector<16xf32>
        %max3A_745 = arith.constant 0.000000e+00 : f32
        %max3A_746 = vector.broadcast %max3A_745 : f32 to vector<16xf32>
        %max3A_747 = arith.maximumf %add3A_744, %max3A_746 : vector<16xf32>
        %swap3A_748 = arith.index_cast %scan3A_704 : i32 to index
        %swap3A_749 = arith.constant 16 : index
        %swap3A_750 = tpu.vector_load %arg12[%swap3A_748, %swap3A_749] {strides = array<i32>} : memref<32x128xf32, #tpu.memory_space<vmem>>, vector<1x16xf32>,
        %swap3A_751 = vector.shape_cast %swap3A_750 : vector<1x16xf32> to vector<16xf32>
        %swap3A_752 = vector.shape_cast %max3A_747 : vector<16xf32> to vector<1x16xf32>
        tpu.vector_store %arg12[%swap3A_748, %swap3A_749], %swap3A_752 {strides = array<i32>} : memref<32x128xf32, #tpu.memory_space<vmem>>, vector<1x16xf32>,
        %get3A_753 = arith.index_cast %scan3A_704 : i32 to index
        %get3A_754 = arith.constant 32 : index
        %get3A_755 = tpu.vector_load %arg11[%get3A_753, %get3A_754] {strides = array<i32>} : memref<64x128xf32, #tpu.memory_space<vmem>>, vector<1x16xf32>,
        %get3A_756 = vector.shape_cast %get3A_755 : vector<1x16xf32> to vector<16xf32>
        %add3A_757 = arith.constant 32 : i32
        %add3A_758 = arith.addi %add3A_757, %scan3A_704 : i32
        %get3A_759 = arith.index_cast %add3A_758 : i32 to index
        %get3A_760 = arith.constant 32 : index
        %get3A_761 = tpu.vector_load %arg11[%get3A_759, %get3A_760] {strides = array<i32>} : memref<64x128xf32, #tpu.memory_space<vmem>>, vector<1x16xf32>,
        %get3A_762 = vector.shape_cast %get3A_761 : vector<1x16xf32> to vector<16xf32>
        %add3A_763 = arith.addf %get3A_756, %get3A_762 : vector<16xf32>
        %get3A_764 = arith.index_cast %scan3A_704 : i32 to index
        %get3A_765 = arith.constant 32 : index
        %get3A_766 = tpu.vector_load %arg12[%get3A_764, %get3A_765] {strides = array<i32>} : memref<32x128xf32, #tpu.memory_space<vmem>>, vector<1x16xf32>,
        %get3A_767 = vector.shape_cast %get3A_766 : vector<1x16xf32> to vector<16xf32>
        %add3A_768 = arith.addf %add3A_763, %get3A_767 : vector<16xf32>
        %max3A_769 = arith.constant 0.000000e+00 : f32
        %max3A_770 = vector.broadcast %max3A_769 : f32 to vector<16xf32>
        %max3A_771 = arith.maximumf %add3A_768, %max3A_770 : vector<16xf32>
        %swap3A_772 = arith.index_cast %scan3A_704 : i32 to index
        %swap3A_773 = arith.constant 32 : index
        %swap3A_774 = tpu.vector_load %arg12[%swap3A_772, %swap3A_773] {strides = array<i32>} : memref<32x128xf32, #tpu.memory_space<vmem>>, vector<1x16xf32>,
        %swap3A_775 = vector.shape_cast %swap3A_774 : vector<1x16xf32> to vector<16xf32>
        %swap3A_776 = vector.shape_cast %max3A_771 : vector<16xf32> to vector<1x16xf32>
        tpu.vector_store %arg12[%swap3A_772, %swap3A_773], %swap3A_776 {strides = array<i32>} : memref<32x128xf32, #tpu.memory_space<vmem>>, vector<1x16xf32>,
        %get3A_777 = arith.index_cast %scan3A_704 : i32 to index
        %get3A_778 = arith.constant 48 : index
        %get3A_779 = tpu.vector_load %arg11[%get3A_777, %get3A_778] {strides = array<i32>} : memref<64x128xf32, #tpu.memory_space<vmem>>, vector<1x16xf32>,
        %get3A_780 = vector.shape_cast %get3A_779 : vector<1x16xf32> to vector<16xf32>
        %add3A_781 = arith.constant 32 : i32
        %add3A_782 = arith.addi %add3A_781, %scan3A_704 : i32
        %get3A_783 = arith.index_cast %add3A_782 : i32 to index
        %get3A_784 = arith.constant 48 : index
        %get3A_785 = tpu.vector_load %arg11[%get3A_783, %get3A_784] {strides = array<i32>} : memref<64x128xf32, #tpu.memory_space<vmem>>, vector<1x16xf32>,
        %get3A_786 = vector.shape_cast %get3A_785 : vector<1x16xf32> to vector<16xf32>
        %add3A_787 = arith.addf %get3A_780, %get3A_786 : vector<16xf32>
        %get3A_788 = arith.index_cast %scan3A_704 : i32 to index
        %get3A_789 = arith.constant 48 : index
        %get3A_790 = tpu.vector_load %arg12[%get3A_788, %get3A_789] {strides = array<i32>} : memref<32x128xf32, #tpu.memory_space<vmem>>, vector<1x16xf32>,
        %get3A_791 = vector.shape_cast %get3A_790 : vector<1x16xf32> to vector<16xf32>
        %add3A_792 = arith.addf %add3A_787, %get3A_791 : vector<16xf32>
        %max3A_793 = arith.constant 0.000000e+00 : f32
        %max3A_794 = vector.broadcast %max3A_793 : f32 to vector<16xf32>
        %max3A_795 = arith.maximumf %add3A_792, %max3A_794 : vector<16xf32>
        %swap3A_796 = arith.index_cast %scan3A_704 : i32 to index
        %swap3A_797 = arith.constant 48 : index
        %swap3A_798 = tpu.vector_load %arg12[%swap3A_796, %swap3A_797] {strides = array<i32>} : memref<32x128xf32, #tpu.memory_space<vmem>>, vector<1x16xf32>,
        %swap3A_799 = vector.shape_cast %swap3A_798 : vector<1x16xf32> to vector<16xf32>
        %swap3A_800 = vector.shape_cast %max3A_795 : vector<16xf32> to vector<1x16xf32>
        tpu.vector_store %arg12[%swap3A_796, %swap3A_797], %swap3A_800 {strides = array<i32>} : memref<32x128xf32, #tpu.memory_space<vmem>>, vector<1x16xf32>,
        %get3A_801 = arith.index_cast %scan3A_704 : i32 to index
        %get3A_802 = arith.constant 64 : index
        %get3A_803 = tpu.vector_load %arg11[%get3A_801, %get3A_802] {strides = array<i32>} : memref<64x128xf32, #tpu.memory_space<vmem>>, vector<1x16xf32>,
        %get3A_804 = vector.shape_cast %get3A_803 : vector<1x16xf32> to vector<16xf32>
        %add3A_805 = arith.constant 32 : i32
        %add3A_806 = arith.addi %add3A_805, %scan3A_704 : i32
        %get3A_807 = arith.index_cast %add3A_806 : i32 to index
        %get3A_808 = arith.constant 64 : index
        %get3A_809 = tpu.vector_load %arg11[%get3A_807, %get3A_808] {strides = array<i32>} : memref<64x128xf32, #tpu.memory_space<vmem>>, vector<1x16xf32>,
        %get3A_810 = vector.shape_cast %get3A_809 : vector<1x16xf32> to vector<16xf32>
        %add3A_811 = arith.addf %get3A_804, %get3A_810 : vector<16xf32>
        %get3A_812 = arith.index_cast %scan3A_704 : i32 to index
        %get3A_813 = arith.constant 64 : index
        %get3A_814 = tpu.vector_load %arg12[%get3A_812, %get3A_813] {strides = array<i32>} : memref<32x128xf32, #tpu.memory_space<vmem>>, vector<1x16xf32>,
        %get3A_815 = vector.shape_cast %get3A_814 : vector<1x16xf32> to vector<16xf32>
        %add3A_816 = arith.addf %add3A_811, %get3A_815 : vector<16xf32>
        %max3A_817 = arith.constant 0.000000e+00 : f32
        %max3A_818 = vector.broadcast %max3A_817 : f32 to vector<16xf32>
        %max3A_819 = arith.maximumf %add3A_816, %max3A_818 : vector<16xf32>
        %swap3A_820 = arith.index_cast %scan3A_704 : i32 to index
        %swap3A_821 = arith.constant 64 : index
        %swap3A_822 = tpu.vector_load %arg12[%swap3A_820, %swap3A_821] {strides = array<i32>} : memref<32x128xf32, #tpu.memory_space<vmem>>, vector<1x16xf32>,
        %swap3A_823 = vector.shape_cast %swap3A_822 : vector<1x16xf32> to vector<16xf32>
        %swap3A_824 = vector.shape_cast %max3A_819 : vector<16xf32> to vector<1x16xf32>
        tpu.vector_store %arg12[%swap3A_820, %swap3A_821], %swap3A_824 {strides = array<i32>} : memref<32x128xf32, #tpu.memory_space<vmem>>, vector<1x16xf32>,
        %get3A_825 = arith.index_cast %scan3A_704 : i32 to index
        %get3A_826 = arith.constant 80 : index
        %get3A_827 = tpu.vector_load %arg11[%get3A_825, %get3A_826] {strides = array<i32>} : memref<64x128xf32, #tpu.memory_space<vmem>>, vector<1x16xf32>,
        %get3A_828 = vector.shape_cast %get3A_827 : vector<1x16xf32> to vector<16xf32>
        %add3A_829 = arith.constant 32 : i32
        %add3A_830 = arith.addi %add3A_829, %scan3A_704 : i32
        %get3A_831 = arith.index_cast %add3A_830 : i32 to index
        %get3A_832 = arith.constant 80 : index
        %get3A_833 = tpu.vector_load %arg11[%get3A_831, %get3A_832] {strides = array<i32>} : memref<64x128xf32, #tpu.memory_space<vmem>>, vector<1x16xf32>,
        %get3A_834 = vector.shape_cast %get3A_833 : vector<1x16xf32> to vector<16xf32>
        %add3A_835 = arith.addf %get3A_828, %get3A_834 : vector<16xf32>
        %get3A_836 = arith.index_cast %scan3A_704 : i32 to index
        %get3A_837 = arith.constant 80 : index
        %get3A_838 = tpu.vector_load %arg12[%get3A_836, %get3A_837] {strides = array<i32>} : memref<32x128xf32, #tpu.memory_space<vmem>>, vector<1x16xf32>,
        %get3A_839 = vector.shape_cast %get3A_838 : vector<1x16xf32> to vector<16xf32>
        %add3A_840 = arith.addf %add3A_835, %get3A_839 : vector<16xf32>
        %max3A_841 = arith.constant 0.000000e+00 : f32
        %max3A_842 = vector.broadcast %max3A_841 : f32 to vector<16xf32>
        %max3A_843 = arith.maximumf %add3A_840, %max3A_842 : vector<16xf32>
        %swap3A_844 = arith.index_cast %scan3A_704 : i32 to index
        %swap3A_845 = arith.constant 80 : index
        %swap3A_846 = tpu.vector_load %arg12[%swap3A_844, %swap3A_845] {strides = array<i32>} : memref<32x128xf32, #tpu.memory_space<vmem>>, vector<1x16xf32>,
        %swap3A_847 = vector.shape_cast %swap3A_846 : vector<1x16xf32> to vector<16xf32>
        %swap3A_848 = vector.shape_cast %max3A_843 : vector<16xf32> to vector<1x16xf32>
        tpu.vector_store %arg12[%swap3A_844, %swap3A_845], %swap3A_848 {strides = array<i32>} : memref<32x128xf32, #tpu.memory_space<vmem>>, vector<1x16xf32>,
        %get3A_849 = arith.index_cast %scan3A_704 : i32 to index
        %get3A_850 = arith.constant 96 : index
        %get3A_851 = tpu.vector_load %arg11[%get3A_849, %get3A_850] {strides = array<i32>} : memref<64x128xf32, #tpu.memory_space<vmem>>, vector<1x16xf32>,
        %get3A_852 = vector.shape_cast %get3A_851 : vector<1x16xf32> to vector<16xf32>
        %add3A_853 = arith.constant 32 : i32
        %add3A_854 = arith.addi %add3A_853, %scan3A_704 : i32
        %get3A_855 = arith.index_cast %add3A_854 : i32 to index
        %get3A_856 = arith.constant 96 : index
        %get3A_857 = tpu.vector_load %arg11[%get3A_855, %get3A_856] {strides = array<i32>} : memref<64x128xf32, #tpu.memory_space<vmem>>, vector<1x16xf32>,
        %get3A_858 = vector.shape_cast %get3A_857 : vector<1x16xf32> to vector<16xf32>
        %add3A_859 = arith.addf %get3A_852, %get3A_858 : vector<16xf32>
        %get3A_860 = arith.index_cast %scan3A_704 : i32 to index
        %get3A_861 = arith.constant 96 : index
        %get3A_862 = tpu.vector_load %arg12[%get3A_860, %get3A_861] {strides = array<i32>} : memref<32x128xf32, #tpu.memory_space<vmem>>, vector<1x16xf32>,
        %get3A_863 = vector.shape_cast %get3A_862 : vector<1x16xf32> to vector<16xf32>
        %add3A_864 = arith.addf %add3A_859, %get3A_863 : vector<16xf32>
        %max3A_865 = arith.constant 0.000000e+00 : f32
        %max3A_866 = vector.broadcast %max3A_865 : f32 to vector<16xf32>
        %max3A_867 = arith.maximumf %add3A_864, %max3A_866 : vector<16xf32>
        %swap3A_868 = arith.index_cast %scan3A_704 : i32 to index
        %swap3A_869 = arith.constant 96 : index
        %swap3A_870 = tpu.vector_load %arg12[%swap3A_868, %swap3A_869] {strides = array<i32>} : memref<32x128xf32, #tpu.memory_space<vmem>>, vector<1x16xf32>,
        %swap3A_871 = vector.shape_cast %swap3A_870 : vector<1x16xf32> to vector<16xf32>
        %swap3A_872 = vector.shape_cast %max3A_867 : vector<16xf32> to vector<1x16xf32>
        tpu.vector_store %arg12[%swap3A_868, %swap3A_869], %swap3A_872 {strides = array<i32>} : memref<32x128xf32, #tpu.memory_space<vmem>>, vector<1x16xf32>,
        %get3A_873 = arith.index_cast %scan3A_704 : i32 to index
        %get3A_874 = arith.constant 112 : index
        %get3A_875 = tpu.vector_load %arg11[%get3A_873, %get3A_874] {strides = array<i32>} : memref<64x128xf32, #tpu.memory_space<vmem>>, vector<1x16xf32>,
        %get3A_876 = vector.shape_cast %get3A_875 : vector<1x16xf32> to vector<16xf32>
        %add3A_877 = arith.constant 32 : i32
        %add3A_878 = arith.addi %add3A_877, %scan3A_704 : i32
        %get3A_879 = arith.index_cast %add3A_878 : i32 to index
        %get3A_880 = arith.constant 112 : index
        %get3A_881 = tpu.vector_load %arg11[%get3A_879, %get3A_880] {strides = array<i32>} : memref<64x128xf32, #tpu.memory_space<vmem>>, vector<1x16xf32>,
        %get3A_882 = vector.shape_cast %get3A_881 : vector<1x16xf32> to vector<16xf32>
        %add3A_883 = arith.addf %get3A_876, %get3A_882 : vector<16xf32>
        %get3A_884 = arith.index_cast %scan3A_704 : i32 to index
        %get3A_885 = arith.constant 112 : index
        %get3A_886 = tpu.vector_load %arg12[%get3A_884, %get3A_885] {strides = array<i32>} : memref<32x128xf32, #tpu.memory_space<vmem>>, vector<1x16xf32>,
        %get3A_887 = vector.shape_cast %get3A_886 : vector<1x16xf32> to vector<16xf32>
        %add3A_888 = arith.addf %add3A_883, %get3A_887 : vector<16xf32>
        %max3A_889 = arith.constant 0.000000e+00 : f32
        %max3A_890 = vector.broadcast %max3A_889 : f32 to vector<16xf32>
        %max3A_891 = arith.maximumf %add3A_888, %max3A_890 : vector<16xf32>
        %swap3A_892 = arith.index_cast %scan3A_704 : i32 to index
        %swap3A_893 = arith.constant 112 : index
        %swap3A_894 = tpu.vector_load %arg12[%swap3A_892, %swap3A_893] {strides = array<i32>} : memref<32x128xf32, #tpu.memory_space<vmem>>, vector<1x16xf32>,
        %swap3A_895 = vector.shape_cast %swap3A_894 : vector<1x16xf32> to vector<16xf32>
        %swap3A_896 = vector.shape_cast %max3A_891 : vector<16xf32> to vector<1x16xf32>
        tpu.vector_store %arg12[%swap3A_892, %swap3A_893], %swap3A_896 {strides = array<i32>} : memref<32x128xf32, #tpu.memory_space<vmem>>, vector<1x16xf32>,
      }
      %scan3A_86 = arith.constant 32 : i32
      %dma_start3A_87 = arith.constant 0 : i32
      %dma_start3A_88 = arith.constant 0 : i32
      %dma_start3A_89 = tpu.memref_slice %arg9[%dma_start3A_87, %dma_start3A_88] : memref<4x32xi32, #tpu.memory_space<vmem>> -> memref<1x32xi32, #tpu.memory_space<vmem>>
      %dma_start3A_90 = tpu.memref_squeeze %dma_start3A_89 : memref<1x32xi32, #tpu.memory_space<vmem>> -> memref<32xi32, #tpu.memory_space<vmem>>
      %dma_start3A_91 = arith.constant 0 : i32
      %dma_start3A_92 = arith.constant 0 : i32
      %dma_start3A_93 = tpu.memref_slice %arg15[%dma_start3A_91, %dma_start3A_92] : memref<10240x128xf32, #tpu.memory_space<vmem_shared>> -> memref<10240x128xf32, #tpu.memory_space<vmem_shared>>
      tpu.enqueue_indirect_dma source(%arg12 : memref<32x128xf32, #tpu.memory_space<vmem>>) target(%dma_start3A_93 : memref<10240x128xf32, #tpu.memory_space<vmem_shared>>) offsets(%dma_start3A_90 : memref<32xi32, #tpu.memory_space<vmem>>) semaphore(%arg19 : memref<!tpu.dma_semaphore, #tpu.memory_space<semaphore_mem>>) {add = true}
      %mul3A_94 = arith.constant 8 : i32
      %mul3A_95 = arith.muli %mul3A_94, %scan3A_44 : i32
      %add3A_96 = arith.constant 1 : i32
      %add3A_97 = arith.addi %mul3A_95, %add3A_96 : i32
      %dma_start3A_98 = arith.constant 2 : i32
      %dma_start3A_99 = arith.constant 0 : i32
      %dma_start3A_100 = tpu.memref_slice %arg7[%dma_start3A_98, %dma_start3A_99] : memref<4x64xi32, #tpu.memory_space<vmem>> -> memref<1x64xi32, #tpu.memory_space<vmem>>
      %dma_start3A_101 = tpu.memref_squeeze %dma_start3A_100 : memref<1x64xi32, #tpu.memory_space<vmem>> -> memref<64xi32, #tpu.memory_space<vmem>>
      %dma_start3A_102 = arith.constant 0 : i32
      %dma_start3A_103 = arith.constant 0 : i32
      %dma_start3A_104 = tpu.memref_slice %arg2[%dma_start3A_102, %dma_start3A_103] : memref<20480x128xf32, #tpu.memory_space<hbm>> -> memref<20480x128xf32, #tpu.memory_space<hbm>>
      tpu.enqueue_indirect_dma source(%dma_start3A_104 : memref<20480x128xf32, #tpu.memory_space<hbm>>) target(%arg11 : memref<64x128xf32, #tpu.memory_space<vmem>>) offsets(%dma_start3A_101 : memref<64xi32, #tpu.memory_space<vmem>>) semaphore(%arg16 : memref<!tpu.dma_semaphore, #tpu.memory_space<semaphore_mem>>)
      %dma_wait3A_105 = arith.constant 1 : i32
      %dma_wait3A_106 = arith.constant 0 : i32
      %dma_wait3A_107 = tpu.memref_slice %arg7[%dma_wait3A_105, %dma_wait3A_106] : memref<4x64xi32, #tpu.memory_space<vmem>> -> memref<1x64xi32, #tpu.memory_space<vmem>>
      %dma_wait3A_108 = tpu.memref_squeeze %dma_wait3A_107 : memref<1x64xi32, #tpu.memory_space<vmem>> -> memref<64xi32, #tpu.memory_space<vmem>>
      %dma_wait3A_109 = arith.constant 0 : i32
      %dma_wait3A_110 = arith.constant 0 : i32
      %dma_wait3A_111 = tpu.memref_slice %arg2[%dma_wait3A_109, %dma_wait3A_110] : memref<20480x128xf32, #tpu.memory_space<hbm>> -> memref<20480x128xf32, #tpu.memory_space<hbm>>
      tpu.wait_indirect_dma semaphore(%arg17 : memref<!tpu.dma_semaphore, #tpu.memory_space<semaphore_mem>>) src(%dma_wait3A_111 : memref<20480x128xf32, #tpu.memory_space<hbm>>) dst(%arg13 : memref<64x128xf32, #tpu.memory_space<vmem>>)
      %mul3A_112 = arith.constant 32 : i32
      %mul3A_113 = arith.muli %add3A_97, %mul3A_112 : i32
      %add3A_114 = arith.addi %mul3A_2, %mul3A_113 : i32
      %dma_wait3A_115 = arith.constant 0 : i32
      %dma_wait3A_116 = tpu.memref_slice %arg3[%add3A_114, %dma_wait3A_115] : memref<163840x128xf32, #tpu.memory_space<hbm>> -> memref<32x128xf32, #tpu.memory_space<hbm>>
      %dma_wait3A_117 = arith.constant 0 : i32
      %dma_wait3A_118 = tpu.memref_slice %arg3[%add3A_114, %dma_wait3A_117] : memref<163840x128xf32, #tpu.memory_space<hbm>> -> memref<32x128xf32, #tpu.memory_space<hbm>>
      tpu.wait_dma2 semaphore(%arg17 : memref<!tpu.dma_semaphore, #tpu.memory_space<semaphore_mem>>) src(%dma_wait3A_118 : memref<32x128xf32, #tpu.memory_space<hbm>>) dst(%arg14 : memref<32x128xf32, #tpu.memory_space<vmem>>)
      %dma_wait3A_119 = arith.constant 0 : i32
      %dma_wait3A_120 = arith.constant 0 : i32
      %dma_wait3A_121 = tpu.memref_slice %arg9[%dma_wait3A_119, %dma_wait3A_120] : memref<4x32xi32, #tpu.memory_space<vmem>> -> memref<1x32xi32, #tpu.memory_space<vmem>>
      %dma_wait3A_122 = tpu.memref_squeeze %dma_wait3A_121 : memref<1x32xi32, #tpu.memory_space<vmem>> -> memref<32xi32, #tpu.memory_space<vmem>>
      %dma_wait3A_123 = arith.constant 0 : i32
      %dma_wait3A_124 = arith.constant 0 : i32
      %dma_wait3A_125 = tpu.memref_slice %arg15[%dma_wait3A_123, %dma_wait3A_124] : memref<10240x128xf32, #tpu.memory_space<vmem_shared>> -> memref<10240x128xf32, #tpu.memory_space<vmem_shared>>
      tpu.wait_indirect_dma semaphore(%arg19 : memref<!tpu.dma_semaphore, #tpu.memory_space<semaphore_mem>>) src(%arg12 : memref<32x128xf32, #tpu.memory_space<vmem>>) dst(%dma_wait3A_125 : memref<10240x128xf32, #tpu.memory_space<vmem_shared>>)
      %add3A_126 = arith.constant 1 : i32
      %add3A_127 = arith.addi %add3A_97, %add3A_126 : i32
      %mul3A_128 = arith.constant 32 : i32
      %mul3A_129 = arith.muli %add3A_127, %mul3A_128 : i32
      %add3A_130 = arith.addi %mul3A_2, %mul3A_129 : i32
      %dma_start3A_131 = arith.constant 0 : i32
      %dma_start3A_132 = tpu.memref_slice %arg3[%add3A_130, %dma_start3A_131] : memref<163840x128xf32, #tpu.memory_space<hbm>> -> memref<32x128xf32, #tpu.memory_space<hbm>>
      %dma_start3A_133 = arith.constant 0 : i32
      %dma_start3A_134 = tpu.memref_slice %arg3[%add3A_130, %dma_start3A_133] : memref<163840x128xf32, #tpu.memory_space<hbm>> -> memref<32x128xf32, #tpu.memory_space<hbm>>
      tpu.enqueue_dma source(%dma_start3A_134 : memref<32x128xf32, #tpu.memory_space<hbm>>) target(%arg12 : memref<32x128xf32, #tpu.memory_space<vmem>>) target_semaphore(%arg16 : memref<!tpu.dma_semaphore, #tpu.memory_space<semaphore_mem>>)
      %mul3A_135 = arith.constant 2 : i32
      %mul3A_136 = arith.muli %mul3A_135, %scan3A_44 : i32
      %add3A_137 = arith.constant 1 : i32
      %add3A_138 = arith.addi %mul3A_136, %add3A_137 : i32
      %dma_start3A_139 = arith.constant 0 : i32
      %dma_start3A_140 = arith.constant 0 : i32
      %dma_start3A_141 = tpu.memref_slice %arg4[%add3A, %add3A_138, %dma_start3A_139, %dma_start3A_140] : memref<32x40x4x64xi32, #tpu.memory_space<hbm>> -> memref<1x1x4x64xi32, #tpu.memory_space<hbm>>
      %dma_start3A_142 = tpu.memref_squeeze %dma_start3A_141 : memref<1x1x4x64xi32, #tpu.memory_space<hbm>> -> memref<4x64xi32, #tpu.memory_space<hbm>>
      %dma_start3A_143 = arith.constant 0 : i32
      %dma_start3A_144 = arith.constant 0 : i32
      %dma_start3A_145 = tpu.memref_slice %arg4[%add3A, %add3A_138, %dma_start3A_143, %dma_start3A_144] : memref<32x40x4x64xi32, #tpu.memory_space<hbm>> -> memref<1x1x4x64xi32, #tpu.memory_space<hbm>>
      %dma_start3A_146 = tpu.memref_squeeze %dma_start3A_145 : memref<1x1x4x64xi32, #tpu.memory_space<hbm>> -> memref<4x64xi32, #tpu.memory_space<hbm>>
      tpu.enqueue_dma source(%dma_start3A_146 : memref<4x64xi32, #tpu.memory_space<hbm>>) target(%arg8 : memref<4x64xi32, #tpu.memory_space<vmem>>) target_semaphore(%arg18 : memref<!tpu.dma_semaphore, #tpu.memory_space<semaphore_mem>>)
      %dma_start3A_147 = arith.constant 0 : i32
      %dma_start3A_148 = arith.constant 0 : i32
      %dma_start3A_149 = tpu.memref_slice %arg5[%add3A, %add3A_138, %dma_start3A_147, %dma_start3A_148] : memref<32x40x4x32xi32, #tpu.memory_space<hbm>> -> memref<1x1x4x32xi32, #tpu.memory_space<hbm>>
      %dma_start3A_150 = tpu.memref_squeeze %dma_start3A_149 : memref<1x1x4x32xi32, #tpu.memory_space<hbm>> -> memref<4x32xi32, #tpu.memory_space<hbm>>
      %dma_start3A_151 = arith.constant 0 : i32
      %dma_start3A_152 = arith.constant 0 : i32
      %dma_start3A_153 = tpu.memref_slice %arg5[%add3A, %add3A_138, %dma_start3A_151, %dma_start3A_152] : memref<32x40x4x32xi32, #tpu.memory_space<hbm>> -> memref<1x1x4x32xi32, #tpu.memory_space<hbm>>
      %dma_start3A_154 = tpu.memref_squeeze %dma_start3A_153 : memref<1x1x4x32xi32, #tpu.memory_space<hbm>> -> memref<4x32xi32, #tpu.memory_space<hbm>>
      tpu.enqueue_dma source(%dma_start3A_154 : memref<4x32xi32, #tpu.memory_space<hbm>>) target(%arg10 : memref<4x32xi32, #tpu.memory_space<vmem>>) target_semaphore(%arg18 : memref<!tpu.dma_semaphore, #tpu.memory_space<semaphore_mem>>)
      %scan3A_155 = arith.constant 0 : i32
      %scan3A_156 = arith.constant 0 : i32
      %scan3A_157 = arith.constant 32 : i32
      %scan3A_158 = arith.addi %scan3A_156, %scan3A_157 : i32
      %scan3A_159 = arith.constant 2 : i32
      scf.for %scan3A_513 = %scan3A_156 to %scan3A_158 step %scan3A_159  : i32 {
        %get3A = arith.index_cast %scan3A_513 : i32 to index
        %get3A_514 = arith.constant 0 : index
        %get3A_515 = tpu.vector_load %arg13[%get3A, %get3A_514] {strides = array<i32>} : memref<64x128xf32, #tpu.memory_space<vmem>>, vector<1x16xf32>,
        %get3A_516 = vector.shape_cast %get3A_515 : vector<1x16xf32> to vector<16xf32>
        %add3A_517 = arith.constant 32 : i32
        %add3A_518 = arith.addi %add3A_517, %scan3A_513 : i32
        %get3A_519 = arith.index_cast %add3A_518 : i32 to index
        %get3A_520 = arith.constant 0 : index
        %get3A_521 = tpu.vector_load %arg13[%get3A_519, %get3A_520] {strides = array<i32>} : memref<64x128xf32, #tpu.memory_space<vmem>>, vector<1x16xf32>,
        %get3A_522 = vector.shape_cast %get3A_521 : vector<1x16xf32> to vector<16xf32>
        %add3A_523 = arith.addf %get3A_516, %get3A_522 : vector<16xf32>
        %get3A_524 = arith.index_cast %scan3A_513 : i32 to index
        %get3A_525 = arith.constant 0 : index
        %get3A_526 = tpu.vector_load %arg14[%get3A_524, %get3A_525] {strides = array<i32>} : memref<32x128xf32, #tpu.memory_space<vmem>>, vector<1x16xf32>,
        %get3A_527 = vector.shape_cast %get3A_526 : vector<1x16xf32> to vector<16xf32>
        %add3A_528 = arith.addf %add3A_523, %get3A_527 : vector<16xf32>
        %max3A = arith.constant 0.000000e+00 : f32
        %max3A_529 = vector.broadcast %max3A : f32 to vector<16xf32>
        %max3A_530 = arith.maximumf %add3A_528, %max3A_529 : vector<16xf32>
        %swap3A = arith.index_cast %scan3A_513 : i32 to index
        %swap3A_531 = arith.constant 0 : index
        %swap3A_532 = tpu.vector_load %arg14[%swap3A, %swap3A_531] {strides = array<i32>} : memref<32x128xf32, #tpu.memory_space<vmem>>, vector<1x16xf32>,
        %swap3A_533 = vector.shape_cast %swap3A_532 : vector<1x16xf32> to vector<16xf32>
        %swap3A_534 = vector.shape_cast %max3A_530 : vector<16xf32> to vector<1x16xf32>
        tpu.vector_store %arg14[%swap3A, %swap3A_531], %swap3A_534 {strides = array<i32>} : memref<32x128xf32, #tpu.memory_space<vmem>>, vector<1x16xf32>,
        %get3A_535 = arith.index_cast %scan3A_513 : i32 to index
        %get3A_536 = arith.constant 16 : index
        %get3A_537 = tpu.vector_load %arg13[%get3A_535, %get3A_536] {strides = array<i32>} : memref<64x128xf32, #tpu.memory_space<vmem>>, vector<1x16xf32>,
        %get3A_538 = vector.shape_cast %get3A_537 : vector<1x16xf32> to vector<16xf32>
        %add3A_539 = arith.constant 32 : i32
        %add3A_540 = arith.addi %add3A_539, %scan3A_513 : i32
        %get3A_541 = arith.index_cast %add3A_540 : i32 to index
        %get3A_542 = arith.constant 16 : index
        %get3A_543 = tpu.vector_load %arg13[%get3A_541, %get3A_542] {strides = array<i32>} : memref<64x128xf32, #tpu.memory_space<vmem>>, vector<1x16xf32>,
        %get3A_544 = vector.shape_cast %get3A_543 : vector<1x16xf32> to vector<16xf32>
        %add3A_545 = arith.addf %get3A_538, %get3A_544 : vector<16xf32>
        %get3A_546 = arith.index_cast %scan3A_513 : i32 to index
        %get3A_547 = arith.constant 16 : index
        %get3A_548 = tpu.vector_load %arg14[%get3A_546, %get3A_547] {strides = array<i32>} : memref<32x128xf32, #tpu.memory_space<vmem>>, vector<1x16xf32>,
        %get3A_549 = vector.shape_cast %get3A_548 : vector<1x16xf32> to vector<16xf32>
        %add3A_550 = arith.addf %add3A_545, %get3A_549 : vector<16xf32>
        %max3A_551 = arith.constant 0.000000e+00 : f32
        %max3A_552 = vector.broadcast %max3A_551 : f32 to vector<16xf32>
        %max3A_553 = arith.maximumf %add3A_550, %max3A_552 : vector<16xf32>
        %swap3A_554 = arith.index_cast %scan3A_513 : i32 to index
        %swap3A_555 = arith.constant 16 : index
        %swap3A_556 = tpu.vector_load %arg14[%swap3A_554, %swap3A_555] {strides = array<i32>} : memref<32x128xf32, #tpu.memory_space<vmem>>, vector<1x16xf32>,
        %swap3A_557 = vector.shape_cast %swap3A_556 : vector<1x16xf32> to vector<16xf32>
        %swap3A_558 = vector.shape_cast %max3A_553 : vector<16xf32> to vector<1x16xf32>
        tpu.vector_store %arg14[%swap3A_554, %swap3A_555], %swap3A_558 {strides = array<i32>} : memref<32x128xf32, #tpu.memory_space<vmem>>, vector<1x16xf32>,
        %get3A_559 = arith.index_cast %scan3A_513 : i32 to index
        %get3A_560 = arith.constant 32 : index
        %get3A_561 = tpu.vector_load %arg13[%get3A_559, %get3A_560] {strides = array<i32>} : memref<64x128xf32, #tpu.memory_space<vmem>>, vector<1x16xf32>,
        %get3A_562 = vector.shape_cast %get3A_561 : vector<1x16xf32> to vector<16xf32>
        %add3A_563 = arith.constant 32 : i32
        %add3A_564 = arith.addi %add3A_563, %scan3A_513 : i32
        %get3A_565 = arith.index_cast %add3A_564 : i32 to index
        %get3A_566 = arith.constant 32 : index
        %get3A_567 = tpu.vector_load %arg13[%get3A_565, %get3A_566] {strides = array<i32>} : memref<64x128xf32, #tpu.memory_space<vmem>>, vector<1x16xf32>,
        %get3A_568 = vector.shape_cast %get3A_567 : vector<1x16xf32> to vector<16xf32>
        %add3A_569 = arith.addf %get3A_562, %get3A_568 : vector<16xf32>
        %get3A_570 = arith.index_cast %scan3A_513 : i32 to index
        %get3A_571 = arith.constant 32 : index
        %get3A_572 = tpu.vector_load %arg14[%get3A_570, %get3A_571] {strides = array<i32>} : memref<32x128xf32, #tpu.memory_space<vmem>>, vector<1x16xf32>,
        %get3A_573 = vector.shape_cast %get3A_572 : vector<1x16xf32> to vector<16xf32>
        %add3A_574 = arith.addf %add3A_569, %get3A_573 : vector<16xf32>
        %max3A_575 = arith.constant 0.000000e+00 : f32
        %max3A_576 = vector.broadcast %max3A_575 : f32 to vector<16xf32>
        %max3A_577 = arith.maximumf %add3A_574, %max3A_576 : vector<16xf32>
        %swap3A_578 = arith.index_cast %scan3A_513 : i32 to index
        %swap3A_579 = arith.constant 32 : index
        %swap3A_580 = tpu.vector_load %arg14[%swap3A_578, %swap3A_579] {strides = array<i32>} : memref<32x128xf32, #tpu.memory_space<vmem>>, vector<1x16xf32>,
        %swap3A_581 = vector.shape_cast %swap3A_580 : vector<1x16xf32> to vector<16xf32>
        %swap3A_582 = vector.shape_cast %max3A_577 : vector<16xf32> to vector<1x16xf32>
        tpu.vector_store %arg14[%swap3A_578, %swap3A_579], %swap3A_582 {strides = array<i32>} : memref<32x128xf32, #tpu.memory_space<vmem>>, vector<1x16xf32>,
        %get3A_583 = arith.index_cast %scan3A_513 : i32 to index
        %get3A_584 = arith.constant 48 : index
        %get3A_585 = tpu.vector_load %arg13[%get3A_583, %get3A_584] {strides = array<i32>} : memref<64x128xf32, #tpu.memory_space<vmem>>, vector<1x16xf32>,
        %get3A_586 = vector.shape_cast %get3A_585 : vector<1x16xf32> to vector<16xf32>
        %add3A_587 = arith.constant 32 : i32
        %add3A_588 = arith.addi %add3A_587, %scan3A_513 : i32
        %get3A_589 = arith.index_cast %add3A_588 : i32 to index
        %get3A_590 = arith.constant 48 : index
        %get3A_591 = tpu.vector_load %arg13[%get3A_589, %get3A_590] {strides = array<i32>} : memref<64x128xf32, #tpu.memory_space<vmem>>, vector<1x16xf32>,
        %get3A_592 = vector.shape_cast %get3A_591 : vector<1x16xf32> to vector<16xf32>
        %add3A_593 = arith.addf %get3A_586, %get3A_592 : vector<16xf32>
        %get3A_594 = arith.index_cast %scan3A_513 : i32 to index
        %get3A_595 = arith.constant 48 : index
        %get3A_596 = tpu.vector_load %arg14[%get3A_594, %get3A_595] {strides = array<i32>} : memref<32x128xf32, #tpu.memory_space<vmem>>, vector<1x16xf32>,
        %get3A_597 = vector.shape_cast %get3A_596 : vector<1x16xf32> to vector<16xf32>
        %add3A_598 = arith.addf %add3A_593, %get3A_597 : vector<16xf32>
        %max3A_599 = arith.constant 0.000000e+00 : f32
        %max3A_600 = vector.broadcast %max3A_599 : f32 to vector<16xf32>
        %max3A_601 = arith.maximumf %add3A_598, %max3A_600 : vector<16xf32>
        %swap3A_602 = arith.index_cast %scan3A_513 : i32 to index
        %swap3A_603 = arith.constant 48 : index
        %swap3A_604 = tpu.vector_load %arg14[%swap3A_602, %swap3A_603] {strides = array<i32>} : memref<32x128xf32, #tpu.memory_space<vmem>>, vector<1x16xf32>,
        %swap3A_605 = vector.shape_cast %swap3A_604 : vector<1x16xf32> to vector<16xf32>
        %swap3A_606 = vector.shape_cast %max3A_601 : vector<16xf32> to vector<1x16xf32>
        tpu.vector_store %arg14[%swap3A_602, %swap3A_603], %swap3A_606 {strides = array<i32>} : memref<32x128xf32, #tpu.memory_space<vmem>>, vector<1x16xf32>,
        %get3A_607 = arith.index_cast %scan3A_513 : i32 to index
        %get3A_608 = arith.constant 64 : index
        %get3A_609 = tpu.vector_load %arg13[%get3A_607, %get3A_608] {strides = array<i32>} : memref<64x128xf32, #tpu.memory_space<vmem>>, vector<1x16xf32>,
        %get3A_610 = vector.shape_cast %get3A_609 : vector<1x16xf32> to vector<16xf32>
        %add3A_611 = arith.constant 32 : i32
        %add3A_612 = arith.addi %add3A_611, %scan3A_513 : i32
        %get3A_613 = arith.index_cast %add3A_612 : i32 to index
        %get3A_614 = arith.constant 64 : index
        %get3A_615 = tpu.vector_load %arg13[%get3A_613, %get3A_614] {strides = array<i32>} : memref<64x128xf32, #tpu.memory_space<vmem>>, vector<1x16xf32>,
        %get3A_616 = vector.shape_cast %get3A_615 : vector<1x16xf32> to vector<16xf32>
        %add3A_617 = arith.addf %get3A_610, %get3A_616 : vector<16xf32>
        %get3A_618 = arith.index_cast %scan3A_513 : i32 to index
        %get3A_619 = arith.constant 64 : index
        %get3A_620 = tpu.vector_load %arg14[%get3A_618, %get3A_619] {strides = array<i32>} : memref<32x128xf32, #tpu.memory_space<vmem>>, vector<1x16xf32>,
        %get3A_621 = vector.shape_cast %get3A_620 : vector<1x16xf32> to vector<16xf32>
        %add3A_622 = arith.addf %add3A_617, %get3A_621 : vector<16xf32>
        %max3A_623 = arith.constant 0.000000e+00 : f32
        %max3A_624 = vector.broadcast %max3A_623 : f32 to vector<16xf32>
        %max3A_625 = arith.maximumf %add3A_622, %max3A_624 : vector<16xf32>
        %swap3A_626 = arith.index_cast %scan3A_513 : i32 to index
        %swap3A_627 = arith.constant 64 : index
        %swap3A_628 = tpu.vector_load %arg14[%swap3A_626, %swap3A_627] {strides = array<i32>} : memref<32x128xf32, #tpu.memory_space<vmem>>, vector<1x16xf32>,
        %swap3A_629 = vector.shape_cast %swap3A_628 : vector<1x16xf32> to vector<16xf32>
        %swap3A_630 = vector.shape_cast %max3A_625 : vector<16xf32> to vector<1x16xf32>
        tpu.vector_store %arg14[%swap3A_626, %swap3A_627], %swap3A_630 {strides = array<i32>} : memref<32x128xf32, #tpu.memory_space<vmem>>, vector<1x16xf32>,
        %get3A_631 = arith.index_cast %scan3A_513 : i32 to index
        %get3A_632 = arith.constant 80 : index
        %get3A_633 = tpu.vector_load %arg13[%get3A_631, %get3A_632] {strides = array<i32>} : memref<64x128xf32, #tpu.memory_space<vmem>>, vector<1x16xf32>,
        %get3A_634 = vector.shape_cast %get3A_633 : vector<1x16xf32> to vector<16xf32>
        %add3A_635 = arith.constant 32 : i32
        %add3A_636 = arith.addi %add3A_635, %scan3A_513 : i32
        %get3A_637 = arith.index_cast %add3A_636 : i32 to index
        %get3A_638 = arith.constant 80 : index
        %get3A_639 = tpu.vector_load %arg13[%get3A_637, %get3A_638] {strides = array<i32>} : memref<64x128xf32, #tpu.memory_space<vmem>>, vector<1x16xf32>,
        %get3A_640 = vector.shape_cast %get3A_639 : vector<1x16xf32> to vector<16xf32>
        %add3A_641 = arith.addf %get3A_634, %get3A_640 : vector<16xf32>
        %get3A_642 = arith.index_cast %scan3A_513 : i32 to index
        %get3A_643 = arith.constant 80 : index
        %get3A_644 = tpu.vector_load %arg14[%get3A_642, %get3A_643] {strides = array<i32>} : memref<32x128xf32, #tpu.memory_space<vmem>>, vector<1x16xf32>,
        %get3A_645 = vector.shape_cast %get3A_644 : vector<1x16xf32> to vector<16xf32>
        %add3A_646 = arith.addf %add3A_641, %get3A_645 : vector<16xf32>
        %max3A_647 = arith.constant 0.000000e+00 : f32
        %max3A_648 = vector.broadcast %max3A_647 : f32 to vector<16xf32>
        %max3A_649 = arith.maximumf %add3A_646, %max3A_648 : vector<16xf32>
        %swap3A_650 = arith.index_cast %scan3A_513 : i32 to index
        %swap3A_651 = arith.constant 80 : index
        %swap3A_652 = tpu.vector_load %arg14[%swap3A_650, %swap3A_651] {strides = array<i32>} : memref<32x128xf32, #tpu.memory_space<vmem>>, vector<1x16xf32>,
        %swap3A_653 = vector.shape_cast %swap3A_652 : vector<1x16xf32> to vector<16xf32>
        %swap3A_654 = vector.shape_cast %max3A_649 : vector<16xf32> to vector<1x16xf32>
        tpu.vector_store %arg14[%swap3A_650, %swap3A_651], %swap3A_654 {strides = array<i32>} : memref<32x128xf32, #tpu.memory_space<vmem>>, vector<1x16xf32>,
        %get3A_655 = arith.index_cast %scan3A_513 : i32 to index
        %get3A_656 = arith.constant 96 : index
        %get3A_657 = tpu.vector_load %arg13[%get3A_655, %get3A_656] {strides = array<i32>} : memref<64x128xf32, #tpu.memory_space<vmem>>, vector<1x16xf32>,
        %get3A_658 = vector.shape_cast %get3A_657 : vector<1x16xf32> to vector<16xf32>
        %add3A_659 = arith.constant 32 : i32
        %add3A_660 = arith.addi %add3A_659, %scan3A_513 : i32
        %get3A_661 = arith.index_cast %add3A_660 : i32 to index
        %get3A_662 = arith.constant 96 : index
        %get3A_663 = tpu.vector_load %arg13[%get3A_661, %get3A_662] {strides = array<i32>} : memref<64x128xf32, #tpu.memory_space<vmem>>, vector<1x16xf32>,
        %get3A_664 = vector.shape_cast %get3A_663 : vector<1x16xf32> to vector<16xf32>
        %add3A_665 = arith.addf %get3A_658, %get3A_664 : vector<16xf32>
        %get3A_666 = arith.index_cast %scan3A_513 : i32 to index
        %get3A_667 = arith.constant 96 : index
        %get3A_668 = tpu.vector_load %arg14[%get3A_666, %get3A_667] {strides = array<i32>} : memref<32x128xf32, #tpu.memory_space<vmem>>, vector<1x16xf32>,
        %get3A_669 = vector.shape_cast %get3A_668 : vector<1x16xf32> to vector<16xf32>
        %add3A_670 = arith.addf %add3A_665, %get3A_669 : vector<16xf32>
        %max3A_671 = arith.constant 0.000000e+00 : f32
        %max3A_672 = vector.broadcast %max3A_671 : f32 to vector<16xf32>
        %max3A_673 = arith.maximumf %add3A_670, %max3A_672 : vector<16xf32>
        %swap3A_674 = arith.index_cast %scan3A_513 : i32 to index
        %swap3A_675 = arith.constant 96 : index
        %swap3A_676 = tpu.vector_load %arg14[%swap3A_674, %swap3A_675] {strides = array<i32>} : memref<32x128xf32, #tpu.memory_space<vmem>>, vector<1x16xf32>,
        %swap3A_677 = vector.shape_cast %swap3A_676 : vector<1x16xf32> to vector<16xf32>
        %swap3A_678 = vector.shape_cast %max3A_673 : vector<16xf32> to vector<1x16xf32>
        tpu.vector_store %arg14[%swap3A_674, %swap3A_675], %swap3A_678 {strides = array<i32>} : memref<32x128xf32, #tpu.memory_space<vmem>>, vector<1x16xf32>,
        %get3A_679 = arith.index_cast %scan3A_513 : i32 to index
        %get3A_680 = arith.constant 112 : index
        %get3A_681 = tpu.vector_load %arg13[%get3A_679, %get3A_680] {strides = array<i32>} : memref<64x128xf32, #tpu.memory_space<vmem>>, vector<1x16xf32>,
        %get3A_682 = vector.shape_cast %get3A_681 : vector<1x16xf32> to vector<16xf32>
        %add3A_683 = arith.constant 32 : i32
        %add3A_684 = arith.addi %add3A_683, %scan3A_513 : i32
        %get3A_685 = arith.index_cast %add3A_684 : i32 to index
        %get3A_686 = arith.constant 112 : index
        %get3A_687 = tpu.vector_load %arg13[%get3A_685, %get3A_686] {strides = array<i32>} : memref<64x128xf32, #tpu.memory_space<vmem>>, vector<1x16xf32>,
        %get3A_688 = vector.shape_cast %get3A_687 : vector<1x16xf32> to vector<16xf32>
        %add3A_689 = arith.addf %get3A_682, %get3A_688 : vector<16xf32>
        %get3A_690 = arith.index_cast %scan3A_513 : i32 to index
        %get3A_691 = arith.constant 112 : index
        %get3A_692 = tpu.vector_load %arg14[%get3A_690, %get3A_691] {strides = array<i32>} : memref<32x128xf32, #tpu.memory_space<vmem>>, vector<1x16xf32>,
        %get3A_693 = vector.shape_cast %get3A_692 : vector<1x16xf32> to vector<16xf32>
        %add3A_694 = arith.addf %add3A_689, %get3A_693 : vector<16xf32>
        %max3A_695 = arith.constant 0.000000e+00 : f32
        %max3A_696 = vector.broadcast %max3A_695 : f32 to vector<16xf32>
        %max3A_697 = arith.maximumf %add3A_694, %max3A_696 : vector<16xf32>
        %swap3A_698 = arith.index_cast %scan3A_513 : i32 to index
        %swap3A_699 = arith.constant 112 : index
        %swap3A_700 = tpu.vector_load %arg14[%swap3A_698, %swap3A_699] {strides = array<i32>} : memref<32x128xf32, #tpu.memory_space<vmem>>, vector<1x16xf32>,
        %swap3A_701 = vector.shape_cast %swap3A_700 : vector<1x16xf32> to vector<16xf32>
        %swap3A_702 = vector.shape_cast %max3A_697 : vector<16xf32> to vector<1x16xf32>
        tpu.vector_store %arg14[%swap3A_698, %swap3A_699], %swap3A_702 {strides = array<i32>} : memref<32x128xf32, #tpu.memory_space<vmem>>, vector<1x16xf32>,
        %scan3A_703 = arith.constant 1 : i32
        %scan3A_704 = arith.addi %scan3A_513, %scan3A_703 : i32
        %get3A_705 = arith.index_cast %scan3A_704 : i32 to index
        %get3A_706 = arith.constant 0 : index
        %get3A_707 = tpu.vector_load %arg13[%get3A_705, %get3A_706] {strides = array<i32>} : memref<64x128xf32, #tpu.memory_space<vmem>>, vector<1x16xf32>,
        %get3A_708 = vector.shape_cast %get3A_707 : vector<1x16xf32> to vector<16xf32>
        %add3A_709 = arith.constant 32 : i32
        %add3A_710 = arith.addi %add3A_709, %scan3A_704 : i32
        %get3A_711 = arith.index_cast %add3A_710 : i32 to index
        %get3A_712 = arith.constant 0 : index
        %get3A_713 = tpu.vector_load %arg13[%get3A_711, %get3A_712] {strides = array<i32>} : memref<64x128xf32, #tpu.memory_space<vmem>>, vector<1x16xf32>,
        %get3A_714 = vector.shape_cast %get3A_713 : vector<1x16xf32> to vector<16xf32>
        %add3A_715 = arith.addf %get3A_708, %get3A_714 : vector<16xf32>
        %get3A_716 = arith.index_cast %scan3A_704 : i32 to index
        %get3A_717 = arith.constant 0 : index
        %get3A_718 = tpu.vector_load %arg14[%get3A_716, %get3A_717] {strides = array<i32>} : memref<32x128xf32, #tpu.memory_space<vmem>>, vector<1x16xf32>,
        %get3A_719 = vector.shape_cast %get3A_718 : vector<1x16xf32> to vector<16xf32>
        %add3A_720 = arith.addf %add3A_715, %get3A_719 : vector<16xf32>
        %max3A_721 = arith.constant 0.000000e+00 : f32
        %max3A_722 = vector.broadcast %max3A_721 : f32 to vector<16xf32>
        %max3A_723 = arith.maximumf %add3A_720, %max3A_722 : vector<16xf32>
        %swap3A_724 = arith.index_cast %scan3A_704 : i32 to index
        %swap3A_725 = arith.constant 0 : index
        %swap3A_726 = tpu.vector_load %arg14[%swap3A_724, %swap3A_725] {strides = array<i32>} : memref<32x128xf32, #tpu.memory_space<vmem>>, vector<1x16xf32>,
        %swap3A_727 = vector.shape_cast %swap3A_726 : vector<1x16xf32> to vector<16xf32>
        %swap3A_728 = vector.shape_cast %max3A_723 : vector<16xf32> to vector<1x16xf32>
        tpu.vector_store %arg14[%swap3A_724, %swap3A_725], %swap3A_728 {strides = array<i32>} : memref<32x128xf32, #tpu.memory_space<vmem>>, vector<1x16xf32>,
        %get3A_729 = arith.index_cast %scan3A_704 : i32 to index
        %get3A_730 = arith.constant 16 : index
        %get3A_731 = tpu.vector_load %arg13[%get3A_729, %get3A_730] {strides = array<i32>} : memref<64x128xf32, #tpu.memory_space<vmem>>, vector<1x16xf32>,
        %get3A_732 = vector.shape_cast %get3A_731 : vector<1x16xf32> to vector<16xf32>
        %add3A_733 = arith.constant 32 : i32
        %add3A_734 = arith.addi %add3A_733, %scan3A_704 : i32
        %get3A_735 = arith.index_cast %add3A_734 : i32 to index
        %get3A_736 = arith.constant 16 : index
        %get3A_737 = tpu.vector_load %arg13[%get3A_735, %get3A_736] {strides = array<i32>} : memref<64x128xf32, #tpu.memory_space<vmem>>, vector<1x16xf32>,
        %get3A_738 = vector.shape_cast %get3A_737 : vector<1x16xf32> to vector<16xf32>
        %add3A_739 = arith.addf %get3A_732, %get3A_738 : vector<16xf32>
        %get3A_740 = arith.index_cast %scan3A_704 : i32 to index
        %get3A_741 = arith.constant 16 : index
        %get3A_742 = tpu.vector_load %arg14[%get3A_740, %get3A_741] {strides = array<i32>} : memref<32x128xf32, #tpu.memory_space<vmem>>, vector<1x16xf32>,
        %get3A_743 = vector.shape_cast %get3A_742 : vector<1x16xf32> to vector<16xf32>
        %add3A_744 = arith.addf %add3A_739, %get3A_743 : vector<16xf32>
        %max3A_745 = arith.constant 0.000000e+00 : f32
        %max3A_746 = vector.broadcast %max3A_745 : f32 to vector<16xf32>
        %max3A_747 = arith.maximumf %add3A_744, %max3A_746 : vector<16xf32>
        %swap3A_748 = arith.index_cast %scan3A_704 : i32 to index
        %swap3A_749 = arith.constant 16 : index
        %swap3A_750 = tpu.vector_load %arg14[%swap3A_748, %swap3A_749] {strides = array<i32>} : memref<32x128xf32, #tpu.memory_space<vmem>>, vector<1x16xf32>,
        %swap3A_751 = vector.shape_cast %swap3A_750 : vector<1x16xf32> to vector<16xf32>
        %swap3A_752 = vector.shape_cast %max3A_747 : vector<16xf32> to vector<1x16xf32>
        tpu.vector_store %arg14[%swap3A_748, %swap3A_749], %swap3A_752 {strides = array<i32>} : memref<32x128xf32, #tpu.memory_space<vmem>>, vector<1x16xf32>,
        %get3A_753 = arith.index_cast %scan3A_704 : i32 to index
        %get3A_754 = arith.constant 32 : index
        %get3A_755 = tpu.vector_load %arg13[%get3A_753, %get3A_754] {strides = array<i32>} : memref<64x128xf32, #tpu.memory_space<vmem>>, vector<1x16xf32>,
        %get3A_756 = vector.shape_cast %get3A_755 : vector<1x16xf32> to vector<16xf32>
        %add3A_757 = arith.constant 32 : i32
        %add3A_758 = arith.addi %add3A_757, %scan3A_704 : i32
        %get3A_759 = arith.index_cast %add3A_758 : i32 to index
        %get3A_760 = arith.constant 32 : index
        %get3A_761 = tpu.vector_load %arg13[%get3A_759, %get3A_760] {strides = array<i32>} : memref<64x128xf32, #tpu.memory_space<vmem>>, vector<1x16xf32>,
        %get3A_762 = vector.shape_cast %get3A_761 : vector<1x16xf32> to vector<16xf32>
        %add3A_763 = arith.addf %get3A_756, %get3A_762 : vector<16xf32>
        %get3A_764 = arith.index_cast %scan3A_704 : i32 to index
        %get3A_765 = arith.constant 32 : index
        %get3A_766 = tpu.vector_load %arg14[%get3A_764, %get3A_765] {strides = array<i32>} : memref<32x128xf32, #tpu.memory_space<vmem>>, vector<1x16xf32>,
        %get3A_767 = vector.shape_cast %get3A_766 : vector<1x16xf32> to vector<16xf32>
        %add3A_768 = arith.addf %add3A_763, %get3A_767 : vector<16xf32>
        %max3A_769 = arith.constant 0.000000e+00 : f32
        %max3A_770 = vector.broadcast %max3A_769 : f32 to vector<16xf32>
        %max3A_771 = arith.maximumf %add3A_768, %max3A_770 : vector<16xf32>
        %swap3A_772 = arith.index_cast %scan3A_704 : i32 to index
        %swap3A_773 = arith.constant 32 : index
        %swap3A_774 = tpu.vector_load %arg14[%swap3A_772, %swap3A_773] {strides = array<i32>} : memref<32x128xf32, #tpu.memory_space<vmem>>, vector<1x16xf32>,
        %swap3A_775 = vector.shape_cast %swap3A_774 : vector<1x16xf32> to vector<16xf32>
        %swap3A_776 = vector.shape_cast %max3A_771 : vector<16xf32> to vector<1x16xf32>
        tpu.vector_store %arg14[%swap3A_772, %swap3A_773], %swap3A_776 {strides = array<i32>} : memref<32x128xf32, #tpu.memory_space<vmem>>, vector<1x16xf32>,
        %get3A_777 = arith.index_cast %scan3A_704 : i32 to index
        %get3A_778 = arith.constant 48 : index
        %get3A_779 = tpu.vector_load %arg13[%get3A_777, %get3A_778] {strides = array<i32>} : memref<64x128xf32, #tpu.memory_space<vmem>>, vector<1x16xf32>,
        %get3A_780 = vector.shape_cast %get3A_779 : vector<1x16xf32> to vector<16xf32>
        %add3A_781 = arith.constant 32 : i32
        %add3A_782 = arith.addi %add3A_781, %scan3A_704 : i32
        %get3A_783 = arith.index_cast %add3A_782 : i32 to index
        %get3A_784 = arith.constant 48 : index
        %get3A_785 = tpu.vector_load %arg13[%get3A_783, %get3A_784] {strides = array<i32>} : memref<64x128xf32, #tpu.memory_space<vmem>>, vector<1x16xf32>,
        %get3A_786 = vector.shape_cast %get3A_785 : vector<1x16xf32> to vector<16xf32>
        %add3A_787 = arith.addf %get3A_780, %get3A_786 : vector<16xf32>
        %get3A_788 = arith.index_cast %scan3A_704 : i32 to index
        %get3A_789 = arith.constant 48 : index
        %get3A_790 = tpu.vector_load %arg14[%get3A_788, %get3A_789] {strides = array<i32>} : memref<32x128xf32, #tpu.memory_space<vmem>>, vector<1x16xf32>,
        %get3A_791 = vector.shape_cast %get3A_790 : vector<1x16xf32> to vector<16xf32>
        %add3A_792 = arith.addf %add3A_787, %get3A_791 : vector<16xf32>
        %max3A_793 = arith.constant 0.000000e+00 : f32
        %max3A_794 = vector.broadcast %max3A_793 : f32 to vector<16xf32>
        %max3A_795 = arith.maximumf %add3A_792, %max3A_794 : vector<16xf32>
        %swap3A_796 = arith.index_cast %scan3A_704 : i32 to index
        %swap3A_797 = arith.constant 48 : index
        %swap3A_798 = tpu.vector_load %arg14[%swap3A_796, %swap3A_797] {strides = array<i32>} : memref<32x128xf32, #tpu.memory_space<vmem>>, vector<1x16xf32>,
        %swap3A_799 = vector.shape_cast %swap3A_798 : vector<1x16xf32> to vector<16xf32>
        %swap3A_800 = vector.shape_cast %max3A_795 : vector<16xf32> to vector<1x16xf32>
        tpu.vector_store %arg14[%swap3A_796, %swap3A_797], %swap3A_800 {strides = array<i32>} : memref<32x128xf32, #tpu.memory_space<vmem>>, vector<1x16xf32>,
        %get3A_801 = arith.index_cast %scan3A_704 : i32 to index
        %get3A_802 = arith.constant 64 : index
        %get3A_803 = tpu.vector_load %arg13[%get3A_801, %get3A_802] {strides = array<i32>} : memref<64x128xf32, #tpu.memory_space<vmem>>, vector<1x16xf32>,
        %get3A_804 = vector.shape_cast %get3A_803 : vector<1x16xf32> to vector<16xf32>
        %add3A_805 = arith.constant 32 : i32
        %add3A_806 = arith.addi %add3A_805, %scan3A_704 : i32
        %get3A_807 = arith.index_cast %add3A_806 : i32 to index
        %get3A_808 = arith.constant 64 : index
        %get3A_809 = tpu.vector_load %arg13[%get3A_807, %get3A_808] {strides = array<i32>} : memref<64x128xf32, #tpu.memory_space<vmem>>, vector<1x16xf32>,
        %get3A_810 = vector.shape_cast %get3A_809 : vector<1x16xf32> to vector<16xf32>
        %add3A_811 = arith.addf %get3A_804, %get3A_810 : vector<16xf32>
        %get3A_812 = arith.index_cast %scan3A_704 : i32 to index
        %get3A_813 = arith.constant 64 : index
        %get3A_814 = tpu.vector_load %arg14[%get3A_812, %get3A_813] {strides = array<i32>} : memref<32x128xf32, #tpu.memory_space<vmem>>, vector<1x16xf32>,
        %get3A_815 = vector.shape_cast %get3A_814 : vector<1x16xf32> to vector<16xf32>
        %add3A_816 = arith.addf %add3A_811, %get3A_815 : vector<16xf32>
        %max3A_817 = arith.constant 0.000000e+00 : f32
        %max3A_818 = vector.broadcast %max3A_817 : f32 to vector<16xf32>
        %max3A_819 = arith.maximumf %add3A_816, %max3A_818 : vector<16xf32>
        %swap3A_820 = arith.index_cast %scan3A_704 : i32 to index
        %swap3A_821 = arith.constant 64 : index
        %swap3A_822 = tpu.vector_load %arg14[%swap3A_820, %swap3A_821] {strides = array<i32>} : memref<32x128xf32, #tpu.memory_space<vmem>>, vector<1x16xf32>,
        %swap3A_823 = vector.shape_cast %swap3A_822 : vector<1x16xf32> to vector<16xf32>
        %swap3A_824 = vector.shape_cast %max3A_819 : vector<16xf32> to vector<1x16xf32>
        tpu.vector_store %arg14[%swap3A_820, %swap3A_821], %swap3A_824 {strides = array<i32>} : memref<32x128xf32, #tpu.memory_space<vmem>>, vector<1x16xf32>,
        %get3A_825 = arith.index_cast %scan3A_704 : i32 to index
        %get3A_826 = arith.constant 80 : index
        %get3A_827 = tpu.vector_load %arg13[%get3A_825, %get3A_826] {strides = array<i32>} : memref<64x128xf32, #tpu.memory_space<vmem>>, vector<1x16xf32>,
        %get3A_828 = vector.shape_cast %get3A_827 : vector<1x16xf32> to vector<16xf32>
        %add3A_829 = arith.constant 32 : i32
        %add3A_830 = arith.addi %add3A_829, %scan3A_704 : i32
        %get3A_831 = arith.index_cast %add3A_830 : i32 to index
        %get3A_832 = arith.constant 80 : index
        %get3A_833 = tpu.vector_load %arg13[%get3A_831, %get3A_832] {strides = array<i32>} : memref<64x128xf32, #tpu.memory_space<vmem>>, vector<1x16xf32>,
        %get3A_834 = vector.shape_cast %get3A_833 : vector<1x16xf32> to vector<16xf32>
        %add3A_835 = arith.addf %get3A_828, %get3A_834 : vector<16xf32>
        %get3A_836 = arith.index_cast %scan3A_704 : i32 to index
        %get3A_837 = arith.constant 80 : index
        %get3A_838 = tpu.vector_load %arg14[%get3A_836, %get3A_837] {strides = array<i32>} : memref<32x128xf32, #tpu.memory_space<vmem>>, vector<1x16xf32>,
        %get3A_839 = vector.shape_cast %get3A_838 : vector<1x16xf32> to vector<16xf32>
        %add3A_840 = arith.addf %add3A_835, %get3A_839 : vector<16xf32>
        %max3A_841 = arith.constant 0.000000e+00 : f32
        %max3A_842 = vector.broadcast %max3A_841 : f32 to vector<16xf32>
        %max3A_843 = arith.maximumf %add3A_840, %max3A_842 : vector<16xf32>
        %swap3A_844 = arith.index_cast %scan3A_704 : i32 to index
        %swap3A_845 = arith.constant 80 : index
        %swap3A_846 = tpu.vector_load %arg14[%swap3A_844, %swap3A_845] {strides = array<i32>} : memref<32x128xf32, #tpu.memory_space<vmem>>, vector<1x16xf32>,
        %swap3A_847 = vector.shape_cast %swap3A_846 : vector<1x16xf32> to vector<16xf32>
        %swap3A_848 = vector.shape_cast %max3A_843 : vector<16xf32> to vector<1x16xf32>
        tpu.vector_store %arg14[%swap3A_844, %swap3A_845], %swap3A_848 {strides = array<i32>} : memref<32x128xf32, #tpu.memory_space<vmem>>, vector<1x16xf32>,
        %get3A_849 = arith.index_cast %scan3A_704 : i32 to index
        %get3A_850 = arith.constant 96 : index
        %get3A_851 = tpu.vector_load %arg13[%get3A_849, %get3A_850] {strides = array<i32>} : memref<64x128xf32, #tpu.memory_space<vmem>>, vector<1x16xf32>,
        %get3A_852 = vector.shape_cast %get3A_851 : vector<1x16xf32> to vector<16xf32>
        %add3A_853 = arith.constant 32 : i32
        %add3A_854 = arith.addi %add3A_853, %scan3A_704 : i32
        %get3A_855 = arith.index_cast %add3A_854 : i32 to index
        %get3A_856 = arith.constant 96 : index
        %get3A_857 = tpu.vector_load %arg13[%get3A_855, %get3A_856] {strides = array<i32>} : memref<64x128xf32, #tpu.memory_space<vmem>>, vector<1x16xf32>,
        %get3A_858 = vector.shape_cast %get3A_857 : vector<1x16xf32> to vector<16xf32>
        %add3A_859 = arith.addf %get3A_852, %get3A_858 : vector<16xf32>
        %get3A_860 = arith.index_cast %scan3A_704 : i32 to index
        %get3A_861 = arith.constant 96 : index
        %get3A_862 = tpu.vector_load %arg14[%get3A_860, %get3A_861] {strides = array<i32>} : memref<32x128xf32, #tpu.memory_space<vmem>>, vector<1x16xf32>,
        %get3A_863 = vector.shape_cast %get3A_862 : vector<1x16xf32> to vector<16xf32>
        %add3A_864 = arith.addf %add3A_859, %get3A_863 : vector<16xf32>
        %max3A_865 = arith.constant 0.000000e+00 : f32
        %max3A_866 = vector.broadcast %max3A_865 : f32 to vector<16xf32>
        %max3A_867 = arith.maximumf %add3A_864, %max3A_866 : vector<16xf32>
        %swap3A_868 = arith.index_cast %scan3A_704 : i32 to index
        %swap3A_869 = arith.constant 96 : index
        %swap3A_870 = tpu.vector_load %arg14[%swap3A_868, %swap3A_869] {strides = array<i32>} : memref<32x128xf32, #tpu.memory_space<vmem>>, vector<1x16xf32>,
        %swap3A_871 = vector.shape_cast %swap3A_870 : vector<1x16xf32> to vector<16xf32>
        %swap3A_872 = vector.shape_cast %max3A_867 : vector<16xf32> to vector<1x16xf32>
        tpu.vector_store %arg14[%swap3A_868, %swap3A_869], %swap3A_872 {strides = array<i32>} : memref<32x128xf32, #tpu.memory_space<vmem>>, vector<1x16xf32>,
        %get3A_873 = arith.index_cast %scan3A_704 : i32 to index
        %get3A_874 = arith.constant 112 : index
        %get3A_875 = tpu.vector_load %arg13[%get3A_873, %get3A_874] {strides = array<i32>} : memref<64x128xf32, #tpu.memory_space<vmem>>, vector<1x16xf32>,
        %get3A_876 = vector.shape_cast %get3A_875 : vector<1x16xf32> to vector<16xf32>
        %add3A_877 = arith.constant 32 : i32
        %add3A_878 = arith.addi %add3A_877, %scan3A_704 : i32
        %get3A_879 = arith.index_cast %add3A_878 : i32 to index
        %get3A_880 = arith.constant 112 : index
        %get3A_881 = tpu.vector_load %arg13[%get3A_879, %get3A_880] {strides = array<i32>} : memref<64x128xf32, #tpu.memory_space<vmem>>, vector<1x16xf32>,
        %get3A_882 = vector.shape_cast %get3A_881 : vector<1x16xf32> to vector<16xf32>
        %add3A_883 = arith.addf %get3A_876, %get3A_882 : vector<16xf32>
        %get3A_884 = arith.index_cast %scan3A_704 : i32 to index
        %get3A_885 = arith.constant 112 : index
        %get3A_886 = tpu.vector_load %arg14[%get3A_884, %get3A_885] {strides = array<i32>} : memref<32x128xf32, #tpu.memory_space<vmem>>, vector<1x16xf32>,
        %get3A_887 = vector.shape_cast %get3A_886 : vector<1x16xf32> to vector<16xf32>
        %add3A_888 = arith.addf %add3A_883, %get3A_887 : vector<16xf32>
        %max3A_889 = arith.constant 0.000000e+00 : f32
        %max3A_890 = vector.broadcast %max3A_889 : f32 to vector<16xf32>
        %max3A_891 = arith.maximumf %add3A_888, %max3A_890 : vector<16xf32>
        %swap3A_892 = arith.index_cast %scan3A_704 : i32 to index
        %swap3A_893 = arith.constant 112 : index
        %swap3A_894 = tpu.vector_load %arg14[%swap3A_892, %swap3A_893] {strides = array<i32>} : memref<32x128xf32, #tpu.memory_space<vmem>>, vector<1x16xf32>,
        %swap3A_895 = vector.shape_cast %swap3A_894 : vector<1x16xf32> to vector<16xf32>
        %swap3A_896 = vector.shape_cast %max3A_891 : vector<16xf32> to vector<1x16xf32>
        tpu.vector_store %arg14[%swap3A_892, %swap3A_893], %swap3A_896 {strides = array<i32>} : memref<32x128xf32, #tpu.memory_space<vmem>>, vector<1x16xf32>,
      }
      %scan3A_160 = arith.constant 32 : i32
      %dma_start3A_161 = arith.constant 1 : i32
      %dma_start3A_162 = arith.constant 0 : i32
      %dma_start3A_163 = tpu.memref_slice %arg9[%dma_start3A_161, %dma_start3A_162] : memref<4x32xi32, #tpu.memory_space<vmem>> -> memref<1x32xi32, #tpu.memory_space<vmem>>
      %dma_start3A_164 = tpu.memref_squeeze %dma_start3A_163 : memref<1x32xi32, #tpu.memory_space<vmem>> -> memref<32xi32, #tpu.memory_space<vmem>>
      %dma_start3A_165 = arith.constant 0 : i32
      %dma_start3A_166 = arith.constant 0 : i32
      %dma_start3A_167 = tpu.memref_slice %arg15[%dma_start3A_165, %dma_start3A_166] : memref<10240x128xf32, #tpu.memory_space<vmem_shared>> -> memref<10240x128xf32, #tpu.memory_space<vmem_shared>>
      tpu.enqueue_indirect_dma source(%arg14 : memref<32x128xf32, #tpu.memory_space<vmem>>) target(%dma_start3A_167 : memref<10240x128xf32, #tpu.memory_space<vmem_shared>>) offsets(%dma_start3A_164 : memref<32xi32, #tpu.memory_space<vmem>>) semaphore(%arg20 : memref<!tpu.dma_semaphore, #tpu.memory_space<semaphore_mem>>) {add = true}
      %mul3A_168 = arith.constant 8 : i32
      %mul3A_169 = arith.muli %mul3A_168, %scan3A_44 : i32
      %add3A_170 = arith.constant 2 : i32
      %add3A_171 = arith.addi %mul3A_169, %add3A_170 : i32
      %dma_start3A_172 = arith.constant 3 : i32
      %dma_start3A_173 = arith.constant 0 : i32
      %dma_start3A_174 = tpu.memref_slice %arg7[%dma_start3A_172, %dma_start3A_173] : memref<4x64xi32, #tpu.memory_space<vmem>> -> memref<1x64xi32, #tpu.memory_space<vmem>>
      %dma_start3A_175 = tpu.memref_squeeze %dma_start3A_174 : memref<1x64xi32, #tpu.memory_space<vmem>> -> memref<64xi32, #tpu.memory_space<vmem>>
      %dma_start3A_176 = arith.constant 0 : i32
      %dma_start3A_177 = arith.constant 0 : i32
      %dma_start3A_178 = tpu.memref_slice %arg2[%dma_start3A_176, %dma_start3A_177] : memref<20480x128xf32, #tpu.memory_space<hbm>> -> memref<20480x128xf32, #tpu.memory_space<hbm>>
      tpu.enqueue_indirect_dma source(%dma_start3A_178 : memref<20480x128xf32, #tpu.memory_space<hbm>>) target(%arg13 : memref<64x128xf32, #tpu.memory_space<vmem>>) offsets(%dma_start3A_175 : memref<64xi32, #tpu.memory_space<vmem>>) semaphore(%arg17 : memref<!tpu.dma_semaphore, #tpu.memory_space<semaphore_mem>>)
      %dma_wait3A_179 = arith.constant 2 : i32
      %dma_wait3A_180 = arith.constant 0 : i32
      %dma_wait3A_181 = tpu.memref_slice %arg7[%dma_wait3A_179, %dma_wait3A_180] : memref<4x64xi32, #tpu.memory_space<vmem>> -> memref<1x64xi32, #tpu.memory_space<vmem>>
      %dma_wait3A_182 = tpu.memref_squeeze %dma_wait3A_181 : memref<1x64xi32, #tpu.memory_space<vmem>> -> memref<64xi32, #tpu.memory_space<vmem>>
      %dma_wait3A_183 = arith.constant 0 : i32
      %dma_wait3A_184 = arith.constant 0 : i32
      %dma_wait3A_185 = tpu.memref_slice %arg2[%dma_wait3A_183, %dma_wait3A_184] : memref<20480x128xf32, #tpu.memory_space<hbm>> -> memref<20480x128xf32, #tpu.memory_space<hbm>>
      tpu.wait_indirect_dma semaphore(%arg16 : memref<!tpu.dma_semaphore, #tpu.memory_space<semaphore_mem>>) src(%dma_wait3A_185 : memref<20480x128xf32, #tpu.memory_space<hbm>>) dst(%arg11 : memref<64x128xf32, #tpu.memory_space<vmem>>)
      %mul3A_186 = arith.constant 32 : i32
      %mul3A_187 = arith.muli %add3A_171, %mul3A_186 : i32
      %add3A_188 = arith.addi %mul3A_2, %mul3A_187 : i32
      %dma_wait3A_189 = arith.constant 0 : i32
      %dma_wait3A_190 = tpu.memref_slice %arg3[%add3A_188, %dma_wait3A_189] : memref<163840x128xf32, #tpu.memory_space<hbm>> -> memref<32x128xf32, #tpu.memory_space<hbm>>
      %dma_wait3A_191 = arith.constant 0 : i32
      %dma_wait3A_192 = tpu.memref_slice %arg3[%add3A_188, %dma_wait3A_191] : memref<163840x128xf32, #tpu.memory_space<hbm>> -> memref<32x128xf32, #tpu.memory_space<hbm>>
      tpu.wait_dma2 semaphore(%arg16 : memref<!tpu.dma_semaphore, #tpu.memory_space<semaphore_mem>>) src(%dma_wait3A_192 : memref<32x128xf32, #tpu.memory_space<hbm>>) dst(%arg12 : memref<32x128xf32, #tpu.memory_space<vmem>>)
      %dma_wait3A_193 = arith.constant 1 : i32
      %dma_wait3A_194 = arith.constant 0 : i32
      %dma_wait3A_195 = tpu.memref_slice %arg9[%dma_wait3A_193, %dma_wait3A_194] : memref<4x32xi32, #tpu.memory_space<vmem>> -> memref<1x32xi32, #tpu.memory_space<vmem>>
      %dma_wait3A_196 = tpu.memref_squeeze %dma_wait3A_195 : memref<1x32xi32, #tpu.memory_space<vmem>> -> memref<32xi32, #tpu.memory_space<vmem>>
      %dma_wait3A_197 = arith.constant 0 : i32
      %dma_wait3A_198 = arith.constant 0 : i32
      %dma_wait3A_199 = tpu.memref_slice %arg15[%dma_wait3A_197, %dma_wait3A_198] : memref<10240x128xf32, #tpu.memory_space<vmem_shared>> -> memref<10240x128xf32, #tpu.memory_space<vmem_shared>>
      tpu.wait_indirect_dma semaphore(%arg20 : memref<!tpu.dma_semaphore, #tpu.memory_space<semaphore_mem>>) src(%arg14 : memref<32x128xf32, #tpu.memory_space<vmem>>) dst(%dma_wait3A_199 : memref<10240x128xf32, #tpu.memory_space<vmem_shared>>)
      %add3A_200 = arith.constant 1 : i32
      %add3A_201 = arith.addi %add3A_171, %add3A_200 : i32
      %mul3A_202 = arith.constant 32 : i32
      %mul3A_203 = arith.muli %add3A_201, %mul3A_202 : i32
      %add3A_204 = arith.addi %mul3A_2, %mul3A_203 : i32
      %dma_start3A_205 = arith.constant 0 : i32
      %dma_start3A_206 = tpu.memref_slice %arg3[%add3A_204, %dma_start3A_205] : memref<163840x128xf32, #tpu.memory_space<hbm>> -> memref<32x128xf32, #tpu.memory_space<hbm>>
      %dma_start3A_207 = arith.constant 0 : i32
      %dma_start3A_208 = tpu.memref_slice %arg3[%add3A_204, %dma_start3A_207] : memref<163840x128xf32, #tpu.memory_space<hbm>> -> memref<32x128xf32, #tpu.memory_space<hbm>>
      tpu.enqueue_dma source(%dma_start3A_208 : memref<32x128xf32, #tpu.memory_space<hbm>>) target(%arg14 : memref<32x128xf32, #tpu.memory_space<vmem>>) target_semaphore(%arg17 : memref<!tpu.dma_semaphore, #tpu.memory_space<semaphore_mem>>)
      %scan3A_209 = arith.constant 0 : i32
      %scan3A_210 = arith.constant 0 : i32
      %scan3A_211 = arith.constant 32 : i32
      %scan3A_212 = arith.addi %scan3A_210, %scan3A_211 : i32
      %scan3A_213 = arith.constant 2 : i32
      scf.for %scan3A_513 = %scan3A_210 to %scan3A_212 step %scan3A_213  : i32 {
        %get3A = arith.index_cast %scan3A_513 : i32 to index
        %get3A_514 = arith.constant 0 : index
        %get3A_515 = tpu.vector_load %arg11[%get3A, %get3A_514] {strides = array<i32>} : memref<64x128xf32, #tpu.memory_space<vmem>>, vector<1x16xf32>,
        %get3A_516 = vector.shape_cast %get3A_515 : vector<1x16xf32> to vector<16xf32>
        %add3A_517 = arith.constant 32 : i32
        %add3A_518 = arith.addi %add3A_517, %scan3A_513 : i32
        %get3A_519 = arith.index_cast %add3A_518 : i32 to index
        %get3A_520 = arith.constant 0 : index
        %get3A_521 = tpu.vector_load %arg11[%get3A_519, %get3A_520] {strides = array<i32>} : memref<64x128xf32, #tpu.memory_space<vmem>>, vector<1x16xf32>,
        %get3A_522 = vector.shape_cast %get3A_521 : vector<1x16xf32> to vector<16xf32>
        %add3A_523 = arith.addf %get3A_516, %get3A_522 : vector<16xf32>
        %get3A_524 = arith.index_cast %scan3A_513 : i32 to index
        %get3A_525 = arith.constant 0 : index
        %get3A_526 = tpu.vector_load %arg12[%get3A_524, %get3A_525] {strides = array<i32>} : memref<32x128xf32, #tpu.memory_space<vmem>>, vector<1x16xf32>,
        %get3A_527 = vector.shape_cast %get3A_526 : vector<1x16xf32> to vector<16xf32>
        %add3A_528 = arith.addf %add3A_523, %get3A_527 : vector<16xf32>
        %max3A = arith.constant 0.000000e+00 : f32
        %max3A_529 = vector.broadcast %max3A : f32 to vector<16xf32>
        %max3A_530 = arith.maximumf %add3A_528, %max3A_529 : vector<16xf32>
        %swap3A = arith.index_cast %scan3A_513 : i32 to index
        %swap3A_531 = arith.constant 0 : index
        %swap3A_532 = tpu.vector_load %arg12[%swap3A, %swap3A_531] {strides = array<i32>} : memref<32x128xf32, #tpu.memory_space<vmem>>, vector<1x16xf32>,
        %swap3A_533 = vector.shape_cast %swap3A_532 : vector<1x16xf32> to vector<16xf32>
        %swap3A_534 = vector.shape_cast %max3A_530 : vector<16xf32> to vector<1x16xf32>
        tpu.vector_store %arg12[%swap3A, %swap3A_531], %swap3A_534 {strides = array<i32>} : memref<32x128xf32, #tpu.memory_space<vmem>>, vector<1x16xf32>,
        %get3A_535 = arith.index_cast %scan3A_513 : i32 to index
        %get3A_536 = arith.constant 16 : index
        %get3A_537 = tpu.vector_load %arg11[%get3A_535, %get3A_536] {strides = array<i32>} : memref<64x128xf32, #tpu.memory_space<vmem>>, vector<1x16xf32>,
        %get3A_538 = vector.shape_cast %get3A_537 : vector<1x16xf32> to vector<16xf32>
        %add3A_539 = arith.constant 32 : i32
        %add3A_540 = arith.addi %add3A_539, %scan3A_513 : i32
        %get3A_541 = arith.index_cast %add3A_540 : i32 to index
        %get3A_542 = arith.constant 16 : index
        %get3A_543 = tpu.vector_load %arg11[%get3A_541, %get3A_542] {strides = array<i32>} : memref<64x128xf32, #tpu.memory_space<vmem>>, vector<1x16xf32>,
        %get3A_544 = vector.shape_cast %get3A_543 : vector<1x16xf32> to vector<16xf32>
        %add3A_545 = arith.addf %get3A_538, %get3A_544 : vector<16xf32>
        %get3A_546 = arith.index_cast %scan3A_513 : i32 to index
        %get3A_547 = arith.constant 16 : index
        %get3A_548 = tpu.vector_load %arg12[%get3A_546, %get3A_547] {strides = array<i32>} : memref<32x128xf32, #tpu.memory_space<vmem>>, vector<1x16xf32>,
        %get3A_549 = vector.shape_cast %get3A_548 : vector<1x16xf32> to vector<16xf32>
        %add3A_550 = arith.addf %add3A_545, %get3A_549 : vector<16xf32>
        %max3A_551 = arith.constant 0.000000e+00 : f32
        %max3A_552 = vector.broadcast %max3A_551 : f32 to vector<16xf32>
        %max3A_553 = arith.maximumf %add3A_550, %max3A_552 : vector<16xf32>
        %swap3A_554 = arith.index_cast %scan3A_513 : i32 to index
        %swap3A_555 = arith.constant 16 : index
        %swap3A_556 = tpu.vector_load %arg12[%swap3A_554, %swap3A_555] {strides = array<i32>} : memref<32x128xf32, #tpu.memory_space<vmem>>, vector<1x16xf32>,
        %swap3A_557 = vector.shape_cast %swap3A_556 : vector<1x16xf32> to vector<16xf32>
        %swap3A_558 = vector.shape_cast %max3A_553 : vector<16xf32> to vector<1x16xf32>
        tpu.vector_store %arg12[%swap3A_554, %swap3A_555], %swap3A_558 {strides = array<i32>} : memref<32x128xf32, #tpu.memory_space<vmem>>, vector<1x16xf32>,
        %get3A_559 = arith.index_cast %scan3A_513 : i32 to index
        %get3A_560 = arith.constant 32 : index
        %get3A_561 = tpu.vector_load %arg11[%get3A_559, %get3A_560] {strides = array<i32>} : memref<64x128xf32, #tpu.memory_space<vmem>>, vector<1x16xf32>,
        %get3A_562 = vector.shape_cast %get3A_561 : vector<1x16xf32> to vector<16xf32>
        %add3A_563 = arith.constant 32 : i32
        %add3A_564 = arith.addi %add3A_563, %scan3A_513 : i32
        %get3A_565 = arith.index_cast %add3A_564 : i32 to index
        %get3A_566 = arith.constant 32 : index
        %get3A_567 = tpu.vector_load %arg11[%get3A_565, %get3A_566] {strides = array<i32>} : memref<64x128xf32, #tpu.memory_space<vmem>>, vector<1x16xf32>,
        %get3A_568 = vector.shape_cast %get3A_567 : vector<1x16xf32> to vector<16xf32>
        %add3A_569 = arith.addf %get3A_562, %get3A_568 : vector<16xf32>
        %get3A_570 = arith.index_cast %scan3A_513 : i32 to index
        %get3A_571 = arith.constant 32 : index
        %get3A_572 = tpu.vector_load %arg12[%get3A_570, %get3A_571] {strides = array<i32>} : memref<32x128xf32, #tpu.memory_space<vmem>>, vector<1x16xf32>,
        %get3A_573 = vector.shape_cast %get3A_572 : vector<1x16xf32> to vector<16xf32>
        %add3A_574 = arith.addf %add3A_569, %get3A_573 : vector<16xf32>
        %max3A_575 = arith.constant 0.000000e+00 : f32
        %max3A_576 = vector.broadcast %max3A_575 : f32 to vector<16xf32>
        %max3A_577 = arith.maximumf %add3A_574, %max3A_576 : vector<16xf32>
        %swap3A_578 = arith.index_cast %scan3A_513 : i32 to index
        %swap3A_579 = arith.constant 32 : index
        %swap3A_580 = tpu.vector_load %arg12[%swap3A_578, %swap3A_579] {strides = array<i32>} : memref<32x128xf32, #tpu.memory_space<vmem>>, vector<1x16xf32>,
        %swap3A_581 = vector.shape_cast %swap3A_580 : vector<1x16xf32> to vector<16xf32>
        %swap3A_582 = vector.shape_cast %max3A_577 : vector<16xf32> to vector<1x16xf32>
        tpu.vector_store %arg12[%swap3A_578, %swap3A_579], %swap3A_582 {strides = array<i32>} : memref<32x128xf32, #tpu.memory_space<vmem>>, vector<1x16xf32>,
        %get3A_583 = arith.index_cast %scan3A_513 : i32 to index
        %get3A_584 = arith.constant 48 : index
        %get3A_585 = tpu.vector_load %arg11[%get3A_583, %get3A_584] {strides = array<i32>} : memref<64x128xf32, #tpu.memory_space<vmem>>, vector<1x16xf32>,
        %get3A_586 = vector.shape_cast %get3A_585 : vector<1x16xf32> to vector<16xf32>
        %add3A_587 = arith.constant 32 : i32
        %add3A_588 = arith.addi %add3A_587, %scan3A_513 : i32
        %get3A_589 = arith.index_cast %add3A_588 : i32 to index
        %get3A_590 = arith.constant 48 : index
        %get3A_591 = tpu.vector_load %arg11[%get3A_589, %get3A_590] {strides = array<i32>} : memref<64x128xf32, #tpu.memory_space<vmem>>, vector<1x16xf32>,
        %get3A_592 = vector.shape_cast %get3A_591 : vector<1x16xf32> to vector<16xf32>
        %add3A_593 = arith.addf %get3A_586, %get3A_592 : vector<16xf32>
        %get3A_594 = arith.index_cast %scan3A_513 : i32 to index
        %get3A_595 = arith.constant 48 : index
        %get3A_596 = tpu.vector_load %arg12[%get3A_594, %get3A_595] {strides = array<i32>} : memref<32x128xf32, #tpu.memory_space<vmem>>, vector<1x16xf32>,
        %get3A_597 = vector.shape_cast %get3A_596 : vector<1x16xf32> to vector<16xf32>
        %add3A_598 = arith.addf %add3A_593, %get3A_597 : vector<16xf32>
        %max3A_599 = arith.constant 0.000000e+00 : f32
        %max3A_600 = vector.broadcast %max3A_599 : f32 to vector<16xf32>
        %max3A_601 = arith.maximumf %add3A_598, %max3A_600 : vector<16xf32>
        %swap3A_602 = arith.index_cast %scan3A_513 : i32 to index
        %swap3A_603 = arith.constant 48 : index
        %swap3A_604 = tpu.vector_load %arg12[%swap3A_602, %swap3A_603] {strides = array<i32>} : memref<32x128xf32, #tpu.memory_space<vmem>>, vector<1x16xf32>,
        %swap3A_605 = vector.shape_cast %swap3A_604 : vector<1x16xf32> to vector<16xf32>
        %swap3A_606 = vector.shape_cast %max3A_601 : vector<16xf32> to vector<1x16xf32>
        tpu.vector_store %arg12[%swap3A_602, %swap3A_603], %swap3A_606 {strides = array<i32>} : memref<32x128xf32, #tpu.memory_space<vmem>>, vector<1x16xf32>,
        %get3A_607 = arith.index_cast %scan3A_513 : i32 to index
        %get3A_608 = arith.constant 64 : index
        %get3A_609 = tpu.vector_load %arg11[%get3A_607, %get3A_608] {strides = array<i32>} : memref<64x128xf32, #tpu.memory_space<vmem>>, vector<1x16xf32>,
        %get3A_610 = vector.shape_cast %get3A_609 : vector<1x16xf32> to vector<16xf32>
        %add3A_611 = arith.constant 32 : i32
        %add3A_612 = arith.addi %add3A_611, %scan3A_513 : i32
        %get3A_613 = arith.index_cast %add3A_612 : i32 to index
        %get3A_614 = arith.constant 64 : index
        %get3A_615 = tpu.vector_load %arg11[%get3A_613, %get3A_614] {strides = array<i32>} : memref<64x128xf32, #tpu.memory_space<vmem>>, vector<1x16xf32>,
        %get3A_616 = vector.shape_cast %get3A_615 : vector<1x16xf32> to vector<16xf32>
        %add3A_617 = arith.addf %get3A_610, %get3A_616 : vector<16xf32>
        %get3A_618 = arith.index_cast %scan3A_513 : i32 to index
        %get3A_619 = arith.constant 64 : index
        %get3A_620 = tpu.vector_load %arg12[%get3A_618, %get3A_619] {strides = array<i32>} : memref<32x128xf32, #tpu.memory_space<vmem>>, vector<1x16xf32>,
        %get3A_621 = vector.shape_cast %get3A_620 : vector<1x16xf32> to vector<16xf32>
        %add3A_622 = arith.addf %add3A_617, %get3A_621 : vector<16xf32>
        %max3A_623 = arith.constant 0.000000e+00 : f32
        %max3A_624 = vector.broadcast %max3A_623 : f32 to vector<16xf32>
        %max3A_625 = arith.maximumf %add3A_622, %max3A_624 : vector<16xf32>
        %swap3A_626 = arith.index_cast %scan3A_513 : i32 to index
        %swap3A_627 = arith.constant 64 : index
        %swap3A_628 = tpu.vector_load %arg12[%swap3A_626, %swap3A_627] {strides = array<i32>} : memref<32x128xf32, #tpu.memory_space<vmem>>, vector<1x16xf32>,
        %swap3A_629 = vector.shape_cast %swap3A_628 : vector<1x16xf32> to vector<16xf32>
        %swap3A_630 = vector.shape_cast %max3A_625 : vector<16xf32> to vector<1x16xf32>
        tpu.vector_store %arg12[%swap3A_626, %swap3A_627], %swap3A_630 {strides = array<i32>} : memref<32x128xf32, #tpu.memory_space<vmem>>, vector<1x16xf32>,
        %get3A_631 = arith.index_cast %scan3A_513 : i32 to index
        %get3A_632 = arith.constant 80 : index
        %get3A_633 = tpu.vector_load %arg11[%get3A_631, %get3A_632] {strides = array<i32>} : memref<64x128xf32, #tpu.memory_space<vmem>>, vector<1x16xf32>,
        %get3A_634 = vector.shape_cast %get3A_633 : vector<1x16xf32> to vector<16xf32>
        %add3A_635 = arith.constant 32 : i32
        %add3A_636 = arith.addi %add3A_635, %scan3A_513 : i32
        %get3A_637 = arith.index_cast %add3A_636 : i32 to index
        %get3A_638 = arith.constant 80 : index
        %get3A_639 = tpu.vector_load %arg11[%get3A_637, %get3A_638] {strides = array<i32>} : memref<64x128xf32, #tpu.memory_space<vmem>>, vector<1x16xf32>,
        %get3A_640 = vector.shape_cast %get3A_639 : vector<1x16xf32> to vector<16xf32>
        %add3A_641 = arith.addf %get3A_634, %get3A_640 : vector<16xf32>
        %get3A_642 = arith.index_cast %scan3A_513 : i32 to index
        %get3A_643 = arith.constant 80 : index
        %get3A_644 = tpu.vector_load %arg12[%get3A_642, %get3A_643] {strides = array<i32>} : memref<32x128xf32, #tpu.memory_space<vmem>>, vector<1x16xf32>,
        %get3A_645 = vector.shape_cast %get3A_644 : vector<1x16xf32> to vector<16xf32>
        %add3A_646 = arith.addf %add3A_641, %get3A_645 : vector<16xf32>
        %max3A_647 = arith.constant 0.000000e+00 : f32
        %max3A_648 = vector.broadcast %max3A_647 : f32 to vector<16xf32>
        %max3A_649 = arith.maximumf %add3A_646, %max3A_648 : vector<16xf32>
        %swap3A_650 = arith.index_cast %scan3A_513 : i32 to index
        %swap3A_651 = arith.constant 80 : index
        %swap3A_652 = tpu.vector_load %arg12[%swap3A_650, %swap3A_651] {strides = array<i32>} : memref<32x128xf32, #tpu.memory_space<vmem>>, vector<1x16xf32>,
        %swap3A_653 = vector.shape_cast %swap3A_652 : vector<1x16xf32> to vector<16xf32>
        %swap3A_654 = vector.shape_cast %max3A_649 : vector<16xf32> to vector<1x16xf32>
        tpu.vector_store %arg12[%swap3A_650, %swap3A_651], %swap3A_654 {strides = array<i32>} : memref<32x128xf32, #tpu.memory_space<vmem>>, vector<1x16xf32>,
        %get3A_655 = arith.index_cast %scan3A_513 : i32 to index
        %get3A_656 = arith.constant 96 : index
        %get3A_657 = tpu.vector_load %arg11[%get3A_655, %get3A_656] {strides = array<i32>} : memref<64x128xf32, #tpu.memory_space<vmem>>, vector<1x16xf32>,
        %get3A_658 = vector.shape_cast %get3A_657 : vector<1x16xf32> to vector<16xf32>
        %add3A_659 = arith.constant 32 : i32
        %add3A_660 = arith.addi %add3A_659, %scan3A_513 : i32
        %get3A_661 = arith.index_cast %add3A_660 : i32 to index
        %get3A_662 = arith.constant 96 : index
        %get3A_663 = tpu.vector_load %arg11[%get3A_661, %get3A_662] {strides = array<i32>} : memref<64x128xf32, #tpu.memory_space<vmem>>, vector<1x16xf32>,
        %get3A_664 = vector.shape_cast %get3A_663 : vector<1x16xf32> to vector<16xf32>
        %add3A_665 = arith.addf %get3A_658, %get3A_664 : vector<16xf32>
        %get3A_666 = arith.index_cast %scan3A_513 : i32 to index
        %get3A_667 = arith.constant 96 : index
        %get3A_668 = tpu.vector_load %arg12[%get3A_666, %get3A_667] {strides = array<i32>} : memref<32x128xf32, #tpu.memory_space<vmem>>, vector<1x16xf32>,
        %get3A_669 = vector.shape_cast %get3A_668 : vector<1x16xf32> to vector<16xf32>
        %add3A_670 = arith.addf %add3A_665, %get3A_669 : vector<16xf32>
        %max3A_671 = arith.constant 0.000000e+00 : f32
        %max3A_672 = vector.broadcast %max3A_671 : f32 to vector<16xf32>
        %max3A_673 = arith.maximumf %add3A_670, %max3A_672 : vector<16xf32>
        %swap3A_674 = arith.index_cast %scan3A_513 : i32 to index
        %swap3A_675 = arith.constant 96 : index
        %swap3A_676 = tpu.vector_load %arg12[%swap3A_674, %swap3A_675] {strides = array<i32>} : memref<32x128xf32, #tpu.memory_space<vmem>>, vector<1x16xf32>,
        %swap3A_677 = vector.shape_cast %swap3A_676 : vector<1x16xf32> to vector<16xf32>
        %swap3A_678 = vector.shape_cast %max3A_673 : vector<16xf32> to vector<1x16xf32>
        tpu.vector_store %arg12[%swap3A_674, %swap3A_675], %swap3A_678 {strides = array<i32>} : memref<32x128xf32, #tpu.memory_space<vmem>>, vector<1x16xf32>,
        %get3A_679 = arith.index_cast %scan3A_513 : i32 to index
        %get3A_680 = arith.constant 112 : index
        %get3A_681 = tpu.vector_load %arg11[%get3A_679, %get3A_680] {strides = array<i32>} : memref<64x128xf32, #tpu.memory_space<vmem>>, vector<1x16xf32>,
        %get3A_682 = vector.shape_cast %get3A_681 : vector<1x16xf32> to vector<16xf32>
        %add3A_683 = arith.constant 32 : i32
        %add3A_684 = arith.addi %add3A_683, %scan3A_513 : i32
        %get3A_685 = arith.index_cast %add3A_684 : i32 to index
        %get3A_686 = arith.constant 112 : index
        %get3A_687 = tpu.vector_load %arg11[%get3A_685, %get3A_686] {strides = array<i32>} : memref<64x128xf32, #tpu.memory_space<vmem>>, vector<1x16xf32>,
        %get3A_688 = vector.shape_cast %get3A_687 : vector<1x16xf32> to vector<16xf32>
        %add3A_689 = arith.addf %get3A_682, %get3A_688 : vector<16xf32>
        %get3A_690 = arith.index_cast %scan3A_513 : i32 to index
        %get3A_691 = arith.constant 112 : index
        %get3A_692 = tpu.vector_load %arg12[%get3A_690, %get3A_691] {strides = array<i32>} : memref<32x128xf32, #tpu.memory_space<vmem>>, vector<1x16xf32>,
        %get3A_693 = vector.shape_cast %get3A_692 : vector<1x16xf32> to vector<16xf32>
        %add3A_694 = arith.addf %add3A_689, %get3A_693 : vector<16xf32>
        %max3A_695 = arith.constant 0.000000e+00 : f32
        %max3A_696 = vector.broadcast %max3A_695 : f32 to vector<16xf32>
        %max3A_697 = arith.maximumf %add3A_694, %max3A_696 : vector<16xf32>
        %swap3A_698 = arith.index_cast %scan3A_513 : i32 to index
        %swap3A_699 = arith.constant 112 : index
        %swap3A_700 = tpu.vector_load %arg12[%swap3A_698, %swap3A_699] {strides = array<i32>} : memref<32x128xf32, #tpu.memory_space<vmem>>, vector<1x16xf32>,
        %swap3A_701 = vector.shape_cast %swap3A_700 : vector<1x16xf32> to vector<16xf32>
        %swap3A_702 = vector.shape_cast %max3A_697 : vector<16xf32> to vector<1x16xf32>
        tpu.vector_store %arg12[%swap3A_698, %swap3A_699], %swap3A_702 {strides = array<i32>} : memref<32x128xf32, #tpu.memory_space<vmem>>, vector<1x16xf32>,
        %scan3A_703 = arith.constant 1 : i32
        %scan3A_704 = arith.addi %scan3A_513, %scan3A_703 : i32
        %get3A_705 = arith.index_cast %scan3A_704 : i32 to index
        %get3A_706 = arith.constant 0 : index
        %get3A_707 = tpu.vector_load %arg11[%get3A_705, %get3A_706] {strides = array<i32>} : memref<64x128xf32, #tpu.memory_space<vmem>>, vector<1x16xf32>,
        %get3A_708 = vector.shape_cast %get3A_707 : vector<1x16xf32> to vector<16xf32>
        %add3A_709 = arith.constant 32 : i32
        %add3A_710 = arith.addi %add3A_709, %scan3A_704 : i32
        %get3A_711 = arith.index_cast %add3A_710 : i32 to index
        %get3A_712 = arith.constant 0 : index
        %get3A_713 = tpu.vector_load %arg11[%get3A_711, %get3A_712] {strides = array<i32>} : memref<64x128xf32, #tpu.memory_space<vmem>>, vector<1x16xf32>,
        %get3A_714 = vector.shape_cast %get3A_713 : vector<1x16xf32> to vector<16xf32>
        %add3A_715 = arith.addf %get3A_708, %get3A_714 : vector<16xf32>
        %get3A_716 = arith.index_cast %scan3A_704 : i32 to index
        %get3A_717 = arith.constant 0 : index
        %get3A_718 = tpu.vector_load %arg12[%get3A_716, %get3A_717] {strides = array<i32>} : memref<32x128xf32, #tpu.memory_space<vmem>>, vector<1x16xf32>,
        %get3A_719 = vector.shape_cast %get3A_718 : vector<1x16xf32> to vector<16xf32>
        %add3A_720 = arith.addf %add3A_715, %get3A_719 : vector<16xf32>
        %max3A_721 = arith.constant 0.000000e+00 : f32
        %max3A_722 = vector.broadcast %max3A_721 : f32 to vector<16xf32>
        %max3A_723 = arith.maximumf %add3A_720, %max3A_722 : vector<16xf32>
        %swap3A_724 = arith.index_cast %scan3A_704 : i32 to index
        %swap3A_725 = arith.constant 0 : index
        %swap3A_726 = tpu.vector_load %arg12[%swap3A_724, %swap3A_725] {strides = array<i32>} : memref<32x128xf32, #tpu.memory_space<vmem>>, vector<1x16xf32>,
        %swap3A_727 = vector.shape_cast %swap3A_726 : vector<1x16xf32> to vector<16xf32>
        %swap3A_728 = vector.shape_cast %max3A_723 : vector<16xf32> to vector<1x16xf32>
        tpu.vector_store %arg12[%swap3A_724, %swap3A_725], %swap3A_728 {strides = array<i32>} : memref<32x128xf32, #tpu.memory_space<vmem>>, vector<1x16xf32>,
        %get3A_729 = arith.index_cast %scan3A_704 : i32 to index
        %get3A_730 = arith.constant 16 : index
        %get3A_731 = tpu.vector_load %arg11[%get3A_729, %get3A_730] {strides = array<i32>} : memref<64x128xf32, #tpu.memory_space<vmem>>, vector<1x16xf32>,
        %get3A_732 = vector.shape_cast %get3A_731 : vector<1x16xf32> to vector<16xf32>
        %add3A_733 = arith.constant 32 : i32
        %add3A_734 = arith.addi %add3A_733, %scan3A_704 : i32
        %get3A_735 = arith.index_cast %add3A_734 : i32 to index
        %get3A_736 = arith.constant 16 : index
        %get3A_737 = tpu.vector_load %arg11[%get3A_735, %get3A_736] {strides = array<i32>} : memref<64x128xf32, #tpu.memory_space<vmem>>, vector<1x16xf32>,
        %get3A_738 = vector.shape_cast %get3A_737 : vector<1x16xf32> to vector<16xf32>
        %add3A_739 = arith.addf %get3A_732, %get3A_738 : vector<16xf32>
        %get3A_740 = arith.index_cast %scan3A_704 : i32 to index
        %get3A_741 = arith.constant 16 : index
        %get3A_742 = tpu.vector_load %arg12[%get3A_740, %get3A_741] {strides = array<i32>} : memref<32x128xf32, #tpu.memory_space<vmem>>, vector<1x16xf32>,
        %get3A_743 = vector.shape_cast %get3A_742 : vector<1x16xf32> to vector<16xf32>
        %add3A_744 = arith.addf %add3A_739, %get3A_743 : vector<16xf32>
        %max3A_745 = arith.constant 0.000000e+00 : f32
        %max3A_746 = vector.broadcast %max3A_745 : f32 to vector<16xf32>
        %max3A_747 = arith.maximumf %add3A_744, %max3A_746 : vector<16xf32>
        %swap3A_748 = arith.index_cast %scan3A_704 : i32 to index
        %swap3A_749 = arith.constant 16 : index
        %swap3A_750 = tpu.vector_load %arg12[%swap3A_748, %swap3A_749] {strides = array<i32>} : memref<32x128xf32, #tpu.memory_space<vmem>>, vector<1x16xf32>,
        %swap3A_751 = vector.shape_cast %swap3A_750 : vector<1x16xf32> to vector<16xf32>
        %swap3A_752 = vector.shape_cast %max3A_747 : vector<16xf32> to vector<1x16xf32>
        tpu.vector_store %arg12[%swap3A_748, %swap3A_749], %swap3A_752 {strides = array<i32>} : memref<32x128xf32, #tpu.memory_space<vmem>>, vector<1x16xf32>,
        %get3A_753 = arith.index_cast %scan3A_704 : i32 to index
        %get3A_754 = arith.constant 32 : index
        %get3A_755 = tpu.vector_load %arg11[%get3A_753, %get3A_754] {strides = array<i32>} : memref<64x128xf32, #tpu.memory_space<vmem>>, vector<1x16xf32>,
        %get3A_756 = vector.shape_cast %get3A_755 : vector<1x16xf32> to vector<16xf32>
        %add3A_757 = arith.constant 32 : i32
        %add3A_758 = arith.addi %add3A_757, %scan3A_704 : i32
        %get3A_759 = arith.index_cast %add3A_758 : i32 to index
        %get3A_760 = arith.constant 32 : index
        %get3A_761 = tpu.vector_load %arg11[%get3A_759, %get3A_760] {strides = array<i32>} : memref<64x128xf32, #tpu.memory_space<vmem>>, vector<1x16xf32>,
        %get3A_762 = vector.shape_cast %get3A_761 : vector<1x16xf32> to vector<16xf32>
        %add3A_763 = arith.addf %get3A_756, %get3A_762 : vector<16xf32>
        %get3A_764 = arith.index_cast %scan3A_704 : i32 to index
        %get3A_765 = arith.constant 32 : index
        %get3A_766 = tpu.vector_load %arg12[%get3A_764, %get3A_765] {strides = array<i32>} : memref<32x128xf32, #tpu.memory_space<vmem>>, vector<1x16xf32>,
        %get3A_767 = vector.shape_cast %get3A_766 : vector<1x16xf32> to vector<16xf32>
        %add3A_768 = arith.addf %add3A_763, %get3A_767 : vector<16xf32>
        %max3A_769 = arith.constant 0.000000e+00 : f32
        %max3A_770 = vector.broadcast %max3A_769 : f32 to vector<16xf32>
        %max3A_771 = arith.maximumf %add3A_768, %max3A_770 : vector<16xf32>
        %swap3A_772 = arith.index_cast %scan3A_704 : i32 to index
        %swap3A_773 = arith.constant 32 : index
        %swap3A_774 = tpu.vector_load %arg12[%swap3A_772, %swap3A_773] {strides = array<i32>} : memref<32x128xf32, #tpu.memory_space<vmem>>, vector<1x16xf32>,
        %swap3A_775 = vector.shape_cast %swap3A_774 : vector<1x16xf32> to vector<16xf32>
        %swap3A_776 = vector.shape_cast %max3A_771 : vector<16xf32> to vector<1x16xf32>
        tpu.vector_store %arg12[%swap3A_772, %swap3A_773], %swap3A_776 {strides = array<i32>} : memref<32x128xf32, #tpu.memory_space<vmem>>, vector<1x16xf32>,
        %get3A_777 = arith.index_cast %scan3A_704 : i32 to index
        %get3A_778 = arith.constant 48 : index
        %get3A_779 = tpu.vector_load %arg11[%get3A_777, %get3A_778] {strides = array<i32>} : memref<64x128xf32, #tpu.memory_space<vmem>>, vector<1x16xf32>,
        %get3A_780 = vector.shape_cast %get3A_779 : vector<1x16xf32> to vector<16xf32>
        %add3A_781 = arith.constant 32 : i32
        %add3A_782 = arith.addi %add3A_781, %scan3A_704 : i32
        %get3A_783 = arith.index_cast %add3A_782 : i32 to index
        %get3A_784 = arith.constant 48 : index
        %get3A_785 = tpu.vector_load %arg11[%get3A_783, %get3A_784] {strides = array<i32>} : memref<64x128xf32, #tpu.memory_space<vmem>>, vector<1x16xf32>,
        %get3A_786 = vector.shape_cast %get3A_785 : vector<1x16xf32> to vector<16xf32>
        %add3A_787 = arith.addf %get3A_780, %get3A_786 : vector<16xf32>
        %get3A_788 = arith.index_cast %scan3A_704 : i32 to index
        %get3A_789 = arith.constant 48 : index
        %get3A_790 = tpu.vector_load %arg12[%get3A_788, %get3A_789] {strides = array<i32>} : memref<32x128xf32, #tpu.memory_space<vmem>>, vector<1x16xf32>,
        %get3A_791 = vector.shape_cast %get3A_790 : vector<1x16xf32> to vector<16xf32>
        %add3A_792 = arith.addf %add3A_787, %get3A_791 : vector<16xf32>
        %max3A_793 = arith.constant 0.000000e+00 : f32
        %max3A_794 = vector.broadcast %max3A_793 : f32 to vector<16xf32>
        %max3A_795 = arith.maximumf %add3A_792, %max3A_794 : vector<16xf32>
        %swap3A_796 = arith.index_cast %scan3A_704 : i32 to index
        %swap3A_797 = arith.constant 48 : index
        %swap3A_798 = tpu.vector_load %arg12[%swap3A_796, %swap3A_797] {strides = array<i32>} : memref<32x128xf32, #tpu.memory_space<vmem>>, vector<1x16xf32>,
        %swap3A_799 = vector.shape_cast %swap3A_798 : vector<1x16xf32> to vector<16xf32>
        %swap3A_800 = vector.shape_cast %max3A_795 : vector<16xf32> to vector<1x16xf32>
        tpu.vector_store %arg12[%swap3A_796, %swap3A_797], %swap3A_800 {strides = array<i32>} : memref<32x128xf32, #tpu.memory_space<vmem>>, vector<1x16xf32>,
        %get3A_801 = arith.index_cast %scan3A_704 : i32 to index
        %get3A_802 = arith.constant 64 : index
        %get3A_803 = tpu.vector_load %arg11[%get3A_801, %get3A_802] {strides = array<i32>} : memref<64x128xf32, #tpu.memory_space<vmem>>, vector<1x16xf32>,
        %get3A_804 = vector.shape_cast %get3A_803 : vector<1x16xf32> to vector<16xf32>
        %add3A_805 = arith.constant 32 : i32
        %add3A_806 = arith.addi %add3A_805, %scan3A_704 : i32
        %get3A_807 = arith.index_cast %add3A_806 : i32 to index
        %get3A_808 = arith.constant 64 : index
        %get3A_809 = tpu.vector_load %arg11[%get3A_807, %get3A_808] {strides = array<i32>} : memref<64x128xf32, #tpu.memory_space<vmem>>, vector<1x16xf32>,
        %get3A_810 = vector.shape_cast %get3A_809 : vector<1x16xf32> to vector<16xf32>
        %add3A_811 = arith.addf %get3A_804, %get3A_810 : vector<16xf32>
        %get3A_812 = arith.index_cast %scan3A_704 : i32 to index
        %get3A_813 = arith.constant 64 : index
        %get3A_814 = tpu.vector_load %arg12[%get3A_812, %get3A_813] {strides = array<i32>} : memref<32x128xf32, #tpu.memory_space<vmem>>, vector<1x16xf32>,
        %get3A_815 = vector.shape_cast %get3A_814 : vector<1x16xf32> to vector<16xf32>
        %add3A_816 = arith.addf %add3A_811, %get3A_815 : vector<16xf32>
        %max3A_817 = arith.constant 0.000000e+00 : f32
        %max3A_818 = vector.broadcast %max3A_817 : f32 to vector<16xf32>
        %max3A_819 = arith.maximumf %add3A_816, %max3A_818 : vector<16xf32>
        %swap3A_820 = arith.index_cast %scan3A_704 : i32 to index
        %swap3A_821 = arith.constant 64 : index
        %swap3A_822 = tpu.vector_load %arg12[%swap3A_820, %swap3A_821] {strides = array<i32>} : memref<32x128xf32, #tpu.memory_space<vmem>>, vector<1x16xf32>,
        %swap3A_823 = vector.shape_cast %swap3A_822 : vector<1x16xf32> to vector<16xf32>
        %swap3A_824 = vector.shape_cast %max3A_819 : vector<16xf32> to vector<1x16xf32>
        tpu.vector_store %arg12[%swap3A_820, %swap3A_821], %swap3A_824 {strides = array<i32>} : memref<32x128xf32, #tpu.memory_space<vmem>>, vector<1x16xf32>,
        %get3A_825 = arith.index_cast %scan3A_704 : i32 to index
        %get3A_826 = arith.constant 80 : index
        %get3A_827 = tpu.vector_load %arg11[%get3A_825, %get3A_826] {strides = array<i32>} : memref<64x128xf32, #tpu.memory_space<vmem>>, vector<1x16xf32>,
        %get3A_828 = vector.shape_cast %get3A_827 : vector<1x16xf32> to vector<16xf32>
        %add3A_829 = arith.constant 32 : i32
        %add3A_830 = arith.addi %add3A_829, %scan3A_704 : i32
        %get3A_831 = arith.index_cast %add3A_830 : i32 to index
        %get3A_832 = arith.constant 80 : index
        %get3A_833 = tpu.vector_load %arg11[%get3A_831, %get3A_832] {strides = array<i32>} : memref<64x128xf32, #tpu.memory_space<vmem>>, vector<1x16xf32>,
        %get3A_834 = vector.shape_cast %get3A_833 : vector<1x16xf32> to vector<16xf32>
        %add3A_835 = arith.addf %get3A_828, %get3A_834 : vector<16xf32>
        %get3A_836 = arith.index_cast %scan3A_704 : i32 to index
        %get3A_837 = arith.constant 80 : index
        %get3A_838 = tpu.vector_load %arg12[%get3A_836, %get3A_837] {strides = array<i32>} : memref<32x128xf32, #tpu.memory_space<vmem>>, vector<1x16xf32>,
        %get3A_839 = vector.shape_cast %get3A_838 : vector<1x16xf32> to vector<16xf32>
        %add3A_840 = arith.addf %add3A_835, %get3A_839 : vector<16xf32>
        %max3A_841 = arith.constant 0.000000e+00 : f32
        %max3A_842 = vector.broadcast %max3A_841 : f32 to vector<16xf32>
        %max3A_843 = arith.maximumf %add3A_840, %max3A_842 : vector<16xf32>
        %swap3A_844 = arith.index_cast %scan3A_704 : i32 to index
        %swap3A_845 = arith.constant 80 : index
        %swap3A_846 = tpu.vector_load %arg12[%swap3A_844, %swap3A_845] {strides = array<i32>} : memref<32x128xf32, #tpu.memory_space<vmem>>, vector<1x16xf32>,
        %swap3A_847 = vector.shape_cast %swap3A_846 : vector<1x16xf32> to vector<16xf32>
        %swap3A_848 = vector.shape_cast %max3A_843 : vector<16xf32> to vector<1x16xf32>
        tpu.vector_store %arg12[%swap3A_844, %swap3A_845], %swap3A_848 {strides = array<i32>} : memref<32x128xf32, #tpu.memory_space<vmem>>, vector<1x16xf32>,
        %get3A_849 = arith.index_cast %scan3A_704 : i32 to index
        %get3A_850 = arith.constant 96 : index
        %get3A_851 = tpu.vector_load %arg11[%get3A_849, %get3A_850] {strides = array<i32>} : memref<64x128xf32, #tpu.memory_space<vmem>>, vector<1x16xf32>,
        %get3A_852 = vector.shape_cast %get3A_851 : vector<1x16xf32> to vector<16xf32>
        %add3A_853 = arith.constant 32 : i32
        %add3A_854 = arith.addi %add3A_853, %scan3A_704 : i32
        %get3A_855 = arith.index_cast %add3A_854 : i32 to index
        %get3A_856 = arith.constant 96 : index
        %get3A_857 = tpu.vector_load %arg11[%get3A_855, %get3A_856] {strides = array<i32>} : memref<64x128xf32, #tpu.memory_space<vmem>>, vector<1x16xf32>,
        %get3A_858 = vector.shape_cast %get3A_857 : vector<1x16xf32> to vector<16xf32>
        %add3A_859 = arith.addf %get3A_852, %get3A_858 : vector<16xf32>
        %get3A_860 = arith.index_cast %scan3A_704 : i32 to index
        %get3A_861 = arith.constant 96 : index
        %get3A_862 = tpu.vector_load %arg12[%get3A_860, %get3A_861] {strides = array<i32>} : memref<32x128xf32, #tpu.memory_space<vmem>>, vector<1x16xf32>,
        %get3A_863 = vector.shape_cast %get3A_862 : vector<1x16xf32> to vector<16xf32>
        %add3A_864 = arith.addf %add3A_859, %get3A_863 : vector<16xf32>
        %max3A_865 = arith.constant 0.000000e+00 : f32
        %max3A_866 = vector.broadcast %max3A_865 : f32 to vector<16xf32>
        %max3A_867 = arith.maximumf %add3A_864, %max3A_866 : vector<16xf32>
        %swap3A_868 = arith.index_cast %scan3A_704 : i32 to index
        %swap3A_869 = arith.constant 96 : index
        %swap3A_870 = tpu.vector_load %arg12[%swap3A_868, %swap3A_869] {strides = array<i32>} : memref<32x128xf32, #tpu.memory_space<vmem>>, vector<1x16xf32>,
        %swap3A_871 = vector.shape_cast %swap3A_870 : vector<1x16xf32> to vector<16xf32>
        %swap3A_872 = vector.shape_cast %max3A_867 : vector<16xf32> to vector<1x16xf32>
        tpu.vector_store %arg12[%swap3A_868, %swap3A_869], %swap3A_872 {strides = array<i32>} : memref<32x128xf32, #tpu.memory_space<vmem>>, vector<1x16xf32>,
        %get3A_873 = arith.index_cast %scan3A_704 : i32 to index
        %get3A_874 = arith.constant 112 : index
        %get3A_875 = tpu.vector_load %arg11[%get3A_873, %get3A_874] {strides = array<i32>} : memref<64x128xf32, #tpu.memory_space<vmem>>, vector<1x16xf32>,
        %get3A_876 = vector.shape_cast %get3A_875 : vector<1x16xf32> to vector<16xf32>
        %add3A_877 = arith.constant 32 : i32
        %add3A_878 = arith.addi %add3A_877, %scan3A_704 : i32
        %get3A_879 = arith.index_cast %add3A_878 : i32 to index
        %get3A_880 = arith.constant 112 : index
        %get3A_881 = tpu.vector_load %arg11[%get3A_879, %get3A_880] {strides = array<i32>} : memref<64x128xf32, #tpu.memory_space<vmem>>, vector<1x16xf32>,
        %get3A_882 = vector.shape_cast %get3A_881 : vector<1x16xf32> to vector<16xf32>
        %add3A_883 = arith.addf %get3A_876, %get3A_882 : vector<16xf32>
        %get3A_884 = arith.index_cast %scan3A_704 : i32 to index
        %get3A_885 = arith.constant 112 : index
        %get3A_886 = tpu.vector_load %arg12[%get3A_884, %get3A_885] {strides = array<i32>} : memref<32x128xf32, #tpu.memory_space<vmem>>, vector<1x16xf32>,
        %get3A_887 = vector.shape_cast %get3A_886 : vector<1x16xf32> to vector<16xf32>
        %add3A_888 = arith.addf %add3A_883, %get3A_887 : vector<16xf32>
        %max3A_889 = arith.constant 0.000000e+00 : f32
        %max3A_890 = vector.broadcast %max3A_889 : f32 to vector<16xf32>
        %max3A_891 = arith.maximumf %add3A_888, %max3A_890 : vector<16xf32>
        %swap3A_892 = arith.index_cast %scan3A_704 : i32 to index
        %swap3A_893 = arith.constant 112 : index
        %swap3A_894 = tpu.vector_load %arg12[%swap3A_892, %swap3A_893] {strides = array<i32>} : memref<32x128xf32, #tpu.memory_space<vmem>>, vector<1x16xf32>,
        %swap3A_895 = vector.shape_cast %swap3A_894 : vector<1x16xf32> to vector<16xf32>
        %swap3A_896 = vector.shape_cast %max3A_891 : vector<16xf32> to vector<1x16xf32>
        tpu.vector_store %arg12[%swap3A_892, %swap3A_893], %swap3A_896 {strides = array<i32>} : memref<32x128xf32, #tpu.memory_space<vmem>>, vector<1x16xf32>,
      }
      %scan3A_214 = arith.constant 32 : i32
      %dma_start3A_215 = arith.constant 2 : i32
      %dma_start3A_216 = arith.constant 0 : i32
      %dma_start3A_217 = tpu.memref_slice %arg9[%dma_start3A_215, %dma_start3A_216] : memref<4x32xi32, #tpu.memory_space<vmem>> -> memref<1x32xi32, #tpu.memory_space<vmem>>
      %dma_start3A_218 = tpu.memref_squeeze %dma_start3A_217 : memref<1x32xi32, #tpu.memory_space<vmem>> -> memref<32xi32, #tpu.memory_space<vmem>>
      %dma_start3A_219 = arith.constant 0 : i32
      %dma_start3A_220 = arith.constant 0 : i32
      %dma_start3A_221 = tpu.memref_slice %arg15[%dma_start3A_219, %dma_start3A_220] : memref<10240x128xf32, #tpu.memory_space<vmem_shared>> -> memref<10240x128xf32, #tpu.memory_space<vmem_shared>>
      tpu.enqueue_indirect_dma source(%arg12 : memref<32x128xf32, #tpu.memory_space<vmem>>) target(%dma_start3A_221 : memref<10240x128xf32, #tpu.memory_space<vmem_shared>>) offsets(%dma_start3A_218 : memref<32xi32, #tpu.memory_space<vmem>>) semaphore(%arg19 : memref<!tpu.dma_semaphore, #tpu.memory_space<semaphore_mem>>) {add = true}
      %mul3A_222 = arith.constant 8 : i32
      %mul3A_223 = arith.muli %mul3A_222, %scan3A_44 : i32
      %add3A_224 = arith.constant 3 : i32
      %add3A_225 = arith.addi %mul3A_223, %add3A_224 : i32
      %dma_wait3A_226 = arith.constant 0 : i32
      %dma_wait3A_227 = arith.constant 0 : i32
      %dma_wait3A_228 = arith.constant 0 : i32
      %dma_wait3A_229 = tpu.memref_slice %arg4[%add3A, %dma_wait3A_226, %dma_wait3A_227, %dma_wait3A_228] : memref<32x40x4x64xi32, #tpu.memory_space<hbm>> -> memref<1x1x4x64xi32, #tpu.memory_space<hbm>>
      %dma_wait3A_230 = tpu.memref_squeeze %dma_wait3A_229 : memref<1x1x4x64xi32, #tpu.memory_space<hbm>> -> memref<4x64xi32, #tpu.memory_space<hbm>>
      %dma_wait3A_231 = arith.constant 0 : i32
      %dma_wait3A_232 = arith.constant 0 : i32
      %dma_wait3A_233 = tpu.memref_slice %arg4[%add3A, %dma_wait3A_226, %dma_wait3A_231, %dma_wait3A_232] : memref<32x40x4x64xi32, #tpu.memory_space<hbm>> -> memref<1x1x4x64xi32, #tpu.memory_space<hbm>>
      %dma_wait3A_234 = tpu.memref_squeeze %dma_wait3A_233 : memref<1x1x4x64xi32, #tpu.memory_space<hbm>> -> memref<4x64xi32, #tpu.memory_space<hbm>>
      tpu.wait_dma2 semaphore(%arg18 : memref<!tpu.dma_semaphore, #tpu.memory_space<semaphore_mem>>) src(%dma_wait3A_234 : memref<4x64xi32, #tpu.memory_space<hbm>>) dst(%arg8 : memref<4x64xi32, #tpu.memory_space<vmem>>)
      %dma_wait3A_235 = arith.constant 0 : i32
      %dma_wait3A_236 = arith.constant 0 : i32
      %dma_wait3A_237 = arith.constant 0 : i32
      %dma_wait3A_238 = tpu.memref_slice %arg5[%add3A, %dma_wait3A_235, %dma_wait3A_236, %dma_wait3A_237] : memref<32x40x4x32xi32, #tpu.memory_space<hbm>> -> memref<1x1x4x32xi32, #tpu.memory_space<hbm>>
      %dma_wait3A_239 = tpu.memref_squeeze %dma_wait3A_238 : memref<1x1x4x32xi32, #tpu.memory_space<hbm>> -> memref<4x32xi32, #tpu.memory_space<hbm>>
      %dma_wait3A_240 = arith.constant 0 : i32
      %dma_wait3A_241 = arith.constant 0 : i32
      %dma_wait3A_242 = tpu.memref_slice %arg5[%add3A, %dma_wait3A_235, %dma_wait3A_240, %dma_wait3A_241] : memref<32x40x4x32xi32, #tpu.memory_space<hbm>> -> memref<1x1x4x32xi32, #tpu.memory_space<hbm>>
      %dma_wait3A_243 = tpu.memref_squeeze %dma_wait3A_242 : memref<1x1x4x32xi32, #tpu.memory_space<hbm>> -> memref<4x32xi32, #tpu.memory_space<hbm>>
      tpu.wait_dma2 semaphore(%arg18 : memref<!tpu.dma_semaphore, #tpu.memory_space<semaphore_mem>>) src(%dma_wait3A_243 : memref<4x32xi32, #tpu.memory_space<hbm>>) dst(%arg10 : memref<4x32xi32, #tpu.memory_space<vmem>>)
      %dma_start3A_244 = arith.constant 0 : i32
      %dma_start3A_245 = arith.constant 0 : i32
      %dma_start3A_246 = tpu.memref_slice %arg8[%dma_start3A_244, %dma_start3A_245] : memref<4x64xi32, #tpu.memory_space<vmem>> -> memref<1x64xi32, #tpu.memory_space<vmem>>
      %dma_start3A_247 = tpu.memref_squeeze %dma_start3A_246 : memref<1x64xi32, #tpu.memory_space<vmem>> -> memref<64xi32, #tpu.memory_space<vmem>>
      %dma_start3A_248 = arith.constant 0 : i32
      %dma_start3A_249 = arith.constant 0 : i32
      %dma_start3A_250 = tpu.memref_slice %arg2[%dma_start3A_248, %dma_start3A_249] : memref<20480x128xf32, #tpu.memory_space<hbm>> -> memref<20480x128xf32, #tpu.memory_space<hbm>>
      tpu.enqueue_indirect_dma source(%dma_start3A_250 : memref<20480x128xf32, #tpu.memory_space<hbm>>) target(%arg11 : memref<64x128xf32, #tpu.memory_space<vmem>>) offsets(%dma_start3A_247 : memref<64xi32, #tpu.memory_space<vmem>>) semaphore(%arg16 : memref<!tpu.dma_semaphore, #tpu.memory_space<semaphore_mem>>)
      %dma_wait3A_251 = arith.constant 3 : i32
      %dma_wait3A_252 = arith.constant 0 : i32
      %dma_wait3A_253 = tpu.memref_slice %arg7[%dma_wait3A_251, %dma_wait3A_252] : memref<4x64xi32, #tpu.memory_space<vmem>> -> memref<1x64xi32, #tpu.memory_space<vmem>>
      %dma_wait3A_254 = tpu.memref_squeeze %dma_wait3A_253 : memref<1x64xi32, #tpu.memory_space<vmem>> -> memref<64xi32, #tpu.memory_space<vmem>>
      %dma_wait3A_255 = arith.constant 0 : i32
      %dma_wait3A_256 = arith.constant 0 : i32
      %dma_wait3A_257 = tpu.memref_slice %arg2[%dma_wait3A_255, %dma_wait3A_256] : memref<20480x128xf32, #tpu.memory_space<hbm>> -> memref<20480x128xf32, #tpu.memory_space<hbm>>
      tpu.wait_indirect_dma semaphore(%arg17 : memref<!tpu.dma_semaphore, #tpu.memory_space<semaphore_mem>>) src(%dma_wait3A_257 : memref<20480x128xf32, #tpu.memory_space<hbm>>) dst(%arg13 : memref<64x128xf32, #tpu.memory_space<vmem>>)
      %mul3A_258 = arith.constant 32 : i32
      %mul3A_259 = arith.muli %add3A_225, %mul3A_258 : i32
      %add3A_260 = arith.addi %mul3A_2, %mul3A_259 : i32
      %dma_wait3A_261 = arith.constant 0 : i32
      %dma_wait3A_262 = tpu.memref_slice %arg3[%add3A_260, %dma_wait3A_261] : memref<163840x128xf32, #tpu.memory_space<hbm>> -> memref<32x128xf32, #tpu.memory_space<hbm>>
      %dma_wait3A_263 = arith.constant 0 : i32
      %dma_wait3A_264 = tpu.memref_slice %arg3[%add3A_260, %dma_wait3A_263] : memref<163840x128xf32, #tpu.memory_space<hbm>> -> memref<32x128xf32, #tpu.memory_space<hbm>>
      tpu.wait_dma2 semaphore(%arg17 : memref<!tpu.dma_semaphore, #tpu.memory_space<semaphore_mem>>) src(%dma_wait3A_264 : memref<32x128xf32, #tpu.memory_space<hbm>>) dst(%arg14 : memref<32x128xf32, #tpu.memory_space<vmem>>)
      %dma_wait3A_265 = arith.constant 2 : i32
      %dma_wait3A_266 = arith.constant 0 : i32
      %dma_wait3A_267 = tpu.memref_slice %arg9[%dma_wait3A_265, %dma_wait3A_266] : memref<4x32xi32, #tpu.memory_space<vmem>> -> memref<1x32xi32, #tpu.memory_space<vmem>>
      %dma_wait3A_268 = tpu.memref_squeeze %dma_wait3A_267 : memref<1x32xi32, #tpu.memory_space<vmem>> -> memref<32xi32, #tpu.memory_space<vmem>>
      %dma_wait3A_269 = arith.constant 0 : i32
      %dma_wait3A_270 = arith.constant 0 : i32
      %dma_wait3A_271 = tpu.memref_slice %arg15[%dma_wait3A_269, %dma_wait3A_270] : memref<10240x128xf32, #tpu.memory_space<vmem_shared>> -> memref<10240x128xf32, #tpu.memory_space<vmem_shared>>
      tpu.wait_indirect_dma semaphore(%arg19 : memref<!tpu.dma_semaphore, #tpu.memory_space<semaphore_mem>>) src(%arg12 : memref<32x128xf32, #tpu.memory_space<vmem>>) dst(%dma_wait3A_271 : memref<10240x128xf32, #tpu.memory_space<vmem_shared>>)
      %add3A_272 = arith.constant 1 : i32
      %add3A_273 = arith.addi %add3A_225, %add3A_272 : i32
      %mul3A_274 = arith.constant 32 : i32
      %mul3A_275 = arith.muli %add3A_273, %mul3A_274 : i32
      %add3A_276 = arith.addi %mul3A_2, %mul3A_275 : i32
      %dma_start3A_277 = arith.constant 0 : i32
      %dma_start3A_278 = tpu.memref_slice %arg3[%add3A_276, %dma_start3A_277] : memref<163840x128xf32, #tpu.memory_space<hbm>> -> memref<32x128xf32, #tpu.memory_space<hbm>>
      %dma_start3A_279 = arith.constant 0 : i32
      %dma_start3A_280 = tpu.memref_slice %arg3[%add3A_276, %dma_start3A_279] : memref<163840x128xf32, #tpu.memory_space<hbm>> -> memref<32x128xf32, #tpu.memory_space<hbm>>
      tpu.enqueue_dma source(%dma_start3A_280 : memref<32x128xf32, #tpu.memory_space<hbm>>) target(%arg12 : memref<32x128xf32, #tpu.memory_space<vmem>>) target_semaphore(%arg16 : memref<!tpu.dma_semaphore, #tpu.memory_space<semaphore_mem>>)
      %scan3A_281 = arith.constant 0 : i32
      %scan3A_282 = arith.constant 0 : i32
      %scan3A_283 = arith.constant 32 : i32
      %scan3A_284 = arith.addi %scan3A_282, %scan3A_283 : i32
      %scan3A_285 = arith.constant 2 : i32
      scf.for %scan3A_513 = %scan3A_282 to %scan3A_284 step %scan3A_285  : i32 {
        %get3A = arith.index_cast %scan3A_513 : i32 to index
        %get3A_514 = arith.constant 0 : index
        %get3A_515 = tpu.vector_load %arg13[%get3A, %get3A_514] {strides = array<i32>} : memref<64x128xf32, #tpu.memory_space<vmem>>, vector<1x16xf32>,
        %get3A_516 = vector.shape_cast %get3A_515 : vector<1x16xf32> to vector<16xf32>
        %add3A_517 = arith.constant 32 : i32
        %add3A_518 = arith.addi %add3A_517, %scan3A_513 : i32
        %get3A_519 = arith.index_cast %add3A_518 : i32 to index
        %get3A_520 = arith.constant 0 : index
        %get3A_521 = tpu.vector_load %arg13[%get3A_519, %get3A_520] {strides = array<i32>} : memref<64x128xf32, #tpu.memory_space<vmem>>, vector<1x16xf32>,
        %get3A_522 = vector.shape_cast %get3A_521 : vector<1x16xf32> to vector<16xf32>
        %add3A_523 = arith.addf %get3A_516, %get3A_522 : vector<16xf32>
        %get3A_524 = arith.index_cast %scan3A_513 : i32 to index
        %get3A_525 = arith.constant 0 : index
        %get3A_526 = tpu.vector_load %arg14[%get3A_524, %get3A_525] {strides = array<i32>} : memref<32x128xf32, #tpu.memory_space<vmem>>, vector<1x16xf32>,
        %get3A_527 = vector.shape_cast %get3A_526 : vector<1x16xf32> to vector<16xf32>
        %add3A_528 = arith.addf %add3A_523, %get3A_527 : vector<16xf32>
        %max3A = arith.constant 0.000000e+00 : f32
        %max3A_529 = vector.broadcast %max3A : f32 to vector<16xf32>
        %max3A_530 = arith.maximumf %add3A_528, %max3A_529 : vector<16xf32>
        %swap3A = arith.index_cast %scan3A_513 : i32 to index
        %swap3A_531 = arith.constant 0 : index
        %swap3A_532 = tpu.vector_load %arg14[%swap3A, %swap3A_531] {strides = array<i32>} : memref<32x128xf32, #tpu.memory_space<vmem>>, vector<1x16xf32>,
        %swap3A_533 = vector.shape_cast %swap3A_532 : vector<1x16xf32> to vector<16xf32>
        %swap3A_534 = vector.shape_cast %max3A_530 : vector<16xf32> to vector<1x16xf32>
        tpu.vector_store %arg14[%swap3A, %swap3A_531], %swap3A_534 {strides = array<i32>} : memref<32x128xf32, #tpu.memory_space<vmem>>, vector<1x16xf32>,
        %get3A_535 = arith.index_cast %scan3A_513 : i32 to index
        %get3A_536 = arith.constant 16 : index
        %get3A_537 = tpu.vector_load %arg13[%get3A_535, %get3A_536] {strides = array<i32>} : memref<64x128xf32, #tpu.memory_space<vmem>>, vector<1x16xf32>,
        %get3A_538 = vector.shape_cast %get3A_537 : vector<1x16xf32> to vector<16xf32>
        %add3A_539 = arith.constant 32 : i32
        %add3A_540 = arith.addi %add3A_539, %scan3A_513 : i32
        %get3A_541 = arith.index_cast %add3A_540 : i32 to index
        %get3A_542 = arith.constant 16 : index
        %get3A_543 = tpu.vector_load %arg13[%get3A_541, %get3A_542] {strides = array<i32>} : memref<64x128xf32, #tpu.memory_space<vmem>>, vector<1x16xf32>,
        %get3A_544 = vector.shape_cast %get3A_543 : vector<1x16xf32> to vector<16xf32>
        %add3A_545 = arith.addf %get3A_538, %get3A_544 : vector<16xf32>
        %get3A_546 = arith.index_cast %scan3A_513 : i32 to index
        %get3A_547 = arith.constant 16 : index
        %get3A_548 = tpu.vector_load %arg14[%get3A_546, %get3A_547] {strides = array<i32>} : memref<32x128xf32, #tpu.memory_space<vmem>>, vector<1x16xf32>,
        %get3A_549 = vector.shape_cast %get3A_548 : vector<1x16xf32> to vector<16xf32>
        %add3A_550 = arith.addf %add3A_545, %get3A_549 : vector<16xf32>
        %max3A_551 = arith.constant 0.000000e+00 : f32
        %max3A_552 = vector.broadcast %max3A_551 : f32 to vector<16xf32>
        %max3A_553 = arith.maximumf %add3A_550, %max3A_552 : vector<16xf32>
        %swap3A_554 = arith.index_cast %scan3A_513 : i32 to index
        %swap3A_555 = arith.constant 16 : index
        %swap3A_556 = tpu.vector_load %arg14[%swap3A_554, %swap3A_555] {strides = array<i32>} : memref<32x128xf32, #tpu.memory_space<vmem>>, vector<1x16xf32>,
        %swap3A_557 = vector.shape_cast %swap3A_556 : vector<1x16xf32> to vector<16xf32>
        %swap3A_558 = vector.shape_cast %max3A_553 : vector<16xf32> to vector<1x16xf32>
        tpu.vector_store %arg14[%swap3A_554, %swap3A_555], %swap3A_558 {strides = array<i32>} : memref<32x128xf32, #tpu.memory_space<vmem>>, vector<1x16xf32>,
        %get3A_559 = arith.index_cast %scan3A_513 : i32 to index
        %get3A_560 = arith.constant 32 : index
        %get3A_561 = tpu.vector_load %arg13[%get3A_559, %get3A_560] {strides = array<i32>} : memref<64x128xf32, #tpu.memory_space<vmem>>, vector<1x16xf32>,
        %get3A_562 = vector.shape_cast %get3A_561 : vector<1x16xf32> to vector<16xf32>
        %add3A_563 = arith.constant 32 : i32
        %add3A_564 = arith.addi %add3A_563, %scan3A_513 : i32
        %get3A_565 = arith.index_cast %add3A_564 : i32 to index
        %get3A_566 = arith.constant 32 : index
        %get3A_567 = tpu.vector_load %arg13[%get3A_565, %get3A_566] {strides = array<i32>} : memref<64x128xf32, #tpu.memory_space<vmem>>, vector<1x16xf32>,
        %get3A_568 = vector.shape_cast %get3A_567 : vector<1x16xf32> to vector<16xf32>
        %add3A_569 = arith.addf %get3A_562, %get3A_568 : vector<16xf32>
        %get3A_570 = arith.index_cast %scan3A_513 : i32 to index
        %get3A_571 = arith.constant 32 : index
        %get3A_572 = tpu.vector_load %arg14[%get3A_570, %get3A_571] {strides = array<i32>} : memref<32x128xf32, #tpu.memory_space<vmem>>, vector<1x16xf32>,
        %get3A_573 = vector.shape_cast %get3A_572 : vector<1x16xf32> to vector<16xf32>
        %add3A_574 = arith.addf %add3A_569, %get3A_573 : vector<16xf32>
        %max3A_575 = arith.constant 0.000000e+00 : f32
        %max3A_576 = vector.broadcast %max3A_575 : f32 to vector<16xf32>
        %max3A_577 = arith.maximumf %add3A_574, %max3A_576 : vector<16xf32>
        %swap3A_578 = arith.index_cast %scan3A_513 : i32 to index
        %swap3A_579 = arith.constant 32 : index
        %swap3A_580 = tpu.vector_load %arg14[%swap3A_578, %swap3A_579] {strides = array<i32>} : memref<32x128xf32, #tpu.memory_space<vmem>>, vector<1x16xf32>,
        %swap3A_581 = vector.shape_cast %swap3A_580 : vector<1x16xf32> to vector<16xf32>
        %swap3A_582 = vector.shape_cast %max3A_577 : vector<16xf32> to vector<1x16xf32>
        tpu.vector_store %arg14[%swap3A_578, %swap3A_579], %swap3A_582 {strides = array<i32>} : memref<32x128xf32, #tpu.memory_space<vmem>>, vector<1x16xf32>,
        %get3A_583 = arith.index_cast %scan3A_513 : i32 to index
        %get3A_584 = arith.constant 48 : index
        %get3A_585 = tpu.vector_load %arg13[%get3A_583, %get3A_584] {strides = array<i32>} : memref<64x128xf32, #tpu.memory_space<vmem>>, vector<1x16xf32>,
        %get3A_586 = vector.shape_cast %get3A_585 : vector<1x16xf32> to vector<16xf32>
        %add3A_587 = arith.constant 32 : i32
        %add3A_588 = arith.addi %add3A_587, %scan3A_513 : i32
        %get3A_589 = arith.index_cast %add3A_588 : i32 to index
        %get3A_590 = arith.constant 48 : index
        %get3A_591 = tpu.vector_load %arg13[%get3A_589, %get3A_590] {strides = array<i32>} : memref<64x128xf32, #tpu.memory_space<vmem>>, vector<1x16xf32>,
        %get3A_592 = vector.shape_cast %get3A_591 : vector<1x16xf32> to vector<16xf32>
        %add3A_593 = arith.addf %get3A_586, %get3A_592 : vector<16xf32>
        %get3A_594 = arith.index_cast %scan3A_513 : i32 to index
        %get3A_595 = arith.constant 48 : index
        %get3A_596 = tpu.vector_load %arg14[%get3A_594, %get3A_595] {strides = array<i32>} : memref<32x128xf32, #tpu.memory_space<vmem>>, vector<1x16xf32>,
        %get3A_597 = vector.shape_cast %get3A_596 : vector<1x16xf32> to vector<16xf32>
        %add3A_598 = arith.addf %add3A_593, %get3A_597 : vector<16xf32>
        %max3A_599 = arith.constant 0.000000e+00 : f32
        %max3A_600 = vector.broadcast %max3A_599 : f32 to vector<16xf32>
        %max3A_601 = arith.maximumf %add3A_598, %max3A_600 : vector<16xf32>
        %swap3A_602 = arith.index_cast %scan3A_513 : i32 to index
        %swap3A_603 = arith.constant 48 : index
        %swap3A_604 = tpu.vector_load %arg14[%swap3A_602, %swap3A_603] {strides = array<i32>} : memref<32x128xf32, #tpu.memory_space<vmem>>, vector<1x16xf32>,
        %swap3A_605 = vector.shape_cast %swap3A_604 : vector<1x16xf32> to vector<16xf32>
        %swap3A_606 = vector.shape_cast %max3A_601 : vector<16xf32> to vector<1x16xf32>
        tpu.vector_store %arg14[%swap3A_602, %swap3A_603], %swap3A_606 {strides = array<i32>} : memref<32x128xf32, #tpu.memory_space<vmem>>, vector<1x16xf32>,
        %get3A_607 = arith.index_cast %scan3A_513 : i32 to index
        %get3A_608 = arith.constant 64 : index
        %get3A_609 = tpu.vector_load %arg13[%get3A_607, %get3A_608] {strides = array<i32>} : memref<64x128xf32, #tpu.memory_space<vmem>>, vector<1x16xf32>,
        %get3A_610 = vector.shape_cast %get3A_609 : vector<1x16xf32> to vector<16xf32>
        %add3A_611 = arith.constant 32 : i32
        %add3A_612 = arith.addi %add3A_611, %scan3A_513 : i32
        %get3A_613 = arith.index_cast %add3A_612 : i32 to index
        %get3A_614 = arith.constant 64 : index
        %get3A_615 = tpu.vector_load %arg13[%get3A_613, %get3A_614] {strides = array<i32>} : memref<64x128xf32, #tpu.memory_space<vmem>>, vector<1x16xf32>,
        %get3A_616 = vector.shape_cast %get3A_615 : vector<1x16xf32> to vector<16xf32>
        %add3A_617 = arith.addf %get3A_610, %get3A_616 : vector<16xf32>
        %get3A_618 = arith.index_cast %scan3A_513 : i32 to index
        %get3A_619 = arith.constant 64 : index
        %get3A_620 = tpu.vector_load %arg14[%get3A_618, %get3A_619] {strides = array<i32>} : memref<32x128xf32, #tpu.memory_space<vmem>>, vector<1x16xf32>,
        %get3A_621 = vector.shape_cast %get3A_620 : vector<1x16xf32> to vector<16xf32>
        %add3A_622 = arith.addf %add3A_617, %get3A_621 : vector<16xf32>
        %max3A_623 = arith.constant 0.000000e+00 : f32
        %max3A_624 = vector.broadcast %max3A_623 : f32 to vector<16xf32>
        %max3A_625 = arith.maximumf %add3A_622, %max3A_624 : vector<16xf32>
        %swap3A_626 = arith.index_cast %scan3A_513 : i32 to index
        %swap3A_627 = arith.constant 64 : index
        %swap3A_628 = tpu.vector_load %arg14[%swap3A_626, %swap3A_627] {strides = array<i32>} : memref<32x128xf32, #tpu.memory_space<vmem>>, vector<1x16xf32>,
        %swap3A_629 = vector.shape_cast %swap3A_628 : vector<1x16xf32> to vector<16xf32>
        %swap3A_630 = vector.shape_cast %max3A_625 : vector<16xf32> to vector<1x16xf32>
        tpu.vector_store %arg14[%swap3A_626, %swap3A_627], %swap3A_630 {strides = array<i32>} : memref<32x128xf32, #tpu.memory_space<vmem>>, vector<1x16xf32>,
        %get3A_631 = arith.index_cast %scan3A_513 : i32 to index
        %get3A_632 = arith.constant 80 : index
        %get3A_633 = tpu.vector_load %arg13[%get3A_631, %get3A_632] {strides = array<i32>} : memref<64x128xf32, #tpu.memory_space<vmem>>, vector<1x16xf32>,
        %get3A_634 = vector.shape_cast %get3A_633 : vector<1x16xf32> to vector<16xf32>
        %add3A_635 = arith.constant 32 : i32
        %add3A_636 = arith.addi %add3A_635, %scan3A_513 : i32
        %get3A_637 = arith.index_cast %add3A_636 : i32 to index
        %get3A_638 = arith.constant 80 : index
        %get3A_639 = tpu.vector_load %arg13[%get3A_637, %get3A_638] {strides = array<i32>} : memref<64x128xf32, #tpu.memory_space<vmem>>, vector<1x16xf32>,
        %get3A_640 = vector.shape_cast %get3A_639 : vector<1x16xf32> to vector<16xf32>
        %add3A_641 = arith.addf %get3A_634, %get3A_640 : vector<16xf32>
        %get3A_642 = arith.index_cast %scan3A_513 : i32 to index
        %get3A_643 = arith.constant 80 : index
        %get3A_644 = tpu.vector_load %arg14[%get3A_642, %get3A_643] {strides = array<i32>} : memref<32x128xf32, #tpu.memory_space<vmem>>, vector<1x16xf32>,
        %get3A_645 = vector.shape_cast %get3A_644 : vector<1x16xf32> to vector<16xf32>
        %add3A_646 = arith.addf %add3A_641, %get3A_645 : vector<16xf32>
        %max3A_647 = arith.constant 0.000000e+00 : f32
        %max3A_648 = vector.broadcast %max3A_647 : f32 to vector<16xf32>
        %max3A_649 = arith.maximumf %add3A_646, %max3A_648 : vector<16xf32>
        %swap3A_650 = arith.index_cast %scan3A_513 : i32 to index
        %swap3A_651 = arith.constant 80 : index
        %swap3A_652 = tpu.vector_load %arg14[%swap3A_650, %swap3A_651] {strides = array<i32>} : memref<32x128xf32, #tpu.memory_space<vmem>>, vector<1x16xf32>,
        %swap3A_653 = vector.shape_cast %swap3A_652 : vector<1x16xf32> to vector<16xf32>
        %swap3A_654 = vector.shape_cast %max3A_649 : vector<16xf32> to vector<1x16xf32>
        tpu.vector_store %arg14[%swap3A_650, %swap3A_651], %swap3A_654 {strides = array<i32>} : memref<32x128xf32, #tpu.memory_space<vmem>>, vector<1x16xf32>,
        %get3A_655 = arith.index_cast %scan3A_513 : i32 to index
        %get3A_656 = arith.constant 96 : index
        %get3A_657 = tpu.vector_load %arg13[%get3A_655, %get3A_656] {strides = array<i32>} : memref<64x128xf32, #tpu.memory_space<vmem>>, vector<1x16xf32>,
        %get3A_658 = vector.shape_cast %get3A_657 : vector<1x16xf32> to vector<16xf32>
        %add3A_659 = arith.constant 32 : i32
        %add3A_660 = arith.addi %add3A_659, %scan3A_513 : i32
        %get3A_661 = arith.index_cast %add3A_660 : i32 to index
        %get3A_662 = arith.constant 96 : index
        %get3A_663 = tpu.vector_load %arg13[%get3A_661, %get3A_662] {strides = array<i32>} : memref<64x128xf32, #tpu.memory_space<vmem>>, vector<1x16xf32>,
        %get3A_664 = vector.shape_cast %get3A_663 : vector<1x16xf32> to vector<16xf32>
        %add3A_665 = arith.addf %get3A_658, %get3A_664 : vector<16xf32>
        %get3A_666 = arith.index_cast %scan3A_513 : i32 to index
        %get3A_667 = arith.constant 96 : index
        %get3A_668 = tpu.vector_load %arg14[%get3A_666, %get3A_667] {strides = array<i32>} : memref<32x128xf32, #tpu.memory_space<vmem>>, vector<1x16xf32>,
        %get3A_669 = vector.shape_cast %get3A_668 : vector<1x16xf32> to vector<16xf32>
        %add3A_670 = arith.addf %add3A_665, %get3A_669 : vector<16xf32>
        %max3A_671 = arith.constant 0.000000e+00 : f32
        %max3A_672 = vector.broadcast %max3A_671 : f32 to vector<16xf32>
        %max3A_673 = arith.maximumf %add3A_670, %max3A_672 : vector<16xf32>
        %swap3A_674 = arith.index_cast %scan3A_513 : i32 to index
        %swap3A_675 = arith.constant 96 : index
        %swap3A_676 = tpu.vector_load %arg14[%swap3A_674, %swap3A_675] {strides = array<i32>} : memref<32x128xf32, #tpu.memory_space<vmem>>, vector<1x16xf32>,
        %swap3A_677 = vector.shape_cast %swap3A_676 : vector<1x16xf32> to vector<16xf32>
        %swap3A_678 = vector.shape_cast %max3A_673 : vector<16xf32> to vector<1x16xf32>
        tpu.vector_store %arg14[%swap3A_674, %swap3A_675], %swap3A_678 {strides = array<i32>} : memref<32x128xf32, #tpu.memory_space<vmem>>, vector<1x16xf32>,
        %get3A_679 = arith.index_cast %scan3A_513 : i32 to index
        %get3A_680 = arith.constant 112 : index
        %get3A_681 = tpu.vector_load %arg13[%get3A_679, %get3A_680] {strides = array<i32>} : memref<64x128xf32, #tpu.memory_space<vmem>>, vector<1x16xf32>,
        %get3A_682 = vector.shape_cast %get3A_681 : vector<1x16xf32> to vector<16xf32>
        %add3A_683 = arith.constant 32 : i32
        %add3A_684 = arith.addi %add3A_683, %scan3A_513 : i32
        %get3A_685 = arith.index_cast %add3A_684 : i32 to index
        %get3A_686 = arith.constant 112 : index
        %get3A_687 = tpu.vector_load %arg13[%get3A_685, %get3A_686] {strides = array<i32>} : memref<64x128xf32, #tpu.memory_space<vmem>>, vector<1x16xf32>,
        %get3A_688 = vector.shape_cast %get3A_687 : vector<1x16xf32> to vector<16xf32>
        %add3A_689 = arith.addf %get3A_682, %get3A_688 : vector<16xf32>
        %get3A_690 = arith.index_cast %scan3A_513 : i32 to index
        %get3A_691 = arith.constant 112 : index
        %get3A_692 = tpu.vector_load %arg14[%get3A_690, %get3A_691] {strides = array<i32>} : memref<32x128xf32, #tpu.memory_space<vmem>>, vector<1x16xf32>,
        %get3A_693 = vector.shape_cast %get3A_692 : vector<1x16xf32> to vector<16xf32>
        %add3A_694 = arith.addf %add3A_689, %get3A_693 : vector<16xf32>
        %max3A_695 = arith.constant 0.000000e+00 : f32
        %max3A_696 = vector.broadcast %max3A_695 : f32 to vector<16xf32>
        %max3A_697 = arith.maximumf %add3A_694, %max3A_696 : vector<16xf32>
        %swap3A_698 = arith.index_cast %scan3A_513 : i32 to index
        %swap3A_699 = arith.constant 112 : index
        %swap3A_700 = tpu.vector_load %arg14[%swap3A_698, %swap3A_699] {strides = array<i32>} : memref<32x128xf32, #tpu.memory_space<vmem>>, vector<1x16xf32>,
        %swap3A_701 = vector.shape_cast %swap3A_700 : vector<1x16xf32> to vector<16xf32>
        %swap3A_702 = vector.shape_cast %max3A_697 : vector<16xf32> to vector<1x16xf32>
        tpu.vector_store %arg14[%swap3A_698, %swap3A_699], %swap3A_702 {strides = array<i32>} : memref<32x128xf32, #tpu.memory_space<vmem>>, vector<1x16xf32>,
        %scan3A_703 = arith.constant 1 : i32
        %scan3A_704 = arith.addi %scan3A_513, %scan3A_703 : i32
        %get3A_705 = arith.index_cast %scan3A_704 : i32 to index
        %get3A_706 = arith.constant 0 : index
        %get3A_707 = tpu.vector_load %arg13[%get3A_705, %get3A_706] {strides = array<i32>} : memref<64x128xf32, #tpu.memory_space<vmem>>, vector<1x16xf32>,
        %get3A_708 = vector.shape_cast %get3A_707 : vector<1x16xf32> to vector<16xf32>
        %add3A_709 = arith.constant 32 : i32
        %add3A_710 = arith.addi %add3A_709, %scan3A_704 : i32
        %get3A_711 = arith.index_cast %add3A_710 : i32 to index
        %get3A_712 = arith.constant 0 : index
        %get3A_713 = tpu.vector_load %arg13[%get3A_711, %get3A_712] {strides = array<i32>} : memref<64x128xf32, #tpu.memory_space<vmem>>, vector<1x16xf32>,
        %get3A_714 = vector.shape_cast %get3A_713 : vector<1x16xf32> to vector<16xf32>
        %add3A_715 = arith.addf %get3A_708, %get3A_714 : vector<16xf32>
        %get3A_716 = arith.index_cast %scan3A_704 : i32 to index
        %get3A_717 = arith.constant 0 : index
        %get3A_718 = tpu.vector_load %arg14[%get3A_716, %get3A_717] {strides = array<i32>} : memref<32x128xf32, #tpu.memory_space<vmem>>, vector<1x16xf32>,
        %get3A_719 = vector.shape_cast %get3A_718 : vector<1x16xf32> to vector<16xf32>
        %add3A_720 = arith.addf %add3A_715, %get3A_719 : vector<16xf32>
        %max3A_721 = arith.constant 0.000000e+00 : f32
        %max3A_722 = vector.broadcast %max3A_721 : f32 to vector<16xf32>
        %max3A_723 = arith.maximumf %add3A_720, %max3A_722 : vector<16xf32>
        %swap3A_724 = arith.index_cast %scan3A_704 : i32 to index
        %swap3A_725 = arith.constant 0 : index
        %swap3A_726 = tpu.vector_load %arg14[%swap3A_724, %swap3A_725] {strides = array<i32>} : memref<32x128xf32, #tpu.memory_space<vmem>>, vector<1x16xf32>,
        %swap3A_727 = vector.shape_cast %swap3A_726 : vector<1x16xf32> to vector<16xf32>
        %swap3A_728 = vector.shape_cast %max3A_723 : vector<16xf32> to vector<1x16xf32>
        tpu.vector_store %arg14[%swap3A_724, %swap3A_725], %swap3A_728 {strides = array<i32>} : memref<32x128xf32, #tpu.memory_space<vmem>>, vector<1x16xf32>,
        %get3A_729 = arith.index_cast %scan3A_704 : i32 to index
        %get3A_730 = arith.constant 16 : index
        %get3A_731 = tpu.vector_load %arg13[%get3A_729, %get3A_730] {strides = array<i32>} : memref<64x128xf32, #tpu.memory_space<vmem>>, vector<1x16xf32>,
        %get3A_732 = vector.shape_cast %get3A_731 : vector<1x16xf32> to vector<16xf32>
        %add3A_733 = arith.constant 32 : i32
        %add3A_734 = arith.addi %add3A_733, %scan3A_704 : i32
        %get3A_735 = arith.index_cast %add3A_734 : i32 to index
        %get3A_736 = arith.constant 16 : index
        %get3A_737 = tpu.vector_load %arg13[%get3A_735, %get3A_736] {strides = array<i32>} : memref<64x128xf32, #tpu.memory_space<vmem>>, vector<1x16xf32>,
        %get3A_738 = vector.shape_cast %get3A_737 : vector<1x16xf32> to vector<16xf32>
        %add3A_739 = arith.addf %get3A_732, %get3A_738 : vector<16xf32>
        %get3A_740 = arith.index_cast %scan3A_704 : i32 to index
        %get3A_741 = arith.constant 16 : index
        %get3A_742 = tpu.vector_load %arg14[%get3A_740, %get3A_741] {strides = array<i32>} : memref<32x128xf32, #tpu.memory_space<vmem>>, vector<1x16xf32>,
        %get3A_743 = vector.shape_cast %get3A_742 : vector<1x16xf32> to vector<16xf32>
        %add3A_744 = arith.addf %add3A_739, %get3A_743 : vector<16xf32>
        %max3A_745 = arith.constant 0.000000e+00 : f32
        %max3A_746 = vector.broadcast %max3A_745 : f32 to vector<16xf32>
        %max3A_747 = arith.maximumf %add3A_744, %max3A_746 : vector<16xf32>
        %swap3A_748 = arith.index_cast %scan3A_704 : i32 to index
        %swap3A_749 = arith.constant 16 : index
        %swap3A_750 = tpu.vector_load %arg14[%swap3A_748, %swap3A_749] {strides = array<i32>} : memref<32x128xf32, #tpu.memory_space<vmem>>, vector<1x16xf32>,
        %swap3A_751 = vector.shape_cast %swap3A_750 : vector<1x16xf32> to vector<16xf32>
        %swap3A_752 = vector.shape_cast %max3A_747 : vector<16xf32> to vector<1x16xf32>
        tpu.vector_store %arg14[%swap3A_748, %swap3A_749], %swap3A_752 {strides = array<i32>} : memref<32x128xf32, #tpu.memory_space<vmem>>, vector<1x16xf32>,
        %get3A_753 = arith.index_cast %scan3A_704 : i32 to index
        %get3A_754 = arith.constant 32 : index
        %get3A_755 = tpu.vector_load %arg13[%get3A_753, %get3A_754] {strides = array<i32>} : memref<64x128xf32, #tpu.memory_space<vmem>>, vector<1x16xf32>,
        %get3A_756 = vector.shape_cast %get3A_755 : vector<1x16xf32> to vector<16xf32>
        %add3A_757 = arith.constant 32 : i32
        %add3A_758 = arith.addi %add3A_757, %scan3A_704 : i32
        %get3A_759 = arith.index_cast %add3A_758 : i32 to index
        %get3A_760 = arith.constant 32 : index
        %get3A_761 = tpu.vector_load %arg13[%get3A_759, %get3A_760] {strides = array<i32>} : memref<64x128xf32, #tpu.memory_space<vmem>>, vector<1x16xf32>,
        %get3A_762 = vector.shape_cast %get3A_761 : vector<1x16xf32> to vector<16xf32>
        %add3A_763 = arith.addf %get3A_756, %get3A_762 : vector<16xf32>
        %get3A_764 = arith.index_cast %scan3A_704 : i32 to index
        %get3A_765 = arith.constant 32 : index
        %get3A_766 = tpu.vector_load %arg14[%get3A_764, %get3A_765] {strides = array<i32>} : memref<32x128xf32, #tpu.memory_space<vmem>>, vector<1x16xf32>,
        %get3A_767 = vector.shape_cast %get3A_766 : vector<1x16xf32> to vector<16xf32>
        %add3A_768 = arith.addf %add3A_763, %get3A_767 : vector<16xf32>
        %max3A_769 = arith.constant 0.000000e+00 : f32
        %max3A_770 = vector.broadcast %max3A_769 : f32 to vector<16xf32>
        %max3A_771 = arith.maximumf %add3A_768, %max3A_770 : vector<16xf32>
        %swap3A_772 = arith.index_cast %scan3A_704 : i32 to index
        %swap3A_773 = arith.constant 32 : index
        %swap3A_774 = tpu.vector_load %arg14[%swap3A_772, %swap3A_773] {strides = array<i32>} : memref<32x128xf32, #tpu.memory_space<vmem>>, vector<1x16xf32>,
        %swap3A_775 = vector.shape_cast %swap3A_774 : vector<1x16xf32> to vector<16xf32>
        %swap3A_776 = vector.shape_cast %max3A_771 : vector<16xf32> to vector<1x16xf32>
        tpu.vector_store %arg14[%swap3A_772, %swap3A_773], %swap3A_776 {strides = array<i32>} : memref<32x128xf32, #tpu.memory_space<vmem>>, vector<1x16xf32>,
        %get3A_777 = arith.index_cast %scan3A_704 : i32 to index
        %get3A_778 = arith.constant 48 : index
        %get3A_779 = tpu.vector_load %arg13[%get3A_777, %get3A_778] {strides = array<i32>} : memref<64x128xf32, #tpu.memory_space<vmem>>, vector<1x16xf32>,
        %get3A_780 = vector.shape_cast %get3A_779 : vector<1x16xf32> to vector<16xf32>
        %add3A_781 = arith.constant 32 : i32
        %add3A_782 = arith.addi %add3A_781, %scan3A_704 : i32
        %get3A_783 = arith.index_cast %add3A_782 : i32 to index
        %get3A_784 = arith.constant 48 : index
        %get3A_785 = tpu.vector_load %arg13[%get3A_783, %get3A_784] {strides = array<i32>} : memref<64x128xf32, #tpu.memory_space<vmem>>, vector<1x16xf32>,
        %get3A_786 = vector.shape_cast %get3A_785 : vector<1x16xf32> to vector<16xf32>
        %add3A_787 = arith.addf %get3A_780, %get3A_786 : vector<16xf32>
        %get3A_788 = arith.index_cast %scan3A_704 : i32 to index
        %get3A_789 = arith.constant 48 : index
        %get3A_790 = tpu.vector_load %arg14[%get3A_788, %get3A_789] {strides = array<i32>} : memref<32x128xf32, #tpu.memory_space<vmem>>, vector<1x16xf32>,
        %get3A_791 = vector.shape_cast %get3A_790 : vector<1x16xf32> to vector<16xf32>
        %add3A_792 = arith.addf %add3A_787, %get3A_791 : vector<16xf32>
        %max3A_793 = arith.constant 0.000000e+00 : f32
        %max3A_794 = vector.broadcast %max3A_793 : f32 to vector<16xf32>
        %max3A_795 = arith.maximumf %add3A_792, %max3A_794 : vector<16xf32>
        %swap3A_796 = arith.index_cast %scan3A_704 : i32 to index
        %swap3A_797 = arith.constant 48 : index
        %swap3A_798 = tpu.vector_load %arg14[%swap3A_796, %swap3A_797] {strides = array<i32>} : memref<32x128xf32, #tpu.memory_space<vmem>>, vector<1x16xf32>,
        %swap3A_799 = vector.shape_cast %swap3A_798 : vector<1x16xf32> to vector<16xf32>
        %swap3A_800 = vector.shape_cast %max3A_795 : vector<16xf32> to vector<1x16xf32>
        tpu.vector_store %arg14[%swap3A_796, %swap3A_797], %swap3A_800 {strides = array<i32>} : memref<32x128xf32, #tpu.memory_space<vmem>>, vector<1x16xf32>,
        %get3A_801 = arith.index_cast %scan3A_704 : i32 to index
        %get3A_802 = arith.constant 64 : index
        %get3A_803 = tpu.vector_load %arg13[%get3A_801, %get3A_802] {strides = array<i32>} : memref<64x128xf32, #tpu.memory_space<vmem>>, vector<1x16xf32>,
        %get3A_804 = vector.shape_cast %get3A_803 : vector<1x16xf32> to vector<16xf32>
        %add3A_805 = arith.constant 32 : i32
        %add3A_806 = arith.addi %add3A_805, %scan3A_704 : i32
        %get3A_807 = arith.index_cast %add3A_806 : i32 to index
        %get3A_808 = arith.constant 64 : index
        %get3A_809 = tpu.vector_load %arg13[%get3A_807, %get3A_808] {strides = array<i32>} : memref<64x128xf32, #tpu.memory_space<vmem>>, vector<1x16xf32>,
        %get3A_810 = vector.shape_cast %get3A_809 : vector<1x16xf32> to vector<16xf32>
        %add3A_811 = arith.addf %get3A_804, %get3A_810 : vector<16xf32>
        %get3A_812 = arith.index_cast %scan3A_704 : i32 to index
        %get3A_813 = arith.constant 64 : index
        %get3A_814 = tpu.vector_load %arg14[%get3A_812, %get3A_813] {strides = array<i32>} : memref<32x128xf32, #tpu.memory_space<vmem>>, vector<1x16xf32>,
        %get3A_815 = vector.shape_cast %get3A_814 : vector<1x16xf32> to vector<16xf32>
        %add3A_816 = arith.addf %add3A_811, %get3A_815 : vector<16xf32>
        %max3A_817 = arith.constant 0.000000e+00 : f32
        %max3A_818 = vector.broadcast %max3A_817 : f32 to vector<16xf32>
        %max3A_819 = arith.maximumf %add3A_816, %max3A_818 : vector<16xf32>
        %swap3A_820 = arith.index_cast %scan3A_704 : i32 to index
        %swap3A_821 = arith.constant 64 : index
        %swap3A_822 = tpu.vector_load %arg14[%swap3A_820, %swap3A_821] {strides = array<i32>} : memref<32x128xf32, #tpu.memory_space<vmem>>, vector<1x16xf32>,
        %swap3A_823 = vector.shape_cast %swap3A_822 : vector<1x16xf32> to vector<16xf32>
        %swap3A_824 = vector.shape_cast %max3A_819 : vector<16xf32> to vector<1x16xf32>
        tpu.vector_store %arg14[%swap3A_820, %swap3A_821], %swap3A_824 {strides = array<i32>} : memref<32x128xf32, #tpu.memory_space<vmem>>, vector<1x16xf32>,
        %get3A_825 = arith.index_cast %scan3A_704 : i32 to index
        %get3A_826 = arith.constant 80 : index
        %get3A_827 = tpu.vector_load %arg13[%get3A_825, %get3A_826] {strides = array<i32>} : memref<64x128xf32, #tpu.memory_space<vmem>>, vector<1x16xf32>,
        %get3A_828 = vector.shape_cast %get3A_827 : vector<1x16xf32> to vector<16xf32>
        %add3A_829 = arith.constant 32 : i32
        %add3A_830 = arith.addi %add3A_829, %scan3A_704 : i32
        %get3A_831 = arith.index_cast %add3A_830 : i32 to index
        %get3A_832 = arith.constant 80 : index
        %get3A_833 = tpu.vector_load %arg13[%get3A_831, %get3A_832] {strides = array<i32>} : memref<64x128xf32, #tpu.memory_space<vmem>>, vector<1x16xf32>,
        %get3A_834 = vector.shape_cast %get3A_833 : vector<1x16xf32> to vector<16xf32>
        %add3A_835 = arith.addf %get3A_828, %get3A_834 : vector<16xf32>
        %get3A_836 = arith.index_cast %scan3A_704 : i32 to index
        %get3A_837 = arith.constant 80 : index
        %get3A_838 = tpu.vector_load %arg14[%get3A_836, %get3A_837] {strides = array<i32>} : memref<32x128xf32, #tpu.memory_space<vmem>>, vector<1x16xf32>,
        %get3A_839 = vector.shape_cast %get3A_838 : vector<1x16xf32> to vector<16xf32>
        %add3A_840 = arith.addf %add3A_835, %get3A_839 : vector<16xf32>
        %max3A_841 = arith.constant 0.000000e+00 : f32
        %max3A_842 = vector.broadcast %max3A_841 : f32 to vector<16xf32>
        %max3A_843 = arith.maximumf %add3A_840, %max3A_842 : vector<16xf32>
        %swap3A_844 = arith.index_cast %scan3A_704 : i32 to index
        %swap3A_845 = arith.constant 80 : index
        %swap3A_846 = tpu.vector_load %arg14[%swap3A_844, %swap3A_845] {strides = array<i32>} : memref<32x128xf32, #tpu.memory_space<vmem>>, vector<1x16xf32>,
        %swap3A_847 = vector.shape_cast %swap3A_846 : vector<1x16xf32> to vector<16xf32>
        %swap3A_848 = vector.shape_cast %max3A_843 : vector<16xf32> to vector<1x16xf32>
        tpu.vector_store %arg14[%swap3A_844, %swap3A_845], %swap3A_848 {strides = array<i32>} : memref<32x128xf32, #tpu.memory_space<vmem>>, vector<1x16xf32>,
        %get3A_849 = arith.index_cast %scan3A_704 : i32 to index
        %get3A_850 = arith.constant 96 : index
        %get3A_851 = tpu.vector_load %arg13[%get3A_849, %get3A_850] {strides = array<i32>} : memref<64x128xf32, #tpu.memory_space<vmem>>, vector<1x16xf32>,
        %get3A_852 = vector.shape_cast %get3A_851 : vector<1x16xf32> to vector<16xf32>
        %add3A_853 = arith.constant 32 : i32
        %add3A_854 = arith.addi %add3A_853, %scan3A_704 : i32
        %get3A_855 = arith.index_cast %add3A_854 : i32 to index
        %get3A_856 = arith.constant 96 : index
        %get3A_857 = tpu.vector_load %arg13[%get3A_855, %get3A_856] {strides = array<i32>} : memref<64x128xf32, #tpu.memory_space<vmem>>, vector<1x16xf32>,
        %get3A_858 = vector.shape_cast %get3A_857 : vector<1x16xf32> to vector<16xf32>
        %add3A_859 = arith.addf %get3A_852, %get3A_858 : vector<16xf32>
        %get3A_860 = arith.index_cast %scan3A_704 : i32 to index
        %get3A_861 = arith.constant 96 : index
        %get3A_862 = tpu.vector_load %arg14[%get3A_860, %get3A_861] {strides = array<i32>} : memref<32x128xf32, #tpu.memory_space<vmem>>, vector<1x16xf32>,
        %get3A_863 = vector.shape_cast %get3A_862 : vector<1x16xf32> to vector<16xf32>
        %add3A_864 = arith.addf %add3A_859, %get3A_863 : vector<16xf32>
        %max3A_865 = arith.constant 0.000000e+00 : f32
        %max3A_866 = vector.broadcast %max3A_865 : f32 to vector<16xf32>
        %max3A_867 = arith.maximumf %add3A_864, %max3A_866 : vector<16xf32>
        %swap3A_868 = arith.index_cast %scan3A_704 : i32 to index
        %swap3A_869 = arith.constant 96 : index
        %swap3A_870 = tpu.vector_load %arg14[%swap3A_868, %swap3A_869] {strides = array<i32>} : memref<32x128xf32, #tpu.memory_space<vmem>>, vector<1x16xf32>,
        %swap3A_871 = vector.shape_cast %swap3A_870 : vector<1x16xf32> to vector<16xf32>
        %swap3A_872 = vector.shape_cast %max3A_867 : vector<16xf32> to vector<1x16xf32>
        tpu.vector_store %arg14[%swap3A_868, %swap3A_869], %swap3A_872 {strides = array<i32>} : memref<32x128xf32, #tpu.memory_space<vmem>>, vector<1x16xf32>,
        %get3A_873 = arith.index_cast %scan3A_704 : i32 to index
        %get3A_874 = arith.constant 112 : index
        %get3A_875 = tpu.vector_load %arg13[%get3A_873, %get3A_874] {strides = array<i32>} : memref<64x128xf32, #tpu.memory_space<vmem>>, vector<1x16xf32>,
        %get3A_876 = vector.shape_cast %get3A_875 : vector<1x16xf32> to vector<16xf32>
        %add3A_877 = arith.constant 32 : i32
        %add3A_878 = arith.addi %add3A_877, %scan3A_704 : i32
        %get3A_879 = arith.index_cast %add3A_878 : i32 to index
        %get3A_880 = arith.constant 112 : index
        %get3A_881 = tpu.vector_load %arg13[%get3A_879, %get3A_880] {strides = array<i32>} : memref<64x128xf32, #tpu.memory_space<vmem>>, vector<1x16xf32>,
        %get3A_882 = vector.shape_cast %get3A_881 : vector<1x16xf32> to vector<16xf32>
        %add3A_883 = arith.addf %get3A_876, %get3A_882 : vector<16xf32>
        %get3A_884 = arith.index_cast %scan3A_704 : i32 to index
        %get3A_885 = arith.constant 112 : index
        %get3A_886 = tpu.vector_load %arg14[%get3A_884, %get3A_885] {strides = array<i32>} : memref<32x128xf32, #tpu.memory_space<vmem>>, vector<1x16xf32>,
        %get3A_887 = vector.shape_cast %get3A_886 : vector<1x16xf32> to vector<16xf32>
        %add3A_888 = arith.addf %add3A_883, %get3A_887 : vector<16xf32>
        %max3A_889 = arith.constant 0.000000e+00 : f32
        %max3A_890 = vector.broadcast %max3A_889 : f32 to vector<16xf32>
        %max3A_891 = arith.maximumf %add3A_888, %max3A_890 : vector<16xf32>
        %swap3A_892 = arith.index_cast %scan3A_704 : i32 to index
        %swap3A_893 = arith.constant 112 : index
        %swap3A_894 = tpu.vector_load %arg14[%swap3A_892, %swap3A_893] {strides = array<i32>} : memref<32x128xf32, #tpu.memory_space<vmem>>, vector<1x16xf32>,
        %swap3A_895 = vector.shape_cast %swap3A_894 : vector<1x16xf32> to vector<16xf32>
        %swap3A_896 = vector.shape_cast %max3A_891 : vector<16xf32> to vector<1x16xf32>
        tpu.vector_store %arg14[%swap3A_892, %swap3A_893], %swap3A_896 {strides = array<i32>} : memref<32x128xf32, #tpu.memory_space<vmem>>, vector<1x16xf32>,
      }
      %scan3A_286 = arith.constant 32 : i32
      %dma_start3A_287 = arith.constant 3 : i32
      %dma_start3A_288 = arith.constant 0 : i32
      %dma_start3A_289 = tpu.memref_slice %arg9[%dma_start3A_287, %dma_start3A_288] : memref<4x32xi32, #tpu.memory_space<vmem>> -> memref<1x32xi32, #tpu.memory_space<vmem>>
      %dma_start3A_290 = tpu.memref_squeeze %dma_start3A_289 : memref<1x32xi32, #tpu.memory_space<vmem>> -> memref<32xi32, #tpu.memory_space<vmem>>
      %dma_start3A_291 = arith.constant 0 : i32
      %dma_start3A_292 = arith.constant 0 : i32
      %dma_start3A_293 = tpu.memref_slice %arg15[%dma_start3A_291, %dma_start3A_292] : memref<10240x128xf32, #tpu.memory_space<vmem_shared>> -> memref<10240x128xf32, #tpu.memory_space<vmem_shared>>
      tpu.enqueue_indirect_dma source(%arg14 : memref<32x128xf32, #tpu.memory_space<vmem>>) target(%dma_start3A_293 : memref<10240x128xf32, #tpu.memory_space<vmem_shared>>) offsets(%dma_start3A_290 : memref<32xi32, #tpu.memory_space<vmem>>) semaphore(%arg20 : memref<!tpu.dma_semaphore, #tpu.memory_space<semaphore_mem>>) {add = true}
      %mul3A_294 = arith.constant 8 : i32
      %mul3A_295 = arith.muli %mul3A_294, %scan3A_44 : i32
      %add3A_296 = arith.constant 4 : i32
      %add3A_297 = arith.addi %mul3A_295, %add3A_296 : i32
      %dma_start3A_298 = arith.constant 1 : i32
      %dma_start3A_299 = arith.constant 0 : i32
      %dma_start3A_300 = tpu.memref_slice %arg8[%dma_start3A_298, %dma_start3A_299] : memref<4x64xi32, #tpu.memory_space<vmem>> -> memref<1x64xi32, #tpu.memory_space<vmem>>
      %dma_start3A_301 = tpu.memref_squeeze %dma_start3A_300 : memref<1x64xi32, #tpu.memory_space<vmem>> -> memref<64xi32, #tpu.memory_space<vmem>>
      %dma_start3A_302 = arith.constant 0 : i32
      %dma_start3A_303 = arith.constant 0 : i32
      %dma_start3A_304 = tpu.memref_slice %arg2[%dma_start3A_302, %dma_start3A_303] : memref<20480x128xf32, #tpu.memory_space<hbm>> -> memref<20480x128xf32, #tpu.memory_space<hbm>>
      tpu.enqueue_indirect_dma source(%dma_start3A_304 : memref<20480x128xf32, #tpu.memory_space<hbm>>) target(%arg13 : memref<64x128xf32, #tpu.memory_space<vmem>>) offsets(%dma_start3A_301 : memref<64xi32, #tpu.memory_space<vmem>>) semaphore(%arg17 : memref<!tpu.dma_semaphore, #tpu.memory_space<semaphore_mem>>)
      %dma_wait3A_305 = arith.constant 0 : i32
      %dma_wait3A_306 = arith.constant 0 : i32
      %dma_wait3A_307 = tpu.memref_slice %arg8[%dma_wait3A_305, %dma_wait3A_306] : memref<4x64xi32, #tpu.memory_space<vmem>> -> memref<1x64xi32, #tpu.memory_space<vmem>>
      %dma_wait3A_308 = tpu.memref_squeeze %dma_wait3A_307 : memref<1x64xi32, #tpu.memory_space<vmem>> -> memref<64xi32, #tpu.memory_space<vmem>>
      %dma_wait3A_309 = arith.constant 0 : i32
      %dma_wait3A_310 = arith.constant 0 : i32
      %dma_wait3A_311 = tpu.memref_slice %arg2[%dma_wait3A_309, %dma_wait3A_310] : memref<20480x128xf32, #tpu.memory_space<hbm>> -> memref<20480x128xf32, #tpu.memory_space<hbm>>
      tpu.wait_indirect_dma semaphore(%arg16 : memref<!tpu.dma_semaphore, #tpu.memory_space<semaphore_mem>>) src(%dma_wait3A_311 : memref<20480x128xf32, #tpu.memory_space<hbm>>) dst(%arg11 : memref<64x128xf32, #tpu.memory_space<vmem>>)
      %mul3A_312 = arith.constant 32 : i32
      %mul3A_313 = arith.muli %add3A_297, %mul3A_312 : i32
      %add3A_314 = arith.addi %mul3A_2, %mul3A_313 : i32
      %dma_wait3A_315 = arith.constant 0 : i32
      %dma_wait3A_316 = tpu.memref_slice %arg3[%add3A_314, %dma_wait3A_315] : memref<163840x128xf32, #tpu.memory_space<hbm>> -> memref<32x128xf32, #tpu.memory_space<hbm>>
      %dma_wait3A_317 = arith.constant 0 : i32
      %dma_wait3A_318 = tpu.memref_slice %arg3[%add3A_314, %dma_wait3A_317] : memref<163840x128xf32, #tpu.memory_space<hbm>> -> memref<32x128xf32, #tpu.memory_space<hbm>>
      tpu.wait_dma2 semaphore(%arg16 : memref<!tpu.dma_semaphore, #tpu.memory_space<semaphore_mem>>) src(%dma_wait3A_318 : memref<32x128xf32, #tpu.memory_space<hbm>>) dst(%arg12 : memref<32x128xf32, #tpu.memory_space<vmem>>)
      %dma_wait3A_319 = arith.constant 3 : i32
      %dma_wait3A_320 = arith.constant 0 : i32
      %dma_wait3A_321 = tpu.memref_slice %arg9[%dma_wait3A_319, %dma_wait3A_320] : memref<4x32xi32, #tpu.memory_space<vmem>> -> memref<1x32xi32, #tpu.memory_space<vmem>>
      %dma_wait3A_322 = tpu.memref_squeeze %dma_wait3A_321 : memref<1x32xi32, #tpu.memory_space<vmem>> -> memref<32xi32, #tpu.memory_space<vmem>>
      %dma_wait3A_323 = arith.constant 0 : i32
      %dma_wait3A_324 = arith.constant 0 : i32
      %dma_wait3A_325 = tpu.memref_slice %arg15[%dma_wait3A_323, %dma_wait3A_324] : memref<10240x128xf32, #tpu.memory_space<vmem_shared>> -> memref<10240x128xf32, #tpu.memory_space<vmem_shared>>
      tpu.wait_indirect_dma semaphore(%arg20 : memref<!tpu.dma_semaphore, #tpu.memory_space<semaphore_mem>>) src(%arg14 : memref<32x128xf32, #tpu.memory_space<vmem>>) dst(%dma_wait3A_325 : memref<10240x128xf32, #tpu.memory_space<vmem_shared>>)
      %add3A_326 = arith.constant 1 : i32
      %add3A_327 = arith.addi %add3A_297, %add3A_326 : i32
      %mul3A_328 = arith.constant 32 : i32
      %mul3A_329 = arith.muli %add3A_327, %mul3A_328 : i32
      %add3A_330 = arith.addi %mul3A_2, %mul3A_329 : i32
      %dma_start3A_331 = arith.constant 0 : i32
      %dma_start3A_332 = tpu.memref_slice %arg3[%add3A_330, %dma_start3A_331] : memref<163840x128xf32, #tpu.memory_space<hbm>> -> memref<32x128xf32, #tpu.memory_space<hbm>>
      %dma_start3A_333 = arith.constant 0 : i32
      %dma_start3A_334 = tpu.memref_slice %arg3[%add3A_330, %dma_start3A_333] : memref<163840x128xf32, #tpu.memory_space<hbm>> -> memref<32x128xf32, #tpu.memory_space<hbm>>
      tpu.enqueue_dma source(%dma_start3A_334 : memref<32x128xf32, #tpu.memory_space<hbm>>) target(%arg14 : memref<32x128xf32, #tpu.memory_space<vmem>>) target_semaphore(%arg17 : memref<!tpu.dma_semaphore, #tpu.memory_space<semaphore_mem>>)
      %scan3A_335 = arith.constant 0 : i32
      %scan3A_336 = arith.constant 0 : i32
      %scan3A_337 = arith.constant 32 : i32
      %scan3A_338 = arith.addi %scan3A_336, %scan3A_337 : i32
      %scan3A_339 = arith.constant 2 : i32
      scf.for %scan3A_513 = %scan3A_336 to %scan3A_338 step %scan3A_339  : i32 {
        %get3A = arith.index_cast %scan3A_513 : i32 to index
        %get3A_514 = arith.constant 0 : index
        %get3A_515 = tpu.vector_load %arg11[%get3A, %get3A_514] {strides = array<i32>} : memref<64x128xf32, #tpu.memory_space<vmem>>, vector<1x16xf32>,
        %get3A_516 = vector.shape_cast %get3A_515 : vector<1x16xf32> to vector<16xf32>
        %add3A_517 = arith.constant 32 : i32
        %add3A_518 = arith.addi %add3A_517, %scan3A_513 : i32
        %get3A_519 = arith.index_cast %add3A_518 : i32 to index
        %get3A_520 = arith.constant 0 : index
        %get3A_521 = tpu.vector_load %arg11[%get3A_519, %get3A_520] {strides = array<i32>} : memref<64x128xf32, #tpu.memory_space<vmem>>, vector<1x16xf32>,
        %get3A_522 = vector.shape_cast %get3A_521 : vector<1x16xf32> to vector<16xf32>
        %add3A_523 = arith.addf %get3A_516, %get3A_522 : vector<16xf32>
        %get3A_524 = arith.index_cast %scan3A_513 : i32 to index
        %get3A_525 = arith.constant 0 : index
        %get3A_526 = tpu.vector_load %arg12[%get3A_524, %get3A_525] {strides = array<i32>} : memref<32x128xf32, #tpu.memory_space<vmem>>, vector<1x16xf32>,
        %get3A_527 = vector.shape_cast %get3A_526 : vector<1x16xf32> to vector<16xf32>
        %add3A_528 = arith.addf %add3A_523, %get3A_527 : vector<16xf32>
        %max3A = arith.constant 0.000000e+00 : f32
        %max3A_529 = vector.broadcast %max3A : f32 to vector<16xf32>
        %max3A_530 = arith.maximumf %add3A_528, %max3A_529 : vector<16xf32>
        %swap3A = arith.index_cast %scan3A_513 : i32 to index
        %swap3A_531 = arith.constant 0 : index
        %swap3A_532 = tpu.vector_load %arg12[%swap3A, %swap3A_531] {strides = array<i32>} : memref<32x128xf32, #tpu.memory_space<vmem>>, vector<1x16xf32>,
        %swap3A_533 = vector.shape_cast %swap3A_532 : vector<1x16xf32> to vector<16xf32>
        %swap3A_534 = vector.shape_cast %max3A_530 : vector<16xf32> to vector<1x16xf32>
        tpu.vector_store %arg12[%swap3A, %swap3A_531], %swap3A_534 {strides = array<i32>} : memref<32x128xf32, #tpu.memory_space<vmem>>, vector<1x16xf32>,
        %get3A_535 = arith.index_cast %scan3A_513 : i32 to index
        %get3A_536 = arith.constant 16 : index
        %get3A_537 = tpu.vector_load %arg11[%get3A_535, %get3A_536] {strides = array<i32>} : memref<64x128xf32, #tpu.memory_space<vmem>>, vector<1x16xf32>,
        %get3A_538 = vector.shape_cast %get3A_537 : vector<1x16xf32> to vector<16xf32>
        %add3A_539 = arith.constant 32 : i32
        %add3A_540 = arith.addi %add3A_539, %scan3A_513 : i32
        %get3A_541 = arith.index_cast %add3A_540 : i32 to index
        %get3A_542 = arith.constant 16 : index
        %get3A_543 = tpu.vector_load %arg11[%get3A_541, %get3A_542] {strides = array<i32>} : memref<64x128xf32, #tpu.memory_space<vmem>>, vector<1x16xf32>,
        %get3A_544 = vector.shape_cast %get3A_543 : vector<1x16xf32> to vector<16xf32>
        %add3A_545 = arith.addf %get3A_538, %get3A_544 : vector<16xf32>
        %get3A_546 = arith.index_cast %scan3A_513 : i32 to index
        %get3A_547 = arith.constant 16 : index
        %get3A_548 = tpu.vector_load %arg12[%get3A_546, %get3A_547] {strides = array<i32>} : memref<32x128xf32, #tpu.memory_space<vmem>>, vector<1x16xf32>,
        %get3A_549 = vector.shape_cast %get3A_548 : vector<1x16xf32> to vector<16xf32>
        %add3A_550 = arith.addf %add3A_545, %get3A_549 : vector<16xf32>
        %max3A_551 = arith.constant 0.000000e+00 : f32
        %max3A_552 = vector.broadcast %max3A_551 : f32 to vector<16xf32>
        %max3A_553 = arith.maximumf %add3A_550, %max3A_552 : vector<16xf32>
        %swap3A_554 = arith.index_cast %scan3A_513 : i32 to index
        %swap3A_555 = arith.constant 16 : index
        %swap3A_556 = tpu.vector_load %arg12[%swap3A_554, %swap3A_555] {strides = array<i32>} : memref<32x128xf32, #tpu.memory_space<vmem>>, vector<1x16xf32>,
        %swap3A_557 = vector.shape_cast %swap3A_556 : vector<1x16xf32> to vector<16xf32>
        %swap3A_558 = vector.shape_cast %max3A_553 : vector<16xf32> to vector<1x16xf32>
        tpu.vector_store %arg12[%swap3A_554, %swap3A_555], %swap3A_558 {strides = array<i32>} : memref<32x128xf32, #tpu.memory_space<vmem>>, vector<1x16xf32>,
        %get3A_559 = arith.index_cast %scan3A_513 : i32 to index
        %get3A_560 = arith.constant 32 : index
        %get3A_561 = tpu.vector_load %arg11[%get3A_559, %get3A_560] {strides = array<i32>} : memref<64x128xf32, #tpu.memory_space<vmem>>, vector<1x16xf32>,
        %get3A_562 = vector.shape_cast %get3A_561 : vector<1x16xf32> to vector<16xf32>
        %add3A_563 = arith.constant 32 : i32
        %add3A_564 = arith.addi %add3A_563, %scan3A_513 : i32
        %get3A_565 = arith.index_cast %add3A_564 : i32 to index
        %get3A_566 = arith.constant 32 : index
        %get3A_567 = tpu.vector_load %arg11[%get3A_565, %get3A_566] {strides = array<i32>} : memref<64x128xf32, #tpu.memory_space<vmem>>, vector<1x16xf32>,
        %get3A_568 = vector.shape_cast %get3A_567 : vector<1x16xf32> to vector<16xf32>
        %add3A_569 = arith.addf %get3A_562, %get3A_568 : vector<16xf32>
        %get3A_570 = arith.index_cast %scan3A_513 : i32 to index
        %get3A_571 = arith.constant 32 : index
        %get3A_572 = tpu.vector_load %arg12[%get3A_570, %get3A_571] {strides = array<i32>} : memref<32x128xf32, #tpu.memory_space<vmem>>, vector<1x16xf32>,
        %get3A_573 = vector.shape_cast %get3A_572 : vector<1x16xf32> to vector<16xf32>
        %add3A_574 = arith.addf %add3A_569, %get3A_573 : vector<16xf32>
        %max3A_575 = arith.constant 0.000000e+00 : f32
        %max3A_576 = vector.broadcast %max3A_575 : f32 to vector<16xf32>
        %max3A_577 = arith.maximumf %add3A_574, %max3A_576 : vector<16xf32>
        %swap3A_578 = arith.index_cast %scan3A_513 : i32 to index
        %swap3A_579 = arith.constant 32 : index
        %swap3A_580 = tpu.vector_load %arg12[%swap3A_578, %swap3A_579] {strides = array<i32>} : memref<32x128xf32, #tpu.memory_space<vmem>>, vector<1x16xf32>,
        %swap3A_581 = vector.shape_cast %swap3A_580 : vector<1x16xf32> to vector<16xf32>
        %swap3A_582 = vector.shape_cast %max3A_577 : vector<16xf32> to vector<1x16xf32>
        tpu.vector_store %arg12[%swap3A_578, %swap3A_579], %swap3A_582 {strides = array<i32>} : memref<32x128xf32, #tpu.memory_space<vmem>>, vector<1x16xf32>,
        %get3A_583 = arith.index_cast %scan3A_513 : i32 to index
        %get3A_584 = arith.constant 48 : index
        %get3A_585 = tpu.vector_load %arg11[%get3A_583, %get3A_584] {strides = array<i32>} : memref<64x128xf32, #tpu.memory_space<vmem>>, vector<1x16xf32>,
        %get3A_586 = vector.shape_cast %get3A_585 : vector<1x16xf32> to vector<16xf32>
        %add3A_587 = arith.constant 32 : i32
        %add3A_588 = arith.addi %add3A_587, %scan3A_513 : i32
        %get3A_589 = arith.index_cast %add3A_588 : i32 to index
        %get3A_590 = arith.constant 48 : index
        %get3A_591 = tpu.vector_load %arg11[%get3A_589, %get3A_590] {strides = array<i32>} : memref<64x128xf32, #tpu.memory_space<vmem>>, vector<1x16xf32>,
        %get3A_592 = vector.shape_cast %get3A_591 : vector<1x16xf32> to vector<16xf32>
        %add3A_593 = arith.addf %get3A_586, %get3A_592 : vector<16xf32>
        %get3A_594 = arith.index_cast %scan3A_513 : i32 to index
        %get3A_595 = arith.constant 48 : index
        %get3A_596 = tpu.vector_load %arg12[%get3A_594, %get3A_595] {strides = array<i32>} : memref<32x128xf32, #tpu.memory_space<vmem>>, vector<1x16xf32>,
        %get3A_597 = vector.shape_cast %get3A_596 : vector<1x16xf32> to vector<16xf32>
        %add3A_598 = arith.addf %add3A_593, %get3A_597 : vector<16xf32>
        %max3A_599 = arith.constant 0.000000e+00 : f32
        %max3A_600 = vector.broadcast %max3A_599 : f32 to vector<16xf32>
        %max3A_601 = arith.maximumf %add3A_598, %max3A_600 : vector<16xf32>
        %swap3A_602 = arith.index_cast %scan3A_513 : i32 to index
        %swap3A_603 = arith.constant 48 : index
        %swap3A_604 = tpu.vector_load %arg12[%swap3A_602, %swap3A_603] {strides = array<i32>} : memref<32x128xf32, #tpu.memory_space<vmem>>, vector<1x16xf32>,
        %swap3A_605 = vector.shape_cast %swap3A_604 : vector<1x16xf32> to vector<16xf32>
        %swap3A_606 = vector.shape_cast %max3A_601 : vector<16xf32> to vector<1x16xf32>
        tpu.vector_store %arg12[%swap3A_602, %swap3A_603], %swap3A_606 {strides = array<i32>} : memref<32x128xf32, #tpu.memory_space<vmem>>, vector<1x16xf32>,
        %get3A_607 = arith.index_cast %scan3A_513 : i32 to index
        %get3A_608 = arith.constant 64 : index
        %get3A_609 = tpu.vector_load %arg11[%get3A_607, %get3A_608] {strides = array<i32>} : memref<64x128xf32, #tpu.memory_space<vmem>>, vector<1x16xf32>,
        %get3A_610 = vector.shape_cast %get3A_609 : vector<1x16xf32> to vector<16xf32>
        %add3A_611 = arith.constant 32 : i32
        %add3A_612 = arith.addi %add3A_611, %scan3A_513 : i32
        %get3A_613 = arith.index_cast %add3A_612 : i32 to index
        %get3A_614 = arith.constant 64 : index
        %get3A_615 = tpu.vector_load %arg11[%get3A_613, %get3A_614] {strides = array<i32>} : memref<64x128xf32, #tpu.memory_space<vmem>>, vector<1x16xf32>,
        %get3A_616 = vector.shape_cast %get3A_615 : vector<1x16xf32> to vector<16xf32>
        %add3A_617 = arith.addf %get3A_610, %get3A_616 : vector<16xf32>
        %get3A_618 = arith.index_cast %scan3A_513 : i32 to index
        %get3A_619 = arith.constant 64 : index
        %get3A_620 = tpu.vector_load %arg12[%get3A_618, %get3A_619] {strides = array<i32>} : memref<32x128xf32, #tpu.memory_space<vmem>>, vector<1x16xf32>,
        %get3A_621 = vector.shape_cast %get3A_620 : vector<1x16xf32> to vector<16xf32>
        %add3A_622 = arith.addf %add3A_617, %get3A_621 : vector<16xf32>
        %max3A_623 = arith.constant 0.000000e+00 : f32
        %max3A_624 = vector.broadcast %max3A_623 : f32 to vector<16xf32>
        %max3A_625 = arith.maximumf %add3A_622, %max3A_624 : vector<16xf32>
        %swap3A_626 = arith.index_cast %scan3A_513 : i32 to index
        %swap3A_627 = arith.constant 64 : index
        %swap3A_628 = tpu.vector_load %arg12[%swap3A_626, %swap3A_627] {strides = array<i32>} : memref<32x128xf32, #tpu.memory_space<vmem>>, vector<1x16xf32>,
        %swap3A_629 = vector.shape_cast %swap3A_628 : vector<1x16xf32> to vector<16xf32>
        %swap3A_630 = vector.shape_cast %max3A_625 : vector<16xf32> to vector<1x16xf32>
        tpu.vector_store %arg12[%swap3A_626, %swap3A_627], %swap3A_630 {strides = array<i32>} : memref<32x128xf32, #tpu.memory_space<vmem>>, vector<1x16xf32>,
        %get3A_631 = arith.index_cast %scan3A_513 : i32 to index
        %get3A_632 = arith.constant 80 : index
        %get3A_633 = tpu.vector_load %arg11[%get3A_631, %get3A_632] {strides = array<i32>} : memref<64x128xf32, #tpu.memory_space<vmem>>, vector<1x16xf32>,
        %get3A_634 = vector.shape_cast %get3A_633 : vector<1x16xf32> to vector<16xf32>
        %add3A_635 = arith.constant 32 : i32
        %add3A_636 = arith.addi %add3A_635, %scan3A_513 : i32
        %get3A_637 = arith.index_cast %add3A_636 : i32 to index
        %get3A_638 = arith.constant 80 : index
        %get3A_639 = tpu.vector_load %arg11[%get3A_637, %get3A_638] {strides = array<i32>} : memref<64x128xf32, #tpu.memory_space<vmem>>, vector<1x16xf32>,
        %get3A_640 = vector.shape_cast %get3A_639 : vector<1x16xf32> to vector<16xf32>
        %add3A_641 = arith.addf %get3A_634, %get3A_640 : vector<16xf32>
        %get3A_642 = arith.index_cast %scan3A_513 : i32 to index
        %get3A_643 = arith.constant 80 : index
        %get3A_644 = tpu.vector_load %arg12[%get3A_642, %get3A_643] {strides = array<i32>} : memref<32x128xf32, #tpu.memory_space<vmem>>, vector<1x16xf32>,
        %get3A_645 = vector.shape_cast %get3A_644 : vector<1x16xf32> to vector<16xf32>
        %add3A_646 = arith.addf %add3A_641, %get3A_645 : vector<16xf32>
        %max3A_647 = arith.constant 0.000000e+00 : f32
        %max3A_648 = vector.broadcast %max3A_647 : f32 to vector<16xf32>
        %max3A_649 = arith.maximumf %add3A_646, %max3A_648 : vector<16xf32>
        %swap3A_650 = arith.index_cast %scan3A_513 : i32 to index
        %swap3A_651 = arith.constant 80 : index
        %swap3A_652 = tpu.vector_load %arg12[%swap3A_650, %swap3A_651] {strides = array<i32>} : memref<32x128xf32, #tpu.memory_space<vmem>>, vector<1x16xf32>,
        %swap3A_653 = vector.shape_cast %swap3A_652 : vector<1x16xf32> to vector<16xf32>
        %swap3A_654 = vector.shape_cast %max3A_649 : vector<16xf32> to vector<1x16xf32>
        tpu.vector_store %arg12[%swap3A_650, %swap3A_651], %swap3A_654 {strides = array<i32>} : memref<32x128xf32, #tpu.memory_space<vmem>>, vector<1x16xf32>,
        %get3A_655 = arith.index_cast %scan3A_513 : i32 to index
        %get3A_656 = arith.constant 96 : index
        %get3A_657 = tpu.vector_load %arg11[%get3A_655, %get3A_656] {strides = array<i32>} : memref<64x128xf32, #tpu.memory_space<vmem>>, vector<1x16xf32>,
        %get3A_658 = vector.shape_cast %get3A_657 : vector<1x16xf32> to vector<16xf32>
        %add3A_659 = arith.constant 32 : i32
        %add3A_660 = arith.addi %add3A_659, %scan3A_513 : i32
        %get3A_661 = arith.index_cast %add3A_660 : i32 to index
        %get3A_662 = arith.constant 96 : index
        %get3A_663 = tpu.vector_load %arg11[%get3A_661, %get3A_662] {strides = array<i32>} : memref<64x128xf32, #tpu.memory_space<vmem>>, vector<1x16xf32>,
        %get3A_664 = vector.shape_cast %get3A_663 : vector<1x16xf32> to vector<16xf32>
        %add3A_665 = arith.addf %get3A_658, %get3A_664 : vector<16xf32>
        %get3A_666 = arith.index_cast %scan3A_513 : i32 to index
        %get3A_667 = arith.constant 96 : index
        %get3A_668 = tpu.vector_load %arg12[%get3A_666, %get3A_667] {strides = array<i32>} : memref<32x128xf32, #tpu.memory_space<vmem>>, vector<1x16xf32>,
        %get3A_669 = vector.shape_cast %get3A_668 : vector<1x16xf32> to vector<16xf32>
        %add3A_670 = arith.addf %add3A_665, %get3A_669 : vector<16xf32>
        %max3A_671 = arith.constant 0.000000e+00 : f32
        %max3A_672 = vector.broadcast %max3A_671 : f32 to vector<16xf32>
        %max3A_673 = arith.maximumf %add3A_670, %max3A_672 : vector<16xf32>
        %swap3A_674 = arith.index_cast %scan3A_513 : i32 to index
        %swap3A_675 = arith.constant 96 : index
        %swap3A_676 = tpu.vector_load %arg12[%swap3A_674, %swap3A_675] {strides = array<i32>} : memref<32x128xf32, #tpu.memory_space<vmem>>, vector<1x16xf32>,
        %swap3A_677 = vector.shape_cast %swap3A_676 : vector<1x16xf32> to vector<16xf32>
        %swap3A_678 = vector.shape_cast %max3A_673 : vector<16xf32> to vector<1x16xf32>
        tpu.vector_store %arg12[%swap3A_674, %swap3A_675], %swap3A_678 {strides = array<i32>} : memref<32x128xf32, #tpu.memory_space<vmem>>, vector<1x16xf32>,
        %get3A_679 = arith.index_cast %scan3A_513 : i32 to index
        %get3A_680 = arith.constant 112 : index
        %get3A_681 = tpu.vector_load %arg11[%get3A_679, %get3A_680] {strides = array<i32>} : memref<64x128xf32, #tpu.memory_space<vmem>>, vector<1x16xf32>,
        %get3A_682 = vector.shape_cast %get3A_681 : vector<1x16xf32> to vector<16xf32>
        %add3A_683 = arith.constant 32 : i32
        %add3A_684 = arith.addi %add3A_683, %scan3A_513 : i32
        %get3A_685 = arith.index_cast %add3A_684 : i32 to index
        %get3A_686 = arith.constant 112 : index
        %get3A_687 = tpu.vector_load %arg11[%get3A_685, %get3A_686] {strides = array<i32>} : memref<64x128xf32, #tpu.memory_space<vmem>>, vector<1x16xf32>,
        %get3A_688 = vector.shape_cast %get3A_687 : vector<1x16xf32> to vector<16xf32>
        %add3A_689 = arith.addf %get3A_682, %get3A_688 : vector<16xf32>
        %get3A_690 = arith.index_cast %scan3A_513 : i32 to index
        %get3A_691 = arith.constant 112 : index
        %get3A_692 = tpu.vector_load %arg12[%get3A_690, %get3A_691] {strides = array<i32>} : memref<32x128xf32, #tpu.memory_space<vmem>>, vector<1x16xf32>,
        %get3A_693 = vector.shape_cast %get3A_692 : vector<1x16xf32> to vector<16xf32>
        %add3A_694 = arith.addf %add3A_689, %get3A_693 : vector<16xf32>
        %max3A_695 = arith.constant 0.000000e+00 : f32
        %max3A_696 = vector.broadcast %max3A_695 : f32 to vector<16xf32>
        %max3A_697 = arith.maximumf %add3A_694, %max3A_696 : vector<16xf32>
        %swap3A_698 = arith.index_cast %scan3A_513 : i32 to index
        %swap3A_699 = arith.constant 112 : index
        %swap3A_700 = tpu.vector_load %arg12[%swap3A_698, %swap3A_699] {strides = array<i32>} : memref<32x128xf32, #tpu.memory_space<vmem>>, vector<1x16xf32>,
        %swap3A_701 = vector.shape_cast %swap3A_700 : vector<1x16xf32> to vector<16xf32>
        %swap3A_702 = vector.shape_cast %max3A_697 : vector<16xf32> to vector<1x16xf32>
        tpu.vector_store %arg12[%swap3A_698, %swap3A_699], %swap3A_702 {strides = array<i32>} : memref<32x128xf32, #tpu.memory_space<vmem>>, vector<1x16xf32>,
        %scan3A_703 = arith.constant 1 : i32
        %scan3A_704 = arith.addi %scan3A_513, %scan3A_703 : i32
        %get3A_705 = arith.index_cast %scan3A_704 : i32 to index
        %get3A_706 = arith.constant 0 : index
        %get3A_707 = tpu.vector_load %arg11[%get3A_705, %get3A_706] {strides = array<i32>} : memref<64x128xf32, #tpu.memory_space<vmem>>, vector<1x16xf32>,
        %get3A_708 = vector.shape_cast %get3A_707 : vector<1x16xf32> to vector<16xf32>
        %add3A_709 = arith.constant 32 : i32
        %add3A_710 = arith.addi %add3A_709, %scan3A_704 : i32
        %get3A_711 = arith.index_cast %add3A_710 : i32 to index
        %get3A_712 = arith.constant 0 : index
        %get3A_713 = tpu.vector_load %arg11[%get3A_711, %get3A_712] {strides = array<i32>} : memref<64x128xf32, #tpu.memory_space<vmem>>, vector<1x16xf32>,
        %get3A_714 = vector.shape_cast %get3A_713 : vector<1x16xf32> to vector<16xf32>
        %add3A_715 = arith.addf %get3A_708, %get3A_714 : vector<16xf32>
        %get3A_716 = arith.index_cast %scan3A_704 : i32 to index
        %get3A_717 = arith.constant 0 : index
        %get3A_718 = tpu.vector_load %arg12[%get3A_716, %get3A_717] {strides = array<i32>} : memref<32x128xf32, #tpu.memory_space<vmem>>, vector<1x16xf32>,
        %get3A_719 = vector.shape_cast %get3A_718 : vector<1x16xf32> to vector<16xf32>
        %add3A_720 = arith.addf %add3A_715, %get3A_719 : vector<16xf32>
        %max3A_721 = arith.constant 0.000000e+00 : f32
        %max3A_722 = vector.broadcast %max3A_721 : f32 to vector<16xf32>
        %max3A_723 = arith.maximumf %add3A_720, %max3A_722 : vector<16xf32>
        %swap3A_724 = arith.index_cast %scan3A_704 : i32 to index
        %swap3A_725 = arith.constant 0 : index
        %swap3A_726 = tpu.vector_load %arg12[%swap3A_724, %swap3A_725] {strides = array<i32>} : memref<32x128xf32, #tpu.memory_space<vmem>>, vector<1x16xf32>,
        %swap3A_727 = vector.shape_cast %swap3A_726 : vector<1x16xf32> to vector<16xf32>
        %swap3A_728 = vector.shape_cast %max3A_723 : vector<16xf32> to vector<1x16xf32>
        tpu.vector_store %arg12[%swap3A_724, %swap3A_725], %swap3A_728 {strides = array<i32>} : memref<32x128xf32, #tpu.memory_space<vmem>>, vector<1x16xf32>,
        %get3A_729 = arith.index_cast %scan3A_704 : i32 to index
        %get3A_730 = arith.constant 16 : index
        %get3A_731 = tpu.vector_load %arg11[%get3A_729, %get3A_730] {strides = array<i32>} : memref<64x128xf32, #tpu.memory_space<vmem>>, vector<1x16xf32>,
        %get3A_732 = vector.shape_cast %get3A_731 : vector<1x16xf32> to vector<16xf32>
        %add3A_733 = arith.constant 32 : i32
        %add3A_734 = arith.addi %add3A_733, %scan3A_704 : i32
        %get3A_735 = arith.index_cast %add3A_734 : i32 to index
        %get3A_736 = arith.constant 16 : index
        %get3A_737 = tpu.vector_load %arg11[%get3A_735, %get3A_736] {strides = array<i32>} : memref<64x128xf32, #tpu.memory_space<vmem>>, vector<1x16xf32>,
        %get3A_738 = vector.shape_cast %get3A_737 : vector<1x16xf32> to vector<16xf32>
        %add3A_739 = arith.addf %get3A_732, %get3A_738 : vector<16xf32>
        %get3A_740 = arith.index_cast %scan3A_704 : i32 to index
        %get3A_741 = arith.constant 16 : index
        %get3A_742 = tpu.vector_load %arg12[%get3A_740, %get3A_741] {strides = array<i32>} : memref<32x128xf32, #tpu.memory_space<vmem>>, vector<1x16xf32>,
        %get3A_743 = vector.shape_cast %get3A_742 : vector<1x16xf32> to vector<16xf32>
        %add3A_744 = arith.addf %add3A_739, %get3A_743 : vector<16xf32>
        %max3A_745 = arith.constant 0.000000e+00 : f32
        %max3A_746 = vector.broadcast %max3A_745 : f32 to vector<16xf32>
        %max3A_747 = arith.maximumf %add3A_744, %max3A_746 : vector<16xf32>
        %swap3A_748 = arith.index_cast %scan3A_704 : i32 to index
        %swap3A_749 = arith.constant 16 : index
        %swap3A_750 = tpu.vector_load %arg12[%swap3A_748, %swap3A_749] {strides = array<i32>} : memref<32x128xf32, #tpu.memory_space<vmem>>, vector<1x16xf32>,
        %swap3A_751 = vector.shape_cast %swap3A_750 : vector<1x16xf32> to vector<16xf32>
        %swap3A_752 = vector.shape_cast %max3A_747 : vector<16xf32> to vector<1x16xf32>
        tpu.vector_store %arg12[%swap3A_748, %swap3A_749], %swap3A_752 {strides = array<i32>} : memref<32x128xf32, #tpu.memory_space<vmem>>, vector<1x16xf32>,
        %get3A_753 = arith.index_cast %scan3A_704 : i32 to index
        %get3A_754 = arith.constant 32 : index
        %get3A_755 = tpu.vector_load %arg11[%get3A_753, %get3A_754] {strides = array<i32>} : memref<64x128xf32, #tpu.memory_space<vmem>>, vector<1x16xf32>,
        %get3A_756 = vector.shape_cast %get3A_755 : vector<1x16xf32> to vector<16xf32>
        %add3A_757 = arith.constant 32 : i32
        %add3A_758 = arith.addi %add3A_757, %scan3A_704 : i32
        %get3A_759 = arith.index_cast %add3A_758 : i32 to index
        %get3A_760 = arith.constant 32 : index
        %get3A_761 = tpu.vector_load %arg11[%get3A_759, %get3A_760] {strides = array<i32>} : memref<64x128xf32, #tpu.memory_space<vmem>>, vector<1x16xf32>,
        %get3A_762 = vector.shape_cast %get3A_761 : vector<1x16xf32> to vector<16xf32>
        %add3A_763 = arith.addf %get3A_756, %get3A_762 : vector<16xf32>
        %get3A_764 = arith.index_cast %scan3A_704 : i32 to index
        %get3A_765 = arith.constant 32 : index
        %get3A_766 = tpu.vector_load %arg12[%get3A_764, %get3A_765] {strides = array<i32>} : memref<32x128xf32, #tpu.memory_space<vmem>>, vector<1x16xf32>,
        %get3A_767 = vector.shape_cast %get3A_766 : vector<1x16xf32> to vector<16xf32>
        %add3A_768 = arith.addf %add3A_763, %get3A_767 : vector<16xf32>
        %max3A_769 = arith.constant 0.000000e+00 : f32
        %max3A_770 = vector.broadcast %max3A_769 : f32 to vector<16xf32>
        %max3A_771 = arith.maximumf %add3A_768, %max3A_770 : vector<16xf32>
        %swap3A_772 = arith.index_cast %scan3A_704 : i32 to index
        %swap3A_773 = arith.constant 32 : index
        %swap3A_774 = tpu.vector_load %arg12[%swap3A_772, %swap3A_773] {strides = array<i32>} : memref<32x128xf32, #tpu.memory_space<vmem>>, vector<1x16xf32>,
        %swap3A_775 = vector.shape_cast %swap3A_774 : vector<1x16xf32> to vector<16xf32>
        %swap3A_776 = vector.shape_cast %max3A_771 : vector<16xf32> to vector<1x16xf32>
        tpu.vector_store %arg12[%swap3A_772, %swap3A_773], %swap3A_776 {strides = array<i32>} : memref<32x128xf32, #tpu.memory_space<vmem>>, vector<1x16xf32>,
        %get3A_777 = arith.index_cast %scan3A_704 : i32 to index
        %get3A_778 = arith.constant 48 : index
        %get3A_779 = tpu.vector_load %arg11[%get3A_777, %get3A_778] {strides = array<i32>} : memref<64x128xf32, #tpu.memory_space<vmem>>, vector<1x16xf32>,
        %get3A_780 = vector.shape_cast %get3A_779 : vector<1x16xf32> to vector<16xf32>
        %add3A_781 = arith.constant 32 : i32
        %add3A_782 = arith.addi %add3A_781, %scan3A_704 : i32
        %get3A_783 = arith.index_cast %add3A_782 : i32 to index
        %get3A_784 = arith.constant 48 : index
        %get3A_785 = tpu.vector_load %arg11[%get3A_783, %get3A_784] {strides = array<i32>} : memref<64x128xf32, #tpu.memory_space<vmem>>, vector<1x16xf32>,
        %get3A_786 = vector.shape_cast %get3A_785 : vector<1x16xf32> to vector<16xf32>
        %add3A_787 = arith.addf %get3A_780, %get3A_786 : vector<16xf32>
        %get3A_788 = arith.index_cast %scan3A_704 : i32 to index
        %get3A_789 = arith.constant 48 : index
        %get3A_790 = tpu.vector_load %arg12[%get3A_788, %get3A_789] {strides = array<i32>} : memref<32x128xf32, #tpu.memory_space<vmem>>, vector<1x16xf32>,
        %get3A_791 = vector.shape_cast %get3A_790 : vector<1x16xf32> to vector<16xf32>
        %add3A_792 = arith.addf %add3A_787, %get3A_791 : vector<16xf32>
        %max3A_793 = arith.constant 0.000000e+00 : f32
        %max3A_794 = vector.broadcast %max3A_793 : f32 to vector<16xf32>
        %max3A_795 = arith.maximumf %add3A_792, %max3A_794 : vector<16xf32>
        %swap3A_796 = arith.index_cast %scan3A_704 : i32 to index
        %swap3A_797 = arith.constant 48 : index
        %swap3A_798 = tpu.vector_load %arg12[%swap3A_796, %swap3A_797] {strides = array<i32>} : memref<32x128xf32, #tpu.memory_space<vmem>>, vector<1x16xf32>,
        %swap3A_799 = vector.shape_cast %swap3A_798 : vector<1x16xf32> to vector<16xf32>
        %swap3A_800 = vector.shape_cast %max3A_795 : vector<16xf32> to vector<1x16xf32>
        tpu.vector_store %arg12[%swap3A_796, %swap3A_797], %swap3A_800 {strides = array<i32>} : memref<32x128xf32, #tpu.memory_space<vmem>>, vector<1x16xf32>,
        %get3A_801 = arith.index_cast %scan3A_704 : i32 to index
        %get3A_802 = arith.constant 64 : index
        %get3A_803 = tpu.vector_load %arg11[%get3A_801, %get3A_802] {strides = array<i32>} : memref<64x128xf32, #tpu.memory_space<vmem>>, vector<1x16xf32>,
        %get3A_804 = vector.shape_cast %get3A_803 : vector<1x16xf32> to vector<16xf32>
        %add3A_805 = arith.constant 32 : i32
        %add3A_806 = arith.addi %add3A_805, %scan3A_704 : i32
        %get3A_807 = arith.index_cast %add3A_806 : i32 to index
        %get3A_808 = arith.constant 64 : index
        %get3A_809 = tpu.vector_load %arg11[%get3A_807, %get3A_808] {strides = array<i32>} : memref<64x128xf32, #tpu.memory_space<vmem>>, vector<1x16xf32>,
        %get3A_810 = vector.shape_cast %get3A_809 : vector<1x16xf32> to vector<16xf32>
        %add3A_811 = arith.addf %get3A_804, %get3A_810 : vector<16xf32>
        %get3A_812 = arith.index_cast %scan3A_704 : i32 to index
        %get3A_813 = arith.constant 64 : index
        %get3A_814 = tpu.vector_load %arg12[%get3A_812, %get3A_813] {strides = array<i32>} : memref<32x128xf32, #tpu.memory_space<vmem>>, vector<1x16xf32>,
        %get3A_815 = vector.shape_cast %get3A_814 : vector<1x16xf32> to vector<16xf32>
        %add3A_816 = arith.addf %add3A_811, %get3A_815 : vector<16xf32>
        %max3A_817 = arith.constant 0.000000e+00 : f32
        %max3A_818 = vector.broadcast %max3A_817 : f32 to vector<16xf32>
        %max3A_819 = arith.maximumf %add3A_816, %max3A_818 : vector<16xf32>
        %swap3A_820 = arith.index_cast %scan3A_704 : i32 to index
        %swap3A_821 = arith.constant 64 : index
        %swap3A_822 = tpu.vector_load %arg12[%swap3A_820, %swap3A_821] {strides = array<i32>} : memref<32x128xf32, #tpu.memory_space<vmem>>, vector<1x16xf32>,
        %swap3A_823 = vector.shape_cast %swap3A_822 : vector<1x16xf32> to vector<16xf32>
        %swap3A_824 = vector.shape_cast %max3A_819 : vector<16xf32> to vector<1x16xf32>
        tpu.vector_store %arg12[%swap3A_820, %swap3A_821], %swap3A_824 {strides = array<i32>} : memref<32x128xf32, #tpu.memory_space<vmem>>, vector<1x16xf32>,
        %get3A_825 = arith.index_cast %scan3A_704 : i32 to index
        %get3A_826 = arith.constant 80 : index
        %get3A_827 = tpu.vector_load %arg11[%get3A_825, %get3A_826] {strides = array<i32>} : memref<64x128xf32, #tpu.memory_space<vmem>>, vector<1x16xf32>,
        %get3A_828 = vector.shape_cast %get3A_827 : vector<1x16xf32> to vector<16xf32>
        %add3A_829 = arith.constant 32 : i32
        %add3A_830 = arith.addi %add3A_829, %scan3A_704 : i32
        %get3A_831 = arith.index_cast %add3A_830 : i32 to index
        %get3A_832 = arith.constant 80 : index
        %get3A_833 = tpu.vector_load %arg11[%get3A_831, %get3A_832] {strides = array<i32>} : memref<64x128xf32, #tpu.memory_space<vmem>>, vector<1x16xf32>,
        %get3A_834 = vector.shape_cast %get3A_833 : vector<1x16xf32> to vector<16xf32>
        %add3A_835 = arith.addf %get3A_828, %get3A_834 : vector<16xf32>
        %get3A_836 = arith.index_cast %scan3A_704 : i32 to index
        %get3A_837 = arith.constant 80 : index
        %get3A_838 = tpu.vector_load %arg12[%get3A_836, %get3A_837] {strides = array<i32>} : memref<32x128xf32, #tpu.memory_space<vmem>>, vector<1x16xf32>,
        %get3A_839 = vector.shape_cast %get3A_838 : vector<1x16xf32> to vector<16xf32>
        %add3A_840 = arith.addf %add3A_835, %get3A_839 : vector<16xf32>
        %max3A_841 = arith.constant 0.000000e+00 : f32
        %max3A_842 = vector.broadcast %max3A_841 : f32 to vector<16xf32>
        %max3A_843 = arith.maximumf %add3A_840, %max3A_842 : vector<16xf32>
        %swap3A_844 = arith.index_cast %scan3A_704 : i32 to index
        %swap3A_845 = arith.constant 80 : index
        %swap3A_846 = tpu.vector_load %arg12[%swap3A_844, %swap3A_845] {strides = array<i32>} : memref<32x128xf32, #tpu.memory_space<vmem>>, vector<1x16xf32>,
        %swap3A_847 = vector.shape_cast %swap3A_846 : vector<1x16xf32> to vector<16xf32>
        %swap3A_848 = vector.shape_cast %max3A_843 : vector<16xf32> to vector<1x16xf32>
        tpu.vector_store %arg12[%swap3A_844, %swap3A_845], %swap3A_848 {strides = array<i32>} : memref<32x128xf32, #tpu.memory_space<vmem>>, vector<1x16xf32>,
        %get3A_849 = arith.index_cast %scan3A_704 : i32 to index
        %get3A_850 = arith.constant 96 : index
        %get3A_851 = tpu.vector_load %arg11[%get3A_849, %get3A_850] {strides = array<i32>} : memref<64x128xf32, #tpu.memory_space<vmem>>, vector<1x16xf32>,
        %get3A_852 = vector.shape_cast %get3A_851 : vector<1x16xf32> to vector<16xf32>
        %add3A_853 = arith.constant 32 : i32
        %add3A_854 = arith.addi %add3A_853, %scan3A_704 : i32
        %get3A_855 = arith.index_cast %add3A_854 : i32 to index
        %get3A_856 = arith.constant 96 : index
        %get3A_857 = tpu.vector_load %arg11[%get3A_855, %get3A_856] {strides = array<i32>} : memref<64x128xf32, #tpu.memory_space<vmem>>, vector<1x16xf32>,
        %get3A_858 = vector.shape_cast %get3A_857 : vector<1x16xf32> to vector<16xf32>
        %add3A_859 = arith.addf %get3A_852, %get3A_858 : vector<16xf32>
        %get3A_860 = arith.index_cast %scan3A_704 : i32 to index
        %get3A_861 = arith.constant 96 : index
        %get3A_862 = tpu.vector_load %arg12[%get3A_860, %get3A_861] {strides = array<i32>} : memref<32x128xf32, #tpu.memory_space<vmem>>, vector<1x16xf32>,
        %get3A_863 = vector.shape_cast %get3A_862 : vector<1x16xf32> to vector<16xf32>
        %add3A_864 = arith.addf %add3A_859, %get3A_863 : vector<16xf32>
        %max3A_865 = arith.constant 0.000000e+00 : f32
        %max3A_866 = vector.broadcast %max3A_865 : f32 to vector<16xf32>
        %max3A_867 = arith.maximumf %add3A_864, %max3A_866 : vector<16xf32>
        %swap3A_868 = arith.index_cast %scan3A_704 : i32 to index
        %swap3A_869 = arith.constant 96 : index
        %swap3A_870 = tpu.vector_load %arg12[%swap3A_868, %swap3A_869] {strides = array<i32>} : memref<32x128xf32, #tpu.memory_space<vmem>>, vector<1x16xf32>,
        %swap3A_871 = vector.shape_cast %swap3A_870 : vector<1x16xf32> to vector<16xf32>
        %swap3A_872 = vector.shape_cast %max3A_867 : vector<16xf32> to vector<1x16xf32>
        tpu.vector_store %arg12[%swap3A_868, %swap3A_869], %swap3A_872 {strides = array<i32>} : memref<32x128xf32, #tpu.memory_space<vmem>>, vector<1x16xf32>,
        %get3A_873 = arith.index_cast %scan3A_704 : i32 to index
        %get3A_874 = arith.constant 112 : index
        %get3A_875 = tpu.vector_load %arg11[%get3A_873, %get3A_874] {strides = array<i32>} : memref<64x128xf32, #tpu.memory_space<vmem>>, vector<1x16xf32>,
        %get3A_876 = vector.shape_cast %get3A_875 : vector<1x16xf32> to vector<16xf32>
        %add3A_877 = arith.constant 32 : i32
        %add3A_878 = arith.addi %add3A_877, %scan3A_704 : i32
        %get3A_879 = arith.index_cast %add3A_878 : i32 to index
        %get3A_880 = arith.constant 112 : index
        %get3A_881 = tpu.vector_load %arg11[%get3A_879, %get3A_880] {strides = array<i32>} : memref<64x128xf32, #tpu.memory_space<vmem>>, vector<1x16xf32>,
        %get3A_882 = vector.shape_cast %get3A_881 : vector<1x16xf32> to vector<16xf32>
        %add3A_883 = arith.addf %get3A_876, %get3A_882 : vector<16xf32>
        %get3A_884 = arith.index_cast %scan3A_704 : i32 to index
        %get3A_885 = arith.constant 112 : index
        %get3A_886 = tpu.vector_load %arg12[%get3A_884, %get3A_885] {strides = array<i32>} : memref<32x128xf32, #tpu.memory_space<vmem>>, vector<1x16xf32>,
        %get3A_887 = vector.shape_cast %get3A_886 : vector<1x16xf32> to vector<16xf32>
        %add3A_888 = arith.addf %add3A_883, %get3A_887 : vector<16xf32>
        %max3A_889 = arith.constant 0.000000e+00 : f32
        %max3A_890 = vector.broadcast %max3A_889 : f32 to vector<16xf32>
        %max3A_891 = arith.maximumf %add3A_888, %max3A_890 : vector<16xf32>
        %swap3A_892 = arith.index_cast %scan3A_704 : i32 to index
        %swap3A_893 = arith.constant 112 : index
        %swap3A_894 = tpu.vector_load %arg12[%swap3A_892, %swap3A_893] {strides = array<i32>} : memref<32x128xf32, #tpu.memory_space<vmem>>, vector<1x16xf32>,
        %swap3A_895 = vector.shape_cast %swap3A_894 : vector<1x16xf32> to vector<16xf32>
        %swap3A_896 = vector.shape_cast %max3A_891 : vector<16xf32> to vector<1x16xf32>
        tpu.vector_store %arg12[%swap3A_892, %swap3A_893], %swap3A_896 {strides = array<i32>} : memref<32x128xf32, #tpu.memory_space<vmem>>, vector<1x16xf32>,
      }
      %scan3A_340 = arith.constant 32 : i32
      %dma_start3A_341 = arith.constant 0 : i32
      %dma_start3A_342 = arith.constant 0 : i32
      %dma_start3A_343 = tpu.memref_slice %arg10[%dma_start3A_341, %dma_start3A_342] : memref<4x32xi32, #tpu.memory_space<vmem>> -> memref<1x32xi32, #tpu.memory_space<vmem>>
      %dma_start3A_344 = tpu.memref_squeeze %dma_start3A_343 : memref<1x32xi32, #tpu.memory_space<vmem>> -> memref<32xi32, #tpu.memory_space<vmem>>
      %dma_start3A_345 = arith.constant 0 : i32
      %dma_start3A_346 = arith.constant 0 : i32
      %dma_start3A_347 = tpu.memref_slice %arg15[%dma_start3A_345, %dma_start3A_346] : memref<10240x128xf32, #tpu.memory_space<vmem_shared>> -> memref<10240x128xf32, #tpu.memory_space<vmem_shared>>
      tpu.enqueue_indirect_dma source(%arg12 : memref<32x128xf32, #tpu.memory_space<vmem>>) target(%dma_start3A_347 : memref<10240x128xf32, #tpu.memory_space<vmem_shared>>) offsets(%dma_start3A_344 : memref<32xi32, #tpu.memory_space<vmem>>) semaphore(%arg19 : memref<!tpu.dma_semaphore, #tpu.memory_space<semaphore_mem>>) {add = true}
      %mul3A_348 = arith.constant 8 : i32
      %mul3A_349 = arith.muli %mul3A_348, %scan3A_44 : i32
      %add3A_350 = arith.constant 5 : i32
      %add3A_351 = arith.addi %mul3A_349, %add3A_350 : i32
      %dma_start3A_352 = arith.constant 2 : i32
      %dma_start3A_353 = arith.constant 0 : i32
      %dma_start3A_354 = tpu.memref_slice %arg8[%dma_start3A_352, %dma_start3A_353] : memref<4x64xi32, #tpu.memory_space<vmem>> -> memref<1x64xi32, #tpu.memory_space<vmem>>
      %dma_start3A_355 = tpu.memref_squeeze %dma_start3A_354 : memref<1x64xi32, #tpu.memory_space<vmem>> -> memref<64xi32, #tpu.memory_space<vmem>>
      %dma_start3A_356 = arith.constant 0 : i32
      %dma_start3A_357 = arith.constant 0 : i32
      %dma_start3A_358 = tpu.memref_slice %arg2[%dma_start3A_356, %dma_start3A_357] : memref<20480x128xf32, #tpu.memory_space<hbm>> -> memref<20480x128xf32, #tpu.memory_space<hbm>>
      tpu.enqueue_indirect_dma source(%dma_start3A_358 : memref<20480x128xf32, #tpu.memory_space<hbm>>) target(%arg11 : memref<64x128xf32, #tpu.memory_space<vmem>>) offsets(%dma_start3A_355 : memref<64xi32, #tpu.memory_space<vmem>>) semaphore(%arg16 : memref<!tpu.dma_semaphore, #tpu.memory_space<semaphore_mem>>)
      %dma_wait3A_359 = arith.constant 1 : i32
      %dma_wait3A_360 = arith.constant 0 : i32
      %dma_wait3A_361 = tpu.memref_slice %arg8[%dma_wait3A_359, %dma_wait3A_360] : memref<4x64xi32, #tpu.memory_space<vmem>> -> memref<1x64xi32, #tpu.memory_space<vmem>>
      %dma_wait3A_362 = tpu.memref_squeeze %dma_wait3A_361 : memref<1x64xi32, #tpu.memory_space<vmem>> -> memref<64xi32, #tpu.memory_space<vmem>>
      %dma_wait3A_363 = arith.constant 0 : i32
      %dma_wait3A_364 = arith.constant 0 : i32
      %dma_wait3A_365 = tpu.memref_slice %arg2[%dma_wait3A_363, %dma_wait3A_364] : memref<20480x128xf32, #tpu.memory_space<hbm>> -> memref<20480x128xf32, #tpu.memory_space<hbm>>
      tpu.wait_indirect_dma semaphore(%arg17 : memref<!tpu.dma_semaphore, #tpu.memory_space<semaphore_mem>>) src(%dma_wait3A_365 : memref<20480x128xf32, #tpu.memory_space<hbm>>) dst(%arg13 : memref<64x128xf32, #tpu.memory_space<vmem>>)
      %mul3A_366 = arith.constant 32 : i32
      %mul3A_367 = arith.muli %add3A_351, %mul3A_366 : i32
      %add3A_368 = arith.addi %mul3A_2, %mul3A_367 : i32
      %dma_wait3A_369 = arith.constant 0 : i32
      %dma_wait3A_370 = tpu.memref_slice %arg3[%add3A_368, %dma_wait3A_369] : memref<163840x128xf32, #tpu.memory_space<hbm>> -> memref<32x128xf32, #tpu.memory_space<hbm>>
      %dma_wait3A_371 = arith.constant 0 : i32
      %dma_wait3A_372 = tpu.memref_slice %arg3[%add3A_368, %dma_wait3A_371] : memref<163840x128xf32, #tpu.memory_space<hbm>> -> memref<32x128xf32, #tpu.memory_space<hbm>>
      tpu.wait_dma2 semaphore(%arg17 : memref<!tpu.dma_semaphore, #tpu.memory_space<semaphore_mem>>) src(%dma_wait3A_372 : memref<32x128xf32, #tpu.memory_space<hbm>>) dst(%arg14 : memref<32x128xf32, #tpu.memory_space<vmem>>)
      %dma_wait3A_373 = arith.constant 0 : i32
      %dma_wait3A_374 = arith.constant 0 : i32
      %dma_wait3A_375 = tpu.memref_slice %arg10[%dma_wait3A_373, %dma_wait3A_374] : memref<4x32xi32, #tpu.memory_space<vmem>> -> memref<1x32xi32, #tpu.memory_space<vmem>>
      %dma_wait3A_376 = tpu.memref_squeeze %dma_wait3A_375 : memref<1x32xi32, #tpu.memory_space<vmem>> -> memref<32xi32, #tpu.memory_space<vmem>>
      %dma_wait3A_377 = arith.constant 0 : i32
      %dma_wait3A_378 = arith.constant 0 : i32
      %dma_wait3A_379 = tpu.memref_slice %arg15[%dma_wait3A_377, %dma_wait3A_378] : memref<10240x128xf32, #tpu.memory_space<vmem_shared>> -> memref<10240x128xf32, #tpu.memory_space<vmem_shared>>
      tpu.wait_indirect_dma semaphore(%arg19 : memref<!tpu.dma_semaphore, #tpu.memory_space<semaphore_mem>>) src(%arg12 : memref<32x128xf32, #tpu.memory_space<vmem>>) dst(%dma_wait3A_379 : memref<10240x128xf32, #tpu.memory_space<vmem_shared>>)
      %add3A_380 = arith.constant 1 : i32
      %add3A_381 = arith.addi %add3A_351, %add3A_380 : i32
      %mul3A_382 = arith.constant 32 : i32
      %mul3A_383 = arith.muli %add3A_381, %mul3A_382 : i32
      %add3A_384 = arith.addi %mul3A_2, %mul3A_383 : i32
      %dma_start3A_385 = arith.constant 0 : i32
      %dma_start3A_386 = tpu.memref_slice %arg3[%add3A_384, %dma_start3A_385] : memref<163840x128xf32, #tpu.memory_space<hbm>> -> memref<32x128xf32, #tpu.memory_space<hbm>>
      %dma_start3A_387 = arith.constant 0 : i32
      %dma_start3A_388 = tpu.memref_slice %arg3[%add3A_384, %dma_start3A_387] : memref<163840x128xf32, #tpu.memory_space<hbm>> -> memref<32x128xf32, #tpu.memory_space<hbm>>
      tpu.enqueue_dma source(%dma_start3A_388 : memref<32x128xf32, #tpu.memory_space<hbm>>) target(%arg12 : memref<32x128xf32, #tpu.memory_space<vmem>>) target_semaphore(%arg16 : memref<!tpu.dma_semaphore, #tpu.memory_space<semaphore_mem>>)
      %lt3A = arith.constant 19 : i32
      %lt3A_389 = arith.cmpi slt, %scan3A_44, %lt3A : i32
      %convert_element_type3A_390 = arith.extui %lt3A_389 : i1 to i32
      %cond3A_391 = arith.constant 0 : i32
      %cond3A_392 = arith.cmpi ne, %convert_element_type3A_390, %cond3A_391 : i32
      scf.if %cond3A_392 {
        %mul3A_513 = arith.constant 2 : i32
        %mul3A_514 = arith.muli %mul3A_513, %scan3A_44 : i32
        %add3A_515 = arith.constant 2 : i32
        %add3A_516 = arith.addi %mul3A_514, %add3A_515 : i32
        %dma_start3A_517 = arith.constant 0 : i32
        %dma_start3A_518 = arith.constant 0 : i32
        %dma_start3A_519 = tpu.memref_slice %arg4[%add3A, %add3A_516, %dma_start3A_517, %dma_start3A_518] : memref<32x40x4x64xi32, #tpu.memory_space<hbm>> -> memref<1x1x4x64xi32, #tpu.memory_space<hbm>>
        %dma_start3A_520 = tpu.memref_squeeze %dma_start3A_519 : memref<1x1x4x64xi32, #tpu.memory_space<hbm>> -> memref<4x64xi32, #tpu.memory_space<hbm>>
        %dma_start3A_521 = arith.constant 0 : i32
        %dma_start3A_522 = arith.constant 0 : i32
        %dma_start3A_523 = tpu.memref_slice %arg4[%add3A, %add3A_516, %dma_start3A_521, %dma_start3A_522] : memref<32x40x4x64xi32, #tpu.memory_space<hbm>> -> memref<1x1x4x64xi32, #tpu.memory_space<hbm>>
        %dma_start3A_524 = tpu.memref_squeeze %dma_start3A_523 : memref<1x1x4x64xi32, #tpu.memory_space<hbm>> -> memref<4x64xi32, #tpu.memory_space<hbm>>
        tpu.enqueue_dma source(%dma_start3A_524 : memref<4x64xi32, #tpu.memory_space<hbm>>) target(%arg7 : memref<4x64xi32, #tpu.memory_space<vmem>>) target_semaphore(%arg18 : memref<!tpu.dma_semaphore, #tpu.memory_space<semaphore_mem>>)
        %dma_start3A_525 = arith.constant 0 : i32
        %dma_start3A_526 = arith.constant 0 : i32
        %dma_start3A_527 = tpu.memref_slice %arg5[%add3A, %add3A_516, %dma_start3A_525, %dma_start3A_526] : memref<32x40x4x32xi32, #tpu.memory_space<hbm>> -> memref<1x1x4x32xi32, #tpu.memory_space<hbm>>
        %dma_start3A_528 = tpu.memref_squeeze %dma_start3A_527 : memref<1x1x4x32xi32, #tpu.memory_space<hbm>> -> memref<4x32xi32, #tpu.memory_space<hbm>>
        %dma_start3A_529 = arith.constant 0 : i32
        %dma_start3A_530 = arith.constant 0 : i32
        %dma_start3A_531 = tpu.memref_slice %arg5[%add3A, %add3A_516, %dma_start3A_529, %dma_start3A_530] : memref<32x40x4x32xi32, #tpu.memory_space<hbm>> -> memref<1x1x4x32xi32, #tpu.memory_space<hbm>>
        %dma_start3A_532 = tpu.memref_squeeze %dma_start3A_531 : memref<1x1x4x32xi32, #tpu.memory_space<hbm>> -> memref<4x32xi32, #tpu.memory_space<hbm>>
        tpu.enqueue_dma source(%dma_start3A_532 : memref<4x32xi32, #tpu.memory_space<hbm>>) target(%arg9 : memref<4x32xi32, #tpu.memory_space<vmem>>) target_semaphore(%arg18 : memref<!tpu.dma_semaphore, #tpu.memory_space<semaphore_mem>>)
      } else {
      }
      %scan3A_393 = arith.constant 0 : i32
      %scan3A_394 = arith.constant 0 : i32
      %scan3A_395 = arith.constant 32 : i32
      %scan3A_396 = arith.addi %scan3A_394, %scan3A_395 : i32
      %scan3A_397 = arith.constant 2 : i32
      scf.for %scan3A_513 = %scan3A_394 to %scan3A_396 step %scan3A_397  : i32 {
        %get3A = arith.index_cast %scan3A_513 : i32 to index
        %get3A_514 = arith.constant 0 : index
        %get3A_515 = tpu.vector_load %arg13[%get3A, %get3A_514] {strides = array<i32>} : memref<64x128xf32, #tpu.memory_space<vmem>>, vector<1x16xf32>,
        %get3A_516 = vector.shape_cast %get3A_515 : vector<1x16xf32> to vector<16xf32>
        %add3A_517 = arith.constant 32 : i32
        %add3A_518 = arith.addi %add3A_517, %scan3A_513 : i32
        %get3A_519 = arith.index_cast %add3A_518 : i32 to index
        %get3A_520 = arith.constant 0 : index
        %get3A_521 = tpu.vector_load %arg13[%get3A_519, %get3A_520] {strides = array<i32>} : memref<64x128xf32, #tpu.memory_space<vmem>>, vector<1x16xf32>,
        %get3A_522 = vector.shape_cast %get3A_521 : vector<1x16xf32> to vector<16xf32>
        %add3A_523 = arith.addf %get3A_516, %get3A_522 : vector<16xf32>
        %get3A_524 = arith.index_cast %scan3A_513 : i32 to index
        %get3A_525 = arith.constant 0 : index
        %get3A_526 = tpu.vector_load %arg14[%get3A_524, %get3A_525] {strides = array<i32>} : memref<32x128xf32, #tpu.memory_space<vmem>>, vector<1x16xf32>,
        %get3A_527 = vector.shape_cast %get3A_526 : vector<1x16xf32> to vector<16xf32>
        %add3A_528 = arith.addf %add3A_523, %get3A_527 : vector<16xf32>
        %max3A = arith.constant 0.000000e+00 : f32
        %max3A_529 = vector.broadcast %max3A : f32 to vector<16xf32>
        %max3A_530 = arith.maximumf %add3A_528, %max3A_529 : vector<16xf32>
        %swap3A = arith.index_cast %scan3A_513 : i32 to index
        %swap3A_531 = arith.constant 0 : index
        %swap3A_532 = tpu.vector_load %arg14[%swap3A, %swap3A_531] {strides = array<i32>} : memref<32x128xf32, #tpu.memory_space<vmem>>, vector<1x16xf32>,
        %swap3A_533 = vector.shape_cast %swap3A_532 : vector<1x16xf32> to vector<16xf32>
        %swap3A_534 = vector.shape_cast %max3A_530 : vector<16xf32> to vector<1x16xf32>
        tpu.vector_store %arg14[%swap3A, %swap3A_531], %swap3A_534 {strides = array<i32>} : memref<32x128xf32, #tpu.memory_space<vmem>>, vector<1x16xf32>,
        %get3A_535 = arith.index_cast %scan3A_513 : i32 to index
        %get3A_536 = arith.constant 16 : index
        %get3A_537 = tpu.vector_load %arg13[%get3A_535, %get3A_536] {strides = array<i32>} : memref<64x128xf32, #tpu.memory_space<vmem>>, vector<1x16xf32>,
        %get3A_538 = vector.shape_cast %get3A_537 : vector<1x16xf32> to vector<16xf32>
        %add3A_539 = arith.constant 32 : i32
        %add3A_540 = arith.addi %add3A_539, %scan3A_513 : i32
        %get3A_541 = arith.index_cast %add3A_540 : i32 to index
        %get3A_542 = arith.constant 16 : index
        %get3A_543 = tpu.vector_load %arg13[%get3A_541, %get3A_542] {strides = array<i32>} : memref<64x128xf32, #tpu.memory_space<vmem>>, vector<1x16xf32>,
        %get3A_544 = vector.shape_cast %get3A_543 : vector<1x16xf32> to vector<16xf32>
        %add3A_545 = arith.addf %get3A_538, %get3A_544 : vector<16xf32>
        %get3A_546 = arith.index_cast %scan3A_513 : i32 to index
        %get3A_547 = arith.constant 16 : index
        %get3A_548 = tpu.vector_load %arg14[%get3A_546, %get3A_547] {strides = array<i32>} : memref<32x128xf32, #tpu.memory_space<vmem>>, vector<1x16xf32>,
        %get3A_549 = vector.shape_cast %get3A_548 : vector<1x16xf32> to vector<16xf32>
        %add3A_550 = arith.addf %add3A_545, %get3A_549 : vector<16xf32>
        %max3A_551 = arith.constant 0.000000e+00 : f32
        %max3A_552 = vector.broadcast %max3A_551 : f32 to vector<16xf32>
        %max3A_553 = arith.maximumf %add3A_550, %max3A_552 : vector<16xf32>
        %swap3A_554 = arith.index_cast %scan3A_513 : i32 to index
        %swap3A_555 = arith.constant 16 : index
        %swap3A_556 = tpu.vector_load %arg14[%swap3A_554, %swap3A_555] {strides = array<i32>} : memref<32x128xf32, #tpu.memory_space<vmem>>, vector<1x16xf32>,
        %swap3A_557 = vector.shape_cast %swap3A_556 : vector<1x16xf32> to vector<16xf32>
        %swap3A_558 = vector.shape_cast %max3A_553 : vector<16xf32> to vector<1x16xf32>
        tpu.vector_store %arg14[%swap3A_554, %swap3A_555], %swap3A_558 {strides = array<i32>} : memref<32x128xf32, #tpu.memory_space<vmem>>, vector<1x16xf32>,
        %get3A_559 = arith.index_cast %scan3A_513 : i32 to index
        %get3A_560 = arith.constant 32 : index
        %get3A_561 = tpu.vector_load %arg13[%get3A_559, %get3A_560] {strides = array<i32>} : memref<64x128xf32, #tpu.memory_space<vmem>>, vector<1x16xf32>,
        %get3A_562 = vector.shape_cast %get3A_561 : vector<1x16xf32> to vector<16xf32>
        %add3A_563 = arith.constant 32 : i32
        %add3A_564 = arith.addi %add3A_563, %scan3A_513 : i32
        %get3A_565 = arith.index_cast %add3A_564 : i32 to index
        %get3A_566 = arith.constant 32 : index
        %get3A_567 = tpu.vector_load %arg13[%get3A_565, %get3A_566] {strides = array<i32>} : memref<64x128xf32, #tpu.memory_space<vmem>>, vector<1x16xf32>,
        %get3A_568 = vector.shape_cast %get3A_567 : vector<1x16xf32> to vector<16xf32>
        %add3A_569 = arith.addf %get3A_562, %get3A_568 : vector<16xf32>
        %get3A_570 = arith.index_cast %scan3A_513 : i32 to index
        %get3A_571 = arith.constant 32 : index
        %get3A_572 = tpu.vector_load %arg14[%get3A_570, %get3A_571] {strides = array<i32>} : memref<32x128xf32, #tpu.memory_space<vmem>>, vector<1x16xf32>,
        %get3A_573 = vector.shape_cast %get3A_572 : vector<1x16xf32> to vector<16xf32>
        %add3A_574 = arith.addf %add3A_569, %get3A_573 : vector<16xf32>
        %max3A_575 = arith.constant 0.000000e+00 : f32
        %max3A_576 = vector.broadcast %max3A_575 : f32 to vector<16xf32>
        %max3A_577 = arith.maximumf %add3A_574, %max3A_576 : vector<16xf32>
        %swap3A_578 = arith.index_cast %scan3A_513 : i32 to index
        %swap3A_579 = arith.constant 32 : index
        %swap3A_580 = tpu.vector_load %arg14[%swap3A_578, %swap3A_579] {strides = array<i32>} : memref<32x128xf32, #tpu.memory_space<vmem>>, vector<1x16xf32>,
        %swap3A_581 = vector.shape_cast %swap3A_580 : vector<1x16xf32> to vector<16xf32>
        %swap3A_582 = vector.shape_cast %max3A_577 : vector<16xf32> to vector<1x16xf32>
        tpu.vector_store %arg14[%swap3A_578, %swap3A_579], %swap3A_582 {strides = array<i32>} : memref<32x128xf32, #tpu.memory_space<vmem>>, vector<1x16xf32>,
        %get3A_583 = arith.index_cast %scan3A_513 : i32 to index
        %get3A_584 = arith.constant 48 : index
        %get3A_585 = tpu.vector_load %arg13[%get3A_583, %get3A_584] {strides = array<i32>} : memref<64x128xf32, #tpu.memory_space<vmem>>, vector<1x16xf32>,
        %get3A_586 = vector.shape_cast %get3A_585 : vector<1x16xf32> to vector<16xf32>
        %add3A_587 = arith.constant 32 : i32
        %add3A_588 = arith.addi %add3A_587, %scan3A_513 : i32
        %get3A_589 = arith.index_cast %add3A_588 : i32 to index
        %get3A_590 = arith.constant 48 : index
        %get3A_591 = tpu.vector_load %arg13[%get3A_589, %get3A_590] {strides = array<i32>} : memref<64x128xf32, #tpu.memory_space<vmem>>, vector<1x16xf32>,
        %get3A_592 = vector.shape_cast %get3A_591 : vector<1x16xf32> to vector<16xf32>
        %add3A_593 = arith.addf %get3A_586, %get3A_592 : vector<16xf32>
        %get3A_594 = arith.index_cast %scan3A_513 : i32 to index
        %get3A_595 = arith.constant 48 : index
        %get3A_596 = tpu.vector_load %arg14[%get3A_594, %get3A_595] {strides = array<i32>} : memref<32x128xf32, #tpu.memory_space<vmem>>, vector<1x16xf32>,
        %get3A_597 = vector.shape_cast %get3A_596 : vector<1x16xf32> to vector<16xf32>
        %add3A_598 = arith.addf %add3A_593, %get3A_597 : vector<16xf32>
        %max3A_599 = arith.constant 0.000000e+00 : f32
        %max3A_600 = vector.broadcast %max3A_599 : f32 to vector<16xf32>
        %max3A_601 = arith.maximumf %add3A_598, %max3A_600 : vector<16xf32>
        %swap3A_602 = arith.index_cast %scan3A_513 : i32 to index
        %swap3A_603 = arith.constant 48 : index
        %swap3A_604 = tpu.vector_load %arg14[%swap3A_602, %swap3A_603] {strides = array<i32>} : memref<32x128xf32, #tpu.memory_space<vmem>>, vector<1x16xf32>,
        %swap3A_605 = vector.shape_cast %swap3A_604 : vector<1x16xf32> to vector<16xf32>
        %swap3A_606 = vector.shape_cast %max3A_601 : vector<16xf32> to vector<1x16xf32>
        tpu.vector_store %arg14[%swap3A_602, %swap3A_603], %swap3A_606 {strides = array<i32>} : memref<32x128xf32, #tpu.memory_space<vmem>>, vector<1x16xf32>,
        %get3A_607 = arith.index_cast %scan3A_513 : i32 to index
        %get3A_608 = arith.constant 64 : index
        %get3A_609 = tpu.vector_load %arg13[%get3A_607, %get3A_608] {strides = array<i32>} : memref<64x128xf32, #tpu.memory_space<vmem>>, vector<1x16xf32>,
        %get3A_610 = vector.shape_cast %get3A_609 : vector<1x16xf32> to vector<16xf32>
        %add3A_611 = arith.constant 32 : i32
        %add3A_612 = arith.addi %add3A_611, %scan3A_513 : i32
        %get3A_613 = arith.index_cast %add3A_612 : i32 to index
        %get3A_614 = arith.constant 64 : index
        %get3A_615 = tpu.vector_load %arg13[%get3A_613, %get3A_614] {strides = array<i32>} : memref<64x128xf32, #tpu.memory_space<vmem>>, vector<1x16xf32>,
        %get3A_616 = vector.shape_cast %get3A_615 : vector<1x16xf32> to vector<16xf32>
        %add3A_617 = arith.addf %get3A_610, %get3A_616 : vector<16xf32>
        %get3A_618 = arith.index_cast %scan3A_513 : i32 to index
        %get3A_619 = arith.constant 64 : index
        %get3A_620 = tpu.vector_load %arg14[%get3A_618, %get3A_619] {strides = array<i32>} : memref<32x128xf32, #tpu.memory_space<vmem>>, vector<1x16xf32>,
        %get3A_621 = vector.shape_cast %get3A_620 : vector<1x16xf32> to vector<16xf32>
        %add3A_622 = arith.addf %add3A_617, %get3A_621 : vector<16xf32>
        %max3A_623 = arith.constant 0.000000e+00 : f32
        %max3A_624 = vector.broadcast %max3A_623 : f32 to vector<16xf32>
        %max3A_625 = arith.maximumf %add3A_622, %max3A_624 : vector<16xf32>
        %swap3A_626 = arith.index_cast %scan3A_513 : i32 to index
        %swap3A_627 = arith.constant 64 : index
        %swap3A_628 = tpu.vector_load %arg14[%swap3A_626, %swap3A_627] {strides = array<i32>} : memref<32x128xf32, #tpu.memory_space<vmem>>, vector<1x16xf32>,
        %swap3A_629 = vector.shape_cast %swap3A_628 : vector<1x16xf32> to vector<16xf32>
        %swap3A_630 = vector.shape_cast %max3A_625 : vector<16xf32> to vector<1x16xf32>
        tpu.vector_store %arg14[%swap3A_626, %swap3A_627], %swap3A_630 {strides = array<i32>} : memref<32x128xf32, #tpu.memory_space<vmem>>, vector<1x16xf32>,
        %get3A_631 = arith.index_cast %scan3A_513 : i32 to index
        %get3A_632 = arith.constant 80 : index
        %get3A_633 = tpu.vector_load %arg13[%get3A_631, %get3A_632] {strides = array<i32>} : memref<64x128xf32, #tpu.memory_space<vmem>>, vector<1x16xf32>,
        %get3A_634 = vector.shape_cast %get3A_633 : vector<1x16xf32> to vector<16xf32>
        %add3A_635 = arith.constant 32 : i32
        %add3A_636 = arith.addi %add3A_635, %scan3A_513 : i32
        %get3A_637 = arith.index_cast %add3A_636 : i32 to index
        %get3A_638 = arith.constant 80 : index
        %get3A_639 = tpu.vector_load %arg13[%get3A_637, %get3A_638] {strides = array<i32>} : memref<64x128xf32, #tpu.memory_space<vmem>>, vector<1x16xf32>,
        %get3A_640 = vector.shape_cast %get3A_639 : vector<1x16xf32> to vector<16xf32>
        %add3A_641 = arith.addf %get3A_634, %get3A_640 : vector<16xf32>
        %get3A_642 = arith.index_cast %scan3A_513 : i32 to index
        %get3A_643 = arith.constant 80 : index
        %get3A_644 = tpu.vector_load %arg14[%get3A_642, %get3A_643] {strides = array<i32>} : memref<32x128xf32, #tpu.memory_space<vmem>>, vector<1x16xf32>,
        %get3A_645 = vector.shape_cast %get3A_644 : vector<1x16xf32> to vector<16xf32>
        %add3A_646 = arith.addf %add3A_641, %get3A_645 : vector<16xf32>
        %max3A_647 = arith.constant 0.000000e+00 : f32
        %max3A_648 = vector.broadcast %max3A_647 : f32 to vector<16xf32>
        %max3A_649 = arith.maximumf %add3A_646, %max3A_648 : vector<16xf32>
        %swap3A_650 = arith.index_cast %scan3A_513 : i32 to index
        %swap3A_651 = arith.constant 80 : index
        %swap3A_652 = tpu.vector_load %arg14[%swap3A_650, %swap3A_651] {strides = array<i32>} : memref<32x128xf32, #tpu.memory_space<vmem>>, vector<1x16xf32>,
        %swap3A_653 = vector.shape_cast %swap3A_652 : vector<1x16xf32> to vector<16xf32>
        %swap3A_654 = vector.shape_cast %max3A_649 : vector<16xf32> to vector<1x16xf32>
        tpu.vector_store %arg14[%swap3A_650, %swap3A_651], %swap3A_654 {strides = array<i32>} : memref<32x128xf32, #tpu.memory_space<vmem>>, vector<1x16xf32>,
        %get3A_655 = arith.index_cast %scan3A_513 : i32 to index
        %get3A_656 = arith.constant 96 : index
        %get3A_657 = tpu.vector_load %arg13[%get3A_655, %get3A_656] {strides = array<i32>} : memref<64x128xf32, #tpu.memory_space<vmem>>, vector<1x16xf32>,
        %get3A_658 = vector.shape_cast %get3A_657 : vector<1x16xf32> to vector<16xf32>
        %add3A_659 = arith.constant 32 : i32
        %add3A_660 = arith.addi %add3A_659, %scan3A_513 : i32
        %get3A_661 = arith.index_cast %add3A_660 : i32 to index
        %get3A_662 = arith.constant 96 : index
        %get3A_663 = tpu.vector_load %arg13[%get3A_661, %get3A_662] {strides = array<i32>} : memref<64x128xf32, #tpu.memory_space<vmem>>, vector<1x16xf32>,
        %get3A_664 = vector.shape_cast %get3A_663 : vector<1x16xf32> to vector<16xf32>
        %add3A_665 = arith.addf %get3A_658, %get3A_664 : vector<16xf32>
        %get3A_666 = arith.index_cast %scan3A_513 : i32 to index
        %get3A_667 = arith.constant 96 : index
        %get3A_668 = tpu.vector_load %arg14[%get3A_666, %get3A_667] {strides = array<i32>} : memref<32x128xf32, #tpu.memory_space<vmem>>, vector<1x16xf32>,
        %get3A_669 = vector.shape_cast %get3A_668 : vector<1x16xf32> to vector<16xf32>
        %add3A_670 = arith.addf %add3A_665, %get3A_669 : vector<16xf32>
        %max3A_671 = arith.constant 0.000000e+00 : f32
        %max3A_672 = vector.broadcast %max3A_671 : f32 to vector<16xf32>
        %max3A_673 = arith.maximumf %add3A_670, %max3A_672 : vector<16xf32>
        %swap3A_674 = arith.index_cast %scan3A_513 : i32 to index
        %swap3A_675 = arith.constant 96 : index
        %swap3A_676 = tpu.vector_load %arg14[%swap3A_674, %swap3A_675] {strides = array<i32>} : memref<32x128xf32, #tpu.memory_space<vmem>>, vector<1x16xf32>,
        %swap3A_677 = vector.shape_cast %swap3A_676 : vector<1x16xf32> to vector<16xf32>
        %swap3A_678 = vector.shape_cast %max3A_673 : vector<16xf32> to vector<1x16xf32>
        tpu.vector_store %arg14[%swap3A_674, %swap3A_675], %swap3A_678 {strides = array<i32>} : memref<32x128xf32, #tpu.memory_space<vmem>>, vector<1x16xf32>,
        %get3A_679 = arith.index_cast %scan3A_513 : i32 to index
        %get3A_680 = arith.constant 112 : index
        %get3A_681 = tpu.vector_load %arg13[%get3A_679, %get3A_680] {strides = array<i32>} : memref<64x128xf32, #tpu.memory_space<vmem>>, vector<1x16xf32>,
        %get3A_682 = vector.shape_cast %get3A_681 : vector<1x16xf32> to vector<16xf32>
        %add3A_683 = arith.constant 32 : i32
        %add3A_684 = arith.addi %add3A_683, %scan3A_513 : i32
        %get3A_685 = arith.index_cast %add3A_684 : i32 to index
        %get3A_686 = arith.constant 112 : index
        %get3A_687 = tpu.vector_load %arg13[%get3A_685, %get3A_686] {strides = array<i32>} : memref<64x128xf32, #tpu.memory_space<vmem>>, vector<1x16xf32>,
        %get3A_688 = vector.shape_cast %get3A_687 : vector<1x16xf32> to vector<16xf32>
        %add3A_689 = arith.addf %get3A_682, %get3A_688 : vector<16xf32>
        %get3A_690 = arith.index_cast %scan3A_513 : i32 to index
        %get3A_691 = arith.constant 112 : index
        %get3A_692 = tpu.vector_load %arg14[%get3A_690, %get3A_691] {strides = array<i32>} : memref<32x128xf32, #tpu.memory_space<vmem>>, vector<1x16xf32>,
        %get3A_693 = vector.shape_cast %get3A_692 : vector<1x16xf32> to vector<16xf32>
        %add3A_694 = arith.addf %add3A_689, %get3A_693 : vector<16xf32>
        %max3A_695 = arith.constant 0.000000e+00 : f32
        %max3A_696 = vector.broadcast %max3A_695 : f32 to vector<16xf32>
        %max3A_697 = arith.maximumf %add3A_694, %max3A_696 : vector<16xf32>
        %swap3A_698 = arith.index_cast %scan3A_513 : i32 to index
        %swap3A_699 = arith.constant 112 : index
        %swap3A_700 = tpu.vector_load %arg14[%swap3A_698, %swap3A_699] {strides = array<i32>} : memref<32x128xf32, #tpu.memory_space<vmem>>, vector<1x16xf32>,
        %swap3A_701 = vector.shape_cast %swap3A_700 : vector<1x16xf32> to vector<16xf32>
        %swap3A_702 = vector.shape_cast %max3A_697 : vector<16xf32> to vector<1x16xf32>
        tpu.vector_store %arg14[%swap3A_698, %swap3A_699], %swap3A_702 {strides = array<i32>} : memref<32x128xf32, #tpu.memory_space<vmem>>, vector<1x16xf32>,
        %scan3A_703 = arith.constant 1 : i32
        %scan3A_704 = arith.addi %scan3A_513, %scan3A_703 : i32
        %get3A_705 = arith.index_cast %scan3A_704 : i32 to index
        %get3A_706 = arith.constant 0 : index
        %get3A_707 = tpu.vector_load %arg13[%get3A_705, %get3A_706] {strides = array<i32>} : memref<64x128xf32, #tpu.memory_space<vmem>>, vector<1x16xf32>,
        %get3A_708 = vector.shape_cast %get3A_707 : vector<1x16xf32> to vector<16xf32>
        %add3A_709 = arith.constant 32 : i32
        %add3A_710 = arith.addi %add3A_709, %scan3A_704 : i32
        %get3A_711 = arith.index_cast %add3A_710 : i32 to index
        %get3A_712 = arith.constant 0 : index
        %get3A_713 = tpu.vector_load %arg13[%get3A_711, %get3A_712] {strides = array<i32>} : memref<64x128xf32, #tpu.memory_space<vmem>>, vector<1x16xf32>,
        %get3A_714 = vector.shape_cast %get3A_713 : vector<1x16xf32> to vector<16xf32>
        %add3A_715 = arith.addf %get3A_708, %get3A_714 : vector<16xf32>
        %get3A_716 = arith.index_cast %scan3A_704 : i32 to index
        %get3A_717 = arith.constant 0 : index
        %get3A_718 = tpu.vector_load %arg14[%get3A_716, %get3A_717] {strides = array<i32>} : memref<32x128xf32, #tpu.memory_space<vmem>>, vector<1x16xf32>,
        %get3A_719 = vector.shape_cast %get3A_718 : vector<1x16xf32> to vector<16xf32>
        %add3A_720 = arith.addf %add3A_715, %get3A_719 : vector<16xf32>
        %max3A_721 = arith.constant 0.000000e+00 : f32
        %max3A_722 = vector.broadcast %max3A_721 : f32 to vector<16xf32>
        %max3A_723 = arith.maximumf %add3A_720, %max3A_722 : vector<16xf32>
        %swap3A_724 = arith.index_cast %scan3A_704 : i32 to index
        %swap3A_725 = arith.constant 0 : index
        %swap3A_726 = tpu.vector_load %arg14[%swap3A_724, %swap3A_725] {strides = array<i32>} : memref<32x128xf32, #tpu.memory_space<vmem>>, vector<1x16xf32>,
        %swap3A_727 = vector.shape_cast %swap3A_726 : vector<1x16xf32> to vector<16xf32>
        %swap3A_728 = vector.shape_cast %max3A_723 : vector<16xf32> to vector<1x16xf32>
        tpu.vector_store %arg14[%swap3A_724, %swap3A_725], %swap3A_728 {strides = array<i32>} : memref<32x128xf32, #tpu.memory_space<vmem>>, vector<1x16xf32>,
        %get3A_729 = arith.index_cast %scan3A_704 : i32 to index
        %get3A_730 = arith.constant 16 : index
        %get3A_731 = tpu.vector_load %arg13[%get3A_729, %get3A_730] {strides = array<i32>} : memref<64x128xf32, #tpu.memory_space<vmem>>, vector<1x16xf32>,
        %get3A_732 = vector.shape_cast %get3A_731 : vector<1x16xf32> to vector<16xf32>
        %add3A_733 = arith.constant 32 : i32
        %add3A_734 = arith.addi %add3A_733, %scan3A_704 : i32
        %get3A_735 = arith.index_cast %add3A_734 : i32 to index
        %get3A_736 = arith.constant 16 : index
        %get3A_737 = tpu.vector_load %arg13[%get3A_735, %get3A_736] {strides = array<i32>} : memref<64x128xf32, #tpu.memory_space<vmem>>, vector<1x16xf32>,
        %get3A_738 = vector.shape_cast %get3A_737 : vector<1x16xf32> to vector<16xf32>
        %add3A_739 = arith.addf %get3A_732, %get3A_738 : vector<16xf32>
        %get3A_740 = arith.index_cast %scan3A_704 : i32 to index
        %get3A_741 = arith.constant 16 : index
        %get3A_742 = tpu.vector_load %arg14[%get3A_740, %get3A_741] {strides = array<i32>} : memref<32x128xf32, #tpu.memory_space<vmem>>, vector<1x16xf32>,
        %get3A_743 = vector.shape_cast %get3A_742 : vector<1x16xf32> to vector<16xf32>
        %add3A_744 = arith.addf %add3A_739, %get3A_743 : vector<16xf32>
        %max3A_745 = arith.constant 0.000000e+00 : f32
        %max3A_746 = vector.broadcast %max3A_745 : f32 to vector<16xf32>
        %max3A_747 = arith.maximumf %add3A_744, %max3A_746 : vector<16xf32>
        %swap3A_748 = arith.index_cast %scan3A_704 : i32 to index
        %swap3A_749 = arith.constant 16 : index
        %swap3A_750 = tpu.vector_load %arg14[%swap3A_748, %swap3A_749] {strides = array<i32>} : memref<32x128xf32, #tpu.memory_space<vmem>>, vector<1x16xf32>,
        %swap3A_751 = vector.shape_cast %swap3A_750 : vector<1x16xf32> to vector<16xf32>
        %swap3A_752 = vector.shape_cast %max3A_747 : vector<16xf32> to vector<1x16xf32>
        tpu.vector_store %arg14[%swap3A_748, %swap3A_749], %swap3A_752 {strides = array<i32>} : memref<32x128xf32, #tpu.memory_space<vmem>>, vector<1x16xf32>,
        %get3A_753 = arith.index_cast %scan3A_704 : i32 to index
        %get3A_754 = arith.constant 32 : index
        %get3A_755 = tpu.vector_load %arg13[%get3A_753, %get3A_754] {strides = array<i32>} : memref<64x128xf32, #tpu.memory_space<vmem>>, vector<1x16xf32>,
        %get3A_756 = vector.shape_cast %get3A_755 : vector<1x16xf32> to vector<16xf32>
        %add3A_757 = arith.constant 32 : i32
        %add3A_758 = arith.addi %add3A_757, %scan3A_704 : i32
        %get3A_759 = arith.index_cast %add3A_758 : i32 to index
        %get3A_760 = arith.constant 32 : index
        %get3A_761 = tpu.vector_load %arg13[%get3A_759, %get3A_760] {strides = array<i32>} : memref<64x128xf32, #tpu.memory_space<vmem>>, vector<1x16xf32>,
        %get3A_762 = vector.shape_cast %get3A_761 : vector<1x16xf32> to vector<16xf32>
        %add3A_763 = arith.addf %get3A_756, %get3A_762 : vector<16xf32>
        %get3A_764 = arith.index_cast %scan3A_704 : i32 to index
        %get3A_765 = arith.constant 32 : index
        %get3A_766 = tpu.vector_load %arg14[%get3A_764, %get3A_765] {strides = array<i32>} : memref<32x128xf32, #tpu.memory_space<vmem>>, vector<1x16xf32>,
        %get3A_767 = vector.shape_cast %get3A_766 : vector<1x16xf32> to vector<16xf32>
        %add3A_768 = arith.addf %add3A_763, %get3A_767 : vector<16xf32>
        %max3A_769 = arith.constant 0.000000e+00 : f32
        %max3A_770 = vector.broadcast %max3A_769 : f32 to vector<16xf32>
        %max3A_771 = arith.maximumf %add3A_768, %max3A_770 : vector<16xf32>
        %swap3A_772 = arith.index_cast %scan3A_704 : i32 to index
        %swap3A_773 = arith.constant 32 : index
        %swap3A_774 = tpu.vector_load %arg14[%swap3A_772, %swap3A_773] {strides = array<i32>} : memref<32x128xf32, #tpu.memory_space<vmem>>, vector<1x16xf32>,
        %swap3A_775 = vector.shape_cast %swap3A_774 : vector<1x16xf32> to vector<16xf32>
        %swap3A_776 = vector.shape_cast %max3A_771 : vector<16xf32> to vector<1x16xf32>
        tpu.vector_store %arg14[%swap3A_772, %swap3A_773], %swap3A_776 {strides = array<i32>} : memref<32x128xf32, #tpu.memory_space<vmem>>, vector<1x16xf32>,
        %get3A_777 = arith.index_cast %scan3A_704 : i32 to index
        %get3A_778 = arith.constant 48 : index
        %get3A_779 = tpu.vector_load %arg13[%get3A_777, %get3A_778] {strides = array<i32>} : memref<64x128xf32, #tpu.memory_space<vmem>>, vector<1x16xf32>,
        %get3A_780 = vector.shape_cast %get3A_779 : vector<1x16xf32> to vector<16xf32>
        %add3A_781 = arith.constant 32 : i32
        %add3A_782 = arith.addi %add3A_781, %scan3A_704 : i32
        %get3A_783 = arith.index_cast %add3A_782 : i32 to index
        %get3A_784 = arith.constant 48 : index
        %get3A_785 = tpu.vector_load %arg13[%get3A_783, %get3A_784] {strides = array<i32>} : memref<64x128xf32, #tpu.memory_space<vmem>>, vector<1x16xf32>,
        %get3A_786 = vector.shape_cast %get3A_785 : vector<1x16xf32> to vector<16xf32>
        %add3A_787 = arith.addf %get3A_780, %get3A_786 : vector<16xf32>
        %get3A_788 = arith.index_cast %scan3A_704 : i32 to index
        %get3A_789 = arith.constant 48 : index
        %get3A_790 = tpu.vector_load %arg14[%get3A_788, %get3A_789] {strides = array<i32>} : memref<32x128xf32, #tpu.memory_space<vmem>>, vector<1x16xf32>,
        %get3A_791 = vector.shape_cast %get3A_790 : vector<1x16xf32> to vector<16xf32>
        %add3A_792 = arith.addf %add3A_787, %get3A_791 : vector<16xf32>
        %max3A_793 = arith.constant 0.000000e+00 : f32
        %max3A_794 = vector.broadcast %max3A_793 : f32 to vector<16xf32>
        %max3A_795 = arith.maximumf %add3A_792, %max3A_794 : vector<16xf32>
        %swap3A_796 = arith.index_cast %scan3A_704 : i32 to index
        %swap3A_797 = arith.constant 48 : index
        %swap3A_798 = tpu.vector_load %arg14[%swap3A_796, %swap3A_797] {strides = array<i32>} : memref<32x128xf32, #tpu.memory_space<vmem>>, vector<1x16xf32>,
        %swap3A_799 = vector.shape_cast %swap3A_798 : vector<1x16xf32> to vector<16xf32>
        %swap3A_800 = vector.shape_cast %max3A_795 : vector<16xf32> to vector<1x16xf32>
        tpu.vector_store %arg14[%swap3A_796, %swap3A_797], %swap3A_800 {strides = array<i32>} : memref<32x128xf32, #tpu.memory_space<vmem>>, vector<1x16xf32>,
        %get3A_801 = arith.index_cast %scan3A_704 : i32 to index
        %get3A_802 = arith.constant 64 : index
        %get3A_803 = tpu.vector_load %arg13[%get3A_801, %get3A_802] {strides = array<i32>} : memref<64x128xf32, #tpu.memory_space<vmem>>, vector<1x16xf32>,
        %get3A_804 = vector.shape_cast %get3A_803 : vector<1x16xf32> to vector<16xf32>
        %add3A_805 = arith.constant 32 : i32
        %add3A_806 = arith.addi %add3A_805, %scan3A_704 : i32
        %get3A_807 = arith.index_cast %add3A_806 : i32 to index
        %get3A_808 = arith.constant 64 : index
        %get3A_809 = tpu.vector_load %arg13[%get3A_807, %get3A_808] {strides = array<i32>} : memref<64x128xf32, #tpu.memory_space<vmem>>, vector<1x16xf32>,
        %get3A_810 = vector.shape_cast %get3A_809 : vector<1x16xf32> to vector<16xf32>
        %add3A_811 = arith.addf %get3A_804, %get3A_810 : vector<16xf32>
        %get3A_812 = arith.index_cast %scan3A_704 : i32 to index
        %get3A_813 = arith.constant 64 : index
        %get3A_814 = tpu.vector_load %arg14[%get3A_812, %get3A_813] {strides = array<i32>} : memref<32x128xf32, #tpu.memory_space<vmem>>, vector<1x16xf32>,
        %get3A_815 = vector.shape_cast %get3A_814 : vector<1x16xf32> to vector<16xf32>
        %add3A_816 = arith.addf %add3A_811, %get3A_815 : vector<16xf32>
        %max3A_817 = arith.constant 0.000000e+00 : f32
        %max3A_818 = vector.broadcast %max3A_817 : f32 to vector<16xf32>
        %max3A_819 = arith.maximumf %add3A_816, %max3A_818 : vector<16xf32>
        %swap3A_820 = arith.index_cast %scan3A_704 : i32 to index
        %swap3A_821 = arith.constant 64 : index
        %swap3A_822 = tpu.vector_load %arg14[%swap3A_820, %swap3A_821] {strides = array<i32>} : memref<32x128xf32, #tpu.memory_space<vmem>>, vector<1x16xf32>,
        %swap3A_823 = vector.shape_cast %swap3A_822 : vector<1x16xf32> to vector<16xf32>
        %swap3A_824 = vector.shape_cast %max3A_819 : vector<16xf32> to vector<1x16xf32>
        tpu.vector_store %arg14[%swap3A_820, %swap3A_821], %swap3A_824 {strides = array<i32>} : memref<32x128xf32, #tpu.memory_space<vmem>>, vector<1x16xf32>,
        %get3A_825 = arith.index_cast %scan3A_704 : i32 to index
        %get3A_826 = arith.constant 80 : index
        %get3A_827 = tpu.vector_load %arg13[%get3A_825, %get3A_826] {strides = array<i32>} : memref<64x128xf32, #tpu.memory_space<vmem>>, vector<1x16xf32>,
        %get3A_828 = vector.shape_cast %get3A_827 : vector<1x16xf32> to vector<16xf32>
        %add3A_829 = arith.constant 32 : i32
        %add3A_830 = arith.addi %add3A_829, %scan3A_704 : i32
        %get3A_831 = arith.index_cast %add3A_830 : i32 to index
        %get3A_832 = arith.constant 80 : index
        %get3A_833 = tpu.vector_load %arg13[%get3A_831, %get3A_832] {strides = array<i32>} : memref<64x128xf32, #tpu.memory_space<vmem>>, vector<1x16xf32>,
        %get3A_834 = vector.shape_cast %get3A_833 : vector<1x16xf32> to vector<16xf32>
        %add3A_835 = arith.addf %get3A_828, %get3A_834 : vector<16xf32>
        %get3A_836 = arith.index_cast %scan3A_704 : i32 to index
        %get3A_837 = arith.constant 80 : index
        %get3A_838 = tpu.vector_load %arg14[%get3A_836, %get3A_837] {strides = array<i32>} : memref<32x128xf32, #tpu.memory_space<vmem>>, vector<1x16xf32>,
        %get3A_839 = vector.shape_cast %get3A_838 : vector<1x16xf32> to vector<16xf32>
        %add3A_840 = arith.addf %add3A_835, %get3A_839 : vector<16xf32>
        %max3A_841 = arith.constant 0.000000e+00 : f32
        %max3A_842 = vector.broadcast %max3A_841 : f32 to vector<16xf32>
        %max3A_843 = arith.maximumf %add3A_840, %max3A_842 : vector<16xf32>
        %swap3A_844 = arith.index_cast %scan3A_704 : i32 to index
        %swap3A_845 = arith.constant 80 : index
        %swap3A_846 = tpu.vector_load %arg14[%swap3A_844, %swap3A_845] {strides = array<i32>} : memref<32x128xf32, #tpu.memory_space<vmem>>, vector<1x16xf32>,
        %swap3A_847 = vector.shape_cast %swap3A_846 : vector<1x16xf32> to vector<16xf32>
        %swap3A_848 = vector.shape_cast %max3A_843 : vector<16xf32> to vector<1x16xf32>
        tpu.vector_store %arg14[%swap3A_844, %swap3A_845], %swap3A_848 {strides = array<i32>} : memref<32x128xf32, #tpu.memory_space<vmem>>, vector<1x16xf32>,
        %get3A_849 = arith.index_cast %scan3A_704 : i32 to index
        %get3A_850 = arith.constant 96 : index
        %get3A_851 = tpu.vector_load %arg13[%get3A_849, %get3A_850] {strides = array<i32>} : memref<64x128xf32, #tpu.memory_space<vmem>>, vector<1x16xf32>,
        %get3A_852 = vector.shape_cast %get3A_851 : vector<1x16xf32> to vector<16xf32>
        %add3A_853 = arith.constant 32 : i32
        %add3A_854 = arith.addi %add3A_853, %scan3A_704 : i32
        %get3A_855 = arith.index_cast %add3A_854 : i32 to index
        %get3A_856 = arith.constant 96 : index
        %get3A_857 = tpu.vector_load %arg13[%get3A_855, %get3A_856] {strides = array<i32>} : memref<64x128xf32, #tpu.memory_space<vmem>>, vector<1x16xf32>,
        %get3A_858 = vector.shape_cast %get3A_857 : vector<1x16xf32> to vector<16xf32>
        %add3A_859 = arith.addf %get3A_852, %get3A_858 : vector<16xf32>
        %get3A_860 = arith.index_cast %scan3A_704 : i32 to index
        %get3A_861 = arith.constant 96 : index
        %get3A_862 = tpu.vector_load %arg14[%get3A_860, %get3A_861] {strides = array<i32>} : memref<32x128xf32, #tpu.memory_space<vmem>>, vector<1x16xf32>,
        %get3A_863 = vector.shape_cast %get3A_862 : vector<1x16xf32> to vector<16xf32>
        %add3A_864 = arith.addf %add3A_859, %get3A_863 : vector<16xf32>
        %max3A_865 = arith.constant 0.000000e+00 : f32
        %max3A_866 = vector.broadcast %max3A_865 : f32 to vector<16xf32>
        %max3A_867 = arith.maximumf %add3A_864, %max3A_866 : vector<16xf32>
        %swap3A_868 = arith.index_cast %scan3A_704 : i32 to index
        %swap3A_869 = arith.constant 96 : index
        %swap3A_870 = tpu.vector_load %arg14[%swap3A_868, %swap3A_869] {strides = array<i32>} : memref<32x128xf32, #tpu.memory_space<vmem>>, vector<1x16xf32>,
        %swap3A_871 = vector.shape_cast %swap3A_870 : vector<1x16xf32> to vector<16xf32>
        %swap3A_872 = vector.shape_cast %max3A_867 : vector<16xf32> to vector<1x16xf32>
        tpu.vector_store %arg14[%swap3A_868, %swap3A_869], %swap3A_872 {strides = array<i32>} : memref<32x128xf32, #tpu.memory_space<vmem>>, vector<1x16xf32>,
        %get3A_873 = arith.index_cast %scan3A_704 : i32 to index
        %get3A_874 = arith.constant 112 : index
        %get3A_875 = tpu.vector_load %arg13[%get3A_873, %get3A_874] {strides = array<i32>} : memref<64x128xf32, #tpu.memory_space<vmem>>, vector<1x16xf32>,
        %get3A_876 = vector.shape_cast %get3A_875 : vector<1x16xf32> to vector<16xf32>
        %add3A_877 = arith.constant 32 : i32
        %add3A_878 = arith.addi %add3A_877, %scan3A_704 : i32
        %get3A_879 = arith.index_cast %add3A_878 : i32 to index
        %get3A_880 = arith.constant 112 : index
        %get3A_881 = tpu.vector_load %arg13[%get3A_879, %get3A_880] {strides = array<i32>} : memref<64x128xf32, #tpu.memory_space<vmem>>, vector<1x16xf32>,
        %get3A_882 = vector.shape_cast %get3A_881 : vector<1x16xf32> to vector<16xf32>
        %add3A_883 = arith.addf %get3A_876, %get3A_882 : vector<16xf32>
        %get3A_884 = arith.index_cast %scan3A_704 : i32 to index
        %get3A_885 = arith.constant 112 : index
        %get3A_886 = tpu.vector_load %arg14[%get3A_884, %get3A_885] {strides = array<i32>} : memref<32x128xf32, #tpu.memory_space<vmem>>, vector<1x16xf32>,
        %get3A_887 = vector.shape_cast %get3A_886 : vector<1x16xf32> to vector<16xf32>
        %add3A_888 = arith.addf %add3A_883, %get3A_887 : vector<16xf32>
        %max3A_889 = arith.constant 0.000000e+00 : f32
        %max3A_890 = vector.broadcast %max3A_889 : f32 to vector<16xf32>
        %max3A_891 = arith.maximumf %add3A_888, %max3A_890 : vector<16xf32>
        %swap3A_892 = arith.index_cast %scan3A_704 : i32 to index
        %swap3A_893 = arith.constant 112 : index
        %swap3A_894 = tpu.vector_load %arg14[%swap3A_892, %swap3A_893] {strides = array<i32>} : memref<32x128xf32, #tpu.memory_space<vmem>>, vector<1x16xf32>,
        %swap3A_895 = vector.shape_cast %swap3A_894 : vector<1x16xf32> to vector<16xf32>
        %swap3A_896 = vector.shape_cast %max3A_891 : vector<16xf32> to vector<1x16xf32>
        tpu.vector_store %arg14[%swap3A_892, %swap3A_893], %swap3A_896 {strides = array<i32>} : memref<32x128xf32, #tpu.memory_space<vmem>>, vector<1x16xf32>,
      }
      %scan3A_398 = arith.constant 32 : i32
      %dma_start3A_399 = arith.constant 1 : i32
      %dma_start3A_400 = arith.constant 0 : i32
      %dma_start3A_401 = tpu.memref_slice %arg10[%dma_start3A_399, %dma_start3A_400] : memref<4x32xi32, #tpu.memory_space<vmem>> -> memref<1x32xi32, #tpu.memory_space<vmem>>
      %dma_start3A_402 = tpu.memref_squeeze %dma_start3A_401 : memref<1x32xi32, #tpu.memory_space<vmem>> -> memref<32xi32, #tpu.memory_space<vmem>>
      %dma_start3A_403 = arith.constant 0 : i32
      %dma_start3A_404 = arith.constant 0 : i32
      %dma_start3A_405 = tpu.memref_slice %arg15[%dma_start3A_403, %dma_start3A_404] : memref<10240x128xf32, #tpu.memory_space<vmem_shared>> -> memref<10240x128xf32, #tpu.memory_space<vmem_shared>>
      tpu.enqueue_indirect_dma source(%arg14 : memref<32x128xf32, #tpu.memory_space<vmem>>) target(%dma_start3A_405 : memref<10240x128xf32, #tpu.memory_space<vmem_shared>>) offsets(%dma_start3A_402 : memref<32xi32, #tpu.memory_space<vmem>>) semaphore(%arg20 : memref<!tpu.dma_semaphore, #tpu.memory_space<semaphore_mem>>) {add = true}
      %mul3A_406 = arith.constant 8 : i32
      %mul3A_407 = arith.muli %mul3A_406, %scan3A_44 : i32
      %add3A_408 = arith.constant 6 : i32
      %add3A_409 = arith.addi %mul3A_407, %add3A_408 : i32
      %dma_start3A_410 = arith.constant 3 : i32
      %dma_start3A_411 = arith.constant 0 : i32
      %dma_start3A_412 = tpu.memref_slice %arg8[%dma_start3A_410, %dma_start3A_411] : memref<4x64xi32, #tpu.memory_space<vmem>> -> memref<1x64xi32, #tpu.memory_space<vmem>>
      %dma_start3A_413 = tpu.memref_squeeze %dma_start3A_412 : memref<1x64xi32, #tpu.memory_space<vmem>> -> memref<64xi32, #tpu.memory_space<vmem>>
      %dma_start3A_414 = arith.constant 0 : i32
      %dma_start3A_415 = arith.constant 0 : i32
      %dma_start3A_416 = tpu.memref_slice %arg2[%dma_start3A_414, %dma_start3A_415] : memref<20480x128xf32, #tpu.memory_space<hbm>> -> memref<20480x128xf32, #tpu.memory_space<hbm>>
      tpu.enqueue_indirect_dma source(%dma_start3A_416 : memref<20480x128xf32, #tpu.memory_space<hbm>>) target(%arg13 : memref<64x128xf32, #tpu.memory_space<vmem>>) offsets(%dma_start3A_413 : memref<64xi32, #tpu.memory_space<vmem>>) semaphore(%arg17 : memref<!tpu.dma_semaphore, #tpu.memory_space<semaphore_mem>>)
      %dma_wait3A_417 = arith.constant 2 : i32
      %dma_wait3A_418 = arith.constant 0 : i32
      %dma_wait3A_419 = tpu.memref_slice %arg8[%dma_wait3A_417, %dma_wait3A_418] : memref<4x64xi32, #tpu.memory_space<vmem>> -> memref<1x64xi32, #tpu.memory_space<vmem>>
      %dma_wait3A_420 = tpu.memref_squeeze %dma_wait3A_419 : memref<1x64xi32, #tpu.memory_space<vmem>> -> memref<64xi32, #tpu.memory_space<vmem>>
      %dma_wait3A_421 = arith.constant 0 : i32
      %dma_wait3A_422 = arith.constant 0 : i32
      %dma_wait3A_423 = tpu.memref_slice %arg2[%dma_wait3A_421, %dma_wait3A_422] : memref<20480x128xf32, #tpu.memory_space<hbm>> -> memref<20480x128xf32, #tpu.memory_space<hbm>>
      tpu.wait_indirect_dma semaphore(%arg16 : memref<!tpu.dma_semaphore, #tpu.memory_space<semaphore_mem>>) src(%dma_wait3A_423 : memref<20480x128xf32, #tpu.memory_space<hbm>>) dst(%arg11 : memref<64x128xf32, #tpu.memory_space<vmem>>)
      %mul3A_424 = arith.constant 32 : i32
      %mul3A_425 = arith.muli %add3A_409, %mul3A_424 : i32
      %add3A_426 = arith.addi %mul3A_2, %mul3A_425 : i32
      %dma_wait3A_427 = arith.constant 0 : i32
      %dma_wait3A_428 = tpu.memref_slice %arg3[%add3A_426, %dma_wait3A_427] : memref<163840x128xf32, #tpu.memory_space<hbm>> -> memref<32x128xf32, #tpu.memory_space<hbm>>
      %dma_wait3A_429 = arith.constant 0 : i32
      %dma_wait3A_430 = tpu.memref_slice %arg3[%add3A_426, %dma_wait3A_429] : memref<163840x128xf32, #tpu.memory_space<hbm>> -> memref<32x128xf32, #tpu.memory_space<hbm>>
      tpu.wait_dma2 semaphore(%arg16 : memref<!tpu.dma_semaphore, #tpu.memory_space<semaphore_mem>>) src(%dma_wait3A_430 : memref<32x128xf32, #tpu.memory_space<hbm>>) dst(%arg12 : memref<32x128xf32, #tpu.memory_space<vmem>>)
      %dma_wait3A_431 = arith.constant 1 : i32
      %dma_wait3A_432 = arith.constant 0 : i32
      %dma_wait3A_433 = tpu.memref_slice %arg10[%dma_wait3A_431, %dma_wait3A_432] : memref<4x32xi32, #tpu.memory_space<vmem>> -> memref<1x32xi32, #tpu.memory_space<vmem>>
      %dma_wait3A_434 = tpu.memref_squeeze %dma_wait3A_433 : memref<1x32xi32, #tpu.memory_space<vmem>> -> memref<32xi32, #tpu.memory_space<vmem>>
      %dma_wait3A_435 = arith.constant 0 : i32
      %dma_wait3A_436 = arith.constant 0 : i32
      %dma_wait3A_437 = tpu.memref_slice %arg15[%dma_wait3A_435, %dma_wait3A_436] : memref<10240x128xf32, #tpu.memory_space<vmem_shared>> -> memref<10240x128xf32, #tpu.memory_space<vmem_shared>>
      tpu.wait_indirect_dma semaphore(%arg20 : memref<!tpu.dma_semaphore, #tpu.memory_space<semaphore_mem>>) src(%arg14 : memref<32x128xf32, #tpu.memory_space<vmem>>) dst(%dma_wait3A_437 : memref<10240x128xf32, #tpu.memory_space<vmem_shared>>)
      %add3A_438 = arith.constant 1 : i32
      %add3A_439 = arith.addi %add3A_409, %add3A_438 : i32
      %mul3A_440 = arith.constant 32 : i32
      %mul3A_441 = arith.muli %add3A_439, %mul3A_440 : i32
      %add3A_442 = arith.addi %mul3A_2, %mul3A_441 : i32
      %dma_start3A_443 = arith.constant 0 : i32
      %dma_start3A_444 = tpu.memref_slice %arg3[%add3A_442, %dma_start3A_443] : memref<163840x128xf32, #tpu.memory_space<hbm>> -> memref<32x128xf32, #tpu.memory_space<hbm>>
      %dma_start3A_445 = arith.constant 0 : i32
      %dma_start3A_446 = tpu.memref_slice %arg3[%add3A_442, %dma_start3A_445] : memref<163840x128xf32, #tpu.memory_space<hbm>> -> memref<32x128xf32, #tpu.memory_space<hbm>>
      tpu.enqueue_dma source(%dma_start3A_446 : memref<32x128xf32, #tpu.memory_space<hbm>>) target(%arg14 : memref<32x128xf32, #tpu.memory_space<vmem>>) target_semaphore(%arg17 : memref<!tpu.dma_semaphore, #tpu.memory_space<semaphore_mem>>)
      %scan3A_447 = arith.constant 0 : i32
      %scan3A_448 = arith.constant 0 : i32
      %scan3A_449 = arith.constant 32 : i32
      %scan3A_450 = arith.addi %scan3A_448, %scan3A_449 : i32
      %scan3A_451 = arith.constant 2 : i32
      scf.for %scan3A_513 = %scan3A_448 to %scan3A_450 step %scan3A_451  : i32 {
        %get3A = arith.index_cast %scan3A_513 : i32 to index
        %get3A_514 = arith.constant 0 : index
        %get3A_515 = tpu.vector_load %arg11[%get3A, %get3A_514] {strides = array<i32>} : memref<64x128xf32, #tpu.memory_space<vmem>>, vector<1x16xf32>,
        %get3A_516 = vector.shape_cast %get3A_515 : vector<1x16xf32> to vector<16xf32>
        %add3A_517 = arith.constant 32 : i32
        %add3A_518 = arith.addi %add3A_517, %scan3A_513 : i32
        %get3A_519 = arith.index_cast %add3A_518 : i32 to index
        %get3A_520 = arith.constant 0 : index
        %get3A_521 = tpu.vector_load %arg11[%get3A_519, %get3A_520] {strides = array<i32>} : memref<64x128xf32, #tpu.memory_space<vmem>>, vector<1x16xf32>,
        %get3A_522 = vector.shape_cast %get3A_521 : vector<1x16xf32> to vector<16xf32>
        %add3A_523 = arith.addf %get3A_516, %get3A_522 : vector<16xf32>
        %get3A_524 = arith.index_cast %scan3A_513 : i32 to index
        %get3A_525 = arith.constant 0 : index
        %get3A_526 = tpu.vector_load %arg12[%get3A_524, %get3A_525] {strides = array<i32>} : memref<32x128xf32, #tpu.memory_space<vmem>>, vector<1x16xf32>,
        %get3A_527 = vector.shape_cast %get3A_526 : vector<1x16xf32> to vector<16xf32>
        %add3A_528 = arith.addf %add3A_523, %get3A_527 : vector<16xf32>
        %max3A = arith.constant 0.000000e+00 : f32
        %max3A_529 = vector.broadcast %max3A : f32 to vector<16xf32>
        %max3A_530 = arith.maximumf %add3A_528, %max3A_529 : vector<16xf32>
        %swap3A = arith.index_cast %scan3A_513 : i32 to index
        %swap3A_531 = arith.constant 0 : index
        %swap3A_532 = tpu.vector_load %arg12[%swap3A, %swap3A_531] {strides = array<i32>} : memref<32x128xf32, #tpu.memory_space<vmem>>, vector<1x16xf32>,
        %swap3A_533 = vector.shape_cast %swap3A_532 : vector<1x16xf32> to vector<16xf32>
        %swap3A_534 = vector.shape_cast %max3A_530 : vector<16xf32> to vector<1x16xf32>
        tpu.vector_store %arg12[%swap3A, %swap3A_531], %swap3A_534 {strides = array<i32>} : memref<32x128xf32, #tpu.memory_space<vmem>>, vector<1x16xf32>,
        %get3A_535 = arith.index_cast %scan3A_513 : i32 to index
        %get3A_536 = arith.constant 16 : index
        %get3A_537 = tpu.vector_load %arg11[%get3A_535, %get3A_536] {strides = array<i32>} : memref<64x128xf32, #tpu.memory_space<vmem>>, vector<1x16xf32>,
        %get3A_538 = vector.shape_cast %get3A_537 : vector<1x16xf32> to vector<16xf32>
        %add3A_539 = arith.constant 32 : i32
        %add3A_540 = arith.addi %add3A_539, %scan3A_513 : i32
        %get3A_541 = arith.index_cast %add3A_540 : i32 to index
        %get3A_542 = arith.constant 16 : index
        %get3A_543 = tpu.vector_load %arg11[%get3A_541, %get3A_542] {strides = array<i32>} : memref<64x128xf32, #tpu.memory_space<vmem>>, vector<1x16xf32>,
        %get3A_544 = vector.shape_cast %get3A_543 : vector<1x16xf32> to vector<16xf32>
        %add3A_545 = arith.addf %get3A_538, %get3A_544 : vector<16xf32>
        %get3A_546 = arith.index_cast %scan3A_513 : i32 to index
        %get3A_547 = arith.constant 16 : index
        %get3A_548 = tpu.vector_load %arg12[%get3A_546, %get3A_547] {strides = array<i32>} : memref<32x128xf32, #tpu.memory_space<vmem>>, vector<1x16xf32>,
        %get3A_549 = vector.shape_cast %get3A_548 : vector<1x16xf32> to vector<16xf32>
        %add3A_550 = arith.addf %add3A_545, %get3A_549 : vector<16xf32>
        %max3A_551 = arith.constant 0.000000e+00 : f32
        %max3A_552 = vector.broadcast %max3A_551 : f32 to vector<16xf32>
        %max3A_553 = arith.maximumf %add3A_550, %max3A_552 : vector<16xf32>
        %swap3A_554 = arith.index_cast %scan3A_513 : i32 to index
        %swap3A_555 = arith.constant 16 : index
        %swap3A_556 = tpu.vector_load %arg12[%swap3A_554, %swap3A_555] {strides = array<i32>} : memref<32x128xf32, #tpu.memory_space<vmem>>, vector<1x16xf32>,
        %swap3A_557 = vector.shape_cast %swap3A_556 : vector<1x16xf32> to vector<16xf32>
        %swap3A_558 = vector.shape_cast %max3A_553 : vector<16xf32> to vector<1x16xf32>
        tpu.vector_store %arg12[%swap3A_554, %swap3A_555], %swap3A_558 {strides = array<i32>} : memref<32x128xf32, #tpu.memory_space<vmem>>, vector<1x16xf32>,
        %get3A_559 = arith.index_cast %scan3A_513 : i32 to index
        %get3A_560 = arith.constant 32 : index
        %get3A_561 = tpu.vector_load %arg11[%get3A_559, %get3A_560] {strides = array<i32>} : memref<64x128xf32, #tpu.memory_space<vmem>>, vector<1x16xf32>,
        %get3A_562 = vector.shape_cast %get3A_561 : vector<1x16xf32> to vector<16xf32>
        %add3A_563 = arith.constant 32 : i32
        %add3A_564 = arith.addi %add3A_563, %scan3A_513 : i32
        %get3A_565 = arith.index_cast %add3A_564 : i32 to index
        %get3A_566 = arith.constant 32 : index
        %get3A_567 = tpu.vector_load %arg11[%get3A_565, %get3A_566] {strides = array<i32>} : memref<64x128xf32, #tpu.memory_space<vmem>>, vector<1x16xf32>,
        %get3A_568 = vector.shape_cast %get3A_567 : vector<1x16xf32> to vector<16xf32>
        %add3A_569 = arith.addf %get3A_562, %get3A_568 : vector<16xf32>
        %get3A_570 = arith.index_cast %scan3A_513 : i32 to index
        %get3A_571 = arith.constant 32 : index
        %get3A_572 = tpu.vector_load %arg12[%get3A_570, %get3A_571] {strides = array<i32>} : memref<32x128xf32, #tpu.memory_space<vmem>>, vector<1x16xf32>,
        %get3A_573 = vector.shape_cast %get3A_572 : vector<1x16xf32> to vector<16xf32>
        %add3A_574 = arith.addf %add3A_569, %get3A_573 : vector<16xf32>
        %max3A_575 = arith.constant 0.000000e+00 : f32
        %max3A_576 = vector.broadcast %max3A_575 : f32 to vector<16xf32>
        %max3A_577 = arith.maximumf %add3A_574, %max3A_576 : vector<16xf32>
        %swap3A_578 = arith.index_cast %scan3A_513 : i32 to index
        %swap3A_579 = arith.constant 32 : index
        %swap3A_580 = tpu.vector_load %arg12[%swap3A_578, %swap3A_579] {strides = array<i32>} : memref<32x128xf32, #tpu.memory_space<vmem>>, vector<1x16xf32>,
        %swap3A_581 = vector.shape_cast %swap3A_580 : vector<1x16xf32> to vector<16xf32>
        %swap3A_582 = vector.shape_cast %max3A_577 : vector<16xf32> to vector<1x16xf32>
        tpu.vector_store %arg12[%swap3A_578, %swap3A_579], %swap3A_582 {strides = array<i32>} : memref<32x128xf32, #tpu.memory_space<vmem>>, vector<1x16xf32>,
        %get3A_583 = arith.index_cast %scan3A_513 : i32 to index
        %get3A_584 = arith.constant 48 : index
        %get3A_585 = tpu.vector_load %arg11[%get3A_583, %get3A_584] {strides = array<i32>} : memref<64x128xf32, #tpu.memory_space<vmem>>, vector<1x16xf32>,
        %get3A_586 = vector.shape_cast %get3A_585 : vector<1x16xf32> to vector<16xf32>
        %add3A_587 = arith.constant 32 : i32
        %add3A_588 = arith.addi %add3A_587, %scan3A_513 : i32
        %get3A_589 = arith.index_cast %add3A_588 : i32 to index
        %get3A_590 = arith.constant 48 : index
        %get3A_591 = tpu.vector_load %arg11[%get3A_589, %get3A_590] {strides = array<i32>} : memref<64x128xf32, #tpu.memory_space<vmem>>, vector<1x16xf32>,
        %get3A_592 = vector.shape_cast %get3A_591 : vector<1x16xf32> to vector<16xf32>
        %add3A_593 = arith.addf %get3A_586, %get3A_592 : vector<16xf32>
        %get3A_594 = arith.index_cast %scan3A_513 : i32 to index
        %get3A_595 = arith.constant 48 : index
        %get3A_596 = tpu.vector_load %arg12[%get3A_594, %get3A_595] {strides = array<i32>} : memref<32x128xf32, #tpu.memory_space<vmem>>, vector<1x16xf32>,
        %get3A_597 = vector.shape_cast %get3A_596 : vector<1x16xf32> to vector<16xf32>
        %add3A_598 = arith.addf %add3A_593, %get3A_597 : vector<16xf32>
        %max3A_599 = arith.constant 0.000000e+00 : f32
        %max3A_600 = vector.broadcast %max3A_599 : f32 to vector<16xf32>
        %max3A_601 = arith.maximumf %add3A_598, %max3A_600 : vector<16xf32>
        %swap3A_602 = arith.index_cast %scan3A_513 : i32 to index
        %swap3A_603 = arith.constant 48 : index
        %swap3A_604 = tpu.vector_load %arg12[%swap3A_602, %swap3A_603] {strides = array<i32>} : memref<32x128xf32, #tpu.memory_space<vmem>>, vector<1x16xf32>,
        %swap3A_605 = vector.shape_cast %swap3A_604 : vector<1x16xf32> to vector<16xf32>
        %swap3A_606 = vector.shape_cast %max3A_601 : vector<16xf32> to vector<1x16xf32>
        tpu.vector_store %arg12[%swap3A_602, %swap3A_603], %swap3A_606 {strides = array<i32>} : memref<32x128xf32, #tpu.memory_space<vmem>>, vector<1x16xf32>,
        %get3A_607 = arith.index_cast %scan3A_513 : i32 to index
        %get3A_608 = arith.constant 64 : index
        %get3A_609 = tpu.vector_load %arg11[%get3A_607, %get3A_608] {strides = array<i32>} : memref<64x128xf32, #tpu.memory_space<vmem>>, vector<1x16xf32>,
        %get3A_610 = vector.shape_cast %get3A_609 : vector<1x16xf32> to vector<16xf32>
        %add3A_611 = arith.constant 32 : i32
        %add3A_612 = arith.addi %add3A_611, %scan3A_513 : i32
        %get3A_613 = arith.index_cast %add3A_612 : i32 to index
        %get3A_614 = arith.constant 64 : index
        %get3A_615 = tpu.vector_load %arg11[%get3A_613, %get3A_614] {strides = array<i32>} : memref<64x128xf32, #tpu.memory_space<vmem>>, vector<1x16xf32>,
        %get3A_616 = vector.shape_cast %get3A_615 : vector<1x16xf32> to vector<16xf32>
        %add3A_617 = arith.addf %get3A_610, %get3A_616 : vector<16xf32>
        %get3A_618 = arith.index_cast %scan3A_513 : i32 to index
        %get3A_619 = arith.constant 64 : index
        %get3A_620 = tpu.vector_load %arg12[%get3A_618, %get3A_619] {strides = array<i32>} : memref<32x128xf32, #tpu.memory_space<vmem>>, vector<1x16xf32>,
        %get3A_621 = vector.shape_cast %get3A_620 : vector<1x16xf32> to vector<16xf32>
        %add3A_622 = arith.addf %add3A_617, %get3A_621 : vector<16xf32>
        %max3A_623 = arith.constant 0.000000e+00 : f32
        %max3A_624 = vector.broadcast %max3A_623 : f32 to vector<16xf32>
        %max3A_625 = arith.maximumf %add3A_622, %max3A_624 : vector<16xf32>
        %swap3A_626 = arith.index_cast %scan3A_513 : i32 to index
        %swap3A_627 = arith.constant 64 : index
        %swap3A_628 = tpu.vector_load %arg12[%swap3A_626, %swap3A_627] {strides = array<i32>} : memref<32x128xf32, #tpu.memory_space<vmem>>, vector<1x16xf32>,
        %swap3A_629 = vector.shape_cast %swap3A_628 : vector<1x16xf32> to vector<16xf32>
        %swap3A_630 = vector.shape_cast %max3A_625 : vector<16xf32> to vector<1x16xf32>
        tpu.vector_store %arg12[%swap3A_626, %swap3A_627], %swap3A_630 {strides = array<i32>} : memref<32x128xf32, #tpu.memory_space<vmem>>, vector<1x16xf32>,
        %get3A_631 = arith.index_cast %scan3A_513 : i32 to index
        %get3A_632 = arith.constant 80 : index
        %get3A_633 = tpu.vector_load %arg11[%get3A_631, %get3A_632] {strides = array<i32>} : memref<64x128xf32, #tpu.memory_space<vmem>>, vector<1x16xf32>,
        %get3A_634 = vector.shape_cast %get3A_633 : vector<1x16xf32> to vector<16xf32>
        %add3A_635 = arith.constant 32 : i32
        %add3A_636 = arith.addi %add3A_635, %scan3A_513 : i32
        %get3A_637 = arith.index_cast %add3A_636 : i32 to index
        %get3A_638 = arith.constant 80 : index
        %get3A_639 = tpu.vector_load %arg11[%get3A_637, %get3A_638] {strides = array<i32>} : memref<64x128xf32, #tpu.memory_space<vmem>>, vector<1x16xf32>,
        %get3A_640 = vector.shape_cast %get3A_639 : vector<1x16xf32> to vector<16xf32>
        %add3A_641 = arith.addf %get3A_634, %get3A_640 : vector<16xf32>
        %get3A_642 = arith.index_cast %scan3A_513 : i32 to index
        %get3A_643 = arith.constant 80 : index
        %get3A_644 = tpu.vector_load %arg12[%get3A_642, %get3A_643] {strides = array<i32>} : memref<32x128xf32, #tpu.memory_space<vmem>>, vector<1x16xf32>,
        %get3A_645 = vector.shape_cast %get3A_644 : vector<1x16xf32> to vector<16xf32>
        %add3A_646 = arith.addf %add3A_641, %get3A_645 : vector<16xf32>
        %max3A_647 = arith.constant 0.000000e+00 : f32
        %max3A_648 = vector.broadcast %max3A_647 : f32 to vector<16xf32>
        %max3A_649 = arith.maximumf %add3A_646, %max3A_648 : vector<16xf32>
        %swap3A_650 = arith.index_cast %scan3A_513 : i32 to index
        %swap3A_651 = arith.constant 80 : index
        %swap3A_652 = tpu.vector_load %arg12[%swap3A_650, %swap3A_651] {strides = array<i32>} : memref<32x128xf32, #tpu.memory_space<vmem>>, vector<1x16xf32>,
        %swap3A_653 = vector.shape_cast %swap3A_652 : vector<1x16xf32> to vector<16xf32>
        %swap3A_654 = vector.shape_cast %max3A_649 : vector<16xf32> to vector<1x16xf32>
        tpu.vector_store %arg12[%swap3A_650, %swap3A_651], %swap3A_654 {strides = array<i32>} : memref<32x128xf32, #tpu.memory_space<vmem>>, vector<1x16xf32>,
        %get3A_655 = arith.index_cast %scan3A_513 : i32 to index
        %get3A_656 = arith.constant 96 : index
        %get3A_657 = tpu.vector_load %arg11[%get3A_655, %get3A_656] {strides = array<i32>} : memref<64x128xf32, #tpu.memory_space<vmem>>, vector<1x16xf32>,
        %get3A_658 = vector.shape_cast %get3A_657 : vector<1x16xf32> to vector<16xf32>
        %add3A_659 = arith.constant 32 : i32
        %add3A_660 = arith.addi %add3A_659, %scan3A_513 : i32
        %get3A_661 = arith.index_cast %add3A_660 : i32 to index
        %get3A_662 = arith.constant 96 : index
        %get3A_663 = tpu.vector_load %arg11[%get3A_661, %get3A_662] {strides = array<i32>} : memref<64x128xf32, #tpu.memory_space<vmem>>, vector<1x16xf32>,
        %get3A_664 = vector.shape_cast %get3A_663 : vector<1x16xf32> to vector<16xf32>
        %add3A_665 = arith.addf %get3A_658, %get3A_664 : vector<16xf32>
        %get3A_666 = arith.index_cast %scan3A_513 : i32 to index
        %get3A_667 = arith.constant 96 : index
        %get3A_668 = tpu.vector_load %arg12[%get3A_666, %get3A_667] {strides = array<i32>} : memref<32x128xf32, #tpu.memory_space<vmem>>, vector<1x16xf32>,
        %get3A_669 = vector.shape_cast %get3A_668 : vector<1x16xf32> to vector<16xf32>
        %add3A_670 = arith.addf %add3A_665, %get3A_669 : vector<16xf32>
        %max3A_671 = arith.constant 0.000000e+00 : f32
        %max3A_672 = vector.broadcast %max3A_671 : f32 to vector<16xf32>
        %max3A_673 = arith.maximumf %add3A_670, %max3A_672 : vector<16xf32>
        %swap3A_674 = arith.index_cast %scan3A_513 : i32 to index
        %swap3A_675 = arith.constant 96 : index
        %swap3A_676 = tpu.vector_load %arg12[%swap3A_674, %swap3A_675] {strides = array<i32>} : memref<32x128xf32, #tpu.memory_space<vmem>>, vector<1x16xf32>,
        %swap3A_677 = vector.shape_cast %swap3A_676 : vector<1x16xf32> to vector<16xf32>
        %swap3A_678 = vector.shape_cast %max3A_673 : vector<16xf32> to vector<1x16xf32>
        tpu.vector_store %arg12[%swap3A_674, %swap3A_675], %swap3A_678 {strides = array<i32>} : memref<32x128xf32, #tpu.memory_space<vmem>>, vector<1x16xf32>,
        %get3A_679 = arith.index_cast %scan3A_513 : i32 to index
        %get3A_680 = arith.constant 112 : index
        %get3A_681 = tpu.vector_load %arg11[%get3A_679, %get3A_680] {strides = array<i32>} : memref<64x128xf32, #tpu.memory_space<vmem>>, vector<1x16xf32>,
        %get3A_682 = vector.shape_cast %get3A_681 : vector<1x16xf32> to vector<16xf32>
        %add3A_683 = arith.constant 32 : i32
        %add3A_684 = arith.addi %add3A_683, %scan3A_513 : i32
        %get3A_685 = arith.index_cast %add3A_684 : i32 to index
        %get3A_686 = arith.constant 112 : index
        %get3A_687 = tpu.vector_load %arg11[%get3A_685, %get3A_686] {strides = array<i32>} : memref<64x128xf32, #tpu.memory_space<vmem>>, vector<1x16xf32>,
        %get3A_688 = vector.shape_cast %get3A_687 : vector<1x16xf32> to vector<16xf32>
        %add3A_689 = arith.addf %get3A_682, %get3A_688 : vector<16xf32>
        %get3A_690 = arith.index_cast %scan3A_513 : i32 to index
        %get3A_691 = arith.constant 112 : index
        %get3A_692 = tpu.vector_load %arg12[%get3A_690, %get3A_691] {strides = array<i32>} : memref<32x128xf32, #tpu.memory_space<vmem>>, vector<1x16xf32>,
        %get3A_693 = vector.shape_cast %get3A_692 : vector<1x16xf32> to vector<16xf32>
        %add3A_694 = arith.addf %add3A_689, %get3A_693 : vector<16xf32>
        %max3A_695 = arith.constant 0.000000e+00 : f32
        %max3A_696 = vector.broadcast %max3A_695 : f32 to vector<16xf32>
        %max3A_697 = arith.maximumf %add3A_694, %max3A_696 : vector<16xf32>
        %swap3A_698 = arith.index_cast %scan3A_513 : i32 to index
        %swap3A_699 = arith.constant 112 : index
        %swap3A_700 = tpu.vector_load %arg12[%swap3A_698, %swap3A_699] {strides = array<i32>} : memref<32x128xf32, #tpu.memory_space<vmem>>, vector<1x16xf32>,
        %swap3A_701 = vector.shape_cast %swap3A_700 : vector<1x16xf32> to vector<16xf32>
        %swap3A_702 = vector.shape_cast %max3A_697 : vector<16xf32> to vector<1x16xf32>
        tpu.vector_store %arg12[%swap3A_698, %swap3A_699], %swap3A_702 {strides = array<i32>} : memref<32x128xf32, #tpu.memory_space<vmem>>, vector<1x16xf32>,
        %scan3A_703 = arith.constant 1 : i32
        %scan3A_704 = arith.addi %scan3A_513, %scan3A_703 : i32
        %get3A_705 = arith.index_cast %scan3A_704 : i32 to index
        %get3A_706 = arith.constant 0 : index
        %get3A_707 = tpu.vector_load %arg11[%get3A_705, %get3A_706] {strides = array<i32>} : memref<64x128xf32, #tpu.memory_space<vmem>>, vector<1x16xf32>,
        %get3A_708 = vector.shape_cast %get3A_707 : vector<1x16xf32> to vector<16xf32>
        %add3A_709 = arith.constant 32 : i32
        %add3A_710 = arith.addi %add3A_709, %scan3A_704 : i32
        %get3A_711 = arith.index_cast %add3A_710 : i32 to index
        %get3A_712 = arith.constant 0 : index
        %get3A_713 = tpu.vector_load %arg11[%get3A_711, %get3A_712] {strides = array<i32>} : memref<64x128xf32, #tpu.memory_space<vmem>>, vector<1x16xf32>,
        %get3A_714 = vector.shape_cast %get3A_713 : vector<1x16xf32> to vector<16xf32>
        %add3A_715 = arith.addf %get3A_708, %get3A_714 : vector<16xf32>
        %get3A_716 = arith.index_cast %scan3A_704 : i32 to index
        %get3A_717 = arith.constant 0 : index
        %get3A_718 = tpu.vector_load %arg12[%get3A_716, %get3A_717] {strides = array<i32>} : memref<32x128xf32, #tpu.memory_space<vmem>>, vector<1x16xf32>,
        %get3A_719 = vector.shape_cast %get3A_718 : vector<1x16xf32> to vector<16xf32>
        %add3A_720 = arith.addf %add3A_715, %get3A_719 : vector<16xf32>
        %max3A_721 = arith.constant 0.000000e+00 : f32
        %max3A_722 = vector.broadcast %max3A_721 : f32 to vector<16xf32>
        %max3A_723 = arith.maximumf %add3A_720, %max3A_722 : vector<16xf32>
        %swap3A_724 = arith.index_cast %scan3A_704 : i32 to index
        %swap3A_725 = arith.constant 0 : index
        %swap3A_726 = tpu.vector_load %arg12[%swap3A_724, %swap3A_725] {strides = array<i32>} : memref<32x128xf32, #tpu.memory_space<vmem>>, vector<1x16xf32>,
        %swap3A_727 = vector.shape_cast %swap3A_726 : vector<1x16xf32> to vector<16xf32>
        %swap3A_728 = vector.shape_cast %max3A_723 : vector<16xf32> to vector<1x16xf32>
        tpu.vector_store %arg12[%swap3A_724, %swap3A_725], %swap3A_728 {strides = array<i32>} : memref<32x128xf32, #tpu.memory_space<vmem>>, vector<1x16xf32>,
        %get3A_729 = arith.index_cast %scan3A_704 : i32 to index
        %get3A_730 = arith.constant 16 : index
        %get3A_731 = tpu.vector_load %arg11[%get3A_729, %get3A_730] {strides = array<i32>} : memref<64x128xf32, #tpu.memory_space<vmem>>, vector<1x16xf32>,
        %get3A_732 = vector.shape_cast %get3A_731 : vector<1x16xf32> to vector<16xf32>
        %add3A_733 = arith.constant 32 : i32
        %add3A_734 = arith.addi %add3A_733, %scan3A_704 : i32
        %get3A_735 = arith.index_cast %add3A_734 : i32 to index
        %get3A_736 = arith.constant 16 : index
        %get3A_737 = tpu.vector_load %arg11[%get3A_735, %get3A_736] {strides = array<i32>} : memref<64x128xf32, #tpu.memory_space<vmem>>, vector<1x16xf32>,
        %get3A_738 = vector.shape_cast %get3A_737 : vector<1x16xf32> to vector<16xf32>
        %add3A_739 = arith.addf %get3A_732, %get3A_738 : vector<16xf32>
        %get3A_740 = arith.index_cast %scan3A_704 : i32 to index
        %get3A_741 = arith.constant 16 : index
        %get3A_742 = tpu.vector_load %arg12[%get3A_740, %get3A_741] {strides = array<i32>} : memref<32x128xf32, #tpu.memory_space<vmem>>, vector<1x16xf32>,
        %get3A_743 = vector.shape_cast %get3A_742 : vector<1x16xf32> to vector<16xf32>
        %add3A_744 = arith.addf %add3A_739, %get3A_743 : vector<16xf32>
        %max3A_745 = arith.constant 0.000000e+00 : f32
        %max3A_746 = vector.broadcast %max3A_745 : f32 to vector<16xf32>
        %max3A_747 = arith.maximumf %add3A_744, %max3A_746 : vector<16xf32>
        %swap3A_748 = arith.index_cast %scan3A_704 : i32 to index
        %swap3A_749 = arith.constant 16 : index
        %swap3A_750 = tpu.vector_load %arg12[%swap3A_748, %swap3A_749] {strides = array<i32>} : memref<32x128xf32, #tpu.memory_space<vmem>>, vector<1x16xf32>,
        %swap3A_751 = vector.shape_cast %swap3A_750 : vector<1x16xf32> to vector<16xf32>
        %swap3A_752 = vector.shape_cast %max3A_747 : vector<16xf32> to vector<1x16xf32>
        tpu.vector_store %arg12[%swap3A_748, %swap3A_749], %swap3A_752 {strides = array<i32>} : memref<32x128xf32, #tpu.memory_space<vmem>>, vector<1x16xf32>,
        %get3A_753 = arith.index_cast %scan3A_704 : i32 to index
        %get3A_754 = arith.constant 32 : index
        %get3A_755 = tpu.vector_load %arg11[%get3A_753, %get3A_754] {strides = array<i32>} : memref<64x128xf32, #tpu.memory_space<vmem>>, vector<1x16xf32>,
        %get3A_756 = vector.shape_cast %get3A_755 : vector<1x16xf32> to vector<16xf32>
        %add3A_757 = arith.constant 32 : i32
        %add3A_758 = arith.addi %add3A_757, %scan3A_704 : i32
        %get3A_759 = arith.index_cast %add3A_758 : i32 to index
        %get3A_760 = arith.constant 32 : index
        %get3A_761 = tpu.vector_load %arg11[%get3A_759, %get3A_760] {strides = array<i32>} : memref<64x128xf32, #tpu.memory_space<vmem>>, vector<1x16xf32>,
        %get3A_762 = vector.shape_cast %get3A_761 : vector<1x16xf32> to vector<16xf32>
        %add3A_763 = arith.addf %get3A_756, %get3A_762 : vector<16xf32>
        %get3A_764 = arith.index_cast %scan3A_704 : i32 to index
        %get3A_765 = arith.constant 32 : index
        %get3A_766 = tpu.vector_load %arg12[%get3A_764, %get3A_765] {strides = array<i32>} : memref<32x128xf32, #tpu.memory_space<vmem>>, vector<1x16xf32>,
        %get3A_767 = vector.shape_cast %get3A_766 : vector<1x16xf32> to vector<16xf32>
        %add3A_768 = arith.addf %add3A_763, %get3A_767 : vector<16xf32>
        %max3A_769 = arith.constant 0.000000e+00 : f32
        %max3A_770 = vector.broadcast %max3A_769 : f32 to vector<16xf32>
        %max3A_771 = arith.maximumf %add3A_768, %max3A_770 : vector<16xf32>
        %swap3A_772 = arith.index_cast %scan3A_704 : i32 to index
        %swap3A_773 = arith.constant 32 : index
        %swap3A_774 = tpu.vector_load %arg12[%swap3A_772, %swap3A_773] {strides = array<i32>} : memref<32x128xf32, #tpu.memory_space<vmem>>, vector<1x16xf32>,
        %swap3A_775 = vector.shape_cast %swap3A_774 : vector<1x16xf32> to vector<16xf32>
        %swap3A_776 = vector.shape_cast %max3A_771 : vector<16xf32> to vector<1x16xf32>
        tpu.vector_store %arg12[%swap3A_772, %swap3A_773], %swap3A_776 {strides = array<i32>} : memref<32x128xf32, #tpu.memory_space<vmem>>, vector<1x16xf32>,
        %get3A_777 = arith.index_cast %scan3A_704 : i32 to index
        %get3A_778 = arith.constant 48 : index
        %get3A_779 = tpu.vector_load %arg11[%get3A_777, %get3A_778] {strides = array<i32>} : memref<64x128xf32, #tpu.memory_space<vmem>>, vector<1x16xf32>,
        %get3A_780 = vector.shape_cast %get3A_779 : vector<1x16xf32> to vector<16xf32>
        %add3A_781 = arith.constant 32 : i32
        %add3A_782 = arith.addi %add3A_781, %scan3A_704 : i32
        %get3A_783 = arith.index_cast %add3A_782 : i32 to index
        %get3A_784 = arith.constant 48 : index
        %get3A_785 = tpu.vector_load %arg11[%get3A_783, %get3A_784] {strides = array<i32>} : memref<64x128xf32, #tpu.memory_space<vmem>>, vector<1x16xf32>,
        %get3A_786 = vector.shape_cast %get3A_785 : vector<1x16xf32> to vector<16xf32>
        %add3A_787 = arith.addf %get3A_780, %get3A_786 : vector<16xf32>
        %get3A_788 = arith.index_cast %scan3A_704 : i32 to index
        %get3A_789 = arith.constant 48 : index
        %get3A_790 = tpu.vector_load %arg12[%get3A_788, %get3A_789] {strides = array<i32>} : memref<32x128xf32, #tpu.memory_space<vmem>>, vector<1x16xf32>,
        %get3A_791 = vector.shape_cast %get3A_790 : vector<1x16xf32> to vector<16xf32>
        %add3A_792 = arith.addf %add3A_787, %get3A_791 : vector<16xf32>
        %max3A_793 = arith.constant 0.000000e+00 : f32
        %max3A_794 = vector.broadcast %max3A_793 : f32 to vector<16xf32>
        %max3A_795 = arith.maximumf %add3A_792, %max3A_794 : vector<16xf32>
        %swap3A_796 = arith.index_cast %scan3A_704 : i32 to index
        %swap3A_797 = arith.constant 48 : index
        %swap3A_798 = tpu.vector_load %arg12[%swap3A_796, %swap3A_797] {strides = array<i32>} : memref<32x128xf32, #tpu.memory_space<vmem>>, vector<1x16xf32>,
        %swap3A_799 = vector.shape_cast %swap3A_798 : vector<1x16xf32> to vector<16xf32>
        %swap3A_800 = vector.shape_cast %max3A_795 : vector<16xf32> to vector<1x16xf32>
        tpu.vector_store %arg12[%swap3A_796, %swap3A_797], %swap3A_800 {strides = array<i32>} : memref<32x128xf32, #tpu.memory_space<vmem>>, vector<1x16xf32>,
        %get3A_801 = arith.index_cast %scan3A_704 : i32 to index
        %get3A_802 = arith.constant 64 : index
        %get3A_803 = tpu.vector_load %arg11[%get3A_801, %get3A_802] {strides = array<i32>} : memref<64x128xf32, #tpu.memory_space<vmem>>, vector<1x16xf32>,
        %get3A_804 = vector.shape_cast %get3A_803 : vector<1x16xf32> to vector<16xf32>
        %add3A_805 = arith.constant 32 : i32
        %add3A_806 = arith.addi %add3A_805, %scan3A_704 : i32
        %get3A_807 = arith.index_cast %add3A_806 : i32 to index
        %get3A_808 = arith.constant 64 : index
        %get3A_809 = tpu.vector_load %arg11[%get3A_807, %get3A_808] {strides = array<i32>} : memref<64x128xf32, #tpu.memory_space<vmem>>, vector<1x16xf32>,
        %get3A_810 = vector.shape_cast %get3A_809 : vector<1x16xf32> to vector<16xf32>
        %add3A_811 = arith.addf %get3A_804, %get3A_810 : vector<16xf32>
        %get3A_812 = arith.index_cast %scan3A_704 : i32 to index
        %get3A_813 = arith.constant 64 : index
        %get3A_814 = tpu.vector_load %arg12[%get3A_812, %get3A_813] {strides = array<i32>} : memref<32x128xf32, #tpu.memory_space<vmem>>, vector<1x16xf32>,
        %get3A_815 = vector.shape_cast %get3A_814 : vector<1x16xf32> to vector<16xf32>
        %add3A_816 = arith.addf %add3A_811, %get3A_815 : vector<16xf32>
        %max3A_817 = arith.constant 0.000000e+00 : f32
        %max3A_818 = vector.broadcast %max3A_817 : f32 to vector<16xf32>
        %max3A_819 = arith.maximumf %add3A_816, %max3A_818 : vector<16xf32>
        %swap3A_820 = arith.index_cast %scan3A_704 : i32 to index
        %swap3A_821 = arith.constant 64 : index
        %swap3A_822 = tpu.vector_load %arg12[%swap3A_820, %swap3A_821] {strides = array<i32>} : memref<32x128xf32, #tpu.memory_space<vmem>>, vector<1x16xf32>,
        %swap3A_823 = vector.shape_cast %swap3A_822 : vector<1x16xf32> to vector<16xf32>
        %swap3A_824 = vector.shape_cast %max3A_819 : vector<16xf32> to vector<1x16xf32>
        tpu.vector_store %arg12[%swap3A_820, %swap3A_821], %swap3A_824 {strides = array<i32>} : memref<32x128xf32, #tpu.memory_space<vmem>>, vector<1x16xf32>,
        %get3A_825 = arith.index_cast %scan3A_704 : i32 to index
        %get3A_826 = arith.constant 80 : index
        %get3A_827 = tpu.vector_load %arg11[%get3A_825, %get3A_826] {strides = array<i32>} : memref<64x128xf32, #tpu.memory_space<vmem>>, vector<1x16xf32>,
        %get3A_828 = vector.shape_cast %get3A_827 : vector<1x16xf32> to vector<16xf32>
        %add3A_829 = arith.constant 32 : i32
        %add3A_830 = arith.addi %add3A_829, %scan3A_704 : i32
        %get3A_831 = arith.index_cast %add3A_830 : i32 to index
        %get3A_832 = arith.constant 80 : index
        %get3A_833 = tpu.vector_load %arg11[%get3A_831, %get3A_832] {strides = array<i32>} : memref<64x128xf32, #tpu.memory_space<vmem>>, vector<1x16xf32>,
        %get3A_834 = vector.shape_cast %get3A_833 : vector<1x16xf32> to vector<16xf32>
        %add3A_835 = arith.addf %get3A_828, %get3A_834 : vector<16xf32>
        %get3A_836 = arith.index_cast %scan3A_704 : i32 to index
        %get3A_837 = arith.constant 80 : index
        %get3A_838 = tpu.vector_load %arg12[%get3A_836, %get3A_837] {strides = array<i32>} : memref<32x128xf32, #tpu.memory_space<vmem>>, vector<1x16xf32>,
        %get3A_839 = vector.shape_cast %get3A_838 : vector<1x16xf32> to vector<16xf32>
        %add3A_840 = arith.addf %add3A_835, %get3A_839 : vector<16xf32>
        %max3A_841 = arith.constant 0.000000e+00 : f32
        %max3A_842 = vector.broadcast %max3A_841 : f32 to vector<16xf32>
        %max3A_843 = arith.maximumf %add3A_840, %max3A_842 : vector<16xf32>
        %swap3A_844 = arith.index_cast %scan3A_704 : i32 to index
        %swap3A_845 = arith.constant 80 : index
        %swap3A_846 = tpu.vector_load %arg12[%swap3A_844, %swap3A_845] {strides = array<i32>} : memref<32x128xf32, #tpu.memory_space<vmem>>, vector<1x16xf32>,
        %swap3A_847 = vector.shape_cast %swap3A_846 : vector<1x16xf32> to vector<16xf32>
        %swap3A_848 = vector.shape_cast %max3A_843 : vector<16xf32> to vector<1x16xf32>
        tpu.vector_store %arg12[%swap3A_844, %swap3A_845], %swap3A_848 {strides = array<i32>} : memref<32x128xf32, #tpu.memory_space<vmem>>, vector<1x16xf32>,
        %get3A_849 = arith.index_cast %scan3A_704 : i32 to index
        %get3A_850 = arith.constant 96 : index
        %get3A_851 = tpu.vector_load %arg11[%get3A_849, %get3A_850] {strides = array<i32>} : memref<64x128xf32, #tpu.memory_space<vmem>>, vector<1x16xf32>,
        %get3A_852 = vector.shape_cast %get3A_851 : vector<1x16xf32> to vector<16xf32>
        %add3A_853 = arith.constant 32 : i32
        %add3A_854 = arith.addi %add3A_853, %scan3A_704 : i32
        %get3A_855 = arith.index_cast %add3A_854 : i32 to index
        %get3A_856 = arith.constant 96 : index
        %get3A_857 = tpu.vector_load %arg11[%get3A_855, %get3A_856] {strides = array<i32>} : memref<64x128xf32, #tpu.memory_space<vmem>>, vector<1x16xf32>,
        %get3A_858 = vector.shape_cast %get3A_857 : vector<1x16xf32> to vector<16xf32>
        %add3A_859 = arith.addf %get3A_852, %get3A_858 : vector<16xf32>
        %get3A_860 = arith.index_cast %scan3A_704 : i32 to index
        %get3A_861 = arith.constant 96 : index
        %get3A_862 = tpu.vector_load %arg12[%get3A_860, %get3A_861] {strides = array<i32>} : memref<32x128xf32, #tpu.memory_space<vmem>>, vector<1x16xf32>,
        %get3A_863 = vector.shape_cast %get3A_862 : vector<1x16xf32> to vector<16xf32>
        %add3A_864 = arith.addf %add3A_859, %get3A_863 : vector<16xf32>
        %max3A_865 = arith.constant 0.000000e+00 : f32
        %max3A_866 = vector.broadcast %max3A_865 : f32 to vector<16xf32>
        %max3A_867 = arith.maximumf %add3A_864, %max3A_866 : vector<16xf32>
        %swap3A_868 = arith.index_cast %scan3A_704 : i32 to index
        %swap3A_869 = arith.constant 96 : index
        %swap3A_870 = tpu.vector_load %arg12[%swap3A_868, %swap3A_869] {strides = array<i32>} : memref<32x128xf32, #tpu.memory_space<vmem>>, vector<1x16xf32>,
        %swap3A_871 = vector.shape_cast %swap3A_870 : vector<1x16xf32> to vector<16xf32>
        %swap3A_872 = vector.shape_cast %max3A_867 : vector<16xf32> to vector<1x16xf32>
        tpu.vector_store %arg12[%swap3A_868, %swap3A_869], %swap3A_872 {strides = array<i32>} : memref<32x128xf32, #tpu.memory_space<vmem>>, vector<1x16xf32>,
        %get3A_873 = arith.index_cast %scan3A_704 : i32 to index
        %get3A_874 = arith.constant 112 : index
        %get3A_875 = tpu.vector_load %arg11[%get3A_873, %get3A_874] {strides = array<i32>} : memref<64x128xf32, #tpu.memory_space<vmem>>, vector<1x16xf32>,
        %get3A_876 = vector.shape_cast %get3A_875 : vector<1x16xf32> to vector<16xf32>
        %add3A_877 = arith.constant 32 : i32
        %add3A_878 = arith.addi %add3A_877, %scan3A_704 : i32
        %get3A_879 = arith.index_cast %add3A_878 : i32 to index
        %get3A_880 = arith.constant 112 : index
        %get3A_881 = tpu.vector_load %arg11[%get3A_879, %get3A_880] {strides = array<i32>} : memref<64x128xf32, #tpu.memory_space<vmem>>, vector<1x16xf32>,
        %get3A_882 = vector.shape_cast %get3A_881 : vector<1x16xf32> to vector<16xf32>
        %add3A_883 = arith.addf %get3A_876, %get3A_882 : vector<16xf32>
        %get3A_884 = arith.index_cast %scan3A_704 : i32 to index
        %get3A_885 = arith.constant 112 : index
        %get3A_886 = tpu.vector_load %arg12[%get3A_884, %get3A_885] {strides = array<i32>} : memref<32x128xf32, #tpu.memory_space<vmem>>, vector<1x16xf32>,
        %get3A_887 = vector.shape_cast %get3A_886 : vector<1x16xf32> to vector<16xf32>
        %add3A_888 = arith.addf %add3A_883, %get3A_887 : vector<16xf32>
        %max3A_889 = arith.constant 0.000000e+00 : f32
        %max3A_890 = vector.broadcast %max3A_889 : f32 to vector<16xf32>
        %max3A_891 = arith.maximumf %add3A_888, %max3A_890 : vector<16xf32>
        %swap3A_892 = arith.index_cast %scan3A_704 : i32 to index
        %swap3A_893 = arith.constant 112 : index
        %swap3A_894 = tpu.vector_load %arg12[%swap3A_892, %swap3A_893] {strides = array<i32>} : memref<32x128xf32, #tpu.memory_space<vmem>>, vector<1x16xf32>,
        %swap3A_895 = vector.shape_cast %swap3A_894 : vector<1x16xf32> to vector<16xf32>
        %swap3A_896 = vector.shape_cast %max3A_891 : vector<16xf32> to vector<1x16xf32>
        tpu.vector_store %arg12[%swap3A_892, %swap3A_893], %swap3A_896 {strides = array<i32>} : memref<32x128xf32, #tpu.memory_space<vmem>>, vector<1x16xf32>,
      }
      %scan3A_452 = arith.constant 32 : i32
      %dma_start3A_453 = arith.constant 2 : i32
      %dma_start3A_454 = arith.constant 0 : i32
      %dma_start3A_455 = tpu.memref_slice %arg10[%dma_start3A_453, %dma_start3A_454] : memref<4x32xi32, #tpu.memory_space<vmem>> -> memref<1x32xi32, #tpu.memory_space<vmem>>
      %dma_start3A_456 = tpu.memref_squeeze %dma_start3A_455 : memref<1x32xi32, #tpu.memory_space<vmem>> -> memref<32xi32, #tpu.memory_space<vmem>>
      %dma_start3A_457 = arith.constant 0 : i32
      %dma_start3A_458 = arith.constant 0 : i32
      %dma_start3A_459 = tpu.memref_slice %arg15[%dma_start3A_457, %dma_start3A_458] : memref<10240x128xf32, #tpu.memory_space<vmem_shared>> -> memref<10240x128xf32, #tpu.memory_space<vmem_shared>>
      tpu.enqueue_indirect_dma source(%arg12 : memref<32x128xf32, #tpu.memory_space<vmem>>) target(%dma_start3A_459 : memref<10240x128xf32, #tpu.memory_space<vmem_shared>>) offsets(%dma_start3A_456 : memref<32xi32, #tpu.memory_space<vmem>>) semaphore(%arg19 : memref<!tpu.dma_semaphore, #tpu.memory_space<semaphore_mem>>) {add = true}
      %mul3A_460 = arith.constant 8 : i32
      %mul3A_461 = arith.muli %mul3A_460, %scan3A_44 : i32
      %add3A_462 = arith.constant 7 : i32
      %add3A_463 = arith.addi %mul3A_461, %add3A_462 : i32
      %lt3A_464 = arith.constant 19 : i32
      %lt3A_465 = arith.cmpi slt, %scan3A_44, %lt3A_464 : i32
      %convert_element_type3A_466 = arith.extui %lt3A_465 : i1 to i32
      %cond3A_467 = arith.constant 0 : i32
      %cond3A_468 = arith.cmpi ne, %convert_element_type3A_466, %cond3A_467 : i32
      scf.if %cond3A_468 {
        %dma_wait3A_513 = arith.constant 0 : i32
        %dma_wait3A_514 = arith.constant 0 : i32
        %dma_wait3A_515 = arith.constant 0 : i32
        %dma_wait3A_516 = tpu.memref_slice %arg4[%add3A, %dma_wait3A_513, %dma_wait3A_514, %dma_wait3A_515] : memref<32x40x4x64xi32, #tpu.memory_space<hbm>> -> memref<1x1x4x64xi32, #tpu.memory_space<hbm>>
        %dma_wait3A_517 = tpu.memref_squeeze %dma_wait3A_516 : memref<1x1x4x64xi32, #tpu.memory_space<hbm>> -> memref<4x64xi32, #tpu.memory_space<hbm>>
        %dma_wait3A_518 = arith.constant 0 : i32
        %dma_wait3A_519 = arith.constant 0 : i32
        %dma_wait3A_520 = tpu.memref_slice %arg4[%add3A, %dma_wait3A_513, %dma_wait3A_518, %dma_wait3A_519] : memref<32x40x4x64xi32, #tpu.memory_space<hbm>> -> memref<1x1x4x64xi32, #tpu.memory_space<hbm>>
        %dma_wait3A_521 = tpu.memref_squeeze %dma_wait3A_520 : memref<1x1x4x64xi32, #tpu.memory_space<hbm>> -> memref<4x64xi32, #tpu.memory_space<hbm>>
        tpu.wait_dma2 semaphore(%arg18 : memref<!tpu.dma_semaphore, #tpu.memory_space<semaphore_mem>>) src(%dma_wait3A_521 : memref<4x64xi32, #tpu.memory_space<hbm>>) dst(%arg7 : memref<4x64xi32, #tpu.memory_space<vmem>>)
        %dma_wait3A_522 = arith.constant 0 : i32
        %dma_wait3A_523 = arith.constant 0 : i32
        %dma_wait3A_524 = arith.constant 0 : i32
        %dma_wait3A_525 = tpu.memref_slice %arg5[%add3A, %dma_wait3A_522, %dma_wait3A_523, %dma_wait3A_524] : memref<32x40x4x32xi32, #tpu.memory_space<hbm>> -> memref<1x1x4x32xi32, #tpu.memory_space<hbm>>
        %dma_wait3A_526 = tpu.memref_squeeze %dma_wait3A_525 : memref<1x1x4x32xi32, #tpu.memory_space<hbm>> -> memref<4x32xi32, #tpu.memory_space<hbm>>
        %dma_wait3A_527 = arith.constant 0 : i32
        %dma_wait3A_528 = arith.constant 0 : i32
        %dma_wait3A_529 = tpu.memref_slice %arg5[%add3A, %dma_wait3A_522, %dma_wait3A_527, %dma_wait3A_528] : memref<32x40x4x32xi32, #tpu.memory_space<hbm>> -> memref<1x1x4x32xi32, #tpu.memory_space<hbm>>
        %dma_wait3A_530 = tpu.memref_squeeze %dma_wait3A_529 : memref<1x1x4x32xi32, #tpu.memory_space<hbm>> -> memref<4x32xi32, #tpu.memory_space<hbm>>
        tpu.wait_dma2 semaphore(%arg18 : memref<!tpu.dma_semaphore, #tpu.memory_space<semaphore_mem>>) src(%dma_wait3A_530 : memref<4x32xi32, #tpu.memory_space<hbm>>) dst(%arg9 : memref<4x32xi32, #tpu.memory_space<vmem>>)
      } else {
      }
      %lt3A_469 = arith.constant 19 : i32
      %lt3A_470 = arith.cmpi slt, %scan3A_44, %lt3A_469 : i32
      %convert_element_type3A_471 = arith.extui %lt3A_470 : i1 to i32
      %cond3A_472 = arith.constant 0 : i32
      %cond3A_473 = arith.cmpi ne, %convert_element_type3A_471, %cond3A_472 : i32
      scf.if %cond3A_473 {
        %dma_start3A_513 = arith.constant 0 : i32
        %dma_start3A_514 = arith.constant 0 : i32
        %dma_start3A_515 = tpu.memref_slice %arg7[%dma_start3A_513, %dma_start3A_514] : memref<4x64xi32, #tpu.memory_space<vmem>> -> memref<1x64xi32, #tpu.memory_space<vmem>>
        %dma_start3A_516 = tpu.memref_squeeze %dma_start3A_515 : memref<1x64xi32, #tpu.memory_space<vmem>> -> memref<64xi32, #tpu.memory_space<vmem>>
        %dma_start3A_517 = arith.constant 0 : i32
        %dma_start3A_518 = arith.constant 0 : i32
        %dma_start3A_519 = tpu.memref_slice %arg2[%dma_start3A_517, %dma_start3A_518] : memref<20480x128xf32, #tpu.memory_space<hbm>> -> memref<20480x128xf32, #tpu.memory_space<hbm>>
        tpu.enqueue_indirect_dma source(%dma_start3A_519 : memref<20480x128xf32, #tpu.memory_space<hbm>>) target(%arg11 : memref<64x128xf32, #tpu.memory_space<vmem>>) offsets(%dma_start3A_516 : memref<64xi32, #tpu.memory_space<vmem>>) semaphore(%arg16 : memref<!tpu.dma_semaphore, #tpu.memory_space<semaphore_mem>>)
      } else {
      }
      %dma_wait3A_474 = arith.constant 3 : i32
      %dma_wait3A_475 = arith.constant 0 : i32
      %dma_wait3A_476 = tpu.memref_slice %arg8[%dma_wait3A_474, %dma_wait3A_475] : memref<4x64xi32, #tpu.memory_space<vmem>> -> memref<1x64xi32, #tpu.memory_space<vmem>>
      %dma_wait3A_477 = tpu.memref_squeeze %dma_wait3A_476 : memref<1x64xi32, #tpu.memory_space<vmem>> -> memref<64xi32, #tpu.memory_space<vmem>>
      %dma_wait3A_478 = arith.constant 0 : i32
      %dma_wait3A_479 = arith.constant 0 : i32
      %dma_wait3A_480 = tpu.memref_slice %arg2[%dma_wait3A_478, %dma_wait3A_479] : memref<20480x128xf32, #tpu.memory_space<hbm>> -> memref<20480x128xf32, #tpu.memory_space<hbm>>
      tpu.wait_indirect_dma semaphore(%arg17 : memref<!tpu.dma_semaphore, #tpu.memory_space<semaphore_mem>>) src(%dma_wait3A_480 : memref<20480x128xf32, #tpu.memory_space<hbm>>) dst(%arg13 : memref<64x128xf32, #tpu.memory_space<vmem>>)
      %mul3A_481 = arith.constant 32 : i32
      %mul3A_482 = arith.muli %add3A_463, %mul3A_481 : i32
      %add3A_483 = arith.addi %mul3A_2, %mul3A_482 : i32
      %dma_wait3A_484 = arith.constant 0 : i32
      %dma_wait3A_485 = tpu.memref_slice %arg3[%add3A_483, %dma_wait3A_484] : memref<163840x128xf32, #tpu.memory_space<hbm>> -> memref<32x128xf32, #tpu.memory_space<hbm>>
      %dma_wait3A_486 = arith.constant 0 : i32
      %dma_wait3A_487 = tpu.memref_slice %arg3[%add3A_483, %dma_wait3A_486] : memref<163840x128xf32, #tpu.memory_space<hbm>> -> memref<32x128xf32, #tpu.memory_space<hbm>>
      tpu.wait_dma2 semaphore(%arg17 : memref<!tpu.dma_semaphore, #tpu.memory_space<semaphore_mem>>) src(%dma_wait3A_487 : memref<32x128xf32, #tpu.memory_space<hbm>>) dst(%arg14 : memref<32x128xf32, #tpu.memory_space<vmem>>)
      %dma_wait3A_488 = arith.constant 2 : i32
      %dma_wait3A_489 = arith.constant 0 : i32
      %dma_wait3A_490 = tpu.memref_slice %arg10[%dma_wait3A_488, %dma_wait3A_489] : memref<4x32xi32, #tpu.memory_space<vmem>> -> memref<1x32xi32, #tpu.memory_space<vmem>>
      %dma_wait3A_491 = tpu.memref_squeeze %dma_wait3A_490 : memref<1x32xi32, #tpu.memory_space<vmem>> -> memref<32xi32, #tpu.memory_space<vmem>>
      %dma_wait3A_492 = arith.constant 0 : i32
      %dma_wait3A_493 = arith.constant 0 : i32
      %dma_wait3A_494 = tpu.memref_slice %arg15[%dma_wait3A_492, %dma_wait3A_493] : memref<10240x128xf32, #tpu.memory_space<vmem_shared>> -> memref<10240x128xf32, #tpu.memory_space<vmem_shared>>
      tpu.wait_indirect_dma semaphore(%arg19 : memref<!tpu.dma_semaphore, #tpu.memory_space<semaphore_mem>>) src(%arg12 : memref<32x128xf32, #tpu.memory_space<vmem>>) dst(%dma_wait3A_494 : memref<10240x128xf32, #tpu.memory_space<vmem_shared>>)
      %lt3A_495 = arith.constant 19 : i32
      %lt3A_496 = arith.cmpi slt, %scan3A_44, %lt3A_495 : i32
      %convert_element_type3A_497 = arith.extui %lt3A_496 : i1 to i32
      %cond3A_498 = arith.constant 0 : i32
      %cond3A_499 = arith.cmpi ne, %convert_element_type3A_497, %cond3A_498 : i32
      scf.if %cond3A_499 {
        %add3A_513 = arith.constant 1 : i32
        %add3A_514 = arith.addi %add3A_463, %add3A_513 : i32
        %mul3A_515 = arith.constant 32 : i32
        %mul3A_516 = arith.muli %add3A_514, %mul3A_515 : i32
        %add3A_517 = arith.addi %mul3A_2, %mul3A_516 : i32
        %dma_start3A_518 = arith.constant 0 : i32
        %dma_start3A_519 = tpu.memref_slice %arg3[%add3A_517, %dma_start3A_518] : memref<163840x128xf32, #tpu.memory_space<hbm>> -> memref<32x128xf32, #tpu.memory_space<hbm>>
        %dma_start3A_520 = arith.constant 0 : i32
        %dma_start3A_521 = tpu.memref_slice %arg3[%add3A_517, %dma_start3A_520] : memref<163840x128xf32, #tpu.memory_space<hbm>> -> memref<32x128xf32, #tpu.memory_space<hbm>>
        tpu.enqueue_dma source(%dma_start3A_521 : memref<32x128xf32, #tpu.memory_space<hbm>>) target(%arg12 : memref<32x128xf32, #tpu.memory_space<vmem>>) target_semaphore(%arg16 : memref<!tpu.dma_semaphore, #tpu.memory_space<semaphore_mem>>)
      } else {
      }
      %scan3A_500 = arith.constant 0 : i32
      %scan3A_501 = arith.constant 0 : i32
      %scan3A_502 = arith.constant 32 : i32
      %scan3A_503 = arith.addi %scan3A_501, %scan3A_502 : i32
      %scan3A_504 = arith.constant 2 : i32
      scf.for %scan3A_513 = %scan3A_501 to %scan3A_503 step %scan3A_504  : i32 {
        %get3A = arith.index_cast %scan3A_513 : i32 to index
        %get3A_514 = arith.constant 0 : index
        %get3A_515 = tpu.vector_load %arg13[%get3A, %get3A_514] {strides = array<i32>} : memref<64x128xf32, #tpu.memory_space<vmem>>, vector<1x16xf32>,
        %get3A_516 = vector.shape_cast %get3A_515 : vector<1x16xf32> to vector<16xf32>
        %add3A_517 = arith.constant 32 : i32
        %add3A_518 = arith.addi %add3A_517, %scan3A_513 : i32
        %get3A_519 = arith.index_cast %add3A_518 : i32 to index
        %get3A_520 = arith.constant 0 : index
        %get3A_521 = tpu.vector_load %arg13[%get3A_519, %get3A_520] {strides = array<i32>} : memref<64x128xf32, #tpu.memory_space<vmem>>, vector<1x16xf32>,
        %get3A_522 = vector.shape_cast %get3A_521 : vector<1x16xf32> to vector<16xf32>
        %add3A_523 = arith.addf %get3A_516, %get3A_522 : vector<16xf32>
        %get3A_524 = arith.index_cast %scan3A_513 : i32 to index
        %get3A_525 = arith.constant 0 : index
        %get3A_526 = tpu.vector_load %arg14[%get3A_524, %get3A_525] {strides = array<i32>} : memref<32x128xf32, #tpu.memory_space<vmem>>, vector<1x16xf32>,
        %get3A_527 = vector.shape_cast %get3A_526 : vector<1x16xf32> to vector<16xf32>
        %add3A_528 = arith.addf %add3A_523, %get3A_527 : vector<16xf32>
        %max3A = arith.constant 0.000000e+00 : f32
        %max3A_529 = vector.broadcast %max3A : f32 to vector<16xf32>
        %max3A_530 = arith.maximumf %add3A_528, %max3A_529 : vector<16xf32>
        %swap3A = arith.index_cast %scan3A_513 : i32 to index
        %swap3A_531 = arith.constant 0 : index
        %swap3A_532 = tpu.vector_load %arg14[%swap3A, %swap3A_531] {strides = array<i32>} : memref<32x128xf32, #tpu.memory_space<vmem>>, vector<1x16xf32>,
        %swap3A_533 = vector.shape_cast %swap3A_532 : vector<1x16xf32> to vector<16xf32>
        %swap3A_534 = vector.shape_cast %max3A_530 : vector<16xf32> to vector<1x16xf32>
        tpu.vector_store %arg14[%swap3A, %swap3A_531], %swap3A_534 {strides = array<i32>} : memref<32x128xf32, #tpu.memory_space<vmem>>, vector<1x16xf32>,
        %get3A_535 = arith.index_cast %scan3A_513 : i32 to index
        %get3A_536 = arith.constant 16 : index
        %get3A_537 = tpu.vector_load %arg13[%get3A_535, %get3A_536] {strides = array<i32>} : memref<64x128xf32, #tpu.memory_space<vmem>>, vector<1x16xf32>,
        %get3A_538 = vector.shape_cast %get3A_537 : vector<1x16xf32> to vector<16xf32>
        %add3A_539 = arith.constant 32 : i32
        %add3A_540 = arith.addi %add3A_539, %scan3A_513 : i32
        %get3A_541 = arith.index_cast %add3A_540 : i32 to index
        %get3A_542 = arith.constant 16 : index
        %get3A_543 = tpu.vector_load %arg13[%get3A_541, %get3A_542] {strides = array<i32>} : memref<64x128xf32, #tpu.memory_space<vmem>>, vector<1x16xf32>,
        %get3A_544 = vector.shape_cast %get3A_543 : vector<1x16xf32> to vector<16xf32>
        %add3A_545 = arith.addf %get3A_538, %get3A_544 : vector<16xf32>
        %get3A_546 = arith.index_cast %scan3A_513 : i32 to index
        %get3A_547 = arith.constant 16 : index
        %get3A_548 = tpu.vector_load %arg14[%get3A_546, %get3A_547] {strides = array<i32>} : memref<32x128xf32, #tpu.memory_space<vmem>>, vector<1x16xf32>,
        %get3A_549 = vector.shape_cast %get3A_548 : vector<1x16xf32> to vector<16xf32>
        %add3A_550 = arith.addf %add3A_545, %get3A_549 : vector<16xf32>
        %max3A_551 = arith.constant 0.000000e+00 : f32
        %max3A_552 = vector.broadcast %max3A_551 : f32 to vector<16xf32>
        %max3A_553 = arith.maximumf %add3A_550, %max3A_552 : vector<16xf32>
        %swap3A_554 = arith.index_cast %scan3A_513 : i32 to index
        %swap3A_555 = arith.constant 16 : index
        %swap3A_556 = tpu.vector_load %arg14[%swap3A_554, %swap3A_555] {strides = array<i32>} : memref<32x128xf32, #tpu.memory_space<vmem>>, vector<1x16xf32>,
        %swap3A_557 = vector.shape_cast %swap3A_556 : vector<1x16xf32> to vector<16xf32>
        %swap3A_558 = vector.shape_cast %max3A_553 : vector<16xf32> to vector<1x16xf32>
        tpu.vector_store %arg14[%swap3A_554, %swap3A_555], %swap3A_558 {strides = array<i32>} : memref<32x128xf32, #tpu.memory_space<vmem>>, vector<1x16xf32>,
        %get3A_559 = arith.index_cast %scan3A_513 : i32 to index
        %get3A_560 = arith.constant 32 : index
        %get3A_561 = tpu.vector_load %arg13[%get3A_559, %get3A_560] {strides = array<i32>} : memref<64x128xf32, #tpu.memory_space<vmem>>, vector<1x16xf32>,
        %get3A_562 = vector.shape_cast %get3A_561 : vector<1x16xf32> to vector<16xf32>
        %add3A_563 = arith.constant 32 : i32
        %add3A_564 = arith.addi %add3A_563, %scan3A_513 : i32
        %get3A_565 = arith.index_cast %add3A_564 : i32 to index
        %get3A_566 = arith.constant 32 : index
        %get3A_567 = tpu.vector_load %arg13[%get3A_565, %get3A_566] {strides = array<i32>} : memref<64x128xf32, #tpu.memory_space<vmem>>, vector<1x16xf32>,
        %get3A_568 = vector.shape_cast %get3A_567 : vector<1x16xf32> to vector<16xf32>
        %add3A_569 = arith.addf %get3A_562, %get3A_568 : vector<16xf32>
        %get3A_570 = arith.index_cast %scan3A_513 : i32 to index
        %get3A_571 = arith.constant 32 : index
        %get3A_572 = tpu.vector_load %arg14[%get3A_570, %get3A_571] {strides = array<i32>} : memref<32x128xf32, #tpu.memory_space<vmem>>, vector<1x16xf32>,
        %get3A_573 = vector.shape_cast %get3A_572 : vector<1x16xf32> to vector<16xf32>
        %add3A_574 = arith.addf %add3A_569, %get3A_573 : vector<16xf32>
        %max3A_575 = arith.constant 0.000000e+00 : f32
        %max3A_576 = vector.broadcast %max3A_575 : f32 to vector<16xf32>
        %max3A_577 = arith.maximumf %add3A_574, %max3A_576 : vector<16xf32>
        %swap3A_578 = arith.index_cast %scan3A_513 : i32 to index
        %swap3A_579 = arith.constant 32 : index
        %swap3A_580 = tpu.vector_load %arg14[%swap3A_578, %swap3A_579] {strides = array<i32>} : memref<32x128xf32, #tpu.memory_space<vmem>>, vector<1x16xf32>,
        %swap3A_581 = vector.shape_cast %swap3A_580 : vector<1x16xf32> to vector<16xf32>
        %swap3A_582 = vector.shape_cast %max3A_577 : vector<16xf32> to vector<1x16xf32>
        tpu.vector_store %arg14[%swap3A_578, %swap3A_579], %swap3A_582 {strides = array<i32>} : memref<32x128xf32, #tpu.memory_space<vmem>>, vector<1x16xf32>,
        %get3A_583 = arith.index_cast %scan3A_513 : i32 to index
        %get3A_584 = arith.constant 48 : index
        %get3A_585 = tpu.vector_load %arg13[%get3A_583, %get3A_584] {strides = array<i32>} : memref<64x128xf32, #tpu.memory_space<vmem>>, vector<1x16xf32>,
        %get3A_586 = vector.shape_cast %get3A_585 : vector<1x16xf32> to vector<16xf32>
        %add3A_587 = arith.constant 32 : i32
        %add3A_588 = arith.addi %add3A_587, %scan3A_513 : i32
        %get3A_589 = arith.index_cast %add3A_588 : i32 to index
        %get3A_590 = arith.constant 48 : index
        %get3A_591 = tpu.vector_load %arg13[%get3A_589, %get3A_590] {strides = array<i32>} : memref<64x128xf32, #tpu.memory_space<vmem>>, vector<1x16xf32>,
        %get3A_592 = vector.shape_cast %get3A_591 : vector<1x16xf32> to vector<16xf32>
        %add3A_593 = arith.addf %get3A_586, %get3A_592 : vector<16xf32>
        %get3A_594 = arith.index_cast %scan3A_513 : i32 to index
        %get3A_595 = arith.constant 48 : index
        %get3A_596 = tpu.vector_load %arg14[%get3A_594, %get3A_595] {strides = array<i32>} : memref<32x128xf32, #tpu.memory_space<vmem>>, vector<1x16xf32>,
        %get3A_597 = vector.shape_cast %get3A_596 : vector<1x16xf32> to vector<16xf32>
        %add3A_598 = arith.addf %add3A_593, %get3A_597 : vector<16xf32>
        %max3A_599 = arith.constant 0.000000e+00 : f32
        %max3A_600 = vector.broadcast %max3A_599 : f32 to vector<16xf32>
        %max3A_601 = arith.maximumf %add3A_598, %max3A_600 : vector<16xf32>
        %swap3A_602 = arith.index_cast %scan3A_513 : i32 to index
        %swap3A_603 = arith.constant 48 : index
        %swap3A_604 = tpu.vector_load %arg14[%swap3A_602, %swap3A_603] {strides = array<i32>} : memref<32x128xf32, #tpu.memory_space<vmem>>, vector<1x16xf32>,
        %swap3A_605 = vector.shape_cast %swap3A_604 : vector<1x16xf32> to vector<16xf32>
        %swap3A_606 = vector.shape_cast %max3A_601 : vector<16xf32> to vector<1x16xf32>
        tpu.vector_store %arg14[%swap3A_602, %swap3A_603], %swap3A_606 {strides = array<i32>} : memref<32x128xf32, #tpu.memory_space<vmem>>, vector<1x16xf32>,
        %get3A_607 = arith.index_cast %scan3A_513 : i32 to index
        %get3A_608 = arith.constant 64 : index
        %get3A_609 = tpu.vector_load %arg13[%get3A_607, %get3A_608] {strides = array<i32>} : memref<64x128xf32, #tpu.memory_space<vmem>>, vector<1x16xf32>,
        %get3A_610 = vector.shape_cast %get3A_609 : vector<1x16xf32> to vector<16xf32>
        %add3A_611 = arith.constant 32 : i32
        %add3A_612 = arith.addi %add3A_611, %scan3A_513 : i32
        %get3A_613 = arith.index_cast %add3A_612 : i32 to index
        %get3A_614 = arith.constant 64 : index
        %get3A_615 = tpu.vector_load %arg13[%get3A_613, %get3A_614] {strides = array<i32>} : memref<64x128xf32, #tpu.memory_space<vmem>>, vector<1x16xf32>,
        %get3A_616 = vector.shape_cast %get3A_615 : vector<1x16xf32> to vector<16xf32>
        %add3A_617 = arith.addf %get3A_610, %get3A_616 : vector<16xf32>
        %get3A_618 = arith.index_cast %scan3A_513 : i32 to index
        %get3A_619 = arith.constant 64 : index
        %get3A_620 = tpu.vector_load %arg14[%get3A_618, %get3A_619] {strides = array<i32>} : memref<32x128xf32, #tpu.memory_space<vmem>>, vector<1x16xf32>,
        %get3A_621 = vector.shape_cast %get3A_620 : vector<1x16xf32> to vector<16xf32>
        %add3A_622 = arith.addf %add3A_617, %get3A_621 : vector<16xf32>
        %max3A_623 = arith.constant 0.000000e+00 : f32
        %max3A_624 = vector.broadcast %max3A_623 : f32 to vector<16xf32>
        %max3A_625 = arith.maximumf %add3A_622, %max3A_624 : vector<16xf32>
        %swap3A_626 = arith.index_cast %scan3A_513 : i32 to index
        %swap3A_627 = arith.constant 64 : index
        %swap3A_628 = tpu.vector_load %arg14[%swap3A_626, %swap3A_627] {strides = array<i32>} : memref<32x128xf32, #tpu.memory_space<vmem>>, vector<1x16xf32>,
        %swap3A_629 = vector.shape_cast %swap3A_628 : vector<1x16xf32> to vector<16xf32>
        %swap3A_630 = vector.shape_cast %max3A_625 : vector<16xf32> to vector<1x16xf32>
        tpu.vector_store %arg14[%swap3A_626, %swap3A_627], %swap3A_630 {strides = array<i32>} : memref<32x128xf32, #tpu.memory_space<vmem>>, vector<1x16xf32>,
        %get3A_631 = arith.index_cast %scan3A_513 : i32 to index
        %get3A_632 = arith.constant 80 : index
        %get3A_633 = tpu.vector_load %arg13[%get3A_631, %get3A_632] {strides = array<i32>} : memref<64x128xf32, #tpu.memory_space<vmem>>, vector<1x16xf32>,
        %get3A_634 = vector.shape_cast %get3A_633 : vector<1x16xf32> to vector<16xf32>
        %add3A_635 = arith.constant 32 : i32
        %add3A_636 = arith.addi %add3A_635, %scan3A_513 : i32
        %get3A_637 = arith.index_cast %add3A_636 : i32 to index
        %get3A_638 = arith.constant 80 : index
        %get3A_639 = tpu.vector_load %arg13[%get3A_637, %get3A_638] {strides = array<i32>} : memref<64x128xf32, #tpu.memory_space<vmem>>, vector<1x16xf32>,
        %get3A_640 = vector.shape_cast %get3A_639 : vector<1x16xf32> to vector<16xf32>
        %add3A_641 = arith.addf %get3A_634, %get3A_640 : vector<16xf32>
        %get3A_642 = arith.index_cast %scan3A_513 : i32 to index
        %get3A_643 = arith.constant 80 : index
        %get3A_644 = tpu.vector_load %arg14[%get3A_642, %get3A_643] {strides = array<i32>} : memref<32x128xf32, #tpu.memory_space<vmem>>, vector<1x16xf32>,
        %get3A_645 = vector.shape_cast %get3A_644 : vector<1x16xf32> to vector<16xf32>
        %add3A_646 = arith.addf %add3A_641, %get3A_645 : vector<16xf32>
        %max3A_647 = arith.constant 0.000000e+00 : f32
        %max3A_648 = vector.broadcast %max3A_647 : f32 to vector<16xf32>
        %max3A_649 = arith.maximumf %add3A_646, %max3A_648 : vector<16xf32>
        %swap3A_650 = arith.index_cast %scan3A_513 : i32 to index
        %swap3A_651 = arith.constant 80 : index
        %swap3A_652 = tpu.vector_load %arg14[%swap3A_650, %swap3A_651] {strides = array<i32>} : memref<32x128xf32, #tpu.memory_space<vmem>>, vector<1x16xf32>,
        %swap3A_653 = vector.shape_cast %swap3A_652 : vector<1x16xf32> to vector<16xf32>
        %swap3A_654 = vector.shape_cast %max3A_649 : vector<16xf32> to vector<1x16xf32>
        tpu.vector_store %arg14[%swap3A_650, %swap3A_651], %swap3A_654 {strides = array<i32>} : memref<32x128xf32, #tpu.memory_space<vmem>>, vector<1x16xf32>,
        %get3A_655 = arith.index_cast %scan3A_513 : i32 to index
        %get3A_656 = arith.constant 96 : index
        %get3A_657 = tpu.vector_load %arg13[%get3A_655, %get3A_656] {strides = array<i32>} : memref<64x128xf32, #tpu.memory_space<vmem>>, vector<1x16xf32>,
        %get3A_658 = vector.shape_cast %get3A_657 : vector<1x16xf32> to vector<16xf32>
        %add3A_659 = arith.constant 32 : i32
        %add3A_660 = arith.addi %add3A_659, %scan3A_513 : i32
        %get3A_661 = arith.index_cast %add3A_660 : i32 to index
        %get3A_662 = arith.constant 96 : index
        %get3A_663 = tpu.vector_load %arg13[%get3A_661, %get3A_662] {strides = array<i32>} : memref<64x128xf32, #tpu.memory_space<vmem>>, vector<1x16xf32>,
        %get3A_664 = vector.shape_cast %get3A_663 : vector<1x16xf32> to vector<16xf32>
        %add3A_665 = arith.addf %get3A_658, %get3A_664 : vector<16xf32>
        %get3A_666 = arith.index_cast %scan3A_513 : i32 to index
        %get3A_667 = arith.constant 96 : index
        %get3A_668 = tpu.vector_load %arg14[%get3A_666, %get3A_667] {strides = array<i32>} : memref<32x128xf32, #tpu.memory_space<vmem>>, vector<1x16xf32>,
        %get3A_669 = vector.shape_cast %get3A_668 : vector<1x16xf32> to vector<16xf32>
        %add3A_670 = arith.addf %add3A_665, %get3A_669 : vector<16xf32>
        %max3A_671 = arith.constant 0.000000e+00 : f32
        %max3A_672 = vector.broadcast %max3A_671 : f32 to vector<16xf32>
        %max3A_673 = arith.maximumf %add3A_670, %max3A_672 : vector<16xf32>
        %swap3A_674 = arith.index_cast %scan3A_513 : i32 to index
        %swap3A_675 = arith.constant 96 : index
        %swap3A_676 = tpu.vector_load %arg14[%swap3A_674, %swap3A_675] {strides = array<i32>} : memref<32x128xf32, #tpu.memory_space<vmem>>, vector<1x16xf32>,
        %swap3A_677 = vector.shape_cast %swap3A_676 : vector<1x16xf32> to vector<16xf32>
        %swap3A_678 = vector.shape_cast %max3A_673 : vector<16xf32> to vector<1x16xf32>
        tpu.vector_store %arg14[%swap3A_674, %swap3A_675], %swap3A_678 {strides = array<i32>} : memref<32x128xf32, #tpu.memory_space<vmem>>, vector<1x16xf32>,
        %get3A_679 = arith.index_cast %scan3A_513 : i32 to index
        %get3A_680 = arith.constant 112 : index
        %get3A_681 = tpu.vector_load %arg13[%get3A_679, %get3A_680] {strides = array<i32>} : memref<64x128xf32, #tpu.memory_space<vmem>>, vector<1x16xf32>,
        %get3A_682 = vector.shape_cast %get3A_681 : vector<1x16xf32> to vector<16xf32>
        %add3A_683 = arith.constant 32 : i32
        %add3A_684 = arith.addi %add3A_683, %scan3A_513 : i32
        %get3A_685 = arith.index_cast %add3A_684 : i32 to index
        %get3A_686 = arith.constant 112 : index
        %get3A_687 = tpu.vector_load %arg13[%get3A_685, %get3A_686] {strides = array<i32>} : memref<64x128xf32, #tpu.memory_space<vmem>>, vector<1x16xf32>,
        %get3A_688 = vector.shape_cast %get3A_687 : vector<1x16xf32> to vector<16xf32>
        %add3A_689 = arith.addf %get3A_682, %get3A_688 : vector<16xf32>
        %get3A_690 = arith.index_cast %scan3A_513 : i32 to index
        %get3A_691 = arith.constant 112 : index
        %get3A_692 = tpu.vector_load %arg14[%get3A_690, %get3A_691] {strides = array<i32>} : memref<32x128xf32, #tpu.memory_space<vmem>>, vector<1x16xf32>,
        %get3A_693 = vector.shape_cast %get3A_692 : vector<1x16xf32> to vector<16xf32>
        %add3A_694 = arith.addf %add3A_689, %get3A_693 : vector<16xf32>
        %max3A_695 = arith.constant 0.000000e+00 : f32
        %max3A_696 = vector.broadcast %max3A_695 : f32 to vector<16xf32>
        %max3A_697 = arith.maximumf %add3A_694, %max3A_696 : vector<16xf32>
        %swap3A_698 = arith.index_cast %scan3A_513 : i32 to index
        %swap3A_699 = arith.constant 112 : index
        %swap3A_700 = tpu.vector_load %arg14[%swap3A_698, %swap3A_699] {strides = array<i32>} : memref<32x128xf32, #tpu.memory_space<vmem>>, vector<1x16xf32>,
        %swap3A_701 = vector.shape_cast %swap3A_700 : vector<1x16xf32> to vector<16xf32>
        %swap3A_702 = vector.shape_cast %max3A_697 : vector<16xf32> to vector<1x16xf32>
        tpu.vector_store %arg14[%swap3A_698, %swap3A_699], %swap3A_702 {strides = array<i32>} : memref<32x128xf32, #tpu.memory_space<vmem>>, vector<1x16xf32>,
        %scan3A_703 = arith.constant 1 : i32
        %scan3A_704 = arith.addi %scan3A_513, %scan3A_703 : i32
        %get3A_705 = arith.index_cast %scan3A_704 : i32 to index
        %get3A_706 = arith.constant 0 : index
        %get3A_707 = tpu.vector_load %arg13[%get3A_705, %get3A_706] {strides = array<i32>} : memref<64x128xf32, #tpu.memory_space<vmem>>, vector<1x16xf32>,
        %get3A_708 = vector.shape_cast %get3A_707 : vector<1x16xf32> to vector<16xf32>
        %add3A_709 = arith.constant 32 : i32
        %add3A_710 = arith.addi %add3A_709, %scan3A_704 : i32
        %get3A_711 = arith.index_cast %add3A_710 : i32 to index
        %get3A_712 = arith.constant 0 : index
        %get3A_713 = tpu.vector_load %arg13[%get3A_711, %get3A_712] {strides = array<i32>} : memref<64x128xf32, #tpu.memory_space<vmem>>, vector<1x16xf32>,
        %get3A_714 = vector.shape_cast %get3A_713 : vector<1x16xf32> to vector<16xf32>
        %add3A_715 = arith.addf %get3A_708, %get3A_714 : vector<16xf32>
        %get3A_716 = arith.index_cast %scan3A_704 : i32 to index
        %get3A_717 = arith.constant 0 : index
        %get3A_718 = tpu.vector_load %arg14[%get3A_716, %get3A_717] {strides = array<i32>} : memref<32x128xf32, #tpu.memory_space<vmem>>, vector<1x16xf32>,
        %get3A_719 = vector.shape_cast %get3A_718 : vector<1x16xf32> to vector<16xf32>
        %add3A_720 = arith.addf %add3A_715, %get3A_719 : vector<16xf32>
        %max3A_721 = arith.constant 0.000000e+00 : f32
        %max3A_722 = vector.broadcast %max3A_721 : f32 to vector<16xf32>
        %max3A_723 = arith.maximumf %add3A_720, %max3A_722 : vector<16xf32>
        %swap3A_724 = arith.index_cast %scan3A_704 : i32 to index
        %swap3A_725 = arith.constant 0 : index
        %swap3A_726 = tpu.vector_load %arg14[%swap3A_724, %swap3A_725] {strides = array<i32>} : memref<32x128xf32, #tpu.memory_space<vmem>>, vector<1x16xf32>,
        %swap3A_727 = vector.shape_cast %swap3A_726 : vector<1x16xf32> to vector<16xf32>
        %swap3A_728 = vector.shape_cast %max3A_723 : vector<16xf32> to vector<1x16xf32>
        tpu.vector_store %arg14[%swap3A_724, %swap3A_725], %swap3A_728 {strides = array<i32>} : memref<32x128xf32, #tpu.memory_space<vmem>>, vector<1x16xf32>,
        %get3A_729 = arith.index_cast %scan3A_704 : i32 to index
        %get3A_730 = arith.constant 16 : index
        %get3A_731 = tpu.vector_load %arg13[%get3A_729, %get3A_730] {strides = array<i32>} : memref<64x128xf32, #tpu.memory_space<vmem>>, vector<1x16xf32>,
        %get3A_732 = vector.shape_cast %get3A_731 : vector<1x16xf32> to vector<16xf32>
        %add3A_733 = arith.constant 32 : i32
        %add3A_734 = arith.addi %add3A_733, %scan3A_704 : i32
        %get3A_735 = arith.index_cast %add3A_734 : i32 to index
        %get3A_736 = arith.constant 16 : index
        %get3A_737 = tpu.vector_load %arg13[%get3A_735, %get3A_736] {strides = array<i32>} : memref<64x128xf32, #tpu.memory_space<vmem>>, vector<1x16xf32>,
        %get3A_738 = vector.shape_cast %get3A_737 : vector<1x16xf32> to vector<16xf32>
        %add3A_739 = arith.addf %get3A_732, %get3A_738 : vector<16xf32>
        %get3A_740 = arith.index_cast %scan3A_704 : i32 to index
        %get3A_741 = arith.constant 16 : index
        %get3A_742 = tpu.vector_load %arg14[%get3A_740, %get3A_741] {strides = array<i32>} : memref<32x128xf32, #tpu.memory_space<vmem>>, vector<1x16xf32>,
        %get3A_743 = vector.shape_cast %get3A_742 : vector<1x16xf32> to vector<16xf32>
        %add3A_744 = arith.addf %add3A_739, %get3A_743 : vector<16xf32>
        %max3A_745 = arith.constant 0.000000e+00 : f32
        %max3A_746 = vector.broadcast %max3A_745 : f32 to vector<16xf32>
        %max3A_747 = arith.maximumf %add3A_744, %max3A_746 : vector<16xf32>
        %swap3A_748 = arith.index_cast %scan3A_704 : i32 to index
        %swap3A_749 = arith.constant 16 : index
        %swap3A_750 = tpu.vector_load %arg14[%swap3A_748, %swap3A_749] {strides = array<i32>} : memref<32x128xf32, #tpu.memory_space<vmem>>, vector<1x16xf32>,
        %swap3A_751 = vector.shape_cast %swap3A_750 : vector<1x16xf32> to vector<16xf32>
        %swap3A_752 = vector.shape_cast %max3A_747 : vector<16xf32> to vector<1x16xf32>
        tpu.vector_store %arg14[%swap3A_748, %swap3A_749], %swap3A_752 {strides = array<i32>} : memref<32x128xf32, #tpu.memory_space<vmem>>, vector<1x16xf32>,
        %get3A_753 = arith.index_cast %scan3A_704 : i32 to index
        %get3A_754 = arith.constant 32 : index
        %get3A_755 = tpu.vector_load %arg13[%get3A_753, %get3A_754] {strides = array<i32>} : memref<64x128xf32, #tpu.memory_space<vmem>>, vector<1x16xf32>,
        %get3A_756 = vector.shape_cast %get3A_755 : vector<1x16xf32> to vector<16xf32>
        %add3A_757 = arith.constant 32 : i32
        %add3A_758 = arith.addi %add3A_757, %scan3A_704 : i32
        %get3A_759 = arith.index_cast %add3A_758 : i32 to index
        %get3A_760 = arith.constant 32 : index
        %get3A_761 = tpu.vector_load %arg13[%get3A_759, %get3A_760] {strides = array<i32>} : memref<64x128xf32, #tpu.memory_space<vmem>>, vector<1x16xf32>,
        %get3A_762 = vector.shape_cast %get3A_761 : vector<1x16xf32> to vector<16xf32>
        %add3A_763 = arith.addf %get3A_756, %get3A_762 : vector<16xf32>
        %get3A_764 = arith.index_cast %scan3A_704 : i32 to index
        %get3A_765 = arith.constant 32 : index
        %get3A_766 = tpu.vector_load %arg14[%get3A_764, %get3A_765] {strides = array<i32>} : memref<32x128xf32, #tpu.memory_space<vmem>>, vector<1x16xf32>,
        %get3A_767 = vector.shape_cast %get3A_766 : vector<1x16xf32> to vector<16xf32>
        %add3A_768 = arith.addf %add3A_763, %get3A_767 : vector<16xf32>
        %max3A_769 = arith.constant 0.000000e+00 : f32
        %max3A_770 = vector.broadcast %max3A_769 : f32 to vector<16xf32>
        %max3A_771 = arith.maximumf %add3A_768, %max3A_770 : vector<16xf32>
        %swap3A_772 = arith.index_cast %scan3A_704 : i32 to index
        %swap3A_773 = arith.constant 32 : index
        %swap3A_774 = tpu.vector_load %arg14[%swap3A_772, %swap3A_773] {strides = array<i32>} : memref<32x128xf32, #tpu.memory_space<vmem>>, vector<1x16xf32>,
        %swap3A_775 = vector.shape_cast %swap3A_774 : vector<1x16xf32> to vector<16xf32>
        %swap3A_776 = vector.shape_cast %max3A_771 : vector<16xf32> to vector<1x16xf32>
        tpu.vector_store %arg14[%swap3A_772, %swap3A_773], %swap3A_776 {strides = array<i32>} : memref<32x128xf32, #tpu.memory_space<vmem>>, vector<1x16xf32>,
        %get3A_777 = arith.index_cast %scan3A_704 : i32 to index
        %get3A_778 = arith.constant 48 : index
        %get3A_779 = tpu.vector_load %arg13[%get3A_777, %get3A_778] {strides = array<i32>} : memref<64x128xf32, #tpu.memory_space<vmem>>, vector<1x16xf32>,
        %get3A_780 = vector.shape_cast %get3A_779 : vector<1x16xf32> to vector<16xf32>
        %add3A_781 = arith.constant 32 : i32
        %add3A_782 = arith.addi %add3A_781, %scan3A_704 : i32
        %get3A_783 = arith.index_cast %add3A_782 : i32 to index
        %get3A_784 = arith.constant 48 : index
        %get3A_785 = tpu.vector_load %arg13[%get3A_783, %get3A_784] {strides = array<i32>} : memref<64x128xf32, #tpu.memory_space<vmem>>, vector<1x16xf32>,
        %get3A_786 = vector.shape_cast %get3A_785 : vector<1x16xf32> to vector<16xf32>
        %add3A_787 = arith.addf %get3A_780, %get3A_786 : vector<16xf32>
        %get3A_788 = arith.index_cast %scan3A_704 : i32 to index
        %get3A_789 = arith.constant 48 : index
        %get3A_790 = tpu.vector_load %arg14[%get3A_788, %get3A_789] {strides = array<i32>} : memref<32x128xf32, #tpu.memory_space<vmem>>, vector<1x16xf32>,
        %get3A_791 = vector.shape_cast %get3A_790 : vector<1x16xf32> to vector<16xf32>
        %add3A_792 = arith.addf %add3A_787, %get3A_791 : vector<16xf32>
        %max3A_793 = arith.constant 0.000000e+00 : f32
        %max3A_794 = vector.broadcast %max3A_793 : f32 to vector<16xf32>
        %max3A_795 = arith.maximumf %add3A_792, %max3A_794 : vector<16xf32>
        %swap3A_796 = arith.index_cast %scan3A_704 : i32 to index
        %swap3A_797 = arith.constant 48 : index
        %swap3A_798 = tpu.vector_load %arg14[%swap3A_796, %swap3A_797] {strides = array<i32>} : memref<32x128xf32, #tpu.memory_space<vmem>>, vector<1x16xf32>,
        %swap3A_799 = vector.shape_cast %swap3A_798 : vector<1x16xf32> to vector<16xf32>
        %swap3A_800 = vector.shape_cast %max3A_795 : vector<16xf32> to vector<1x16xf32>
        tpu.vector_store %arg14[%swap3A_796, %swap3A_797], %swap3A_800 {strides = array<i32>} : memref<32x128xf32, #tpu.memory_space<vmem>>, vector<1x16xf32>,
        %get3A_801 = arith.index_cast %scan3A_704 : i32 to index
        %get3A_802 = arith.constant 64 : index
        %get3A_803 = tpu.vector_load %arg13[%get3A_801, %get3A_802] {strides = array<i32>} : memref<64x128xf32, #tpu.memory_space<vmem>>, vector<1x16xf32>,
        %get3A_804 = vector.shape_cast %get3A_803 : vector<1x16xf32> to vector<16xf32>
        %add3A_805 = arith.constant 32 : i32
        %add3A_806 = arith.addi %add3A_805, %scan3A_704 : i32
        %get3A_807 = arith.index_cast %add3A_806 : i32 to index
        %get3A_808 = arith.constant 64 : index
        %get3A_809 = tpu.vector_load %arg13[%get3A_807, %get3A_808] {strides = array<i32>} : memref<64x128xf32, #tpu.memory_space<vmem>>, vector<1x16xf32>,
        %get3A_810 = vector.shape_cast %get3A_809 : vector<1x16xf32> to vector<16xf32>
        %add3A_811 = arith.addf %get3A_804, %get3A_810 : vector<16xf32>
        %get3A_812 = arith.index_cast %scan3A_704 : i32 to index
        %get3A_813 = arith.constant 64 : index
        %get3A_814 = tpu.vector_load %arg14[%get3A_812, %get3A_813] {strides = array<i32>} : memref<32x128xf32, #tpu.memory_space<vmem>>, vector<1x16xf32>,
        %get3A_815 = vector.shape_cast %get3A_814 : vector<1x16xf32> to vector<16xf32>
        %add3A_816 = arith.addf %add3A_811, %get3A_815 : vector<16xf32>
        %max3A_817 = arith.constant 0.000000e+00 : f32
        %max3A_818 = vector.broadcast %max3A_817 : f32 to vector<16xf32>
        %max3A_819 = arith.maximumf %add3A_816, %max3A_818 : vector<16xf32>
        %swap3A_820 = arith.index_cast %scan3A_704 : i32 to index
        %swap3A_821 = arith.constant 64 : index
        %swap3A_822 = tpu.vector_load %arg14[%swap3A_820, %swap3A_821] {strides = array<i32>} : memref<32x128xf32, #tpu.memory_space<vmem>>, vector<1x16xf32>,
        %swap3A_823 = vector.shape_cast %swap3A_822 : vector<1x16xf32> to vector<16xf32>
        %swap3A_824 = vector.shape_cast %max3A_819 : vector<16xf32> to vector<1x16xf32>
        tpu.vector_store %arg14[%swap3A_820, %swap3A_821], %swap3A_824 {strides = array<i32>} : memref<32x128xf32, #tpu.memory_space<vmem>>, vector<1x16xf32>,
        %get3A_825 = arith.index_cast %scan3A_704 : i32 to index
        %get3A_826 = arith.constant 80 : index
        %get3A_827 = tpu.vector_load %arg13[%get3A_825, %get3A_826] {strides = array<i32>} : memref<64x128xf32, #tpu.memory_space<vmem>>, vector<1x16xf32>,
        %get3A_828 = vector.shape_cast %get3A_827 : vector<1x16xf32> to vector<16xf32>
        %add3A_829 = arith.constant 32 : i32
        %add3A_830 = arith.addi %add3A_829, %scan3A_704 : i32
        %get3A_831 = arith.index_cast %add3A_830 : i32 to index
        %get3A_832 = arith.constant 80 : index
        %get3A_833 = tpu.vector_load %arg13[%get3A_831, %get3A_832] {strides = array<i32>} : memref<64x128xf32, #tpu.memory_space<vmem>>, vector<1x16xf32>,
        %get3A_834 = vector.shape_cast %get3A_833 : vector<1x16xf32> to vector<16xf32>
        %add3A_835 = arith.addf %get3A_828, %get3A_834 : vector<16xf32>
        %get3A_836 = arith.index_cast %scan3A_704 : i32 to index
        %get3A_837 = arith.constant 80 : index
        %get3A_838 = tpu.vector_load %arg14[%get3A_836, %get3A_837] {strides = array<i32>} : memref<32x128xf32, #tpu.memory_space<vmem>>, vector<1x16xf32>,
        %get3A_839 = vector.shape_cast %get3A_838 : vector<1x16xf32> to vector<16xf32>
        %add3A_840 = arith.addf %add3A_835, %get3A_839 : vector<16xf32>
        %max3A_841 = arith.constant 0.000000e+00 : f32
        %max3A_842 = vector.broadcast %max3A_841 : f32 to vector<16xf32>
        %max3A_843 = arith.maximumf %add3A_840, %max3A_842 : vector<16xf32>
        %swap3A_844 = arith.index_cast %scan3A_704 : i32 to index
        %swap3A_845 = arith.constant 80 : index
        %swap3A_846 = tpu.vector_load %arg14[%swap3A_844, %swap3A_845] {strides = array<i32>} : memref<32x128xf32, #tpu.memory_space<vmem>>, vector<1x16xf32>,
        %swap3A_847 = vector.shape_cast %swap3A_846 : vector<1x16xf32> to vector<16xf32>
        %swap3A_848 = vector.shape_cast %max3A_843 : vector<16xf32> to vector<1x16xf32>
        tpu.vector_store %arg14[%swap3A_844, %swap3A_845], %swap3A_848 {strides = array<i32>} : memref<32x128xf32, #tpu.memory_space<vmem>>, vector<1x16xf32>,
        %get3A_849 = arith.index_cast %scan3A_704 : i32 to index
        %get3A_850 = arith.constant 96 : index
        %get3A_851 = tpu.vector_load %arg13[%get3A_849, %get3A_850] {strides = array<i32>} : memref<64x128xf32, #tpu.memory_space<vmem>>, vector<1x16xf32>,
        %get3A_852 = vector.shape_cast %get3A_851 : vector<1x16xf32> to vector<16xf32>
        %add3A_853 = arith.constant 32 : i32
        %add3A_854 = arith.addi %add3A_853, %scan3A_704 : i32
        %get3A_855 = arith.index_cast %add3A_854 : i32 to index
        %get3A_856 = arith.constant 96 : index
        %get3A_857 = tpu.vector_load %arg13[%get3A_855, %get3A_856] {strides = array<i32>} : memref<64x128xf32, #tpu.memory_space<vmem>>, vector<1x16xf32>,
        %get3A_858 = vector.shape_cast %get3A_857 : vector<1x16xf32> to vector<16xf32>
        %add3A_859 = arith.addf %get3A_852, %get3A_858 : vector<16xf32>
        %get3A_860 = arith.index_cast %scan3A_704 : i32 to index
        %get3A_861 = arith.constant 96 : index
        %get3A_862 = tpu.vector_load %arg14[%get3A_860, %get3A_861] {strides = array<i32>} : memref<32x128xf32, #tpu.memory_space<vmem>>, vector<1x16xf32>,
        %get3A_863 = vector.shape_cast %get3A_862 : vector<1x16xf32> to vector<16xf32>
        %add3A_864 = arith.addf %add3A_859, %get3A_863 : vector<16xf32>
        %max3A_865 = arith.constant 0.000000e+00 : f32
        %max3A_866 = vector.broadcast %max3A_865 : f32 to vector<16xf32>
        %max3A_867 = arith.maximumf %add3A_864, %max3A_866 : vector<16xf32>
        %swap3A_868 = arith.index_cast %scan3A_704 : i32 to index
        %swap3A_869 = arith.constant 96 : index
        %swap3A_870 = tpu.vector_load %arg14[%swap3A_868, %swap3A_869] {strides = array<i32>} : memref<32x128xf32, #tpu.memory_space<vmem>>, vector<1x16xf32>,
        %swap3A_871 = vector.shape_cast %swap3A_870 : vector<1x16xf32> to vector<16xf32>
        %swap3A_872 = vector.shape_cast %max3A_867 : vector<16xf32> to vector<1x16xf32>
        tpu.vector_store %arg14[%swap3A_868, %swap3A_869], %swap3A_872 {strides = array<i32>} : memref<32x128xf32, #tpu.memory_space<vmem>>, vector<1x16xf32>,
        %get3A_873 = arith.index_cast %scan3A_704 : i32 to index
        %get3A_874 = arith.constant 112 : index
        %get3A_875 = tpu.vector_load %arg13[%get3A_873, %get3A_874] {strides = array<i32>} : memref<64x128xf32, #tpu.memory_space<vmem>>, vector<1x16xf32>,
        %get3A_876 = vector.shape_cast %get3A_875 : vector<1x16xf32> to vector<16xf32>
        %add3A_877 = arith.constant 32 : i32
        %add3A_878 = arith.addi %add3A_877, %scan3A_704 : i32
        %get3A_879 = arith.index_cast %add3A_878 : i32 to index
        %get3A_880 = arith.constant 112 : index
        %get3A_881 = tpu.vector_load %arg13[%get3A_879, %get3A_880] {strides = array<i32>} : memref<64x128xf32, #tpu.memory_space<vmem>>, vector<1x16xf32>,
        %get3A_882 = vector.shape_cast %get3A_881 : vector<1x16xf32> to vector<16xf32>
        %add3A_883 = arith.addf %get3A_876, %get3A_882 : vector<16xf32>
        %get3A_884 = arith.index_cast %scan3A_704 : i32 to index
        %get3A_885 = arith.constant 112 : index
        %get3A_886 = tpu.vector_load %arg14[%get3A_884, %get3A_885] {strides = array<i32>} : memref<32x128xf32, #tpu.memory_space<vmem>>, vector<1x16xf32>,
        %get3A_887 = vector.shape_cast %get3A_886 : vector<1x16xf32> to vector<16xf32>
        %add3A_888 = arith.addf %add3A_883, %get3A_887 : vector<16xf32>
        %max3A_889 = arith.constant 0.000000e+00 : f32
        %max3A_890 = vector.broadcast %max3A_889 : f32 to vector<16xf32>
        %max3A_891 = arith.maximumf %add3A_888, %max3A_890 : vector<16xf32>
        %swap3A_892 = arith.index_cast %scan3A_704 : i32 to index
        %swap3A_893 = arith.constant 112 : index
        %swap3A_894 = tpu.vector_load %arg14[%swap3A_892, %swap3A_893] {strides = array<i32>} : memref<32x128xf32, #tpu.memory_space<vmem>>, vector<1x16xf32>,
        %swap3A_895 = vector.shape_cast %swap3A_894 : vector<1x16xf32> to vector<16xf32>
        %swap3A_896 = vector.shape_cast %max3A_891 : vector<16xf32> to vector<1x16xf32>
        tpu.vector_store %arg14[%swap3A_892, %swap3A_893], %swap3A_896 {strides = array<i32>} : memref<32x128xf32, #tpu.memory_space<vmem>>, vector<1x16xf32>,
      }
      %scan3A_505 = arith.constant 32 : i32
      %dma_start3A_506 = arith.constant 3 : i32
      %dma_start3A_507 = arith.constant 0 : i32
      %dma_start3A_508 = tpu.memref_slice %arg10[%dma_start3A_506, %dma_start3A_507] : memref<4x32xi32, #tpu.memory_space<vmem>> -> memref<1x32xi32, #tpu.memory_space<vmem>>
      %dma_start3A_509 = tpu.memref_squeeze %dma_start3A_508 : memref<1x32xi32, #tpu.memory_space<vmem>> -> memref<32xi32, #tpu.memory_space<vmem>>
      %dma_start3A_510 = arith.constant 0 : i32
      %dma_start3A_511 = arith.constant 0 : i32
      %dma_start3A_512 = tpu.memref_slice %arg15[%dma_start3A_510, %dma_start3A_511] : memref<10240x128xf32, #tpu.memory_space<vmem_shared>> -> memref<10240x128xf32, #tpu.memory_space<vmem_shared>>
      tpu.enqueue_indirect_dma source(%arg14 : memref<32x128xf32, #tpu.memory_space<vmem>>) target(%dma_start3A_512 : memref<10240x128xf32, #tpu.memory_space<vmem_shared>>) offsets(%dma_start3A_509 : memref<32xi32, #tpu.memory_space<vmem>>) semaphore(%arg20 : memref<!tpu.dma_semaphore, #tpu.memory_space<semaphore_mem>>) {add = true}
    }
    %scan3A_32 = arith.constant 20 : i32
    %dma_wait3A = arith.constant 3 : i32
    %dma_wait3A_33 = arith.constant 0 : i32
    %dma_wait3A_34 = tpu.memref_slice %arg10[%dma_wait3A, %dma_wait3A_33] : memref<4x32xi32, #tpu.memory_space<vmem>> -> memref<1x32xi32, #tpu.memory_space<vmem>>
    %dma_wait3A_35 = tpu.memref_squeeze %dma_wait3A_34 : memref<1x32xi32, #tpu.memory_space<vmem>> -> memref<32xi32, #tpu.memory_space<vmem>>
    %dma_wait3A_36 = arith.constant 0 : i32
    %dma_wait3A_37 = arith.constant 0 : i32
    %dma_wait3A_38 = tpu.memref_slice %arg15[%dma_wait3A_36, %dma_wait3A_37] : memref<10240x128xf32, #tpu.memory_space<vmem_shared>> -> memref<10240x128xf32, #tpu.memory_space<vmem_shared>>
    tpu.wait_indirect_dma semaphore(%arg20 : memref<!tpu.dma_semaphore, #tpu.memory_space<semaphore_mem>>) src(%arg14 : memref<32x128xf32, #tpu.memory_space<vmem>>) dst(%dma_wait3A_38 : memref<10240x128xf32, #tpu.memory_space<vmem_shared>>)
    %barrier3A_39 = arith.constant 0 : index
    tpu.barrier barrier_id(%barrier3A_39)
    %mul3A_40 = arith.constant 640 : i32
    %mul3A_41 = arith.muli %arg1, %mul3A_40 : i32
    %mul3A_42 = arith.constant 640 : i32
    %mul3A_43 = arith.muli %arg1, %mul3A_42 : i32
    "tpu.region"() ({
      %run_scoped3A_44 = tpu.sem_alloc : memref<!tpu.dma_semaphore, #tpu.memory_space<semaphore_mem>>
      %dma_start3A_45 = arith.constant 0 : i32
      %dma_start3A_46 = tpu.memref_slice %arg6[%arg0, %mul3A_43, %dma_start3A_45] : memref<2x10240x128xf32, #tpu.memory_space<hbm>> -> memref<1x640x128xf32, #tpu.memory_space<hbm>>
      %dma_start3A_47 = tpu.memref_squeeze %dma_start3A_46 : memref<1x640x128xf32, #tpu.memory_space<hbm>> -> memref<640x128xf32, #tpu.memory_space<hbm>>
      %dma_start3A_48 = arith.constant 0 : i32
      %dma_start3A_49 = tpu.memref_slice %arg15[%mul3A_41, %dma_start3A_48] : memref<10240x128xf32, #tpu.memory_space<vmem_shared>> -> memref<640x128xf32, #tpu.memory_space<vmem_shared>>
      tpu.enqueue_dma source(%dma_start3A_49 : memref<640x128xf32, #tpu.memory_space<vmem_shared>>) target(%dma_start3A_47 : memref<640x128xf32, #tpu.memory_space<hbm>>) target_semaphore(%run_scoped3A_44 : memref<!tpu.dma_semaphore, #tpu.memory_space<semaphore_mem>>)
      %dma_wait3A_50 = arith.constant 0 : i32
      %dma_wait3A_51 = tpu.memref_slice %arg6[%arg0, %mul3A_43, %dma_wait3A_50] : memref<2x10240x128xf32, #tpu.memory_space<hbm>> -> memref<1x640x128xf32, #tpu.memory_space<hbm>>
      %dma_wait3A_52 = tpu.memref_squeeze %dma_wait3A_51 : memref<1x640x128xf32, #tpu.memory_space<hbm>> -> memref<640x128xf32, #tpu.memory_space<hbm>>
      %dma_wait3A_53 = arith.constant 0 : i32
      %dma_wait3A_54 = tpu.memref_slice %arg15[%mul3A_41, %dma_wait3A_53] : memref<10240x128xf32, #tpu.memory_space<vmem_shared>> -> memref<640x128xf32, #tpu.memory_space<vmem_shared>>
      tpu.wait_dma2 semaphore(%run_scoped3A_44 : memref<!tpu.dma_semaphore, #tpu.memory_space<semaphore_mem>>) src(%dma_wait3A_54 : memref<640x128xf32, #tpu.memory_space<vmem_shared>>) dst(%dma_wait3A_52 : memref<640x128xf32, #tpu.memory_space<hbm>>)
      tpu.yield
    }) : () -> ()
    return
  }
}

module attributes {stable_mosaic.version = 14 : i64} {
  func.func @_proj_body(%arg0: i32, %arg1: memref<6400x128xf32, #tpu.memory_space<vmem>>, %arg2: memref<128x128xf32, #tpu.memory_space<vmem>>, %arg3: memref<1x128xf32, #tpu.memory_space<vmem>>, %arg4: memref<400x256xf32, #tpu.memory_space<vmem>>, %arg5: memref<256x128xf32, #tpu.memory_space<vmem>>, %arg6: memref<256x128xf32, #tpu.memory_space<vmem>>, %arg7: memref<6400x128xf32, #tpu.memory_space<vmem>>, %arg8: memref<2x400x128xf32, #tpu.memory_space<vmem>>) attributes {dimension_semantics = [#tpu.dimension_semantics<arbitrary>], iteration_bounds = array<i64: 25>, scalar_prefetch = 0 : i64, scratch_operands = 0 : i64, tpu.core_type = #tpu.core_type<tc>, window_params = [{transform_indices = @transform_0, window_bounds = array<i64: 6400, 128>}, {pipeline_mode = #tpu.pipeline_mode<synchronous>, transform_indices = @transform_1, window_bounds = array<i64: 128, 128>}, {pipeline_mode = #tpu.pipeline_mode<synchronous>, transform_indices = @transform_2, window_bounds = array<i64: 1, 128>}, {transform_indices = @transform_3, window_bounds = array<i64: 400, 256>}, {pipeline_mode = #tpu.pipeline_mode<synchronous>, transform_indices = @transform_4, window_bounds = array<i64: 256, 128>}, {pipeline_mode = #tpu.pipeline_mode<synchronous>, transform_indices = @transform_5, window_bounds = array<i64: 256, 128>}, {transform_indices = @transform_6, window_bounds = array<i64: 6400, 128>}, {transform_indices = @transform_7, window_bounds = array<i64: 2, 400, 128>}]} {
    %get3A = arith.constant 0 : index
    %get3A_0 = arith.constant 0 : index
    %get3A_1 = vector.load %arg1[%get3A, %get3A_0] : memref<6400x128xf32, #tpu.memory_space<vmem>>, vector<6400x128xf32>
    %get3A_2 = arith.constant 0 : index
    %get3A_3 = arith.constant 0 : index
    %get3A_4 = vector.load %arg2[%get3A_2, %get3A_3] : memref<128x128xf32, #tpu.memory_space<vmem>>, vector<128x128xf32>
    %dot_general3A = arith.constant dense<0.000000e+00> : vector<6400x128xf32>
    %dot_general3A_5 = tpu.matmul %get3A_1, %get3A_4, %dot_general3A {dimension_numbers = #tpu.dot_dimension_numbers<[1], [0], [0], [1], [0, 0, 1, 1], [], []>, transpose_lhs_hint = false} : vector<6400x128xf32>, vector<128x128xf32>, vector<6400x128xf32> -> vector<6400x128xf32>
    %get3A_6 = arith.constant 0 : index
    %get3A_7 = arith.constant 0 : index
    %get3A_8 = vector.load %arg3[%get3A_6, %get3A_7] : memref<1x128xf32, #tpu.memory_space<vmem>>, vector<1x128xf32>
    %add3A = vector.broadcast %get3A_8 : vector<1x128xf32> to vector<6400x128xf32>
    %add3A_9 = arith.addf %dot_general3A_5, %add3A : vector<6400x128xf32>
    %swap3A = arith.constant 0 : index
    %swap3A_10 = arith.constant 0 : index
    %swap3A_11 = vector.load %arg7[%swap3A, %swap3A_10] : memref<6400x128xf32, #tpu.memory_space<vmem>>, vector<6400x128xf32>
    tpu.vector_store %arg7[%swap3A, %swap3A_10], %add3A_9 {strides = array<i32>} : memref<6400x128xf32, #tpu.memory_space<vmem>>, vector<6400x128xf32>,
    %get3A_12 = arith.constant 0 : index
    %get3A_13 = arith.constant 0 : index
    %get3A_14 = vector.load %arg4[%get3A_12, %get3A_13] : memref<400x256xf32, #tpu.memory_space<vmem>>, vector<400x256xf32>
    %get3A_15 = arith.constant 0 : index
    %get3A_16 = arith.constant 0 : index
    %get3A_17 = vector.load %arg5[%get3A_15, %get3A_16] : memref<256x128xf32, #tpu.memory_space<vmem>>, vector<256x128xf32>
    %dot_general3A_18 = arith.constant dense<0.000000e+00> : vector<400x128xf32>
    %dot_general3A_19 = tpu.matmul %get3A_14, %get3A_17, %dot_general3A_18 {dimension_numbers = #tpu.dot_dimension_numbers<[1], [0], [0], [1], [0, 0, 1, 1], [], []>, transpose_lhs_hint = false} : vector<400x256xf32>, vector<256x128xf32>, vector<400x128xf32> -> vector<400x128xf32>
    %swap3A_20 = arith.constant 0 : index
    %swap3A_21 = arith.constant 0 : index
    %swap3A_22 = arith.constant 0 : index
    %swap3A_23 = vector.load %arg8[%swap3A_20, %swap3A_21, %swap3A_22] : memref<2x400x128xf32, #tpu.memory_space<vmem>>, vector<1x400x128xf32>
    %swap3A_24 = vector.shape_cast %swap3A_23 : vector<1x400x128xf32> to vector<400x128xf32>
    %swap3A_25 = vector.shape_cast %dot_general3A_19 : vector<400x128xf32> to vector<1x400x128xf32>
    tpu.vector_store %arg8[%swap3A_20, %swap3A_21, %swap3A_22], %swap3A_25 {strides = array<i32>} : memref<2x400x128xf32, #tpu.memory_space<vmem>>, vector<1x400x128xf32>,
    %get3A_26 = arith.constant 0 : index
    %get3A_27 = arith.constant 0 : index
    %get3A_28 = vector.load %arg6[%get3A_26, %get3A_27] : memref<256x128xf32, #tpu.memory_space<vmem>>, vector<256x128xf32>
    %dot_general3A_29 = arith.constant dense<0.000000e+00> : vector<400x128xf32>
    %dot_general3A_30 = tpu.matmul %get3A_14, %get3A_28, %dot_general3A_29 {dimension_numbers = #tpu.dot_dimension_numbers<[1], [0], [0], [1], [0, 0, 1, 1], [], []>, transpose_lhs_hint = false} : vector<400x256xf32>, vector<256x128xf32>, vector<400x128xf32> -> vector<400x128xf32>
    %swap3A_31 = arith.constant 1 : index
    %swap3A_32 = arith.constant 0 : index
    %swap3A_33 = arith.constant 0 : index
    %swap3A_34 = vector.load %arg8[%swap3A_31, %swap3A_32, %swap3A_33] : memref<2x400x128xf32, #tpu.memory_space<vmem>>, vector<1x400x128xf32>
    %swap3A_35 = vector.shape_cast %swap3A_34 : vector<1x400x128xf32> to vector<400x128xf32>
    %swap3A_36 = vector.shape_cast %dot_general3A_30 : vector<400x128xf32> to vector<1x400x128xf32>
    tpu.vector_store %arg8[%swap3A_31, %swap3A_32, %swap3A_33], %swap3A_36 {strides = array<i32>} : memref<2x400x128xf32, #tpu.memory_space<vmem>>, vector<1x400x128xf32>,
    return
  }
  func.func @transform_0(%arg0: i32) -> (i32, i32) {
    %c0_i32 = arith.constant 0 : i32
    %c0_i32_0 = arith.constant 0 : i32
    return %arg0, %c0_i32 : i32, i32
  }
  func.func @transform_1(%arg0: i32) -> (i32, i32) {
    %c0_i32 = arith.constant 0 : i32
    %c0_i32_0 = arith.constant 0 : i32
    %c0_i32_1 = arith.constant 0 : i32
    return %c0_i32, %c0_i32_0 : i32, i32
  }
  func.func @transform_2(%arg0: i32) -> (i32, i32) {
    %c0_i32 = arith.constant 0 : i32
    %c0_i32_0 = arith.constant 0 : i32
    %c0_i32_1 = arith.constant 0 : i32
    return %c0_i32, %c0_i32_0 : i32, i32
  }
  func.func @transform_3(%arg0: i32) -> (i32, i32) {
    %c0_i32 = arith.constant 0 : i32
    %c0_i32_0 = arith.constant 0 : i32
    return %arg0, %c0_i32 : i32, i32
  }
  func.func @transform_4(%arg0: i32) -> (i32, i32) {
    %c0_i32 = arith.constant 0 : i32
    %c0_i32_0 = arith.constant 0 : i32
    %c0_i32_1 = arith.constant 0 : i32
    return %c0_i32, %c0_i32_0 : i32, i32
  }
  func.func @transform_5(%arg0: i32) -> (i32, i32) {
    %c0_i32 = arith.constant 0 : i32
    %c0_i32_0 = arith.constant 0 : i32
    %c0_i32_1 = arith.constant 0 : i32
    return %c0_i32, %c0_i32_0 : i32, i32
  }
  func.func @transform_6(%arg0: i32) -> (i32, i32) {
    %c0_i32 = arith.constant 0 : i32
    %c0_i32_0 = arith.constant 0 : i32
    return %arg0, %c0_i32 : i32, i32
  }
  func.func @transform_7(%arg0: i32) -> (i32, i32, i32) {
    %c0_i32 = arith.constant 0 : i32
    %c0_i32_0 = arith.constant 0 : i32
    %c0_i32_1 = arith.constant 0 : i32
    return %c0_i32, %arg0, %c0_i32_0 : i32, i32, i32
  }
}

module attributes {stable_mosaic.version = 14 : i64} {
  func.func @_update_body(%arg0: i32, %arg1: memref<2000x128xf32, #tpu.memory_space<vmem>>, %arg2: memref<2000x128xf32, #tpu.memory_space<vmem>>, %arg3: memref<2000x128xf32, #tpu.memory_space<vmem>>, %arg4: memref<128x128xf32, #tpu.memory_space<vmem>>, %arg5: memref<128x128xf32, #tpu.memory_space<vmem>>, %arg6: memref<128x128xf32, #tpu.memory_space<vmem>>, %arg7: memref<1x128xf32, #tpu.memory_space<vmem>>, %arg8: memref<128x128xf32, #tpu.memory_space<vmem>>, %arg9: memref<1x128xf32, #tpu.memory_space<vmem>>, %arg10: memref<2000x128xf32, #tpu.memory_space<vmem>>) attributes {dimension_semantics = [#tpu.dimension_semantics<arbitrary>], iteration_bounds = array<i64: 5>, scalar_prefetch = 0 : i64, scratch_operands = 0 : i64, tpu.core_type = #tpu.core_type<tc>, window_params = [{transform_indices = @transform_0, window_bounds = array<i64: 2000, 128>}, {transform_indices = @transform_1, window_bounds = array<i64: 2000, 128>}, {transform_indices = @transform_2, window_bounds = array<i64: 2000, 128>}, {pipeline_mode = #tpu.pipeline_mode<synchronous>, transform_indices = @transform_3, window_bounds = array<i64: 128, 128>}, {pipeline_mode = #tpu.pipeline_mode<synchronous>, transform_indices = @transform_4, window_bounds = array<i64: 128, 128>}, {pipeline_mode = #tpu.pipeline_mode<synchronous>, transform_indices = @transform_5, window_bounds = array<i64: 128, 128>}, {pipeline_mode = #tpu.pipeline_mode<synchronous>, transform_indices = @transform_6, window_bounds = array<i64: 1, 128>}, {pipeline_mode = #tpu.pipeline_mode<synchronous>, transform_indices = @transform_7, window_bounds = array<i64: 128, 128>}, {pipeline_mode = #tpu.pipeline_mode<synchronous>, transform_indices = @transform_8, window_bounds = array<i64: 1, 128>}, {transform_indices = @transform_9, window_bounds = array<i64: 2000, 128>}]} {
    %get3A = arith.constant 0 : index
    %get3A_0 = arith.constant 0 : index
    %get3A_1 = vector.load %arg1[%get3A, %get3A_0] : memref<2000x128xf32, #tpu.memory_space<vmem>>, vector<2000x128xf32>
    %get3A_2 = arith.constant 0 : index
    %get3A_3 = arith.constant 0 : index
    %get3A_4 = vector.load %arg2[%get3A_2, %get3A_3] : memref<2000x128xf32, #tpu.memory_space<vmem>>, vector<2000x128xf32>
    %add3A = arith.addf %get3A_1, %get3A_4 : vector<2000x128xf32>
    %get3A_5 = arith.constant 0 : index
    %get3A_6 = arith.constant 0 : index
    %get3A_7 = vector.load %arg4[%get3A_5, %get3A_6] : memref<128x128xf32, #tpu.memory_space<vmem>>, vector<128x128xf32>
    %dot_general3A = arith.constant dense<0.000000e+00> : vector<2000x128xf32>
    %dot_general3A_8 = tpu.matmul %add3A, %get3A_7, %dot_general3A {dimension_numbers = #tpu.dot_dimension_numbers<[1], [0], [0], [1], [0, 0, 1, 1], [], []>, transpose_lhs_hint = false} : vector<2000x128xf32>, vector<128x128xf32>, vector<2000x128xf32> -> vector<2000x128xf32>
    %get3A_9 = arith.constant 0 : index
    %get3A_10 = arith.constant 0 : index
    %get3A_11 = vector.load %arg5[%get3A_9, %get3A_10] : memref<128x128xf32, #tpu.memory_space<vmem>>, vector<128x128xf32>
    %dot_general3A_12 = arith.constant dense<0.000000e+00> : vector<2000x128xf32>
    %dot_general3A_13 = tpu.matmul %dot_general3A_8, %get3A_11, %dot_general3A_12 {dimension_numbers = #tpu.dot_dimension_numbers<[1], [0], [0], [1], [0, 0, 1, 1], [], []>, transpose_lhs_hint = false} : vector<2000x128xf32>, vector<128x128xf32>, vector<2000x128xf32> -> vector<2000x128xf32>
    %get3A_14 = arith.constant 0 : index
    %get3A_15 = arith.constant 0 : index
    %get3A_16 = vector.load %arg3[%get3A_14, %get3A_15] : memref<2000x128xf32, #tpu.memory_space<vmem>>, vector<2000x128xf32>
    %get3A_17 = arith.constant 0 : index
    %get3A_18 = arith.constant 0 : index
    %get3A_19 = vector.load %arg6[%get3A_17, %get3A_18] : memref<128x128xf32, #tpu.memory_space<vmem>>, vector<128x128xf32>
    %dot_general3A_20 = arith.constant dense<0.000000e+00> : vector<2000x128xf32>
    %dot_general3A_21 = tpu.matmul %get3A_16, %get3A_19, %dot_general3A_20 {dimension_numbers = #tpu.dot_dimension_numbers<[1], [0], [0], [1], [0, 0, 1, 1], [], []>, transpose_lhs_hint = false} : vector<2000x128xf32>, vector<128x128xf32>, vector<2000x128xf32> -> vector<2000x128xf32>
    %add3A_22 = arith.addf %dot_general3A_13, %dot_general3A_21 : vector<2000x128xf32>
    %get3A_23 = arith.constant 0 : index
    %get3A_24 = arith.constant 0 : index
    %get3A_25 = vector.load %arg7[%get3A_23, %get3A_24] : memref<1x128xf32, #tpu.memory_space<vmem>>, vector<1x128xf32>
    %add3A_26 = vector.broadcast %get3A_25 : vector<1x128xf32> to vector<2000x128xf32>
    %add3A_27 = arith.addf %add3A_22, %add3A_26 : vector<2000x128xf32>
    %max3A = arith.constant 0.000000e+00 : f32
    %max3A_28 = vector.broadcast %max3A : f32 to vector<2000x128xf32>
    %max3A_29 = arith.maximumf %add3A_27, %max3A_28 : vector<2000x128xf32>
    %get3A_30 = arith.constant 0 : index
    %get3A_31 = arith.constant 0 : index
    %get3A_32 = vector.load %arg8[%get3A_30, %get3A_31] : memref<128x128xf32, #tpu.memory_space<vmem>>, vector<128x128xf32>
    %dot_general3A_33 = arith.constant dense<0.000000e+00> : vector<2000x128xf32>
    %dot_general3A_34 = tpu.matmul %max3A_29, %get3A_32, %dot_general3A_33 {dimension_numbers = #tpu.dot_dimension_numbers<[1], [0], [0], [1], [0, 0, 1, 1], [], []>, transpose_lhs_hint = false} : vector<2000x128xf32>, vector<128x128xf32>, vector<2000x128xf32> -> vector<2000x128xf32>
    %get3A_35 = arith.constant 0 : index
    %get3A_36 = arith.constant 0 : index
    %get3A_37 = vector.load %arg9[%get3A_35, %get3A_36] : memref<1x128xf32, #tpu.memory_space<vmem>>, vector<1x128xf32>
    %add3A_38 = vector.broadcast %get3A_37 : vector<1x128xf32> to vector<2000x128xf32>
    %add3A_39 = arith.addf %dot_general3A_34, %add3A_38 : vector<2000x128xf32>
    %swap3A = arith.constant 0 : index
    %swap3A_40 = arith.constant 0 : index
    %swap3A_41 = vector.load %arg10[%swap3A, %swap3A_40] : memref<2000x128xf32, #tpu.memory_space<vmem>>, vector<2000x128xf32>
    tpu.vector_store %arg10[%swap3A, %swap3A_40], %add3A_39 {strides = array<i32>} : memref<2000x128xf32, #tpu.memory_space<vmem>>, vector<2000x128xf32>,
    return
  }
  func.func @transform_0(%arg0: i32) -> (i32, i32) {
    %c0_i32 = arith.constant 0 : i32
    %c0_i32_0 = arith.constant 0 : i32
    return %arg0, %c0_i32 : i32, i32
  }
  func.func @transform_1(%arg0: i32) -> (i32, i32) {
    %c0_i32 = arith.constant 0 : i32
    %c0_i32_0 = arith.constant 0 : i32
    return %arg0, %c0_i32 : i32, i32
  }
  func.func @transform_2(%arg0: i32) -> (i32, i32) {
    %c0_i32 = arith.constant 0 : i32
    %c0_i32_0 = arith.constant 0 : i32
    return %arg0, %c0_i32 : i32, i32
  }
  func.func @transform_3(%arg0: i32) -> (i32, i32) {
    %c0_i32 = arith.constant 0 : i32
    %c0_i32_0 = arith.constant 0 : i32
    %c0_i32_1 = arith.constant 0 : i32
    return %c0_i32, %c0_i32_0 : i32, i32
  }
  func.func @transform_4(%arg0: i32) -> (i32, i32) {
    %c0_i32 = arith.constant 0 : i32
    %c0_i32_0 = arith.constant 0 : i32
    %c0_i32_1 = arith.constant 0 : i32
    return %c0_i32, %c0_i32_0 : i32, i32
  }
  func.func @transform_5(%arg0: i32) -> (i32, i32) {
    %c0_i32 = arith.constant 0 : i32
    %c0_i32_0 = arith.constant 0 : i32
    %c0_i32_1 = arith.constant 0 : i32
    return %c0_i32, %c0_i32_0 : i32, i32
  }
  func.func @transform_6(%arg0: i32) -> (i32, i32) {
    %c0_i32 = arith.constant 0 : i32
    %c0_i32_0 = arith.constant 0 : i32
    %c0_i32_1 = arith.constant 0 : i32
    return %c0_i32, %c0_i32_0 : i32, i32
  }
  func.func @transform_7(%arg0: i32) -> (i32, i32) {
    %c0_i32 = arith.constant 0 : i32
    %c0_i32_0 = arith.constant 0 : i32
    %c0_i32_1 = arith.constant 0 : i32
    return %c0_i32, %c0_i32_0 : i32, i32
  }
  func.func @transform_8(%arg0: i32) -> (i32, i32) {
    %c0_i32 = arith.constant 0 : i32
    %c0_i32_0 = arith.constant 0 : i32
    %c0_i32_1 = arith.constant 0 : i32
    return %c0_i32, %c0_i32_0 : i32, i32
  }
  func.func @transform_9(%arg0: i32) -> (i32, i32) {
    %c0_i32 = arith.constant 0 : i32
    %c0_i32_0 = arith.constant 0 : i32
    return %arg0, %c0_i32 : i32, i32
  }
}

</mosaic_0001>

<sc_bundles>
// kernel: kernel.5.cloned.1.call-start
scs
__scs_entry_jumppad:
0x0: {  	(pc) =	sbr.rel $0x88, $3  }
0x1: {  	(tag) =	ssettag $0x0;
	lr =	simm.s32 $0x1  }
0x2: {  	[smem:$0x3F97] =	sst lr;
	_ =	strace $0xD0000000  }
0x3: {  	_ = 	snop  }
0x4: {  	_ = 	snop  }
0x5: {  	_ = 	snop  }
0x6: {  	_ = 	snop  }
0x7: {  	_ = 	snop  }
__scs_overlays_trampoline_lowered:
0x8: {  	[smem:$0x3FA6] =	sst s0  }
0x9: {  	[smem:$0x3FA7] =	sst s1  }
0xa: {  	[smem:$0x3FA8] =	sst s2  }
0xb: {  	[smem:$0x3FA9] =	sst s3  }
0xc: {  	[smem:$0x3FAA] =	sst s4  }
0xd: {  	[smem:$0x3FAB] =	sst s5  }
0xe: {  	[smem:$0x3FAC] =	sst s6  }
0xf: {  	[smem:$0x3FAD] =	sst s7  }
0x10: {  	[smem:$0x3FAE] =	sst s8  }
0x11: {  	[smem:$0x3FAF] =	sst s9;
	s0 =	simm.s32 @!p0 $0x0  }
0x12: {  	s1 =	sld [smem:$0x3F95];
	s0 =	simm.s32 @p0 $0x1  }
0x13: {  	[smem:$0x3FB0] =	sst s0;
	s0 =	simm.s32 @!p1 $0x0  }
0x14: {  	s2 =	sld [smem:$0x3F94];
	s0 =	simm.s32 @p1 $0x1  }
0x15: {  	[smem:$0x3FB1] =	sst s0;
	s0 =	simm.s32 @!p2 $0x0  }
0x16: {  	s3 =	sld [smem:$0x3FDB];
	s0 =	simm.s32 @p2 $0x1  }
0x17: {  	s4 =	simm.s32 $0x1BF5;
	[smem:$0x3FB3] =	sst s0  }
0x18: {  	s0 =	sld [smem:$0x3F96];
	_ =	swait.ge [sflag:s4], $0x0  }
0x19: {  	s7 =	sld [smem:$0x3F97]  }
0x1a: {  	s8 =	sadd.s32 $0xFFFFE003, lr  }
0x1b: {  	s9 =	sadd.s32 $0xFFFFFEF7, lr;
	s5 =	simm.s32 $0xFFFFFFFF;
	p2 =	slt.u32 s8, $0xFFFFF086  }
0x1c: {  	p1 =	slt.u32 s9, $0xF7A;
	s5 =	simm.s32 @!p2 $0x0  }
0x1d: {  	s5 =	simm.s32 @p1 $0x1;
	p0 =	seq.s32 s7, s2  }
0x1e: {  	s7 =	smul.u32 @!p0 $0xF7A, s2;
	p2 =	seq.s32 @!p0 s5, $0x0  }
0x1f: {  	s9 =	smul.u32 $0xF7A, s1;
	s8 =	simm.s32 @!p0 $0x1BF5;
	p2 =	por !p2, p0  }
0x20: {  	[sflag:s8] =	ssyncset.s32 @!p0 $0xFFFFF086;
	s6 =	sadd.s32 @!p0 s3, s7;
	s7 =	simm.s32 @!p0 $0x108  }
0x21: {  	s3 =	sadd.s32 s3, s9;
	s6 =	sadd.s32 @!p0 $0x88, s6;
	s7 =	simm.s32 @p2 $0x1082  }
0x22: {  	[simem:s7], [sflag:s8] =	dma.local @!p0 [hbm:s6], $0xF7A  }
0x23: {  	s9 =	sor.u32 $0xD0000000, s2;
	s6 =	simm.s32 $0x108;
	_ =	swait.ge @!p0 [sflag:s8], $0x0  }
0x24: {  	s3 =	sadd.s32 $0x88, s3;
	s6 =	simm.s32 @!p1 $0x1082;
	[sflag:s4] =	ssyncset.s32 $0xFFFFF086  }
0x25: {  	[simem:s6], [sflag:s4] =	dma.local [hbm:s3], $0xF7A  }
0x26: {  	[smem:$0x3F97] =	sst s1;
	(tag) =	ssettag s2;
	_ =	strace s9  }
0x27: {  	s1 =	sld [smem:$0x3FA7]  }
0x28: {  	s2 =	sld [smem:$0x3FA8]  }
0x29: {  	s4 =	sld [smem:$0x3FAA]  }
0x2a: {  	p0 =	seq.s32 s5, $0x0;
	s5 =	sld [smem:$0x3FAB]  }
0x2b: {  	s6 =	sld [smem:$0x3FAC]  }
0x2c: {  	s7 =	sld [smem:$0x3FAD]  }
0x2d: {  	s3 =	simm.s32 $0x108;
	s8 =	sld [smem:$0x3FAE]  }
0x2e: {  	s3 =	simm.s32 @!p0 $0x1082;
	s9 =	sld [smem:$0x3FAF]  }
0x2f: {  	lr =	sadd.s32 s0, s3;
	s0 =	sld [smem:$0x3FA6]  }
0x30: {  	s3 =	sld [smem:$0x3FA9]  }
0x31: {  	[smem:$0x3FB2] =	sst s10  }
0x32: {  	s10 =	sld [smem:$0x3FB0];
	_ =	sdelay $0x3  }
0x33: {  	p0 =	seq.s32 s10, $0x1;
	s10 =	sld [smem:$0x3FB2];
	_ =	sdelay $0x3  }
0x34: {  	[smem:$0x3FB2] =	sst s10  }
0x35: {  	s10 =	sld [smem:$0x3FB1];
	_ =	sdelay $0x3  }
0x36: {  	p1 =	seq.s32 s10, $0x1;
	s10 =	sld [smem:$0x3FB2];
	_ =	sdelay $0x3  }
0x37: {  	[smem:$0x3FB2] =	sst s10  }
0x38: {  	s10 =	sld [smem:$0x3FB3]  }
0x39: {  	_ = 	snop;
	(pc) =	sbr.ind lr, $3  }
0x3a: {  	_ = 	snop  }
0x3b: {  	_ = 	snop  }
0x3c: {  	p2 =	seq.s32 s10, $0x1;
	s10 =	sld [smem:$0x3FB2]  }
0x3d: {  	_ =	shalt  }
0x3e: {  	_ =	shalt  }
0x3f: {  	_ =	shalt  }
0x40: {  	_ =	shalt  }
0x41: {  	_ =	shalt  }
0x42: {  	_ =	shalt  }
0x43: {  	_ =	shalt  }
0x44: {  	_ =	shalt  }
0x45: {  	_ =	shalt  }
0x46: {  	_ =	shalt  }
0x47: {  	_ =	shalt  }
0x48: {  	_ =	shalt  }
0x49: {  	_ =	shalt  }
0x4a: {  	_ =	shalt  }
0x4b: {  	_ =	shalt  }
0x4c: {  	_ =	shalt  }
0x4d: {  	_ =	shalt  }
0x4e: {  	_ =	shalt  }
0x4f: {  	_ =	shalt  }
0x50: {  	_ =	shalt  }
0x51: {  	_ =	shalt  }
0x52: {  	_ =	shalt  }
0x53: {  	_ =	shalt  }
0x54: {  	_ =	shalt  }
0x55: {  	_ =	shalt  }
0x56: {  	_ =	shalt  }
0x57: {  	_ =	shalt  }
0x58: {  	_ =	shalt  }
0x59: {  	_ =	shalt  }
0x5a: {  	_ =	shalt  }
0x5b: {  	_ =	shalt  }
0x5c: {  	_ =	shalt  }
0x5d: {  	_ =	shalt  }
0x5e: {  	_ =	shalt  }
0x5f: {  	_ =	shalt  }
0x60: {  	_ =	shalt  }
0x61: {  	_ =	shalt  }
0x62: {  	_ =	shalt  }
0x63: {  	_ =	shalt  }
0x64: {  	_ =	shalt  }
0x65: {  	_ =	shalt  }
0x66: {  	_ =	shalt  }
0x67: {  	_ =	shalt  }
0x68: {  	_ =	shalt  }
0x69: {  	_ =	shalt  }
0x6a: {  	_ =	shalt  }
0x6b: {  	_ =	shalt  }
0x6c: {  	_ =	shalt  }
0x6d: {  	_ =	shalt  }
0x6e: {  	_ =	shalt  }
0x6f: {  	_ =	shalt  }
0x70: {  	_ =	shalt  }
0x71: {  	_ =	shalt  }
0x72: {  	_ =	shalt  }
0x73: {  	_ =	shalt  }
0x74: {  	_ =	shalt  }
0x75: {  	_ =	shalt  }
0x76: {  	_ =	shalt  }
0x77: {  	_ =	shalt  }
0x78: {  	_ =	shalt  }
0x79: {  	_ =	shalt  }
0x7a: {  	_ =	shalt  }
0x7b: {  	_ =	shalt  }
0x7c: {  	_ =	shalt  }
0x7d: {  	_ =	shalt  }
0x7e: {  	_ =	shalt  }
0x7f: {  	_ =	shalt  }
0x80: {  	_ =	shalt  }
0x81: {  	_ =	shalt  }
0x82: {  	_ =	shalt  }
0x83: {  	_ =	shalt  }
0x84: {  	_ =	shalt  }
0x85: {  	_ =	shalt  }
0x86: {  	_ =	shalt  }
0x87: {  	_ =	shalt  }
.Lfunc_end0:
.L_simem_size_0:
called_computation_lowered:
.L_overlay_start_0:
0x88: {  	s2 =	sld [smem:$0x3FD9]  }
0x89: {  	s3 =	sld [smem:$0x3FFE];
	_ =	sdelay $0x1  }
0x8a: {  	s1 =	srdreg.scid  }
0x8b: {  	s0 =	sand.u32 $0x1, s1  }
0x8c: {  	s14 =	sshll.u32 s0, $0xA;
	s2 =	sadd.s32 s3, s2  }
0x8d: {  	s2 =	sadd.s32 s2, s14  }
0x8e: {  	[smem:$0x3FBE] =	sst s2  }
0x8f: {  	_ = 	snop  }
0x90: {  	s2 =	sld [smem:$0x3FD0];
	_ =	sdelay $0x2  }
0x91: {  	s15 =	simm.s32 $0xA;
	s4 =	simm.s32 $0x10  }
0x92: {  	[smem:s4], [sflag:s15] =	dma.local [hbm:s2], $0x1  }
0x93: {  	_ =	swait.eq [sflag:s15], $0x1  }
0x94: {  	[sflag:s15] =	ssyncset.done $0x0  }
0x95: {  	s16 =	sld [smem:$0x10];
	[sflag:s15] =	ssyncadd.s32 $0xFFFFFFFF  }
0x96: {  	s17 =	sld [smem:$0x11];
	(tm) =	ssettm $0x1  }
0x97: {  	s18 =	sld [smem:$0x3FFB];
	_ =	sdelay $0x3  }
0x98: {  	_ =	strace s18  }
0x99: {  	s4 =	sld [smem:$0x3FFC];
	_ =	sdelay $0x3  }
0x9a: {  	_ =	strace s4  }
0x9b: {  	s4 =	sld [smem:$0x3FFD];
	_ =	sdelay $0x3  }
0x9c: {  	_ =	strace s4  }
0x9d: {  	_ =	strace $0x8FFFFFFF  }
0x9e: {  	s19 =	sld [smem:$0x3FDB];
	_ =	sdelay $0x1  }
0x9f: {  	s5 =	simm.s32 $_scs_section_size  }
0xa0: {  	s6 =	simm.s32 $_size__tile_overlayer_lowered;
	s7 =	simm.s32 $_tile_overlayer_lowered  }
0xa1: {  	s22 =	simm.s32 $0x1BFF;
	s21 =	sshll.u32 s7, $0x1;
	s4 =	sadd.s32 s5, s19  }
0xa2: {  	s8 =	simm.s32 $0x0;
	s20 =	sshll.u32 s6, $0x1;
	s6 =	sadd.s32 s21, s4  }
0xa3: {  	[timem:s8], [sflag:s22] =	dma.local [hbm:s6], s20  }
0xa4: {  	_ =	swait.ge [sflag:s22], s20  }
0xa5: {  	s5 =	ssub.s32 $0x0, s20;
	[sflag:s22] =	ssyncset.done $0x0  }
0xa6: {  	[sflag:s22] =	ssyncadd.s32 s5;
	_ =	sdelay $0x1  }
0xa7: {  	s23 =	simm.s32 $0x1B8B  }
0xa8: {  	_ =	swait.ge [sflag:s23], $0x1  }
0xa9: {  	[sflag:s23] =	ssyncset.done $0x0  }
0xaa: {  	s25 =	simm.s32 $0x1B8E;
	s24 =	sld [smem:$0x3FFE];
	[sflag:s23] =	ssyncadd.s32 $0xFFFFFFFF  }
0xab: {  	s26 =	simm.s32 $execute0_lowered;
	[smem:$0x3FD2] =	sst s25  }
0xac: {  	s6 =	sshll.u32 s26, $0x1;
	_ =	strace $0x80000046;
	[dreg:$0x1] =	wrdreg $0xFFFFFFFF  }
0xad: {  	s28 =	simm.s32 $_size_execute0_lowered;
	s4 =	sadd.s32 s4, s6;
	[dreg:$0x0] =	wrdreg $0x0  }
0xae: {  	s6 =	sshll.u32 s28, $0x1;
	[dreg:$0x2] =	wrdreg s4  }
0xaf: {  	[dreg:$0x3] =	wrdreg s6  }
0xb0: {  	[dreg:$0x4] =	wrdreg $0xC0  }
0xb1: {  	_ =	task [dreg:s8], $0x5FFFF  }
0xb2: {  	[dreg:$0x1] =	wrdreg $0xFFFFFFFF  }
0xb3: {  	[dreg:$0x0] =	wrdreg $0x60  }
0xb4: {  	[dreg:$0x2] =	wrdreg s17  }
0xb5: {  	[dreg:$0x3] =	wrdreg s24  }
0xb6: {  	[dreg:$0x4] =	wrdreg s16  }
0xb7: {  	[dreg:$0x5] =	wrdreg $0x68000  }
0xb8: {  	[dreg:$0x6] =	wrdreg $0x9  }
0xb9: {  	_ =	task.clear_ibuf [dreg:s8], $0x7FFFF;
	_ =	strace $0x90000046  }
0xba: {  	s29 =	simm.s32 $0x9;
	_ =	strace $0x80000048  }
0xbb: {  	_ =	swait.ge [sflag:s29], $0x1  }
0xbc: {  	[sflag:s29] =	ssyncadd.s32 $0xFFFFFFFF  }
0xbd: {  	_ =	strace $0x90000048  }
0xbe: {  	_ =	sfence  }
0xbf: {  	s30 =	sld [smem:$0x0];
	_ =	sdelay $0x2  }
0xc0: {  	s31 =	sshll.u32 s1, $0xD;
	s1 =	sshrl.u32 s1, $0x2  }
0xc1: {  	s3 =	sand.u32 $0x4000, s31;
	s1 =	sadd.s32 s1, s30  }
0xc2: {  	s0 =	sor.u32 s3, s0;
	s1 =	sshll.u32 s1, $0x11  }
0xc3: {  	s0 =	sor.u32 s1, s0  }
0xc4: {  	s0 =	sadd.s32 $0x8F2B, s0  }
0xc5: {  	[sflag:s0] =	ssyncadd.remote.s32 $0x1  }
0xc6: {  	_ =	sfence.sel $0xFFFF  }
0xc7: {  	[dreg:$0x0] =	wrdreg $0xFFFFFFFF;
	(pc) =	sbr.abs _section_cstart, $3  }
0xc8: {  	[dreg:$0x1] =	wrdreg $0xFFFFFFFF  }
0xc9: {  	_ =	task.clear_ibuf [dreg:s8], $0x2FFFF;
	_ =	strace $0x9FFFFFFF  }
0xca: {  	(tm) =	ssettm $0x7FFFFFFF  }
0xcb: {  	_ =	shalt  }
tec
execute0_lowered:
.L_overlay_start_1:
0x0: {  	(tag) =	ssettag $0x1  }
0x1: {  	s1 =	rddreg [dreg:$0x0]  }
0x2: {  	s0 =	rddreg [dreg:$0x1]  }
0x3: {  	s16 =	rddreg [dreg:$0x2]  }
0x4: {  	s3 =	rddreg [dreg:$0x3];
	s5 =	simm.s32 $0x0  }
0x5: {  	s2 =	srdreg.scid;
	s10 =	stileid.u32;
	s28 =	simm.s32 $0x5800  }
0x6: {  	s29 =	simm.s32 $0x20;
	s2 =	sand.u32 $0x1, s2;
	s8 =	smul.u32 $0x14000, s10  }
0x7: {  	s31 =	simm.s32 $0x2;
	s15 =	smul.u32 $0x50000, s10;
	s9 =	sshll.u32 s2, $0x4  }
0x8: {  	[smem:$0x7FF] =	sst s5;
	s4 =	smul.u32 $0x140000, s2;
	s14 =	sor.u32 s10, s9  }
0x9: {  	_ =	strace $0x80000047;
	s9 =	sshrl.u32 s15, $0x2;
	s17 =	smul.u32 $0x5000, s14  }
0xa: {  	s4 =	sadd.s32 s8, s4;
	s11 =	smul.u32 $0x1400, s14;
	s13 =	sadd.s32 s9, s3  }
0xb: {  	s8 =	smul.u32 $0x14000, s14;
	s14 =	sadd.s32 $0x4000, s13;
	[dreg:$0x5] =	wrdreg s13  }
0xc: {  	s6 =	sadd.s32 $0x15E00, s0;
	s15 =	sadd.s32 $0x6000, s13;
	[dreg:$0x12] =	wrdreg s14  }
0xd: {  	s30 =	simm.s32 $0x3;
	s22 =	sadd.s32 s6, s8;
	[dreg:$0x13] =	wrdreg s15  }
0xe: {  	s7 =	sadd.s32 $0x1E00, s0;
	s23 =	sor.u32 $0x20, s11;
	[dreg:$0x8] =	wrdreg s22  }
0xf: {  	s2 =	ssub.s32 $0x2, s2;
	s24 =	sor.u32 $0x40, s11;
	[dreg:$0x9] =	wrdreg s23  }
0x10: {  	s19 =	sshrl.u32 s2, $0x1;
	s25 =	sor.u32 $0x200, s17;
	[dreg:$0xa] =	wrdreg s24  }
0x11: {  	s10 =	simm.s32 $0x0;
	s26 =	sor.u32 $0x60, s11;
	[dreg:$0xb] =	wrdreg s25  }
0x12: {  	s2 =	ssub.s32 s2, s19;
	s8 =	sor.u32 $0x80, s11;
	[dreg:$0xc] =	wrdreg s26  }
0x13: {  	s12 =	sshrl.u32 s17, $0x3;
	s9 =	sor.u32 $0xA0, s11;
	[dreg:$0xd] =	wrdreg s8  }
0x14: {  	s19 =	sor.u32 $0x400, s17;
	s17 =	sadd.s32 $0x8000, s13;
	[dreg:$0xe] =	wrdreg s9  }
0x15: {  	s4 =	sshrl.u32 s4, $0x3;
	s20 =	sadd.s32 s16, s12;
	[dreg:$0x14] =	wrdreg s17  }
0x16: {  	s0 =	sadd.s32 s4, s0;
	s21 =	sadd.s32 s7, s12;
	[dreg:$0x6] =	wrdreg s20  }
0x17: {  	s18 =	sor.u32 $0xC0, s11;
	s0 =	sadd.s32 $0x295E00, s0;
	[dreg:$0x7] =	wrdreg s21  }
0x18: {  	s4 =	simm.s32 $0x200;
	s12 =	sadd.s32 $0x2000, s13;
	[dreg:$0xf] =	wrdreg s0  }
0x19: {  	s22 =	sadd.s32 $0xA000, s13;
	s23 =	sadd.s32 $0xC000, s13;
	[dreg:$0x11] =	wrdreg s12  }
0x1a: {  	s24 =	sadd.s32 $0xE000, s13;
	s25 =	sadd.s32 $0x10000, s13;
	[dreg:$0x15] =	wrdreg s22  }
0x1b: {  	s26 =	sadd.s32 $0x12000, s13;
	s9 =	simm.s32 $0x800;
	[dreg:$0x16] =	wrdreg s23  }
0x1c: {  	s8 =	simm.s32 $0x600;
	s20 =	sor.u32 $0xE0, s11;
	[dreg:$0x17] =	wrdreg s24  }
0x1d: {  	s21 =	sor.u32 $0x100, s11;
	s11 =	smax.u32 s2, $0x1;
	[dreg:$0x18] =	wrdreg s25  }
0x1e: {  	[dreg:$0x19] =	wrdreg s26;
	s12 =	simm.s32 $0x6;
	s22 =	simm.s32 $0x40  }
0x1f: {  	s23 =	simm.s32 $0x2800;
	s25 =	simm.s32 $0x3800;
	s26 =	simm.s32 $0x1  }
0x20: {  	v0 =	vimm.f32 $0.0e+00;
	s0 =	simm.s32 $0x4;
	s24 =	simm.s32 $0x5;
	[dreg:$0x10] =	wrdreg s11  }
.LBB2_1:
0x21: {  	[dreg:$0x1a] =	wrdreg s10;
	s2 =	simm.s32 $0x0;
	s10 =	simm.s32 $0x200  }
.LBB2_2:
0x22: {  	p0 =	sne.s32 s10, $0x7E00;
	[tilespmem:s2+$0x870] =	vst v0  }
0x23: {  	[tilespmem:s2+$0x800] =	vst v0  }
0x24: {  	[tilespmem:s2+$0x810] =	vst v0  }
.Ltmp0:
0x25: {  	[tilespmem:s2+$0x820] =	vst v0;
	(pc) =	sbr.rel @p0 .LBB2_2-.Ltmp0, $4  }
0x26: {  	[tilespmem:s2+$0x830] =	vst v0  }
0x27: {  	[tilespmem:s2+$0x840] =	vst v0  }
0x28: {  	[tilespmem:s2+$0x850] =	vst v0  }
0x29: {  	[tilespmem:s2+$0x860] =	vst v0;
	s2 =	sshra.s32 s10, $0x2;
	s10 =	sadd.s32 $0x200, s10  }
0x2a: {  	[tilespmem:s2+$0x870] =	vst v0  }
0x2b: {  	[tilespmem:s2+$0x800] =	vst v0  }
0x2c: {  	[tilespmem:s2+$0x810] =	vst v0  }
0x2d: {  	[tilespmem:s2+$0x820] =	vst v0  }
0x2e: {  	[tilespmem:s2+$0x830] =	vst v0  }
0x2f: {  	[tilespmem:s2+$0x840] =	vst v0  }
0x30: {  	[tilespmem:s2+$0x850] =	vst v0  }
0x31: {  	[tilespmem:s2+$0x860] =	vst v0  }
0x32: {  	[spmem:s13] =	stream.linear.scatter [tilespmem:s9], [sflag:$0x6], $0x2000, $0x38;
	[tilespmem:$0x1A800] =	vst v63  }
0x33: {  	_ =	swait.ge [sflag:s12], $0x2000  }
0x34: {  	[sflag:s12] =	ssyncset.done $0x0  }
0x35: {  	s10 =	rddreg [dreg:$0x11];
	[sflag:s12] =	ssyncadd.s32 $0xFFFFE000  }
0x36: {  	[spmem:s10] =	stream.linear.scatter [tilespmem:s9], [sflag:$0x6], $0x2000, $0x38;
	[tilespmem:$0x1A800] =	vst v63  }
0x37: {  	_ =	swait.ge [sflag:s12], $0x2000  }
0x38: {  	[sflag:s12] =	ssyncset.done $0x0  }
0x39: {  	s11 =	rddreg [dreg:$0x12];
	[sflag:s12] =	ssyncadd.s32 $0xFFFFE000  }
0x3a: {  	[spmem:s11] =	stream.linear.scatter [tilespmem:s9], [sflag:$0x6], $0x2000, $0x38;
	[tilespmem:$0x1A800] =	vst v63  }
0x3b: {  	_ =	swait.ge [sflag:s12], $0x2000  }
0x3c: {  	[sflag:s12] =	ssyncset.done $0x0  }
0x3d: {  	s13 =	rddreg [dreg:$0x13];
	[sflag:s12] =	ssyncadd.s32 $0xFFFFE000  }
0x3e: {  	[spmem:s13] =	stream.linear.scatter [tilespmem:s9], [sflag:$0x6], $0x2000, $0x38;
	[tilespmem:$0x1A800] =	vst v63  }
0x3f: {  	_ =	swait.ge [sflag:s12], $0x2000  }
0x40: {  	[sflag:s12] =	ssyncset.done $0x0  }
0x41: {  	s14 =	rddreg [dreg:$0x14];
	[sflag:s12] =	ssyncadd.s32 $0xFFFFE000  }
0x42: {  	[spmem:s14] =	stream.linear.scatter [tilespmem:s9], [sflag:$0x6], $0x2000, $0x38;
	[tilespmem:$0x1A800] =	vst v63  }
0x43: {  	_ =	swait.ge [sflag:s12], $0x2000  }
0x44: {  	[sflag:s12] =	ssyncset.done $0x0  }
0x45: {  	s15 =	rddreg [dreg:$0x15];
	[sflag:s12] =	ssyncadd.s32 $0xFFFFE000  }
0x46: {  	[spmem:s15] =	stream.linear.scatter [tilespmem:s9], [sflag:$0x6], $0x2000, $0x38;
	[tilespmem:$0x1A800] =	vst v63  }
0x47: {  	_ =	swait.ge [sflag:s12], $0x2000  }
0x48: {  	[sflag:s12] =	ssyncset.done $0x0  }
0x49: {  	s17 =	rddreg [dreg:$0x16];
	[sflag:s12] =	ssyncadd.s32 $0xFFFFE000  }
0x4a: {  	[spmem:s17] =	stream.linear.scatter [tilespmem:s9], [sflag:$0x6], $0x2000, $0x38;
	[tilespmem:$0x1A800] =	vst v63  }
0x4b: {  	_ =	swait.ge [sflag:s12], $0x2000  }
0x4c: {  	[sflag:s12] =	ssyncset.done $0x0  }
0x4d: {  	s10 =	rddreg [dreg:$0x17];
	[sflag:s12] =	ssyncadd.s32 $0xFFFFE000  }
0x4e: {  	[spmem:s10] =	stream.linear.scatter [tilespmem:s9], [sflag:$0x6], $0x2000, $0x38;
	[tilespmem:$0x1A800] =	vst v63  }
0x4f: {  	_ =	swait.ge [sflag:s12], $0x2000  }
0x50: {  	[sflag:s12] =	ssyncset.done $0x0  }
0x51: {  	s11 =	rddreg [dreg:$0x18];
	[sflag:s12] =	ssyncadd.s32 $0xFFFFE000  }
0x52: {  	[spmem:s11] =	stream.linear.scatter [tilespmem:s9], [sflag:$0x6], $0x2000, $0x38;
	[tilespmem:$0x1A800] =	vst v63  }
0x53: {  	_ =	swait.ge [sflag:s12], $0x2000  }
0x54: {  	[sflag:s12] =	ssyncset.done $0x0  }
0x55: {  	s13 =	rddreg [dreg:$0x19];
	[sflag:s12] =	ssyncadd.s32 $0xFFFFE000  }
0x56: {  	[spmem:s13] =	stream.linear.scatter [tilespmem:s9], [sflag:$0x6], $0x2000, $0x38;
	[tilespmem:$0x1A800] =	vst v63  }
0x57: {  	_ =	swait.ge [sflag:s12], $0x2000  }
0x58: {  	[sflag:s12] =	ssyncset.done $0x0  }
0x59: {  	[sflag:s12] =	ssyncadd.s32 $0xFFFFE000  }
0x5a: {  	[bflag:$0x0] =	sbarrier.arrive $0xFFFF  }
0x5b: {  	s11 =	simm.s32 $0x0;
	s14 =	rddreg [dreg:$0x6]  }
0x5c: {  	[tilespmem:s11], [sflag:$0x6] =	stream.linear.gather [hbm4b:s14+s11], $0x200, $0x38;
	[tilespmem:$0x1A800] =	vst v63  }
0x5d: {  	_ =	swait.ge [sflag:s12], $0x200  }
0x5e: {  	[sflag:s12] =	ssyncset.done $0x0  }
0x5f: {  	s10 =	simm.s32 $0x400;
	s15 =	rddreg [dreg:$0x7];
	[sflag:s12] =	ssyncadd.s32 $0xFFFFFE00  }
0x60: {  	[tilespmem:s10], [sflag:$0x6] =	stream.linear.gather [hbm4b:s15+s11], $0x200, $0x38;
	[tilespmem:$0x1A800] =	vst v63  }
0x61: {  	_ =	swait.ge [sflag:s12], $0x200  }
0x62: {  	[sflag:s12] =	ssyncset.done $0x0  }
0x63: {  	[sflag:s12] =	ssyncadd.s32 $0xFFFFFE00  }
0x64: {  	[tilespmem:s9], [sflag:$0x1] =	stream.indirect.gather [hbm4b:s1+s22], $0x80, s11, s22, $0xb8;
	[tilespmem:$0x1A800] =	vst v63  }
0x65: {  	s17 =	rddreg [dreg:$0x8]  }
0x66: {  	[tilespmem:s23], [sflag:$0x1] =	stream.linear.gather [hbm4b:s17+s11], $0x1000, $0x38;
	[tilespmem:$0x1A800] =	vst v63  }
.LBB2_4:
0x67: {  	s2 =	simm.s32 $0x80  }
0x68: {  	[tilespmem:s25], [sflag:$0x2] =	stream.indirect.gather [hbm4b:s1+s22], $0x80, s2, s22, $0xb8;
	[tilespmem:$0x1A800] =	vst v63  }
0x69: {  	_ =	swait.ge [sflag:s26], $0x2000  }
0x6a: {  	[sflag:s26] =	ssyncset.done $0x0  }
0x6b: {  	[sflag:s26] =	ssyncadd.s32 $0xFFFFE000  }
0x6c: {  	_ =	swait.ge [sflag:s26], $0x1000  }
0x6d: {  	p0 =	seq.s32 s11, $0x0;
	[sflag:s26] =	ssyncset.done $0x0  }
0x6e: {  	s2 =	simm.s32 @!p0 $0x5;
	[sflag:s26] =	ssyncadd.s32 $0xFFFFF000  }
0x6f: {  	_ =	swait.ge @!p0 [sflag:s2], $0x1000  }
0x70: {  	s10 =	sshll.u32 s11, $0x8;
	s12 =	rddreg [dreg:$0x9]  }
0x71: {  	s12 =	sadd.s32 s10, s12  }
0x72: {  	[sflag:s2] =	ssyncset.done @!p0 $0x0;
	s12 =	sshll.u32 s12, $0x4  }
0x73: {  	[sflag:s2] =	ssyncadd.s32 @!p0 $0xFFFFF000;
	s2 =	simm.s32 $0x1800;
	s17 =	sadd.s32 s6, s12  }
0x74: {  	[tilespmem:s28], [sflag:$0x2] =	stream.linear.gather [hbm4b:s17+s5], $0x1000, $0x38;
	[tilespmem:$0x1A800] =	vst v63  }
0x75: {  	v1 =	vld [tilespmem:s2+$0xFFFFF000]  }
0x76: {  	v2 =	vld [tilespmem:s2+$0x0]  }
0x77: {  	s12 =	simm.s32 $0x2880  }
0x78: {  	v3 =	vld [tilespmem:s12+$0xFFFFFF80];
	_ =	sdelay $0x2  }
0x79: {  	v1 =	vadd.f32 v2, v1;
	_ =	sdelay $0x1  }
0x7a: {  	v1 =	vadd.f32 v3, v1;
	_ =	sdelay $0x1  }
0x7b: {  	v1 =	vmax.f32 v1, $0.0e+00  }
0x7c: {  	[tilespmem:s12+$0xFFFFFF80] =	vst v1  }
0x7d: {  	v1 =	vld [tilespmem:s2+$0xFFFFF010]  }
0x7e: {  	v2 =	vld [tilespmem:s2+$0x10];
	_ =	sdelay $0x1  }
0x7f: {  	v3 =	vld [tilespmem:s12+$0xFFFFFF90];
	_ =	sdelay $0x2  }
0x80: {  	v1 =	vadd.f32 v2, v1;
	_ =	sdelay $0x1  }
0x81: {  	v1 =	vadd.f32 v3, v1;
	_ =	sdelay $0x1  }
0x82: {  	v1 =	vmax.f32 v1, $0.0e+00  }
0x83: {  	[tilespmem:s12+$0xFFFFFF90] =	vst v1  }
0x84: {  	v1 =	vld [tilespmem:s2+$0xFFFFF020]  }
0x85: {  	v2 =	vld [tilespmem:s2+$0x20];
	_ =	sdelay $0x1  }
0x86: {  	v3 =	vld [tilespmem:s12+$0xFFFFFFA0];
	_ =	sdelay $0x2  }
0x87: {  	v1 =	vadd.f32 v2, v1;
	_ =	sdelay $0x1  }
0x88: {  	v1 =	vadd.f32 v3, v1;
	_ =	sdelay $0x1  }
0x89: {  	v1 =	vmax.f32 v1, $0.0e+00  }
0x8a: {  	[tilespmem:s12+$0xFFFFFFA0] =	vst v1  }
0x8b: {  	v1 =	vld [tilespmem:s2+$0xFFFFF030]  }
0x8c: {  	v2 =	vld [tilespmem:s2+$0x30];
	_ =	sdelay $0x1  }
0x8d: {  	v3 =	vld [tilespmem:s12+$0xFFFFFFB0];
	_ =	sdelay $0x2  }
0x8e: {  	v1 =	vadd.f32 v2, v1;
	_ =	sdelay $0x1  }
0x8f: {  	v1 =	vadd.f32 v3, v1;
	_ =	sdelay $0x1  }
0x90: {  	v1 =	vmax.f32 v1, $0.0e+00  }
0x91: {  	[tilespmem:s12+$0xFFFFFFB0] =	vst v1  }
0x92: {  	v1 =	vld [tilespmem:s2+$0xFFFFF040]  }
0x93: {  	v2 =	vld [tilespmem:s2+$0x40];
	_ =	sdelay $0x1  }
0x94: {  	v3 =	vld [tilespmem:s12+$0xFFFFFFC0];
	_ =	sdelay $0x2  }
0x95: {  	v1 =	vadd.f32 v2, v1;
	_ =	sdelay $0x1  }
0x96: {  	v1 =	vadd.f32 v3, v1;
	_ =	sdelay $0x1  }
0x97: {  	v1 =	vmax.f32 v1, $0.0e+00  }
0x98: {  	[tilespmem:s12+$0xFFFFFFC0] =	vst v1  }
0x99: {  	v1 =	vld [tilespmem:s2+$0xFFFFF050]  }
0x9a: {  	v3 =	vld [tilespmem:s2+$0x50];
	_ =	sdelay $0x1  }
0x9b: {  	v2 =	vld [tilespmem:s12+$0xFFFFFFD0];
	_ =	sdelay $0x2  }
0x9c: {  	v1 =	vadd.f32 v3, v1;
	_ =	sdelay $0x1  }
0x9d: {  	v1 =	vadd.f32 v2, v1;
	_ =	sdelay $0x1  }
0x9e: {  	v1 =	vmax.f32 v1, $0.0e+00  }
0x9f: {  	[tilespmem:s12+$0xFFFFFFD0] =	vst v1  }
0xa0: {  	v1 =	vld [tilespmem:s2+$0xFFFFF060]  }
0xa1: {  	v3 =	vld [tilespmem:s2+$0x60];
	_ =	sdelay $0x1  }
0xa2: {  	v2 =	vld [tilespmem:s12+$0xFFFFFFE0];
	_ =	sdelay $0x2  }
0xa3: {  	v1 =	vadd.f32 v3, v1;
	_ =	sdelay $0x1  }
0xa4: {  	v1 =	vadd.f32 v2, v1;
	_ =	sdelay $0x1  }
0xa5: {  	v1 =	vmax.f32 v1, $0.0e+00  }
0xa6: {  	[tilespmem:s12+$0xFFFFFFE0] =	vst v1  }
0xa7: {  	v1 =	vld [tilespmem:s2+$0xFFFFF070]  }
0xa8: {  	v3 =	vld [tilespmem:s2+$0x70];
	_ =	sdelay $0x1  }
0xa9: {  	v2 =	vld [tilespmem:s12+$0xFFFFFFF0];
	_ =	sdelay $0x2  }
0xaa: {  	v1 =	vadd.f32 v3, v1;
	_ =	sdelay $0x1  }
0xab: {  	v1 =	vadd.f32 v2, v1;
	_ =	sdelay $0x1  }
0xac: {  	v1 =	vmax.f32 v1, $0.0e+00  }
0xad: {  	[tilespmem:s12+$0xFFFFFFF0] =	vst v1  }
0xae: {  	v1 =	vld [tilespmem:s2+$0xFFFFF080]  }
0xaf: {  	v3 =	vld [tilespmem:s2+$0x80];
	_ =	sdelay $0x1  }
0xb0: {  	v2 =	vld [tilespmem:s12+$0x0];
	_ =	sdelay $0x2  }
0xb1: {  	v1 =	vadd.f32 v3, v1;
	_ =	sdelay $0x1  }
0xb2: {  	v1 =	vadd.f32 v2, v1;
	_ =	sdelay $0x1  }
0xb3: {  	v1 =	vmax.f32 v1, $0.0e+00  }
0xb4: {  	[tilespmem:s12+$0x0] =	vst v1  }
0xb5: {  	v1 =	vld [tilespmem:s2+$0xFFFFF090]  }
0xb6: {  	v3 =	vld [tilespmem:s2+$0x90];
	_ =	sdelay $0x1  }
0xb7: {  	v2 =	vld [tilespmem:s12+$0x10];
	_ =	sdelay $0x2  }
0xb8: {  	v1 =	vadd.f32 v3, v1;
	_ =	sdelay $0x1  }
0xb9: {  	v1 =	vadd.f32 v2, v1;
	_ =	sdelay $0x1  }
0xba: {  	v1 =	vmax.f32 v1, $0.0e+00  }
0xbb: {  	[tilespmem:s12+$0x10] =	vst v1  }
0xbc: {  	v1 =	vld [tilespmem:s2+$0xFFFFF0A0]  }
0xbd: {  	v3 =	vld [tilespmem:s2+$0xA0];
	_ =	sdelay $0x1  }
0xbe: {  	v2 =	vld [tilespmem:s12+$0x20];
	_ =	sdelay $0x2  }
0xbf: {  	v1 =	vadd.f32 v3, v1;
	_ =	sdelay $0x1  }
0xc0: {  	v1 =	vadd.f32 v2, v1;
	_ =	sdelay $0x1  }
0xc1: {  	v1 =	vmax.f32 v1, $0.0e+00  }
0xc2: {  	[tilespmem:s12+$0x20] =	vst v1  }
0xc3: {  	v1 =	vld [tilespmem:s2+$0xFFFFF0B0]  }
0xc4: {  	v3 =	vld [tilespmem:s2+$0xB0];
	_ =	sdelay $0x1  }
0xc5: {  	v2 =	vld [tilespmem:s12+$0x30];
	_ =	sdelay $0x2  }
0xc6: {  	v1 =	vadd.f32 v3, v1;
	_ =	sdelay $0x1  }
0xc7: {  	v1 =	vadd.f32 v2, v1;
	_ =	sdelay $0x1  }
0xc8: {  	v1 =	vmax.f32 v1, $0.0e+00  }
0xc9: {  	[tilespmem:s12+$0x30] =	vst v1  }
0xca: {  	v1 =	vld [tilespmem:s2+$0xFFFFF0C0]  }
0xcb: {  	v3 =	vld [tilespmem:s2+$0xC0];
	_ =	sdelay $0x1  }
0xcc: {  	v2 =	vld [tilespmem:s12+$0x40];
	_ =	sdelay $0x2  }
0xcd: {  	v1 =	vadd.f32 v3, v1;
	_ =	sdelay $0x1  }
0xce: {  	v1 =	vadd.f32 v2, v1;
	_ =	sdelay $0x1  }
0xcf: {  	v1 =	vmax.f32 v1, $0.0e+00  }
0xd0: {  	[tilespmem:s12+$0x40] =	vst v1  }
0xd1: {  	v1 =	vld [tilespmem:s2+$0xFFFFF0D0]  }
0xd2: {  	v3 =	vld [tilespmem:s2+$0xD0];
	_ =	sdelay $0x1  }
0xd3: {  	v2 =	vld [tilespmem:s12+$0x50];
	_ =	sdelay $0x2  }
0xd4: {  	v1 =	vadd.f32 v3, v1;
	_ =	sdelay $0x1  }
0xd5: {  	v1 =	vadd.f32 v2, v1;
	_ =	sdelay $0x1  }
0xd6: {  	v1 =	vmax.f32 v1, $0.0e+00  }
0xd7: {  	[tilespmem:s12+$0x50] =	vst v1  }
0xd8: {  	v3 =	vld [tilespmem:s2+$0xFFFFF0E0]  }
0xd9: {  	v4 =	vld [tilespmem:s2+$0xE0];
	_ =	sdelay $0x1  }
0xda: {  	v2 =	vld [tilespmem:s12+$0x60];
	_ =	sdelay $0x2  }
0xdb: {  	s15 =	simm.s32 $0x0;
	s13 =	simm.s32 $0x2880;
	s14 =	simm.s32 $0x1800;
	v1 =	vld [tilespmem:s12+$0x70];
	v3 =	vadd.f32 v4, v3  }
.LBB2_5:
0xdc: {  	_ = 	snop  }
0xdd: {  	s15 =	sadd.s32 $0x2, s15;
	s2 =	sadd.s32 $0x100, s2;
	s12 =	sadd.s32 $0x100, s12;
	v2 =	vadd.f32 v2, v3  }
0xde: {  	p0 =	slt.u32 s15, $0x1E  }
0xdf: {  	v2 =	vmax.f32 v2, $0.0e+00  }
0xe0: {  	[tilespmem:s13+$0x60] =	vst v2  }
0xe1: {  	v2 =	vld [tilespmem:s14+$0xFFFFF0F0]  }
0xe2: {  	v3 =	vld [tilespmem:s14+$0xF0];
	s14 =	smov.u32 s2;
	_ =	sdelay $0x4  }
0xe3: {  	v2 =	vadd.f32 v3, v2;
	_ =	sdelay $0x1  }
0xe4: {  	v1 =	vadd.f32 v1, v2;
	_ =	sdelay $0x1  }
0xe5: {  	v1 =	vmax.f32 v1, $0.0e+00  }
0xe6: {  	[tilespmem:s13+$0x70] =	vst v1;
	s13 =	smov.u32 s12  }
0xe7: {  	v1 =	vld [tilespmem:s2+$0xFFFFF000]  }
0xe8: {  	v2 =	vld [tilespmem:s2+$0x0];
	_ =	sdelay $0x1  }
0xe9: {  	v3 =	vld [tilespmem:s12+$0xFFFFFF80];
	_ =	sdelay $0x2  }
0xea: {  	v1 =	vadd.f32 v2, v1;
	_ =	sdelay $0x1  }
0xeb: {  	v1 =	vadd.f32 v3, v1;
	_ =	sdelay $0x1  }
0xec: {  	v1 =	vmax.f32 v1, $0.0e+00  }
0xed: {  	[tilespmem:s12+$0xFFFFFF80] =	vst v1  }
0xee: {  	v1 =	vld [tilespmem:s2+$0xFFFFF010]  }
0xef: {  	v2 =	vld [tilespmem:s2+$0x10]  }
0xf0: {  	v3 =	vld [tilespmem:s12+$0xFFFFFF90];
	_ =	sdelay $0x3  }
0xf1: {  	v1 =	vadd.f32 v2, v1;
	_ =	sdelay $0x1  }
0xf2: {  	v1 =	vadd.f32 v3, v1;
	_ =	sdelay $0x1  }
0xf3: {  	v1 =	vmax.f32 v1, $0.0e+00  }
0xf4: {  	[tilespmem:s12+$0xFFFFFF90] =	vst v1;
	v1 =	vld [tilespmem:s12+$0xFFFFFFA0]  }
0xf5: {  	v2 =	vld [tilespmem:s2+$0xFFFFF020]  }
0xf6: {  	v3 =	vld [tilespmem:s2+$0x20];
	_ =	sdelay $0x4  }
0xf7: {  	v2 =	vadd.f32 v3, v2;
	_ =	sdelay $0x1  }
0xf8: {  	v1 =	vadd.f32 v1, v2;
	_ =	sdelay $0x1  }
0xf9: {  	v1 =	vmax.f32 v1, $0.0e+00  }
0xfa: {  	[tilespmem:s12+$0xFFFFFFA0] =	vst v1;
	v1 =	vld [tilespmem:s12+$0xFFFFFFB0]  }
0xfb: {  	v2 =	vld [tilespmem:s2+$0xFFFFF030]  }
0xfc: {  	v3 =	vld [tilespmem:s2+$0x30];
	_ =	sdelay $0x4  }
0xfd: {  	v2 =	vadd.f32 v3, v2;
	_ =	sdelay $0x1  }
0xfe: {  	v1 =	vadd.f32 v1, v2;
	_ =	sdelay $0x1  }
0xff: {  	v1 =	vmax.f32 v1, $0.0e+00  }
0x100: {  	[tilespmem:s12+$0xFFFFFFB0] =	vst v1;
	v1 =	vld [tilespmem:s12+$0xFFFFFFC0]  }
0x101: {  	v2 =	vld [tilespmem:s2+$0xFFFFF040]  }
0x102: {  	v3 =	vld [tilespmem:s2+$0x40];
	_ =	sdelay $0x4  }
0x103: {  	v2 =	vadd.f32 v3, v2;
	_ =	sdelay $0x1  }
0x104: {  	v1 =	vadd.f32 v1, v2;
	_ =	sdelay $0x1  }
0x105: {  	v1 =	vmax.f32 v1, $0.0e+00;
	v2 =	vld [tilespmem:s12+$0xFFFFFFD0]  }
0x106: {  	[tilespmem:s12+$0xFFFFFFC0] =	vst v1  }
0x107: {  	v1 =	vld [tilespmem:s2+$0xFFFFF050]  }
0x108: {  	v3 =	vld [tilespmem:s2+$0x50];
	_ =	sdelay $0x4  }
0x109: {  	v1 =	vadd.f32 v3, v1;
	_ =	sdelay $0x1  }
0x10a: {  	v1 =	vadd.f32 v2, v1  }
0x10b: {  	v2 =	vld [tilespmem:s12+$0xFFFFFFE0]  }
0x10c: {  	v1 =	vmax.f32 v1, $0.0e+00  }
0x10d: {  	[tilespmem:s12+$0xFFFFFFD0] =	vst v1  }
0x10e: {  	v1 =	vld [tilespmem:s2+$0xFFFFF060]  }
0x10f: {  	v3 =	vld [tilespmem:s2+$0x60];
	_ =	sdelay $0x4  }
0x110: {  	v1 =	vadd.f32 v3, v1;
	_ =	sdelay $0x1  }
0x111: {  	v1 =	vadd.f32 v2, v1;
	v2 =	vld [tilespmem:s12+$0xFFFFFFF0];
	_ =	sdelay $0x1  }
0x112: {  	v1 =	vmax.f32 v1, $0.0e+00  }
0x113: {  	[tilespmem:s12+$0xFFFFFFE0] =	vst v1  }
0x114: {  	v1 =	vld [tilespmem:s2+$0xFFFFF070]  }
0x115: {  	v3 =	vld [tilespmem:s2+$0x70];
	_ =	sdelay $0x4  }
0x116: {  	v1 =	vadd.f32 v3, v1  }
0x117: {  	v3 =	vld [tilespmem:s12+$0x0]  }
0x118: {  	v1 =	vadd.f32 v2, v1;
	_ =	sdelay $0x1  }
0x119: {  	v1 =	vmax.f32 v1, $0.0e+00  }
0x11a: {  	[tilespmem:s12+$0xFFFFFFF0] =	vst v1  }
0x11b: {  	v1 =	vld [tilespmem:s2+$0xFFFFF080]  }
0x11c: {  	v2 =	vld [tilespmem:s2+$0x80];
	_ =	sdelay $0x4  }
0x11d: {  	v1 =	vadd.f32 v2, v1;
	v2 =	vld [tilespmem:s12+$0x10];
	_ =	sdelay $0x1  }
0x11e: {  	v1 =	vadd.f32 v3, v1;
	_ =	sdelay $0x1  }
0x11f: {  	v1 =	vmax.f32 v1, $0.0e+00  }
0x120: {  	[tilespmem:s12+$0x0] =	vst v1  }
0x121: {  	v1 =	vld [tilespmem:s2+$0xFFFFF090]  }
0x122: {  	v3 =	vld [tilespmem:s2+$0x90];
	_ =	sdelay $0x3  }
0x123: {  	v4 =	vld [tilespmem:s12+$0x20]  }
0x124: {  	v1 =	vadd.f32 v3, v1;
	_ =	sdelay $0x1  }
0x125: {  	v1 =	vadd.f32 v2, v1;
	_ =	sdelay $0x1  }
0x126: {  	v1 =	vmax.f32 v1, $0.0e+00  }
0x127: {  	[tilespmem:s12+$0x10] =	vst v1  }
0x128: {  	v1 =	vld [tilespmem:s2+$0xFFFFF0A0]  }
0x129: {  	v2 =	vld [tilespmem:s2+$0xA0];
	_ =	sdelay $0x2  }
0x12a: {  	v3 =	vld [tilespmem:s12+$0x30];
	_ =	sdelay $0x1  }
0x12b: {  	v1 =	vadd.f32 v2, v1;
	_ =	sdelay $0x1  }
0x12c: {  	v1 =	vadd.f32 v4, v1;
	_ =	sdelay $0x1  }
0x12d: {  	v1 =	vmax.f32 v1, $0.0e+00  }
0x12e: {  	[tilespmem:s12+$0x20] =	vst v1  }
0x12f: {  	v1 =	vld [tilespmem:s2+$0xFFFFF0B0]  }
0x130: {  	v2 =	vld [tilespmem:s2+$0xB0];
	_ =	sdelay $0x1  }
0x131: {  	v4 =	vld [tilespmem:s12+$0x40];
	_ =	sdelay $0x2  }
0x132: {  	v1 =	vadd.f32 v2, v1;
	_ =	sdelay $0x1  }
0x133: {  	v1 =	vadd.f32 v3, v1;
	_ =	sdelay $0x1  }
0x134: {  	v1 =	vmax.f32 v1, $0.0e+00  }
0x135: {  	[tilespmem:s12+$0x30] =	vst v1  }
0x136: {  	v1 =	vld [tilespmem:s2+$0xFFFFF0C0]  }
0x137: {  	v2 =	vld [tilespmem:s2+$0xC0]  }
0x138: {  	v3 =	vld [tilespmem:s12+$0x50];
	_ =	sdelay $0x3  }
0x139: {  	v1 =	vadd.f32 v2, v1;
	_ =	sdelay $0x1  }
0x13a: {  	v1 =	vadd.f32 v4, v1;
	_ =	sdelay $0x1  }
0x13b: {  	v1 =	vmax.f32 v1, $0.0e+00  }
0x13c: {  	[tilespmem:s12+$0x40] =	vst v1;
	v2 =	vld [tilespmem:s12+$0x60]  }
0x13d: {  	v1 =	vld [tilespmem:s2+$0xFFFFF0D0]  }
0x13e: {  	v4 =	vld [tilespmem:s2+$0xD0];
	_ =	sdelay $0x4  }
0x13f: {  	v1 =	vadd.f32 v4, v1;
	_ =	sdelay $0x1  }
0x140: {  	v1 =	vadd.f32 v3, v1;
	_ =	sdelay $0x1  }
0x141: {  	v1 =	vmax.f32 v1, $0.0e+00  }
0x142: {  	[tilespmem:s12+$0x50] =	vst v1;
	v1 =	vld [tilespmem:s12+$0x70]  }
0x143: {  	v3 =	vld [tilespmem:s2+$0xFFFFF0E0]  }
0x144: {  	v4 =	vld [tilespmem:s2+$0xE0]  }
.Ltmp1:
0x145: {  	(pc) =	sbr.rel @p0 .LBB2_5-.Ltmp1, $2  }
0x146: {  	_ =	sdelay $0x2  }
0x147: {  	v3 =	vadd.f32 v4, v3  }
0x148: {  	_ = 	snop  }
0x149: {  	v2 =	vadd.f32 v2, v3;
	_ =	sdelay $0x1  }
0x14a: {  	v2 =	vmax.f32 v2, $0.0e+00  }
0x14b: {  	[tilespmem:s13+$0x60] =	vst v2  }
0x14c: {  	v2 =	vld [tilespmem:s14+$0xFFFFF0F0]  }
0x14d: {  	v3 =	vld [tilespmem:s14+$0xF0];
	_ =	sdelay $0x4  }
0x14e: {  	v2 =	vadd.f32 v3, v2;
	_ =	sdelay $0x1  }
0x14f: {  	v1 =	vadd.f32 v1, v2;
	_ =	sdelay $0x1  }
0x150: {  	v1 =	vmax.f32 v1, $0.0e+00  }
0x151: {  	s2 =	simm.s32 $0x400;
	[tilespmem:s13+$0x70] =	vst v1  }
0x152: {  	[spmem:s3] =	stream.indirect.scatter.add.f32 [tilespmem:s23], [sflag:$0x4], $0x80, s2, s29, $0xb8;
	[tilespmem:$0x1A800] =	vst v63  }
0x153: {  	s14 =	simm.s32 $0x100  }
0x154: {  	[tilespmem:s9], [sflag:$0x1] =	stream.indirect.gather [hbm4b:s1+s22], $0x80, s14, s22, $0xb8;
	[tilespmem:$0x1A800] =	vst v63  }
0x155: {  	_ =	swait.ge [sflag:s31], $0x2000  }
0x156: {  	[sflag:s31] =	ssyncset.done $0x0  }
0x157: {  	[sflag:s31] =	ssyncadd.s32 $0xFFFFE000  }
0x158: {  	_ =	swait.ge [sflag:s31], $0x1000  }
0x159: {  	[sflag:s31] =	ssyncset.done $0x0  }
0x15a: {  	[sflag:s31] =	ssyncadd.s32 $0xFFFFF000  }
0x15b: {  	_ =	swait.ge [sflag:s0], $0x1000  }
0x15c: {  	s15 =	rddreg [dreg:$0xa]  }
0x15d: {  	s2 =	sadd.s32 s10, s15  }
0x15e: {  	[sflag:s0] =	ssyncset.done $0x0;
	s2 =	sshll.u32 s2, $0x4  }
0x15f: {  	[sflag:s0] =	ssyncadd.s32 $0xFFFFF000;
	s2 =	sadd.s32 s6, s2  }
0x160: {  	[tilespmem:s23], [sflag:$0x1] =	stream.linear.gather [hbm4b:s2+s5], $0x1000, $0x38;
	[tilespmem:$0x1A800] =	vst v63  }
0x161: {  	s12 =	rddreg [dreg:$0xb];
	s2 =	sshll.u32 s11, $0xA  }
0x162: {  	s12 =	sadd.s32 s2, s12  }
0x163: {  	s12 =	sshrl.u32 s12, $0x3  }
0x164: {  	s17 =	smov.u32 s16;
	s16 =	sadd.s32 s16, s12  }
0x165: {  	[tilespmem:s4], [sflag:$0x3] =	stream.linear.gather [hbm4b:s16+s5], $0x200, $0x38;
	[tilespmem:$0x1A800] =	vst v63  }
0x166: {  	s12 =	sadd.s32 s7, s12  }
0x167: {  	[tilespmem:s8], [sflag:$0x3] =	stream.linear.gather [hbm4b:s12+s5], $0x200, $0x38;
	[tilespmem:$0x1A800] =	vst v63  }
0x168: {  	s12 =	simm.s32 $0x4800  }
0x169: {  	v1 =	vld [tilespmem:s12+$0xFFFFF000]  }
0x16a: {  	v2 =	vld [tilespmem:s12+$0x0]  }
0x16b: {  	s13 =	simm.s32 $0x5880  }
0x16c: {  	v3 =	vld [tilespmem:s13+$0xFFFFFF80];
	_ =	sdelay $0x2  }
0x16d: {  	v1 =	vadd.f32 v2, v1;
	_ =	sdelay $0x1  }
0x16e: {  	v1 =	vadd.f32 v3, v1;
	_ =	sdelay $0x1  }
0x16f: {  	v1 =	vmax.f32 v1, $0.0e+00  }
0x170: {  	[tilespmem:s13+$0xFFFFFF80] =	vst v1  }
0x171: {  	v1 =	vld [tilespmem:s12+$0xFFFFF010]  }
0x172: {  	v2 =	vld [tilespmem:s12+$0x10];
	_ =	sdelay $0x1  }
0x173: {  	v3 =	vld [tilespmem:s13+$0xFFFFFF90];
	_ =	sdelay $0x2  }
0x174: {  	v1 =	vadd.f32 v2, v1;
	_ =	sdelay $0x1  }
0x175: {  	v1 =	vadd.f32 v3, v1;
	_ =	sdelay $0x1  }
0x176: {  	v1 =	vmax.f32 v1, $0.0e+00  }
0x177: {  	[tilespmem:s13+$0xFFFFFF90] =	vst v1  }
0x178: {  	v1 =	vld [tilespmem:s12+$0xFFFFF020]  }
0x179: {  	v2 =	vld [tilespmem:s12+$0x20];
	_ =	sdelay $0x1  }
0x17a: {  	v3 =	vld [tilespmem:s13+$0xFFFFFFA0];
	_ =	sdelay $0x2  }
0x17b: {  	v1 =	vadd.f32 v2, v1;
	_ =	sdelay $0x1  }
0x17c: {  	v1 =	vadd.f32 v3, v1;
	_ =	sdelay $0x1  }
0x17d: {  	v1 =	vmax.f32 v1, $0.0e+00  }
0x17e: {  	[tilespmem:s13+$0xFFFFFFA0] =	vst v1  }
0x17f: {  	v1 =	vld [tilespmem:s12+$0xFFFFF030]  }
0x180: {  	v2 =	vld [tilespmem:s12+$0x30];
	_ =	sdelay $0x1  }
0x181: {  	v3 =	vld [tilespmem:s13+$0xFFFFFFB0];
	_ =	sdelay $0x2  }
0x182: {  	v1 =	vadd.f32 v2, v1;
	_ =	sdelay $0x1  }
0x183: {  	v1 =	vadd.f32 v3, v1;
	_ =	sdelay $0x1  }
0x184: {  	v1 =	vmax.f32 v1, $0.0e+00  }
0x185: {  	[tilespmem:s13+$0xFFFFFFB0] =	vst v1  }
0x186: {  	v1 =	vld [tilespmem:s12+$0xFFFFF040]  }
0x187: {  	v2 =	vld [tilespmem:s12+$0x40];
	_ =	sdelay $0x1  }
0x188: {  	v3 =	vld [tilespmem:s13+$0xFFFFFFC0];
	_ =	sdelay $0x2  }
0x189: {  	v1 =	vadd.f32 v2, v1;
	_ =	sdelay $0x1  }
0x18a: {  	v1 =	vadd.f32 v3, v1;
	_ =	sdelay $0x1  }
0x18b: {  	v1 =	vmax.f32 v1, $0.0e+00  }
0x18c: {  	[tilespmem:s13+$0xFFFFFFC0] =	vst v1  }
0x18d: {  	v1 =	vld [tilespmem:s12+$0xFFFFF050]  }
0x18e: {  	v3 =	vld [tilespmem:s12+$0x50];
	_ =	sdelay $0x1  }
0x18f: {  	v2 =	vld [tilespmem:s13+$0xFFFFFFD0];
	_ =	sdelay $0x2  }
0x190: {  	v1 =	vadd.f32 v3, v1;
	_ =	sdelay $0x1  }
0x191: {  	v1 =	vadd.f32 v2, v1;
	_ =	sdelay $0x1  }
0x192: {  	v1 =	vmax.f32 v1, $0.0e+00  }
0x193: {  	[tilespmem:s13+$0xFFFFFFD0] =	vst v1  }
0x194: {  	v1 =	vld [tilespmem:s12+$0xFFFFF060]  }
0x195: {  	v3 =	vld [tilespmem:s12+$0x60];
	_ =	sdelay $0x1  }
0x196: {  	v2 =	vld [tilespmem:s13+$0xFFFFFFE0];
	_ =	sdelay $0x2  }
0x197: {  	v1 =	vadd.f32 v3, v1;
	_ =	sdelay $0x1  }
0x198: {  	v1 =	vadd.f32 v2, v1;
	_ =	sdelay $0x1  }
0x199: {  	v1 =	vmax.f32 v1, $0.0e+00  }
0x19a: {  	[tilespmem:s13+$0xFFFFFFE0] =	vst v1  }
0x19b: {  	v1 =	vld [tilespmem:s12+$0xFFFFF070]  }
0x19c: {  	v3 =	vld [tilespmem:s12+$0x70];
	_ =	sdelay $0x1  }
0x19d: {  	v2 =	vld [tilespmem:s13+$0xFFFFFFF0];
	_ =	sdelay $0x2  }
0x19e: {  	v1 =	vadd.f32 v3, v1;
	_ =	sdelay $0x1  }
0x19f: {  	v1 =	vadd.f32 v2, v1;
	_ =	sdelay $0x1  }
0x1a0: {  	v1 =	vmax.f32 v1, $0.0e+00  }
0x1a1: {  	[tilespmem:s13+$0xFFFFFFF0] =	vst v1  }
0x1a2: {  	v1 =	vld [tilespmem:s12+$0xFFFFF080]  }
0x1a3: {  	v3 =	vld [tilespmem:s12+$0x80];
	_ =	sdelay $0x1  }
0x1a4: {  	v2 =	vld [tilespmem:s13+$0x0];
	_ =	sdelay $0x2  }
0x1a5: {  	v1 =	vadd.f32 v3, v1;
	_ =	sdelay $0x1  }
0x1a6: {  	v1 =	vadd.f32 v2, v1;
	_ =	sdelay $0x1  }
0x1a7: {  	v1 =	vmax.f32 v1, $0.0e+00  }
0x1a8: {  	[tilespmem:s13+$0x0] =	vst v1  }
0x1a9: {  	v1 =	vld [tilespmem:s12+$0xFFFFF090]  }
0x1aa: {  	v3 =	vld [tilespmem:s12+$0x90];
	_ =	sdelay $0x1  }
0x1ab: {  	v2 =	vld [tilespmem:s13+$0x10];
	_ =	sdelay $0x2  }
0x1ac: {  	v1 =	vadd.f32 v3, v1;
	_ =	sdelay $0x1  }
0x1ad: {  	v1 =	vadd.f32 v2, v1;
	_ =	sdelay $0x1  }
0x1ae: {  	v1 =	vmax.f32 v1, $0.0e+00  }
0x1af: {  	[tilespmem:s13+$0x10] =	vst v1  }
0x1b0: {  	v1 =	vld [tilespmem:s12+$0xFFFFF0A0]  }
0x1b1: {  	v3 =	vld [tilespmem:s12+$0xA0];
	_ =	sdelay $0x1  }
0x1b2: {  	v2 =	vld [tilespmem:s13+$0x20];
	_ =	sdelay $0x2  }
0x1b3: {  	v1 =	vadd.f32 v3, v1;
	_ =	sdelay $0x1  }
0x1b4: {  	v1 =	vadd.f32 v2, v1;
	_ =	sdelay $0x1  }
0x1b5: {  	v1 =	vmax.f32 v1, $0.0e+00  }
0x1b6: {  	[tilespmem:s13+$0x20] =	vst v1  }
0x1b7: {  	v1 =	vld [tilespmem:s12+$0xFFFFF0B0]  }
0x1b8: {  	v3 =	vld [tilespmem:s12+$0xB0];
	_ =	sdelay $0x1  }
0x1b9: {  	v2 =	vld [tilespmem:s13+$0x30];
	_ =	sdelay $0x2  }
0x1ba: {  	v1 =	vadd.f32 v3, v1;
	_ =	sdelay $0x1  }
0x1bb: {  	v1 =	vadd.f32 v2, v1;
	_ =	sdelay $0x1  }
0x1bc: {  	v1 =	vmax.f32 v1, $0.0e+00  }
0x1bd: {  	[tilespmem:s13+$0x30] =	vst v1  }
0x1be: {  	v1 =	vld [tilespmem:s12+$0xFFFFF0C0]  }
0x1bf: {  	v3 =	vld [tilespmem:s12+$0xC0];
	_ =	sdelay $0x1  }
0x1c0: {  	v2 =	vld [tilespmem:s13+$0x40];
	_ =	sdelay $0x2  }
0x1c1: {  	v1 =	vadd.f32 v3, v1;
	_ =	sdelay $0x1  }
0x1c2: {  	v1 =	vadd.f32 v2, v1;
	_ =	sdelay $0x1  }
0x1c3: {  	v1 =	vmax.f32 v1, $0.0e+00  }
0x1c4: {  	[tilespmem:s13+$0x40] =	vst v1  }
0x1c5: {  	v1 =	vld [tilespmem:s12+$0xFFFFF0D0]  }
0x1c6: {  	v3 =	vld [tilespmem:s12+$0xD0];
	_ =	sdelay $0x1  }
0x1c7: {  	v2 =	vld [tilespmem:s13+$0x50];
	_ =	sdelay $0x2  }
0x1c8: {  	v1 =	vadd.f32 v3, v1;
	_ =	sdelay $0x1  }
0x1c9: {  	v1 =	vadd.f32 v2, v1;
	_ =	sdelay $0x1  }
0x1ca: {  	v1 =	vmax.f32 v1, $0.0e+00  }
0x1cb: {  	[tilespmem:s13+$0x50] =	vst v1  }
0x1cc: {  	v3 =	vld [tilespmem:s12+$0xFFFFF0E0]  }
0x1cd: {  	v4 =	vld [tilespmem:s12+$0xE0];
	_ =	sdelay $0x1  }
0x1ce: {  	v2 =	vld [tilespmem:s13+$0x60];
	_ =	sdelay $0x2  }
0x1cf: {  	s14 =	simm.s32 $0x5880;
	s15 =	simm.s32 $0x4800;
	s16 =	simm.s32 $0x0;
	v1 =	vld [tilespmem:s13+$0x70];
	v3 =	vadd.f32 v4, v3  }
.LBB2_7:
0x1d0: {  	_ = 	snop  }
0x1d1: {  	s16 =	sadd.s32 $0x2, s16;
	s12 =	sadd.s32 $0x100, s12;
	s13 =	sadd.s32 $0x100, s13;
	v2 =	vadd.f32 v2, v3  }
0x1d2: {  	p0 =	slt.u32 s16, $0x1E  }
0x1d3: {  	v2 =	vmax.f32 v2, $0.0e+00  }
0x1d4: {  	[tilespmem:s14+$0x60] =	vst v2  }
0x1d5: {  	v2 =	vld [tilespmem:s15+$0xFFFFF0F0]  }
0x1d6: {  	v3 =	vld [tilespmem:s15+$0xF0];
	s15 =	smov.u32 s12;
	_ =	sdelay $0x4  }
0x1d7: {  	v2 =	vadd.f32 v3, v2;
	_ =	sdelay $0x1  }
0x1d8: {  	v1 =	vadd.f32 v1, v2;
	_ =	sdelay $0x1  }
0x1d9: {  	v1 =	vmax.f32 v1, $0.0e+00  }
0x1da: {  	[tilespmem:s14+$0x70] =	vst v1;
	s14 =	smov.u32 s13  }
0x1db: {  	v1 =	vld [tilespmem:s12+$0xFFFFF000]  }
0x1dc: {  	v2 =	vld [tilespmem:s12+$0x0];
	_ =	sdelay $0x1  }
0x1dd: {  	v3 =	vld [tilespmem:s13+$0xFFFFFF80];
	_ =	sdelay $0x2  }
0x1de: {  	v1 =	vadd.f32 v2, v1;
	_ =	sdelay $0x1  }
0x1df: {  	v1 =	vadd.f32 v3, v1;
	_ =	sdelay $0x1  }
0x1e0: {  	v1 =	vmax.f32 v1, $0.0e+00  }
0x1e1: {  	[tilespmem:s13+$0xFFFFFF80] =	vst v1  }
0x1e2: {  	v1 =	vld [tilespmem:s12+$0xFFFFF010]  }
0x1e3: {  	v2 =	vld [tilespmem:s12+$0x10]  }
0x1e4: {  	v3 =	vld [tilespmem:s13+$0xFFFFFF90];
	_ =	sdelay $0x3  }
0x1e5: {  	v1 =	vadd.f32 v2, v1;
	_ =	sdelay $0x1  }
0x1e6: {  	v1 =	vadd.f32 v3, v1;
	_ =	sdelay $0x1  }
0x1e7: {  	v1 =	vmax.f32 v1, $0.0e+00  }
0x1e8: {  	[tilespmem:s13+$0xFFFFFF90] =	vst v1;
	v1 =	vld [tilespmem:s13+$0xFFFFFFA0]  }
0x1e9: {  	v2 =	vld [tilespmem:s12+$0xFFFFF020]  }
0x1ea: {  	v3 =	vld [tilespmem:s12+$0x20];
	_ =	sdelay $0x4  }
0x1eb: {  	v2 =	vadd.f32 v3, v2;
	_ =	sdelay $0x1  }
0x1ec: {  	v1 =	vadd.f32 v1, v2;
	_ =	sdelay $0x1  }
0x1ed: {  	v1 =	vmax.f32 v1, $0.0e+00  }
0x1ee: {  	[tilespmem:s13+$0xFFFFFFA0] =	vst v1;
	v1 =	vld [tilespmem:s13+$0xFFFFFFB0]  }
0x1ef: {  	v2 =	vld [tilespmem:s12+$0xFFFFF030]  }
0x1f0: {  	v3 =	vld [tilespmem:s12+$0x30];
	_ =	sdelay $0x4  }
0x1f1: {  	v2 =	vadd.f32 v3, v2;
	_ =	sdelay $0x1  }
0x1f2: {  	v1 =	vadd.f32 v1, v2;
	_ =	sdelay $0x1  }
0x1f3: {  	v1 =	vmax.f32 v1, $0.0e+00  }
0x1f4: {  	[tilespmem:s13+$0xFFFFFFB0] =	vst v1;
	v1 =	vld [tilespmem:s13+$0xFFFFFFC0]  }
0x1f5: {  	v2 =	vld [tilespmem:s12+$0xFFFFF040]  }
0x1f6: {  	v3 =	vld [tilespmem:s12+$0x40];
	_ =	sdelay $0x4  }
0x1f7: {  	v2 =	vadd.f32 v3, v2;
	_ =	sdelay $0x1  }
0x1f8: {  	v1 =	vadd.f32 v1, v2;
	_ =	sdelay $0x1  }
0x1f9: {  	v1 =	vmax.f32 v1, $0.0e+00;
	v2 =	vld [tilespmem:s13+$0xFFFFFFD0]  }
0x1fa: {  	[tilespmem:s13+$0xFFFFFFC0] =	vst v1  }
0x1fb: {  	v1 =	vld [tilespmem:s12+$0xFFFFF050]  }
0x1fc: {  	v3 =	vld [tilespmem:s12+$0x50];
	_ =	sdelay $0x4  }
0x1fd: {  	v1 =	vadd.f32 v3, v1;
	_ =	sdelay $0x1  }
0x1fe: {  	v1 =	vadd.f32 v2, v1  }
0x1ff: {  	v2 =	vld [tilespmem:s13+$0xFFFFFFE0]  }
0x200: {  	v1 =	vmax.f32 v1, $0.0e+00  }
0x201: {  	[tilespmem:s13+$0xFFFFFFD0] =	vst v1  }
0x202: {  	v1 =	vld [tilespmem:s12+$0xFFFFF060]  }
0x203: {  	v3 =	vld [tilespmem:s12+$0x60];
	_ =	sdelay $0x4  }
0x204: {  	v1 =	vadd.f32 v3, v1;
	_ =	sdelay $0x1  }
0x205: {  	v1 =	vadd.f32 v2, v1;
	v2 =	vld [tilespmem:s13+$0xFFFFFFF0];
	_ =	sdelay $0x1  }
0x206: {  	v1 =	vmax.f32 v1, $0.0e+00  }
0x207: {  	[tilespmem:s13+$0xFFFFFFE0] =	vst v1  }
0x208: {  	v1 =	vld [tilespmem:s12+$0xFFFFF070]  }
0x209: {  	v3 =	vld [tilespmem:s12+$0x70];
	_ =	sdelay $0x4  }
0x20a: {  	v1 =	vadd.f32 v3, v1  }
0x20b: {  	v3 =	vld [tilespmem:s13+$0x0]  }
0x20c: {  	v1 =	vadd.f32 v2, v1;
	_ =	sdelay $0x1  }
0x20d: {  	v1 =	vmax.f32 v1, $0.0e+00  }
0x20e: {  	[tilespmem:s13+$0xFFFFFFF0] =	vst v1  }
0x20f: {  	v1 =	vld [tilespmem:s12+$0xFFFFF080]  }
0x210: {  	v2 =	vld [tilespmem:s12+$0x80];
	_ =	sdelay $0x4  }
0x211: {  	v1 =	vadd.f32 v2, v1;
	v2 =	vld [tilespmem:s13+$0x10];
	_ =	sdelay $0x1  }
0x212: {  	v1 =	vadd.f32 v3, v1;
	_ =	sdelay $0x1  }
0x213: {  	v1 =	vmax.f32 v1, $0.0e+00  }
0x214: {  	[tilespmem:s13+$0x0] =	vst v1  }
0x215: {  	v1 =	vld [tilespmem:s12+$0xFFFFF090]  }
0x216: {  	v3 =	vld [tilespmem:s12+$0x90];
	_ =	sdelay $0x3  }
0x217: {  	v4 =	vld [tilespmem:s13+$0x20]  }
0x218: {  	v1 =	vadd.f32 v3, v1;
	_ =	sdelay $0x1  }
0x219: {  	v1 =	vadd.f32 v2, v1;
	_ =	sdelay $0x1  }
0x21a: {  	v1 =	vmax.f32 v1, $0.0e+00  }
0x21b: {  	[tilespmem:s13+$0x10] =	vst v1  }
0x21c: {  	v1 =	vld [tilespmem:s12+$0xFFFFF0A0]  }
0x21d: {  	v2 =	vld [tilespmem:s12+$0xA0];
	_ =	sdelay $0x2  }
0x21e: {  	v3 =	vld [tilespmem:s13+$0x30];
	_ =	sdelay $0x1  }
0x21f: {  	v1 =	vadd.f32 v2, v1;
	_ =	sdelay $0x1  }
0x220: {  	v1 =	vadd.f32 v4, v1;
	_ =	sdelay $0x1  }
0x221: {  	v1 =	vmax.f32 v1, $0.0e+00  }
0x222: {  	[tilespmem:s13+$0x20] =	vst v1  }
0x223: {  	v1 =	vld [tilespmem:s12+$0xFFFFF0B0]  }
0x224: {  	v2 =	vld [tilespmem:s12+$0xB0];
	_ =	sdelay $0x1  }
0x225: {  	v4 =	vld [tilespmem:s13+$0x40];
	_ =	sdelay $0x2  }
0x226: {  	v1 =	vadd.f32 v2, v1;
	_ =	sdelay $0x1  }
0x227: {  	v1 =	vadd.f32 v3, v1;
	_ =	sdelay $0x1  }
0x228: {  	v1 =	vmax.f32 v1, $0.0e+00  }
0x229: {  	[tilespmem:s13+$0x30] =	vst v1  }
0x22a: {  	v1 =	vld [tilespmem:s12+$0xFFFFF0C0]  }
0x22b: {  	v2 =	vld [tilespmem:s12+$0xC0]  }
0x22c: {  	v3 =	vld [tilespmem:s13+$0x50];
	_ =	sdelay $0x3  }
0x22d: {  	v1 =	vadd.f32 v2, v1;
	_ =	sdelay $0x1  }
0x22e: {  	v1 =	vadd.f32 v4, v1;
	_ =	sdelay $0x1  }
0x22f: {  	v1 =	vmax.f32 v1, $0.0e+00  }
0x230: {  	[tilespmem:s13+$0x40] =	vst v1;
	v2 =	vld [tilespmem:s13+$0x60]  }
0x231: {  	v1 =	vld [tilespmem:s12+$0xFFFFF0D0]  }
0x232: {  	v4 =	vld [tilespmem:s12+$0xD0];
	_ =	sdelay $0x4  }
0x233: {  	v1 =	vadd.f32 v4, v1;
	_ =	sdelay $0x1  }
0x234: {  	v1 =	vadd.f32 v3, v1;
	_ =	sdelay $0x1  }
0x235: {  	v1 =	vmax.f32 v1, $0.0e+00  }
0x236: {  	[tilespmem:s13+$0x50] =	vst v1;
	v1 =	vld [tilespmem:s13+$0x70]  }
0x237: {  	v3 =	vld [tilespmem:s12+$0xFFFFF0E0]  }
0x238: {  	v4 =	vld [tilespmem:s12+$0xE0]  }
.Ltmp2:
0x239: {  	(pc) =	sbr.rel @p0 .LBB2_7-.Ltmp2, $2  }
0x23a: {  	_ =	sdelay $0x2  }
0x23b: {  	v3 =	vadd.f32 v4, v3  }
0x23c: {  	_ = 	snop  }
0x23d: {  	v2 =	vadd.f32 v2, v3;
	_ =	sdelay $0x1  }
0x23e: {  	v2 =	vmax.f32 v2, $0.0e+00  }
0x23f: {  	[tilespmem:s14+$0x60] =	vst v2  }
0x240: {  	v2 =	vld [tilespmem:s15+$0xFFFFF0F0]  }
0x241: {  	v3 =	vld [tilespmem:s15+$0xF0];
	_ =	sdelay $0x4  }
0x242: {  	v2 =	vadd.f32 v3, v2;
	_ =	sdelay $0x1  }
0x243: {  	v1 =	vadd.f32 v1, v2;
	_ =	sdelay $0x1  }
0x244: {  	v1 =	vmax.f32 v1, $0.0e+00  }
0x245: {  	s12 =	simm.s32 $0x480;
	[tilespmem:s14+$0x70] =	vst v1  }
0x246: {  	[spmem:s3] =	stream.indirect.scatter.add.f32 [tilespmem:s28], [sflag:$0x5], $0x80, s12, s29, $0xb8;
	[tilespmem:$0x1A800] =	vst v63  }
0x247: {  	s15 =	simm.s32 $0x180  }
0x248: {  	[tilespmem:s25], [sflag:$0x2] =	stream.indirect.gather [hbm4b:s1+s22], $0x80, s15, s22, $0xb8;
	[tilespmem:$0x1A800] =	vst v63  }
0x249: {  	_ =	swait.ge [sflag:s26], $0x2000  }
0x24a: {  	[sflag:s26] =	ssyncset.done $0x0  }
0x24b: {  	[sflag:s26] =	ssyncadd.s32 $0xFFFFE000  }
0x24c: {  	_ =	swait.ge [sflag:s26], $0x1000  }
0x24d: {  	[sflag:s26] =	ssyncset.done $0x0  }
0x24e: {  	[sflag:s26] =	ssyncadd.s32 $0xFFFFF000  }
0x24f: {  	_ =	swait.ge [sflag:s24], $0x1000  }
0x250: {  	s16 =	rddreg [dreg:$0xc]  }
0x251: {  	s12 =	sadd.s32 s10, s16  }
0x252: {  	[sflag:s24] =	ssyncset.done $0x0;
	s12 =	sshll.u32 s12, $0x4  }
0x253: {  	[sflag:s24] =	ssyncadd.s32 $0xFFFFF000;
	s12 =	sadd.s32 s6, s12  }
0x254: {  	[tilespmem:s28], [sflag:$0x2] =	stream.linear.gather [hbm4b:s12+s5], $0x1000, $0x38;
	[tilespmem:$0x1A800] =	vst v63  }
0x255: {  	s12 =	simm.s32 $0x1800  }
0x256: {  	v1 =	vld [tilespmem:s12+$0xFFFFF000]  }
0x257: {  	v2 =	vld [tilespmem:s12+$0x0]  }
0x258: {  	s13 =	simm.s32 $0x2880  }
0x259: {  	v3 =	vld [tilespmem:s13+$0xFFFFFF80];
	_ =	sdelay $0x2  }
0x25a: {  	v1 =	vadd.f32 v2, v1;
	_ =	sdelay $0x1  }
0x25b: {  	v1 =	vadd.f32 v3, v1;
	_ =	sdelay $0x1  }
0x25c: {  	v1 =	vmax.f32 v1, $0.0e+00  }
0x25d: {  	[tilespmem:s13+$0xFFFFFF80] =	vst v1  }
0x25e: {  	v1 =	vld [tilespmem:s12+$0xFFFFF010]  }
0x25f: {  	v2 =	vld [tilespmem:s12+$0x10];
	_ =	sdelay $0x1  }
0x260: {  	v3 =	vld [tilespmem:s13+$0xFFFFFF90];
	_ =	sdelay $0x2  }
0x261: {  	v1 =	vadd.f32 v2, v1;
	_ =	sdelay $0x1  }
0x262: {  	v1 =	vadd.f32 v3, v1;
	_ =	sdelay $0x1  }
0x263: {  	v1 =	vmax.f32 v1, $0.0e+00  }
0x264: {  	[tilespmem:s13+$0xFFFFFF90] =	vst v1  }
0x265: {  	v1 =	vld [tilespmem:s12+$0xFFFFF020]  }
0x266: {  	v2 =	vld [tilespmem:s12+$0x20];
	_ =	sdelay $0x1  }
0x267: {  	v3 =	vld [tilespmem:s13+$0xFFFFFFA0];
	_ =	sdelay $0x2  }
0x268: {  	v1 =	vadd.f32 v2, v1;
	_ =	sdelay $0x1  }
0x269: {  	v1 =	vadd.f32 v3, v1;
	_ =	sdelay $0x1  }
0x26a: {  	v1 =	vmax.f32 v1, $0.0e+00  }
0x26b: {  	[tilespmem:s13+$0xFFFFFFA0] =	vst v1  }
0x26c: {  	v1 =	vld [tilespmem:s12+$0xFFFFF030]  }
0x26d: {  	v2 =	vld [tilespmem:s12+$0x30];
	_ =	sdelay $0x1  }
0x26e: {  	v3 =	vld [tilespmem:s13+$0xFFFFFFB0];
	_ =	sdelay $0x2  }
0x26f: {  	v1 =	vadd.f32 v2, v1;
	_ =	sdelay $0x1  }
0x270: {  	v1 =	vadd.f32 v3, v1;
	_ =	sdelay $0x1  }
0x271: {  	v1 =	vmax.f32 v1, $0.0e+00  }
0x272: {  	[tilespmem:s13+$0xFFFFFFB0] =	vst v1  }
0x273: {  	v1 =	vld [tilespmem:s12+$0xFFFFF040]  }
0x274: {  	v2 =	vld [tilespmem:s12+$0x40];
	_ =	sdelay $0x1  }
0x275: {  	v3 =	vld [tilespmem:s13+$0xFFFFFFC0];
	_ =	sdelay $0x2  }
0x276: {  	v1 =	vadd.f32 v2, v1;
	_ =	sdelay $0x1  }
0x277: {  	v1 =	vadd.f32 v3, v1;
	_ =	sdelay $0x1  }
0x278: {  	v1 =	vmax.f32 v1, $0.0e+00  }
0x279: {  	[tilespmem:s13+$0xFFFFFFC0] =	vst v1  }
0x27a: {  	v1 =	vld [tilespmem:s12+$0xFFFFF050]  }
0x27b: {  	v3 =	vld [tilespmem:s12+$0x50];
	_ =	sdelay $0x1  }
0x27c: {  	v2 =	vld [tilespmem:s13+$0xFFFFFFD0];
	_ =	sdelay $0x2  }
0x27d: {  	v1 =	vadd.f32 v3, v1;
	_ =	sdelay $0x1  }
0x27e: {  	v1 =	vadd.f32 v2, v1;
	_ =	sdelay $0x1  }
0x27f: {  	v1 =	vmax.f32 v1, $0.0e+00  }
0x280: {  	[tilespmem:s13+$0xFFFFFFD0] =	vst v1  }
0x281: {  	v1 =	vld [tilespmem:s12+$0xFFFFF060]  }
0x282: {  	v3 =	vld [tilespmem:s12+$0x60];
	_ =	sdelay $0x1  }
0x283: {  	v2 =	vld [tilespmem:s13+$0xFFFFFFE0];
	_ =	sdelay $0x2  }
0x284: {  	v1 =	vadd.f32 v3, v1;
	_ =	sdelay $0x1  }
0x285: {  	v1 =	vadd.f32 v2, v1;
	_ =	sdelay $0x1  }
0x286: {  	v1 =	vmax.f32 v1, $0.0e+00  }
0x287: {  	[tilespmem:s13+$0xFFFFFFE0] =	vst v1  }
0x288: {  	v1 =	vld [tilespmem:s12+$0xFFFFF070]  }
0x289: {  	v3 =	vld [tilespmem:s12+$0x70];
	_ =	sdelay $0x1  }
0x28a: {  	v2 =	vld [tilespmem:s13+$0xFFFFFFF0];
	_ =	sdelay $0x2  }
0x28b: {  	v1 =	vadd.f32 v3, v1;
	_ =	sdelay $0x1  }
0x28c: {  	v1 =	vadd.f32 v2, v1;
	_ =	sdelay $0x1  }
0x28d: {  	v1 =	vmax.f32 v1, $0.0e+00  }
0x28e: {  	[tilespmem:s13+$0xFFFFFFF0] =	vst v1  }
0x28f: {  	v1 =	vld [tilespmem:s12+$0xFFFFF080]  }
0x290: {  	v3 =	vld [tilespmem:s12+$0x80];
	_ =	sdelay $0x1  }
0x291: {  	v2 =	vld [tilespmem:s13+$0x0];
	_ =	sdelay $0x2  }
0x292: {  	v1 =	vadd.f32 v3, v1;
	_ =	sdelay $0x1  }
0x293: {  	v1 =	vadd.f32 v2, v1;
	_ =	sdelay $0x1  }
0x294: {  	v1 =	vmax.f32 v1, $0.0e+00  }
0x295: {  	[tilespmem:s13+$0x0] =	vst v1  }
0x296: {  	v1 =	vld [tilespmem:s12+$0xFFFFF090]  }
0x297: {  	v3 =	vld [tilespmem:s12+$0x90];
	_ =	sdelay $0x1  }
0x298: {  	v2 =	vld [tilespmem:s13+$0x10];
	_ =	sdelay $0x2  }
0x299: {  	v1 =	vadd.f32 v3, v1;
	_ =	sdelay $0x1  }
0x29a: {  	v1 =	vadd.f32 v2, v1;
	_ =	sdelay $0x1  }
0x29b: {  	v1 =	vmax.f32 v1, $0.0e+00  }
0x29c: {  	[tilespmem:s13+$0x10] =	vst v1  }
0x29d: {  	v1 =	vld [tilespmem:s12+$0xFFFFF0A0]  }
0x29e: {  	v3 =	vld [tilespmem:s12+$0xA0];
	_ =	sdelay $0x1  }
0x29f: {  	v2 =	vld [tilespmem:s13+$0x20];
	_ =	sdelay $0x2  }
0x2a0: {  	v1 =	vadd.f32 v3, v1;
	_ =	sdelay $0x1  }
0x2a1: {  	v1 =	vadd.f32 v2, v1;
	_ =	sdelay $0x1  }
0x2a2: {  	v1 =	vmax.f32 v1, $0.0e+00  }
0x2a3: {  	[tilespmem:s13+$0x20] =	vst v1  }
0x2a4: {  	v1 =	vld [tilespmem:s12+$0xFFFFF0B0]  }
0x2a5: {  	v3 =	vld [tilespmem:s12+$0xB0];
	_ =	sdelay $0x1  }
0x2a6: {  	v2 =	vld [tilespmem:s13+$0x30];
	_ =	sdelay $0x2  }
0x2a7: {  	v1 =	vadd.f32 v3, v1;
	_ =	sdelay $0x1  }
0x2a8: {  	v1 =	vadd.f32 v2, v1;
	_ =	sdelay $0x1  }
0x2a9: {  	v1 =	vmax.f32 v1, $0.0e+00  }
0x2aa: {  	[tilespmem:s13+$0x30] =	vst v1  }
0x2ab: {  	v1 =	vld [tilespmem:s12+$0xFFFFF0C0]  }
0x2ac: {  	v3 =	vld [tilespmem:s12+$0xC0];
	_ =	sdelay $0x1  }
0x2ad: {  	v2 =	vld [tilespmem:s13+$0x40];
	_ =	sdelay $0x2  }
0x2ae: {  	v1 =	vadd.f32 v3, v1;
	_ =	sdelay $0x1  }
0x2af: {  	v1 =	vadd.f32 v2, v1;
	_ =	sdelay $0x1  }
0x2b0: {  	v1 =	vmax.f32 v1, $0.0e+00  }
0x2b1: {  	[tilespmem:s13+$0x40] =	vst v1  }
0x2b2: {  	v1 =	vld [tilespmem:s12+$0xFFFFF0D0]  }
0x2b3: {  	v3 =	vld [tilespmem:s12+$0xD0];
	_ =	sdelay $0x1  }
0x2b4: {  	v2 =	vld [tilespmem:s13+$0x50];
	_ =	sdelay $0x2  }
0x2b5: {  	v1 =	vadd.f32 v3, v1;
	_ =	sdelay $0x1  }
0x2b6: {  	v1 =	vadd.f32 v2, v1;
	_ =	sdelay $0x1  }
0x2b7: {  	v1 =	vmax.f32 v1, $0.0e+00  }
0x2b8: {  	[tilespmem:s13+$0x50] =	vst v1  }
0x2b9: {  	v3 =	vld [tilespmem:s12+$0xFFFFF0E0]  }
0x2ba: {  	v4 =	vld [tilespmem:s12+$0xE0];
	_ =	sdelay $0x1  }
0x2bb: {  	v2 =	vld [tilespmem:s13+$0x60];
	_ =	sdelay $0x2  }
0x2bc: {  	s14 =	simm.s32 $0x2880;
	s15 =	simm.s32 $0x1800;
	s16 =	simm.s32 $0x0;
	v1 =	vld [tilespmem:s13+$0x70];
	v3 =	vadd.f32 v4, v3  }
.LBB2_9:
0x2bd: {  	_ = 	snop  }
0x2be: {  	s16 =	sadd.s32 $0x2, s16;
	s12 =	sadd.s32 $0x100, s12;
	s13 =	sadd.s32 $0x100, s13;
	v2 =	vadd.f32 v2, v3  }
0x2bf: {  	p0 =	slt.u32 s16, $0x1E  }
0x2c0: {  	v2 =	vmax.f32 v2, $0.0e+00  }
0x2c1: {  	[tilespmem:s14+$0x60] =	vst v2  }
0x2c2: {  	v2 =	vld [tilespmem:s15+$0xFFFFF0F0]  }
0x2c3: {  	v3 =	vld [tilespmem:s15+$0xF0];
	s15 =	smov.u32 s12;
	_ =	sdelay $0x4  }
0x2c4: {  	v2 =	vadd.f32 v3, v2;
	_ =	sdelay $0x1  }
0x2c5: {  	v1 =	vadd.f32 v1, v2;
	_ =	sdelay $0x1  }
0x2c6: {  	v1 =	vmax.f32 v1, $0.0e+00  }
0x2c7: {  	[tilespmem:s14+$0x70] =	vst v1;
	s14 =	smov.u32 s13  }
0x2c8: {  	v1 =	vld [tilespmem:s12+$0xFFFFF000]  }
0x2c9: {  	v2 =	vld [tilespmem:s12+$0x0];
	_ =	sdelay $0x1  }
0x2ca: {  	v3 =	vld [tilespmem:s13+$0xFFFFFF80];
	_ =	sdelay $0x2  }
0x2cb: {  	v1 =	vadd.f32 v2, v1;
	_ =	sdelay $0x1  }
0x2cc: {  	v1 =	vadd.f32 v3, v1;
	_ =	sdelay $0x1  }
0x2cd: {  	v1 =	vmax.f32 v1, $0.0e+00  }
0x2ce: {  	[tilespmem:s13+$0xFFFFFF80] =	vst v1  }
0x2cf: {  	v1 =	vld [tilespmem:s12+$0xFFFFF010]  }
0x2d0: {  	v2 =	vld [tilespmem:s12+$0x10]  }
0x2d1: {  	v3 =	vld [tilespmem:s13+$0xFFFFFF90];
	_ =	sdelay $0x3  }
0x2d2: {  	v1 =	vadd.f32 v2, v1;
	_ =	sdelay $0x1  }
0x2d3: {  	v1 =	vadd.f32 v3, v1;
	_ =	sdelay $0x1  }
0x2d4: {  	v1 =	vmax.f32 v1, $0.0e+00  }
0x2d5: {  	[tilespmem:s13+$0xFFFFFF90] =	vst v1;
	v1 =	vld [tilespmem:s13+$0xFFFFFFA0]  }
0x2d6: {  	v2 =	vld [tilespmem:s12+$0xFFFFF020]  }
0x2d7: {  	v3 =	vld [tilespmem:s12+$0x20];
	_ =	sdelay $0x4  }
0x2d8: {  	v2 =	vadd.f32 v3, v2;
	_ =	sdelay $0x1  }
0x2d9: {  	v1 =	vadd.f32 v1, v2;
	_ =	sdelay $0x1  }
0x2da: {  	v1 =	vmax.f32 v1, $0.0e+00  }
0x2db: {  	[tilespmem:s13+$0xFFFFFFA0] =	vst v1;
	v1 =	vld [tilespmem:s13+$0xFFFFFFB0]  }
0x2dc: {  	v2 =	vld [tilespmem:s12+$0xFFFFF030]  }
0x2dd: {  	v3 =	vld [tilespmem:s12+$0x30];
	_ =	sdelay $0x4  }
0x2de: {  	v2 =	vadd.f32 v3, v2;
	_ =	sdelay $0x1  }
0x2df: {  	v1 =	vadd.f32 v1, v2;
	_ =	sdelay $0x1  }
0x2e0: {  	v1 =	vmax.f32 v1, $0.0e+00  }
0x2e1: {  	[tilespmem:s13+$0xFFFFFFB0] =	vst v1;
	v1 =	vld [tilespmem:s13+$0xFFFFFFC0]  }
0x2e2: {  	v2 =	vld [tilespmem:s12+$0xFFFFF040]  }
0x2e3: {  	v3 =	vld [tilespmem:s12+$0x40];
	_ =	sdelay $0x4  }
0x2e4: {  	v2 =	vadd.f32 v3, v2;
	_ =	sdelay $0x1  }
0x2e5: {  	v1 =	vadd.f32 v1, v2;
	_ =	sdelay $0x1  }
0x2e6: {  	v1 =	vmax.f32 v1, $0.0e+00;
	v2 =	vld [tilespmem:s13+$0xFFFFFFD0]  }
0x2e7: {  	[tilespmem:s13+$0xFFFFFFC0] =	vst v1  }
0x2e8: {  	v1 =	vld [tilespmem:s12+$0xFFFFF050]  }
0x2e9: {  	v3 =	vld [tilespmem:s12+$0x50];
	_ =	sdelay $0x4  }
0x2ea: {  	v1 =	vadd.f32 v3, v1;
	_ =	sdelay $0x1  }
0x2eb: {  	v1 =	vadd.f32 v2, v1  }
0x2ec: {  	v2 =	vld [tilespmem:s13+$0xFFFFFFE0]  }
0x2ed: {  	v1 =	vmax.f32 v1, $0.0e+00  }
0x2ee: {  	[tilespmem:s13+$0xFFFFFFD0] =	vst v1  }
0x2ef: {  	v1 =	vld [tilespmem:s12+$0xFFFFF060]  }
0x2f0: {  	v3 =	vld [tilespmem:s12+$0x60];
	_ =	sdelay $0x4  }
0x2f1: {  	v1 =	vadd.f32 v3, v1;
	_ =	sdelay $0x1  }
0x2f2: {  	v1 =	vadd.f32 v2, v1;
	v2 =	vld [tilespmem:s13+$0xFFFFFFF0];
	_ =	sdelay $0x1  }
0x2f3: {  	v1 =	vmax.f32 v1, $0.0e+00  }
0x2f4: {  	[tilespmem:s13+$0xFFFFFFE0] =	vst v1  }
0x2f5: {  	v1 =	vld [tilespmem:s12+$0xFFFFF070]  }
0x2f6: {  	v3 =	vld [tilespmem:s12+$0x70];
	_ =	sdelay $0x4  }
0x2f7: {  	v1 =	vadd.f32 v3, v1  }
0x2f8: {  	v3 =	vld [tilespmem:s13+$0x0]  }
0x2f9: {  	v1 =	vadd.f32 v2, v1;
	_ =	sdelay $0x1  }
0x2fa: {  	v1 =	vmax.f32 v1, $0.0e+00  }
0x2fb: {  	[tilespmem:s13+$0xFFFFFFF0] =	vst v1  }
0x2fc: {  	v1 =	vld [tilespmem:s12+$0xFFFFF080]  }
0x2fd: {  	v2 =	vld [tilespmem:s12+$0x80];
	_ =	sdelay $0x4  }
0x2fe: {  	v1 =	vadd.f32 v2, v1;
	v2 =	vld [tilespmem:s13+$0x10];
	_ =	sdelay $0x1  }
0x2ff: {  	v1 =	vadd.f32 v3, v1;
	_ =	sdelay $0x1  }
0x300: {  	v1 =	vmax.f32 v1, $0.0e+00  }
0x301: {  	[tilespmem:s13+$0x0] =	vst v1  }
0x302: {  	v1 =	vld [tilespmem:s12+$0xFFFFF090]  }
0x303: {  	v3 =	vld [tilespmem:s12+$0x90];
	_ =	sdelay $0x3  }
0x304: {  	v4 =	vld [tilespmem:s13+$0x20]  }
0x305: {  	v1 =	vadd.f32 v3, v1;
	_ =	sdelay $0x1  }
0x306: {  	v1 =	vadd.f32 v2, v1;
	_ =	sdelay $0x1  }
0x307: {  	v1 =	vmax.f32 v1, $0.0e+00  }
0x308: {  	[tilespmem:s13+$0x10] =	vst v1  }
0x309: {  	v1 =	vld [tilespmem:s12+$0xFFFFF0A0]  }
0x30a: {  	v2 =	vld [tilespmem:s12+$0xA0];
	_ =	sdelay $0x2  }
0x30b: {  	v3 =	vld [tilespmem:s13+$0x30];
	_ =	sdelay $0x1  }
0x30c: {  	v1 =	vadd.f32 v2, v1;
	_ =	sdelay $0x1  }
0x30d: {  	v1 =	vadd.f32 v4, v1;
	_ =	sdelay $0x1  }
0x30e: {  	v1 =	vmax.f32 v1, $0.0e+00  }
0x30f: {  	[tilespmem:s13+$0x20] =	vst v1  }
0x310: {  	v1 =	vld [tilespmem:s12+$0xFFFFF0B0]  }
0x311: {  	v2 =	vld [tilespmem:s12+$0xB0];
	_ =	sdelay $0x1  }
0x312: {  	v4 =	vld [tilespmem:s13+$0x40];
	_ =	sdelay $0x2  }
0x313: {  	v1 =	vadd.f32 v2, v1;
	_ =	sdelay $0x1  }
0x314: {  	v1 =	vadd.f32 v3, v1;
	_ =	sdelay $0x1  }
0x315: {  	v1 =	vmax.f32 v1, $0.0e+00  }
0x316: {  	[tilespmem:s13+$0x30] =	vst v1  }
0x317: {  	v1 =	vld [tilespmem:s12+$0xFFFFF0C0]  }
0x318: {  	v2 =	vld [tilespmem:s12+$0xC0]  }
0x319: {  	v3 =	vld [tilespmem:s13+$0x50];
	_ =	sdelay $0x3  }
0x31a: {  	v1 =	vadd.f32 v2, v1;
	_ =	sdelay $0x1  }
0x31b: {  	v1 =	vadd.f32 v4, v1;
	_ =	sdelay $0x1  }
0x31c: {  	v1 =	vmax.f32 v1, $0.0e+00  }
0x31d: {  	[tilespmem:s13+$0x40] =	vst v1;
	v2 =	vld [tilespmem:s13+$0x60]  }
0x31e: {  	v1 =	vld [tilespmem:s12+$0xFFFFF0D0]  }
0x31f: {  	v4 =	vld [tilespmem:s12+$0xD0];
	_ =	sdelay $0x4  }
0x320: {  	v1 =	vadd.f32 v4, v1;
	_ =	sdelay $0x1  }
0x321: {  	v1 =	vadd.f32 v3, v1;
	_ =	sdelay $0x1  }
0x322: {  	v1 =	vmax.f32 v1, $0.0e+00  }
0x323: {  	[tilespmem:s13+$0x50] =	vst v1;
	v1 =	vld [tilespmem:s13+$0x70]  }
0x324: {  	v3 =	vld [tilespmem:s12+$0xFFFFF0E0]  }
0x325: {  	v4 =	vld [tilespmem:s12+$0xE0]  }
.Ltmp3:
0x326: {  	(pc) =	sbr.rel @p0 .LBB2_9-.Ltmp3, $2  }
0x327: {  	_ =	sdelay $0x2  }
0x328: {  	v3 =	vadd.f32 v4, v3  }
0x329: {  	_ = 	snop  }
0x32a: {  	v2 =	vadd.f32 v2, v3;
	_ =	sdelay $0x1  }
0x32b: {  	v2 =	vmax.f32 v2, $0.0e+00  }
0x32c: {  	[tilespmem:s14+$0x60] =	vst v2  }
0x32d: {  	v2 =	vld [tilespmem:s15+$0xFFFFF0F0]  }
0x32e: {  	v3 =	vld [tilespmem:s15+$0xF0];
	_ =	sdelay $0x4  }
0x32f: {  	v2 =	vadd.f32 v3, v2;
	_ =	sdelay $0x1  }
0x330: {  	v1 =	vadd.f32 v1, v2;
	_ =	sdelay $0x1  }
0x331: {  	v1 =	vmax.f32 v1, $0.0e+00  }
0x332: {  	s12 =	simm.s32 $0x500;
	[tilespmem:s14+$0x70] =	vst v1  }
0x333: {  	[spmem:s3] =	stream.indirect.scatter.add.f32 [tilespmem:s23], [sflag:$0x4], $0x80, s12, s29, $0xb8;
	[tilespmem:$0x1A800] =	vst v63  }
0x334: {  	_ =	swait.ge [sflag:s30], $0x200  }
0x335: {  	[sflag:s30] =	ssyncset.done $0x0  }
0x336: {  	[sflag:s30] =	ssyncadd.s32 $0xFFFFFE00  }
0x337: {  	_ =	swait.ge [sflag:s30], $0x200  }
0x338: {  	[sflag:s30] =	ssyncset.done $0x0  }
0x339: {  	[sflag:s30] =	ssyncadd.s32 $0xFFFFFE00  }
0x33a: {  	[tilespmem:s9], [sflag:$0x1] =	stream.indirect.gather [hbm4b:s1+s22], $0x80, s4, s22, $0xb8;
	[tilespmem:$0x1A800] =	vst v63  }
0x33b: {  	_ =	swait.ge [sflag:s31], $0x2000  }
0x33c: {  	[sflag:s31] =	ssyncset.done $0x0  }
0x33d: {  	[sflag:s31] =	ssyncadd.s32 $0xFFFFE000  }
0x33e: {  	_ =	swait.ge [sflag:s31], $0x1000  }
0x33f: {  	[sflag:s31] =	ssyncset.done $0x0  }
0x340: {  	[sflag:s31] =	ssyncadd.s32 $0xFFFFF000  }
0x341: {  	_ =	swait.ge [sflag:s0], $0x1000  }
0x342: {  	s16 =	rddreg [dreg:$0xd]  }
0x343: {  	s12 =	sadd.s32 s10, s16  }
0x344: {  	[sflag:s0] =	ssyncset.done $0x0;
	s12 =	sshll.u32 s12, $0x4  }
0x345: {  	[sflag:s0] =	ssyncadd.s32 $0xFFFFF000;
	s12 =	sadd.s32 s6, s12  }
0x346: {  	[tilespmem:s23], [sflag:$0x1] =	stream.linear.gather [hbm4b:s12+s5], $0x1000, $0x38;
	[tilespmem:$0x1A800] =	vst v63  }
0x347: {  	s12 =	simm.s32 $0x4800  }
0x348: {  	v1 =	vld [tilespmem:s12+$0xFFFFF000]  }
0x349: {  	v2 =	vld [tilespmem:s12+$0x0]  }
0x34a: {  	s13 =	simm.s32 $0x5880  }
0x34b: {  	v3 =	vld [tilespmem:s13+$0xFFFFFF80];
	_ =	sdelay $0x2  }
0x34c: {  	v1 =	vadd.f32 v2, v1;
	_ =	sdelay $0x1  }
0x34d: {  	v1 =	vadd.f32 v3, v1;
	_ =	sdelay $0x1  }
0x34e: {  	v1 =	vmax.f32 v1, $0.0e+00  }
0x34f: {  	[tilespmem:s13+$0xFFFFFF80] =	vst v1  }
0x350: {  	v1 =	vld [tilespmem:s12+$0xFFFFF010]  }
0x351: {  	v2 =	vld [tilespmem:s12+$0x10];
	_ =	sdelay $0x1  }
0x352: {  	v3 =	vld [tilespmem:s13+$0xFFFFFF90];
	_ =	sdelay $0x2  }
0x353: {  	v1 =	vadd.f32 v2, v1;
	_ =	sdelay $0x1  }
0x354: {  	v1 =	vadd.f32 v3, v1;
	_ =	sdelay $0x1  }
0x355: {  	v1 =	vmax.f32 v1, $0.0e+00  }
0x356: {  	[tilespmem:s13+$0xFFFFFF90] =	vst v1  }
0x357: {  	v1 =	vld [tilespmem:s12+$0xFFFFF020]  }
0x358: {  	v2 =	vld [tilespmem:s12+$0x20];
	_ =	sdelay $0x1  }
0x359: {  	v3 =	vld [tilespmem:s13+$0xFFFFFFA0];
	_ =	sdelay $0x2  }
0x35a: {  	v1 =	vadd.f32 v2, v1;
	_ =	sdelay $0x1  }
0x35b: {  	v1 =	vadd.f32 v3, v1;
	_ =	sdelay $0x1  }
0x35c: {  	v1 =	vmax.f32 v1, $0.0e+00  }
0x35d: {  	[tilespmem:s13+$0xFFFFFFA0] =	vst v1  }
0x35e: {  	v1 =	vld [tilespmem:s12+$0xFFFFF030]  }
0x35f: {  	v2 =	vld [tilespmem:s12+$0x30];
	_ =	sdelay $0x1  }
0x360: {  	v3 =	vld [tilespmem:s13+$0xFFFFFFB0];
	_ =	sdelay $0x2  }
0x361: {  	v1 =	vadd.f32 v2, v1;
	_ =	sdelay $0x1  }
0x362: {  	v1 =	vadd.f32 v3, v1;
	_ =	sdelay $0x1  }
0x363: {  	v1 =	vmax.f32 v1, $0.0e+00  }
0x364: {  	[tilespmem:s13+$0xFFFFFFB0] =	vst v1  }
0x365: {  	v1 =	vld [tilespmem:s12+$0xFFFFF040]  }
0x366: {  	v2 =	vld [tilespmem:s12+$0x40];
	_ =	sdelay $0x1  }
0x367: {  	v3 =	vld [tilespmem:s13+$0xFFFFFFC0];
	_ =	sdelay $0x2  }
0x368: {  	v1 =	vadd.f32 v2, v1;
	_ =	sdelay $0x1  }
0x369: {  	v1 =	vadd.f32 v3, v1;
	_ =	sdelay $0x1  }
0x36a: {  	v1 =	vmax.f32 v1, $0.0e+00  }
0x36b: {  	[tilespmem:s13+$0xFFFFFFC0] =	vst v1  }
0x36c: {  	v1 =	vld [tilespmem:s12+$0xFFFFF050]  }
0x36d: {  	v3 =	vld [tilespmem:s12+$0x50];
	_ =	sdelay $0x1  }
0x36e: {  	v2 =	vld [tilespmem:s13+$0xFFFFFFD0];
	_ =	sdelay $0x2  }
0x36f: {  	v1 =	vadd.f32 v3, v1;
	_ =	sdelay $0x1  }
0x370: {  	v1 =	vadd.f32 v2, v1;
	_ =	sdelay $0x1  }
0x371: {  	v1 =	vmax.f32 v1, $0.0e+00  }
0x372: {  	[tilespmem:s13+$0xFFFFFFD0] =	vst v1  }
0x373: {  	v1 =	vld [tilespmem:s12+$0xFFFFF060]  }
0x374: {  	v3 =	vld [tilespmem:s12+$0x60];
	_ =	sdelay $0x1  }
0x375: {  	v2 =	vld [tilespmem:s13+$0xFFFFFFE0];
	_ =	sdelay $0x2  }
0x376: {  	v1 =	vadd.f32 v3, v1;
	_ =	sdelay $0x1  }
0x377: {  	v1 =	vadd.f32 v2, v1;
	_ =	sdelay $0x1  }
0x378: {  	v1 =	vmax.f32 v1, $0.0e+00  }
0x379: {  	[tilespmem:s13+$0xFFFFFFE0] =	vst v1  }
0x37a: {  	v1 =	vld [tilespmem:s12+$0xFFFFF070]  }
0x37b: {  	v3 =	vld [tilespmem:s12+$0x70];
	_ =	sdelay $0x1  }
0x37c: {  	v2 =	vld [tilespmem:s13+$0xFFFFFFF0];
	_ =	sdelay $0x2  }
0x37d: {  	v1 =	vadd.f32 v3, v1;
	_ =	sdelay $0x1  }
0x37e: {  	v1 =	vadd.f32 v2, v1;
	_ =	sdelay $0x1  }
0x37f: {  	v1 =	vmax.f32 v1, $0.0e+00  }
0x380: {  	[tilespmem:s13+$0xFFFFFFF0] =	vst v1  }
0x381: {  	v1 =	vld [tilespmem:s12+$0xFFFFF080]  }
0x382: {  	v3 =	vld [tilespmem:s12+$0x80];
	_ =	sdelay $0x1  }
0x383: {  	v2 =	vld [tilespmem:s13+$0x0];
	_ =	sdelay $0x2  }
0x384: {  	v1 =	vadd.f32 v3, v1;
	_ =	sdelay $0x1  }
0x385: {  	v1 =	vadd.f32 v2, v1;
	_ =	sdelay $0x1  }
0x386: {  	v1 =	vmax.f32 v1, $0.0e+00  }
0x387: {  	[tilespmem:s13+$0x0] =	vst v1  }
0x388: {  	v1 =	vld [tilespmem:s12+$0xFFFFF090]  }
0x389: {  	v3 =	vld [tilespmem:s12+$0x90];
	_ =	sdelay $0x1  }
0x38a: {  	v2 =	vld [tilespmem:s13+$0x10];
	_ =	sdelay $0x2  }
0x38b: {  	v1 =	vadd.f32 v3, v1;
	_ =	sdelay $0x1  }
0x38c: {  	v1 =	vadd.f32 v2, v1;
	_ =	sdelay $0x1  }
0x38d: {  	v1 =	vmax.f32 v1, $0.0e+00  }
0x38e: {  	[tilespmem:s13+$0x10] =	vst v1  }
0x38f: {  	v1 =	vld [tilespmem:s12+$0xFFFFF0A0]  }
0x390: {  	v3 =	vld [tilespmem:s12+$0xA0];
	_ =	sdelay $0x1  }
0x391: {  	v2 =	vld [tilespmem:s13+$0x20];
	_ =	sdelay $0x2  }
0x392: {  	v1 =	vadd.f32 v3, v1;
	_ =	sdelay $0x1  }
0x393: {  	v1 =	vadd.f32 v2, v1;
	_ =	sdelay $0x1  }
0x394: {  	v1 =	vmax.f32 v1, $0.0e+00  }
0x395: {  	[tilespmem:s13+$0x20] =	vst v1  }
0x396: {  	v1 =	vld [tilespmem:s12+$0xFFFFF0B0]  }
0x397: {  	v3 =	vld [tilespmem:s12+$0xB0];
	_ =	sdelay $0x1  }
0x398: {  	v2 =	vld [tilespmem:s13+$0x30];
	_ =	sdelay $0x2  }
0x399: {  	v1 =	vadd.f32 v3, v1;
	_ =	sdelay $0x1  }
0x39a: {  	v1 =	vadd.f32 v2, v1;
	_ =	sdelay $0x1  }
0x39b: {  	v1 =	vmax.f32 v1, $0.0e+00  }
0x39c: {  	[tilespmem:s13+$0x30] =	vst v1  }
0x39d: {  	v1 =	vld [tilespmem:s12+$0xFFFFF0C0]  }
0x39e: {  	v3 =	vld [tilespmem:s12+$0xC0];
	_ =	sdelay $0x1  }
0x39f: {  	v2 =	vld [tilespmem:s13+$0x40];
	_ =	sdelay $0x2  }
0x3a0: {  	v1 =	vadd.f32 v3, v1;
	_ =	sdelay $0x1  }
0x3a1: {  	v1 =	vadd.f32 v2, v1;
	_ =	sdelay $0x1  }
0x3a2: {  	v1 =	vmax.f32 v1, $0.0e+00  }
0x3a3: {  	[tilespmem:s13+$0x40] =	vst v1  }
0x3a4: {  	v1 =	vld [tilespmem:s12+$0xFFFFF0D0]  }
0x3a5: {  	v3 =	vld [tilespmem:s12+$0xD0];
	_ =	sdelay $0x1  }
0x3a6: {  	v2 =	vld [tilespmem:s13+$0x50];
	_ =	sdelay $0x2  }
0x3a7: {  	v1 =	vadd.f32 v3, v1;
	_ =	sdelay $0x1  }
0x3a8: {  	v1 =	vadd.f32 v2, v1;
	_ =	sdelay $0x1  }
0x3a9: {  	v1 =	vmax.f32 v1, $0.0e+00  }
0x3aa: {  	[tilespmem:s13+$0x50] =	vst v1  }
0x3ab: {  	v3 =	vld [tilespmem:s12+$0xFFFFF0E0]  }
0x3ac: {  	v4 =	vld [tilespmem:s12+$0xE0];
	_ =	sdelay $0x1  }
0x3ad: {  	v2 =	vld [tilespmem:s13+$0x60];
	_ =	sdelay $0x2  }
0x3ae: {  	s15 =	simm.s32 $0x4800;
	s14 =	simm.s32 $0x5880;
	s16 =	simm.s32 $0x0;
	v1 =	vld [tilespmem:s13+$0x70];
	v3 =	vadd.f32 v4, v3  }
.LBB2_11:
0x3af: {  	_ = 	snop  }
0x3b0: {  	s16 =	sadd.s32 $0x2, s16;
	s12 =	sadd.s32 $0x100, s12;
	s13 =	sadd.s32 $0x100, s13;
	v2 =	vadd.f32 v2, v3  }
0x3b1: {  	p0 =	slt.u32 s16, $0x1E  }
0x3b2: {  	v2 =	vmax.f32 v2, $0.0e+00  }
0x3b3: {  	[tilespmem:s14+$0x60] =	vst v2  }
0x3b4: {  	v2 =	vld [tilespmem:s15+$0xFFFFF0F0]  }
0x3b5: {  	v3 =	vld [tilespmem:s15+$0xF0];
	s15 =	smov.u32 s12;
	_ =	sdelay $0x4  }
0x3b6: {  	v2 =	vadd.f32 v3, v2;
	_ =	sdelay $0x1  }
0x3b7: {  	v1 =	vadd.f32 v1, v2;
	_ =	sdelay $0x1  }
0x3b8: {  	v1 =	vmax.f32 v1, $0.0e+00  }
0x3b9: {  	[tilespmem:s14+$0x70] =	vst v1;
	s14 =	smov.u32 s13  }
0x3ba: {  	v1 =	vld [tilespmem:s12+$0xFFFFF000]  }
0x3bb: {  	v2 =	vld [tilespmem:s12+$0x0];
	_ =	sdelay $0x1  }
0x3bc: {  	v3 =	vld [tilespmem:s13+$0xFFFFFF80];
	_ =	sdelay $0x2  }
0x3bd: {  	v1 =	vadd.f32 v2, v1;
	_ =	sdelay $0x1  }
0x3be: {  	v1 =	vadd.f32 v3, v1;
	_ =	sdelay $0x1  }
0x3bf: {  	v1 =	vmax.f32 v1, $0.0e+00  }
0x3c0: {  	[tilespmem:s13+$0xFFFFFF80] =	vst v1  }
0x3c1: {  	v1 =	vld [tilespmem:s12+$0xFFFFF010]  }
0x3c2: {  	v2 =	vld [tilespmem:s12+$0x10]  }
0x3c3: {  	v3 =	vld [tilespmem:s13+$0xFFFFFF90];
	_ =	sdelay $0x3  }
0x3c4: {  	v1 =	vadd.f32 v2, v1;
	_ =	sdelay $0x1  }
0x3c5: {  	v1 =	vadd.f32 v3, v1;
	_ =	sdelay $0x1  }
0x3c6: {  	v1 =	vmax.f32 v1, $0.0e+00  }
0x3c7: {  	[tilespmem:s13+$0xFFFFFF90] =	vst v1;
	v1 =	vld [tilespmem:s13+$0xFFFFFFA0]  }
0x3c8: {  	v2 =	vld [tilespmem:s12+$0xFFFFF020]  }
0x3c9: {  	v3 =	vld [tilespmem:s12+$0x20];
	_ =	sdelay $0x4  }
0x3ca: {  	v2 =	vadd.f32 v3, v2;
	_ =	sdelay $0x1  }
0x3cb: {  	v1 =	vadd.f32 v1, v2;
	_ =	sdelay $0x1  }
0x3cc: {  	v1 =	vmax.f32 v1, $0.0e+00  }
0x3cd: {  	[tilespmem:s13+$0xFFFFFFA0] =	vst v1;
	v1 =	vld [tilespmem:s13+$0xFFFFFFB0]  }
0x3ce: {  	v2 =	vld [tilespmem:s12+$0xFFFFF030]  }
0x3cf: {  	v3 =	vld [tilespmem:s12+$0x30];
	_ =	sdelay $0x4  }
0x3d0: {  	v2 =	vadd.f32 v3, v2;
	_ =	sdelay $0x1  }
0x3d1: {  	v1 =	vadd.f32 v1, v2;
	_ =	sdelay $0x1  }
0x3d2: {  	v1 =	vmax.f32 v1, $0.0e+00  }
0x3d3: {  	[tilespmem:s13+$0xFFFFFFB0] =	vst v1;
	v1 =	vld [tilespmem:s13+$0xFFFFFFC0]  }
0x3d4: {  	v2 =	vld [tilespmem:s12+$0xFFFFF040]  }
0x3d5: {  	v3 =	vld [tilespmem:s12+$0x40];
	_ =	sdelay $0x4  }
0x3d6: {  	v2 =	vadd.f32 v3, v2;
	_ =	sdelay $0x1  }
0x3d7: {  	v1 =	vadd.f32 v1, v2;
	_ =	sdelay $0x1  }
0x3d8: {  	v1 =	vmax.f32 v1, $0.0e+00;
	v2 =	vld [tilespmem:s13+$0xFFFFFFD0]  }
0x3d9: {  	[tilespmem:s13+$0xFFFFFFC0] =	vst v1  }
0x3da: {  	v1 =	vld [tilespmem:s12+$0xFFFFF050]  }
0x3db: {  	v3 =	vld [tilespmem:s12+$0x50];
	_ =	sdelay $0x4  }
0x3dc: {  	v1 =	vadd.f32 v3, v1;
	_ =	sdelay $0x1  }
0x3dd: {  	v1 =	vadd.f32 v2, v1  }
0x3de: {  	v2 =	vld [tilespmem:s13+$0xFFFFFFE0]  }
0x3df: {  	v1 =	vmax.f32 v1, $0.0e+00  }
0x3e0: {  	[tilespmem:s13+$0xFFFFFFD0] =	vst v1  }
0x3e1: {  	v1 =	vld [tilespmem:s12+$0xFFFFF060]  }
0x3e2: {  	v3 =	vld [tilespmem:s12+$0x60];
	_ =	sdelay $0x4  }
0x3e3: {  	v1 =	vadd.f32 v3, v1;
	_ =	sdelay $0x1  }
0x3e4: {  	v1 =	vadd.f32 v2, v1;
	v2 =	vld [tilespmem:s13+$0xFFFFFFF0];
	_ =	sdelay $0x1  }
0x3e5: {  	v1 =	vmax.f32 v1, $0.0e+00  }
0x3e6: {  	[tilespmem:s13+$0xFFFFFFE0] =	vst v1  }
0x3e7: {  	v1 =	vld [tilespmem:s12+$0xFFFFF070]  }
0x3e8: {  	v3 =	vld [tilespmem:s12+$0x70];
	_ =	sdelay $0x4  }
0x3e9: {  	v1 =	vadd.f32 v3, v1  }
0x3ea: {  	v3 =	vld [tilespmem:s13+$0x0]  }
0x3eb: {  	v1 =	vadd.f32 v2, v1;
	_ =	sdelay $0x1  }
0x3ec: {  	v1 =	vmax.f32 v1, $0.0e+00  }
0x3ed: {  	[tilespmem:s13+$0xFFFFFFF0] =	vst v1  }
0x3ee: {  	v1 =	vld [tilespmem:s12+$0xFFFFF080]  }
0x3ef: {  	v2 =	vld [tilespmem:s12+$0x80];
	_ =	sdelay $0x4  }
0x3f0: {  	v1 =	vadd.f32 v2, v1;
	v2 =	vld [tilespmem:s13+$0x10];
	_ =	sdelay $0x1  }
0x3f1: {  	v1 =	vadd.f32 v3, v1;
	_ =	sdelay $0x1  }
0x3f2: {  	v1 =	vmax.f32 v1, $0.0e+00  }
0x3f3: {  	[tilespmem:s13+$0x0] =	vst v1  }
0x3f4: {  	v1 =	vld [tilespmem:s12+$0xFFFFF090]  }
0x3f5: {  	v3 =	vld [tilespmem:s12+$0x90];
	_ =	sdelay $0x3  }
0x3f6: {  	v4 =	vld [tilespmem:s13+$0x20]  }
0x3f7: {  	v1 =	vadd.f32 v3, v1;
	_ =	sdelay $0x1  }
0x3f8: {  	v1 =	vadd.f32 v2, v1;
	_ =	sdelay $0x1  }
0x3f9: {  	v1 =	vmax.f32 v1, $0.0e+00  }
0x3fa: {  	[tilespmem:s13+$0x10] =	vst v1  }
0x3fb: {  	v1 =	vld [tilespmem:s12+$0xFFFFF0A0]  }
0x3fc: {  	v2 =	vld [tilespmem:s12+$0xA0];
	_ =	sdelay $0x2  }
0x3fd: {  	v3 =	vld [tilespmem:s13+$0x30];
	_ =	sdelay $0x1  }
0x3fe: {  	v1 =	vadd.f32 v2, v1;
	_ =	sdelay $0x1  }
0x3ff: {  	v1 =	vadd.f32 v4, v1;
	_ =	sdelay $0x1  }
0x400: {  	v1 =	vmax.f32 v1, $0.0e+00  }
0x401: {  	[tilespmem:s13+$0x20] =	vst v1  }
0x402: {  	v1 =	vld [tilespmem:s12+$0xFFFFF0B0]  }
0x403: {  	v2 =	vld [tilespmem:s12+$0xB0];
	_ =	sdelay $0x1  }
0x404: {  	v4 =	vld [tilespmem:s13+$0x40];
	_ =	sdelay $0x2  }
0x405: {  	v1 =	vadd.f32 v2, v1;
	_ =	sdelay $0x1  }
0x406: {  	v1 =	vadd.f32 v3, v1;
	_ =	sdelay $0x1  }
0x407: {  	v1 =	vmax.f32 v1, $0.0e+00  }
0x408: {  	[tilespmem:s13+$0x30] =	vst v1  }
0x409: {  	v1 =	vld [tilespmem:s12+$0xFFFFF0C0]  }
0x40a: {  	v2 =	vld [tilespmem:s12+$0xC0]  }
0x40b: {  	v3 =	vld [tilespmem:s13+$0x50];
	_ =	sdelay $0x3  }
0x40c: {  	v1 =	vadd.f32 v2, v1;
	_ =	sdelay $0x1  }
0x40d: {  	v1 =	vadd.f32 v4, v1;
	_ =	sdelay $0x1  }
0x40e: {  	v1 =	vmax.f32 v1, $0.0e+00  }
0x40f: {  	[tilespmem:s13+$0x40] =	vst v1;
	v2 =	vld [tilespmem:s13+$0x60]  }
0x410: {  	v1 =	vld [tilespmem:s12+$0xFFFFF0D0]  }
0x411: {  	v4 =	vld [tilespmem:s12+$0xD0];
	_ =	sdelay $0x4  }
0x412: {  	v1 =	vadd.f32 v4, v1;
	_ =	sdelay $0x1  }
0x413: {  	v1 =	vadd.f32 v3, v1;
	_ =	sdelay $0x1  }
0x414: {  	v1 =	vmax.f32 v1, $0.0e+00  }
0x415: {  	[tilespmem:s13+$0x50] =	vst v1;
	v1 =	vld [tilespmem:s13+$0x70]  }
0x416: {  	v3 =	vld [tilespmem:s12+$0xFFFFF0E0]  }
0x417: {  	v4 =	vld [tilespmem:s12+$0xE0]  }
.Ltmp4:
0x418: {  	(pc) =	sbr.rel @p0 .LBB2_11-.Ltmp4, $2  }
0x419: {  	_ =	sdelay $0x2  }
0x41a: {  	v3 =	vadd.f32 v4, v3  }
0x41b: {  	_ = 	snop  }
0x41c: {  	v2 =	vadd.f32 v2, v3;
	_ =	sdelay $0x1  }
0x41d: {  	v2 =	vmax.f32 v2, $0.0e+00  }
0x41e: {  	[tilespmem:s14+$0x60] =	vst v2  }
0x41f: {  	v2 =	vld [tilespmem:s15+$0xFFFFF0F0]  }
0x420: {  	v3 =	vld [tilespmem:s15+$0xF0];
	_ =	sdelay $0x4  }
0x421: {  	v2 =	vadd.f32 v3, v2;
	_ =	sdelay $0x1  }
0x422: {  	v1 =	vadd.f32 v1, v2;
	_ =	sdelay $0x1  }
0x423: {  	v1 =	vmax.f32 v1, $0.0e+00  }
0x424: {  	s12 =	simm.s32 $0x580;
	[tilespmem:s14+$0x70] =	vst v1  }
0x425: {  	[spmem:s3] =	stream.indirect.scatter.add.f32 [tilespmem:s28], [sflag:$0x5], $0x80, s12, s29, $0xb8;
	[tilespmem:$0x1A800] =	vst v63  }
0x426: {  	s15 =	simm.s32 $0x280  }
0x427: {  	[tilespmem:s25], [sflag:$0x2] =	stream.indirect.gather [hbm4b:s1+s22], $0x80, s15, s22, $0xb8;
	[tilespmem:$0x1A800] =	vst v63  }
0x428: {  	_ =	swait.ge [sflag:s26], $0x2000  }
0x429: {  	[sflag:s26] =	ssyncset.done $0x0  }
0x42a: {  	[sflag:s26] =	ssyncadd.s32 $0xFFFFE000  }
0x42b: {  	_ =	swait.ge [sflag:s26], $0x1000  }
0x42c: {  	[sflag:s26] =	ssyncset.done $0x0  }
0x42d: {  	[sflag:s26] =	ssyncadd.s32 $0xFFFFF000  }
0x42e: {  	_ =	swait.ge [sflag:s24], $0x1000  }
0x42f: {  	s16 =	rddreg [dreg:$0xe]  }
0x430: {  	s12 =	sadd.s32 s10, s16  }
0x431: {  	[sflag:s24] =	ssyncset.done $0x0;
	s12 =	sshll.u32 s12, $0x4  }
0x432: {  	[sflag:s24] =	ssyncadd.s32 $0xFFFFF000;
	s12 =	sadd.s32 s6, s12  }
0x433: {  	[tilespmem:s28], [sflag:$0x2] =	stream.linear.gather [hbm4b:s12+s5], $0x1000, $0x38;
	[tilespmem:$0x1A800] =	vst v63  }
0x434: {  	s12 =	simm.s32 $0x1800  }
0x435: {  	v1 =	vld [tilespmem:s12+$0xFFFFF000]  }
0x436: {  	v2 =	vld [tilespmem:s12+$0x0]  }
0x437: {  	s13 =	simm.s32 $0x2880  }
0x438: {  	v3 =	vld [tilespmem:s13+$0xFFFFFF80];
	_ =	sdelay $0x2  }
0x439: {  	v1 =	vadd.f32 v2, v1;
	_ =	sdelay $0x1  }
0x43a: {  	v1 =	vadd.f32 v3, v1;
	_ =	sdelay $0x1  }
0x43b: {  	v1 =	vmax.f32 v1, $0.0e+00  }
0x43c: {  	[tilespmem:s13+$0xFFFFFF80] =	vst v1  }
0x43d: {  	v1 =	vld [tilespmem:s12+$0xFFFFF010]  }
0x43e: {  	v2 =	vld [tilespmem:s12+$0x10];
	_ =	sdelay $0x1  }
0x43f: {  	v3 =	vld [tilespmem:s13+$0xFFFFFF90];
	_ =	sdelay $0x2  }
0x440: {  	v1 =	vadd.f32 v2, v1;
	_ =	sdelay $0x1  }
0x441: {  	v1 =	vadd.f32 v3, v1;
	_ =	sdelay $0x1  }
0x442: {  	v1 =	vmax.f32 v1, $0.0e+00  }
0x443: {  	[tilespmem:s13+$0xFFFFFF90] =	vst v1  }
0x444: {  	v1 =	vld [tilespmem:s12+$0xFFFFF020]  }
0x445: {  	v2 =	vld [tilespmem:s12+$0x20];
	_ =	sdelay $0x1  }
0x446: {  	v3 =	vld [tilespmem:s13+$0xFFFFFFA0];
	_ =	sdelay $0x2  }
0x447: {  	v1 =	vadd.f32 v2, v1;
	_ =	sdelay $0x1  }
0x448: {  	v1 =	vadd.f32 v3, v1;
	_ =	sdelay $0x1  }
0x449: {  	v1 =	vmax.f32 v1, $0.0e+00  }
0x44a: {  	[tilespmem:s13+$0xFFFFFFA0] =	vst v1  }
0x44b: {  	v1 =	vld [tilespmem:s12+$0xFFFFF030]  }
0x44c: {  	v2 =	vld [tilespmem:s12+$0x30];
	_ =	sdelay $0x1  }
0x44d: {  	v3 =	vld [tilespmem:s13+$0xFFFFFFB0];
	_ =	sdelay $0x2  }
0x44e: {  	v1 =	vadd.f32 v2, v1;
	_ =	sdelay $0x1  }
0x44f: {  	v1 =	vadd.f32 v3, v1;
	_ =	sdelay $0x1  }
0x450: {  	v1 =	vmax.f32 v1, $0.0e+00  }
0x451: {  	[tilespmem:s13+$0xFFFFFFB0] =	vst v1  }
0x452: {  	v1 =	vld [tilespmem:s12+$0xFFFFF040]  }
0x453: {  	v2 =	vld [tilespmem:s12+$0x40];
	_ =	sdelay $0x1  }
0x454: {  	v3 =	vld [tilespmem:s13+$0xFFFFFFC0];
	_ =	sdelay $0x2  }
0x455: {  	v1 =	vadd.f32 v2, v1;
	_ =	sdelay $0x1  }
0x456: {  	v1 =	vadd.f32 v3, v1;
	_ =	sdelay $0x1  }
0x457: {  	v1 =	vmax.f32 v1, $0.0e+00  }
0x458: {  	[tilespmem:s13+$0xFFFFFFC0] =	vst v1  }
0x459: {  	v1 =	vld [tilespmem:s12+$0xFFFFF050]  }
0x45a: {  	v3 =	vld [tilespmem:s12+$0x50];
	_ =	sdelay $0x1  }
0x45b: {  	v2 =	vld [tilespmem:s13+$0xFFFFFFD0];
	_ =	sdelay $0x2  }
0x45c: {  	v1 =	vadd.f32 v3, v1;
	_ =	sdelay $0x1  }
0x45d: {  	v1 =	vadd.f32 v2, v1;
	_ =	sdelay $0x1  }
0x45e: {  	v1 =	vmax.f32 v1, $0.0e+00  }
0x45f: {  	[tilespmem:s13+$0xFFFFFFD0] =	vst v1  }
0x460: {  	v1 =	vld [tilespmem:s12+$0xFFFFF060]  }
0x461: {  	v3 =	vld [tilespmem:s12+$0x60];
	_ =	sdelay $0x1  }
0x462: {  	v2 =	vld [tilespmem:s13+$0xFFFFFFE0];
	_ =	sdelay $0x2  }
0x463: {  	v1 =	vadd.f32 v3, v1;
	_ =	sdelay $0x1  }
0x464: {  	v1 =	vadd.f32 v2, v1;
	_ =	sdelay $0x1  }
0x465: {  	v1 =	vmax.f32 v1, $0.0e+00  }
0x466: {  	[tilespmem:s13+$0xFFFFFFE0] =	vst v1  }
0x467: {  	v1 =	vld [tilespmem:s12+$0xFFFFF070]  }
0x468: {  	v3 =	vld [tilespmem:s12+$0x70];
	_ =	sdelay $0x1  }
0x469: {  	v2 =	vld [tilespmem:s13+$0xFFFFFFF0];
	_ =	sdelay $0x2  }
0x46a: {  	v1 =	vadd.f32 v3, v1;
	_ =	sdelay $0x1  }
0x46b: {  	v1 =	vadd.f32 v2, v1;
	_ =	sdelay $0x1  }
0x46c: {  	v1 =	vmax.f32 v1, $0.0e+00  }
0x46d: {  	[tilespmem:s13+$0xFFFFFFF0] =	vst v1  }
0x46e: {  	v1 =	vld [tilespmem:s12+$0xFFFFF080]  }
0x46f: {  	v3 =	vld [tilespmem:s12+$0x80];
	_ =	sdelay $0x1  }
0x470: {  	v2 =	vld [tilespmem:s13+$0x0];
	_ =	sdelay $0x2  }
0x471: {  	v1 =	vadd.f32 v3, v1;
	_ =	sdelay $0x1  }
0x472: {  	v1 =	vadd.f32 v2, v1;
	_ =	sdelay $0x1  }
0x473: {  	v1 =	vmax.f32 v1, $0.0e+00  }
0x474: {  	[tilespmem:s13+$0x0] =	vst v1  }
0x475: {  	v1 =	vld [tilespmem:s12+$0xFFFFF090]  }
0x476: {  	v3 =	vld [tilespmem:s12+$0x90];
	_ =	sdelay $0x1  }
0x477: {  	v2 =	vld [tilespmem:s13+$0x10];
	_ =	sdelay $0x2  }
0x478: {  	v1 =	vadd.f32 v3, v1;
	_ =	sdelay $0x1  }
0x479: {  	v1 =	vadd.f32 v2, v1;
	_ =	sdelay $0x1  }
0x47a: {  	v1 =	vmax.f32 v1, $0.0e+00  }
0x47b: {  	[tilespmem:s13+$0x10] =	vst v1  }
0x47c: {  	v1 =	vld [tilespmem:s12+$0xFFFFF0A0]  }
0x47d: {  	v3 =	vld [tilespmem:s12+$0xA0];
	_ =	sdelay $0x1  }
0x47e: {  	v2 =	vld [tilespmem:s13+$0x20];
	_ =	sdelay $0x2  }
0x47f: {  	v1 =	vadd.f32 v3, v1;
	_ =	sdelay $0x1  }
0x480: {  	v1 =	vadd.f32 v2, v1;
	_ =	sdelay $0x1  }
0x481: {  	v1 =	vmax.f32 v1, $0.0e+00  }
0x482: {  	[tilespmem:s13+$0x20] =	vst v1  }
0x483: {  	v1 =	vld [tilespmem:s12+$0xFFFFF0B0]  }
0x484: {  	v3 =	vld [tilespmem:s12+$0xB0];
	_ =	sdelay $0x1  }
0x485: {  	v2 =	vld [tilespmem:s13+$0x30];
	_ =	sdelay $0x2  }
0x486: {  	v1 =	vadd.f32 v3, v1;
	_ =	sdelay $0x1  }
0x487: {  	v1 =	vadd.f32 v2, v1;
	_ =	sdelay $0x1  }
0x488: {  	v1 =	vmax.f32 v1, $0.0e+00  }
0x489: {  	[tilespmem:s13+$0x30] =	vst v1  }
0x48a: {  	v1 =	vld [tilespmem:s12+$0xFFFFF0C0]  }
0x48b: {  	v3 =	vld [tilespmem:s12+$0xC0];
	_ =	sdelay $0x1  }
0x48c: {  	v2 =	vld [tilespmem:s13+$0x40];
	_ =	sdelay $0x2  }
0x48d: {  	v1 =	vadd.f32 v3, v1;
	_ =	sdelay $0x1  }
0x48e: {  	v1 =	vadd.f32 v2, v1;
	_ =	sdelay $0x1  }
0x48f: {  	v1 =	vmax.f32 v1, $0.0e+00  }
0x490: {  	[tilespmem:s13+$0x40] =	vst v1  }
0x491: {  	v1 =	vld [tilespmem:s12+$0xFFFFF0D0]  }
0x492: {  	v3 =	vld [tilespmem:s12+$0xD0];
	_ =	sdelay $0x1  }
0x493: {  	v2 =	vld [tilespmem:s13+$0x50];
	_ =	sdelay $0x2  }
0x494: {  	v1 =	vadd.f32 v3, v1;
	_ =	sdelay $0x1  }
0x495: {  	v1 =	vadd.f32 v2, v1;
	_ =	sdelay $0x1  }
0x496: {  	v1 =	vmax.f32 v1, $0.0e+00  }
0x497: {  	[tilespmem:s13+$0x50] =	vst v1  }
0x498: {  	v3 =	vld [tilespmem:s12+$0xFFFFF0E0]  }
0x499: {  	v4 =	vld [tilespmem:s12+$0xE0];
	_ =	sdelay $0x1  }
0x49a: {  	v2 =	vld [tilespmem:s13+$0x60];
	_ =	sdelay $0x2  }
0x49b: {  	s14 =	simm.s32 $0x2880;
	s15 =	simm.s32 $0x1800;
	s16 =	simm.s32 $0x0;
	v1 =	vld [tilespmem:s13+$0x70];
	v3 =	vadd.f32 v4, v3  }
.LBB2_13:
0x49c: {  	_ = 	snop  }
0x49d: {  	s16 =	sadd.s32 $0x2, s16;
	s12 =	sadd.s32 $0x100, s12;
	s13 =	sadd.s32 $0x100, s13;
	v2 =	vadd.f32 v2, v3  }
0x49e: {  	p0 =	slt.u32 s16, $0x1E  }
0x49f: {  	v2 =	vmax.f32 v2, $0.0e+00  }
0x4a0: {  	[tilespmem:s14+$0x60] =	vst v2  }
0x4a1: {  	v2 =	vld [tilespmem:s15+$0xFFFFF0F0]  }
0x4a2: {  	v3 =	vld [tilespmem:s15+$0xF0];
	s15 =	smov.u32 s12;
	_ =	sdelay $0x4  }
0x4a3: {  	v2 =	vadd.f32 v3, v2;
	_ =	sdelay $0x1  }
0x4a4: {  	v1 =	vadd.f32 v1, v2;
	_ =	sdelay $0x1  }
0x4a5: {  	v1 =	vmax.f32 v1, $0.0e+00  }
0x4a6: {  	[tilespmem:s14+$0x70] =	vst v1;
	s14 =	smov.u32 s13  }
0x4a7: {  	v1 =	vld [tilespmem:s12+$0xFFFFF000]  }
0x4a8: {  	v2 =	vld [tilespmem:s12+$0x0];
	_ =	sdelay $0x1  }
0x4a9: {  	v3 =	vld [tilespmem:s13+$0xFFFFFF80];
	_ =	sdelay $0x2  }
0x4aa: {  	v1 =	vadd.f32 v2, v1;
	_ =	sdelay $0x1  }
0x4ab: {  	v1 =	vadd.f32 v3, v1;
	_ =	sdelay $0x1  }
0x4ac: {  	v1 =	vmax.f32 v1, $0.0e+00  }
0x4ad: {  	[tilespmem:s13+$0xFFFFFF80] =	vst v1  }
0x4ae: {  	v1 =	vld [tilespmem:s12+$0xFFFFF010]  }
0x4af: {  	v2 =	vld [tilespmem:s12+$0x10]  }
0x4b0: {  	v3 =	vld [tilespmem:s13+$0xFFFFFF90];
	_ =	sdelay $0x3  }
0x4b1: {  	v1 =	vadd.f32 v2, v1;
	_ =	sdelay $0x1  }
0x4b2: {  	v1 =	vadd.f32 v3, v1;
	_ =	sdelay $0x1  }
0x4b3: {  	v1 =	vmax.f32 v1, $0.0e+00  }
0x4b4: {  	[tilespmem:s13+$0xFFFFFF90] =	vst v1;
	v1 =	vld [tilespmem:s13+$0xFFFFFFA0]  }
0x4b5: {  	v2 =	vld [tilespmem:s12+$0xFFFFF020]  }
0x4b6: {  	v3 =	vld [tilespmem:s12+$0x20];
	_ =	sdelay $0x4  }
0x4b7: {  	v2 =	vadd.f32 v3, v2;
	_ =	sdelay $0x1  }
0x4b8: {  	v1 =	vadd.f32 v1, v2;
	_ =	sdelay $0x1  }
0x4b9: {  	v1 =	vmax.f32 v1, $0.0e+00  }
0x4ba: {  	[tilespmem:s13+$0xFFFFFFA0] =	vst v1;
	v1 =	vld [tilespmem:s13+$0xFFFFFFB0]  }
0x4bb: {  	v2 =	vld [tilespmem:s12+$0xFFFFF030]  }
0x4bc: {  	v3 =	vld [tilespmem:s12+$0x30];
	_ =	sdelay $0x4  }
0x4bd: {  	v2 =	vadd.f32 v3, v2;
	_ =	sdelay $0x1  }
0x4be: {  	v1 =	vadd.f32 v1, v2;
	_ =	sdelay $0x1  }
0x4bf: {  	v1 =	vmax.f32 v1, $0.0e+00  }
0x4c0: {  	[tilespmem:s13+$0xFFFFFFB0] =	vst v1;
	v1 =	vld [tilespmem:s13+$0xFFFFFFC0]  }
0x4c1: {  	v2 =	vld [tilespmem:s12+$0xFFFFF040]  }
0x4c2: {  	v3 =	vld [tilespmem:s12+$0x40];
	_ =	sdelay $0x4  }
0x4c3: {  	v2 =	vadd.f32 v3, v2;
	_ =	sdelay $0x1  }
0x4c4: {  	v1 =	vadd.f32 v1, v2;
	_ =	sdelay $0x1  }
0x4c5: {  	v1 =	vmax.f32 v1, $0.0e+00;
	v2 =	vld [tilespmem:s13+$0xFFFFFFD0]  }
0x4c6: {  	[tilespmem:s13+$0xFFFFFFC0] =	vst v1  }
0x4c7: {  	v1 =	vld [tilespmem:s12+$0xFFFFF050]  }
0x4c8: {  	v3 =	vld [tilespmem:s12+$0x50];
	_ =	sdelay $0x4  }
0x4c9: {  	v1 =	vadd.f32 v3, v1;
	_ =	sdelay $0x1  }
0x4ca: {  	v1 =	vadd.f32 v2, v1  }
0x4cb: {  	v2 =	vld [tilespmem:s13+$0xFFFFFFE0]  }
0x4cc: {  	v1 =	vmax.f32 v1, $0.0e+00  }
0x4cd: {  	[tilespmem:s13+$0xFFFFFFD0] =	vst v1  }
0x4ce: {  	v1 =	vld [tilespmem:s12+$0xFFFFF060]  }
0x4cf: {  	v3 =	vld [tilespmem:s12+$0x60];
	_ =	sdelay $0x4  }
0x4d0: {  	v1 =	vadd.f32 v3, v1;
	_ =	sdelay $0x1  }
0x4d1: {  	v1 =	vadd.f32 v2, v1;
	v2 =	vld [tilespmem:s13+$0xFFFFFFF0];
	_ =	sdelay $0x1  }
0x4d2: {  	v1 =	vmax.f32 v1, $0.0e+00  }
0x4d3: {  	[tilespmem:s13+$0xFFFFFFE0] =	vst v1  }
0x4d4: {  	v1 =	vld [tilespmem:s12+$0xFFFFF070]  }
0x4d5: {  	v3 =	vld [tilespmem:s12+$0x70];
	_ =	sdelay $0x4  }
0x4d6: {  	v1 =	vadd.f32 v3, v1  }
0x4d7: {  	v3 =	vld [tilespmem:s13+$0x0]  }
0x4d8: {  	v1 =	vadd.f32 v2, v1;
	_ =	sdelay $0x1  }
0x4d9: {  	v1 =	vmax.f32 v1, $0.0e+00  }
0x4da: {  	[tilespmem:s13+$0xFFFFFFF0] =	vst v1  }
0x4db: {  	v1 =	vld [tilespmem:s12+$0xFFFFF080]  }
0x4dc: {  	v2 =	vld [tilespmem:s12+$0x80];
	_ =	sdelay $0x4  }
0x4dd: {  	v1 =	vadd.f32 v2, v1;
	v2 =	vld [tilespmem:s13+$0x10];
	_ =	sdelay $0x1  }
0x4de: {  	v1 =	vadd.f32 v3, v1;
	_ =	sdelay $0x1  }
0x4df: {  	v1 =	vmax.f32 v1, $0.0e+00  }
0x4e0: {  	[tilespmem:s13+$0x0] =	vst v1  }
0x4e1: {  	v1 =	vld [tilespmem:s12+$0xFFFFF090]  }
0x4e2: {  	v3 =	vld [tilespmem:s12+$0x90];
	_ =	sdelay $0x3  }
0x4e3: {  	v4 =	vld [tilespmem:s13+$0x20]  }
0x4e4: {  	v1 =	vadd.f32 v3, v1;
	_ =	sdelay $0x1  }
0x4e5: {  	v1 =	vadd.f32 v2, v1;
	_ =	sdelay $0x1  }
0x4e6: {  	v1 =	vmax.f32 v1, $0.0e+00  }
0x4e7: {  	[tilespmem:s13+$0x10] =	vst v1  }
0x4e8: {  	v1 =	vld [tilespmem:s12+$0xFFFFF0A0]  }
0x4e9: {  	v2 =	vld [tilespmem:s12+$0xA0];
	_ =	sdelay $0x2  }
0x4ea: {  	v3 =	vld [tilespmem:s13+$0x30];
	_ =	sdelay $0x1  }
0x4eb: {  	v1 =	vadd.f32 v2, v1;
	_ =	sdelay $0x1  }
0x4ec: {  	v1 =	vadd.f32 v4, v1;
	_ =	sdelay $0x1  }
0x4ed: {  	v1 =	vmax.f32 v1, $0.0e+00  }
0x4ee: {  	[tilespmem:s13+$0x20] =	vst v1  }
0x4ef: {  	v1 =	vld [tilespmem:s12+$0xFFFFF0B0]  }
0x4f0: {  	v2 =	vld [tilespmem:s12+$0xB0];
	_ =	sdelay $0x1  }
0x4f1: {  	v4 =	vld [tilespmem:s13+$0x40];
	_ =	sdelay $0x2  }
0x4f2: {  	v1 =	vadd.f32 v2, v1;
	_ =	sdelay $0x1  }
0x4f3: {  	v1 =	vadd.f32 v3, v1;
	_ =	sdelay $0x1  }
0x4f4: {  	v1 =	vmax.f32 v1, $0.0e+00  }
0x4f5: {  	[tilespmem:s13+$0x30] =	vst v1  }
0x4f6: {  	v1 =	vld [tilespmem:s12+$0xFFFFF0C0]  }
0x4f7: {  	v2 =	vld [tilespmem:s12+$0xC0]  }
0x4f8: {  	v3 =	vld [tilespmem:s13+$0x50];
	_ =	sdelay $0x3  }
0x4f9: {  	v1 =	vadd.f32 v2, v1;
	_ =	sdelay $0x1  }
0x4fa: {  	v1 =	vadd.f32 v4, v1;
	_ =	sdelay $0x1  }
0x4fb: {  	v1 =	vmax.f32 v1, $0.0e+00  }
0x4fc: {  	[tilespmem:s13+$0x40] =	vst v1;
	v2 =	vld [tilespmem:s13+$0x60]  }
0x4fd: {  	v1 =	vld [tilespmem:s12+$0xFFFFF0D0]  }
0x4fe: {  	v4 =	vld [tilespmem:s12+$0xD0];
	_ =	sdelay $0x4  }
0x4ff: {  	v1 =	vadd.f32 v4, v1;
	_ =	sdelay $0x1  }
0x500: {  	v1 =	vadd.f32 v3, v1;
	_ =	sdelay $0x1  }
0x501: {  	v1 =	vmax.f32 v1, $0.0e+00  }
0x502: {  	[tilespmem:s13+$0x50] =	vst v1;
	v1 =	vld [tilespmem:s13+$0x70]  }
0x503: {  	v3 =	vld [tilespmem:s12+$0xFFFFF0E0]  }
0x504: {  	v4 =	vld [tilespmem:s12+$0xE0]  }
.Ltmp5:
0x505: {  	(pc) =	sbr.rel @p0 .LBB2_13-.Ltmp5, $2  }
0x506: {  	_ =	sdelay $0x2  }
0x507: {  	v3 =	vadd.f32 v4, v3  }
0x508: {  	_ = 	snop  }
0x509: {  	v2 =	vadd.f32 v2, v3;
	_ =	sdelay $0x1  }
0x50a: {  	v2 =	vmax.f32 v2, $0.0e+00  }
0x50b: {  	[tilespmem:s14+$0x60] =	vst v2  }
0x50c: {  	v2 =	vld [tilespmem:s15+$0xFFFFF0F0]  }
0x50d: {  	v3 =	vld [tilespmem:s15+$0xF0];
	_ =	sdelay $0x4  }
0x50e: {  	v2 =	vadd.f32 v3, v2;
	_ =	sdelay $0x1  }
0x50f: {  	v1 =	vadd.f32 v1, v2;
	_ =	sdelay $0x1  }
0x510: {  	v1 =	vmax.f32 v1, $0.0e+00  }
0x511: {  	[tilespmem:s14+$0x70] =	vst v1  }
0x512: {  	[spmem:s3] =	stream.indirect.scatter.add.f32 [tilespmem:s23], [sflag:$0x4], $0x80, s8, s29, $0xb8;
	[tilespmem:$0x1A800] =	vst v63  }
0x513: {  	s12 =	simm.s32 $0x300  }
0x514: {  	[tilespmem:s9], [sflag:$0x1] =	stream.indirect.gather [hbm4b:s1+s22], $0x80, s12, s22, $0xb8;
	[tilespmem:$0x1A800] =	vst v63  }
0x515: {  	_ =	swait.ge [sflag:s31], $0x2000  }
0x516: {  	[sflag:s31] =	ssyncset.done $0x0  }
0x517: {  	[sflag:s31] =	ssyncadd.s32 $0xFFFFE000  }
0x518: {  	_ =	swait.ge [sflag:s31], $0x1000  }
0x519: {  	[sflag:s31] =	ssyncset.done $0x0  }
0x51a: {  	[sflag:s31] =	ssyncadd.s32 $0xFFFFF000  }
0x51b: {  	s16 =	sadd.s32 s10, s18;
	p0 =	seq.s32 s11, $0x13;
	_ =	swait.ge [sflag:s0], $0x1000  }
0x51c: {  	s2 =	sadd.s32 @!p0 s2, s19;
	s12 =	sshll.u32 s16, $0x4;
	[sflag:s0] =	ssyncset.done $0x0  }
0x51d: {  	s2 =	sshrl.u32 @!p0 s2, $0x3;
	s12 =	sadd.s32 s6, s12;
	[sflag:s0] =	ssyncadd.s32 $0xFFFFF000  }
0x51e: {  	[tilespmem:s23], [sflag:$0x1] =	stream.linear.gather [hbm4b:s12+s5], $0x1000, $0x38;
	[tilespmem:$0x1A800] =	vst v63  }
0x51f: {  	s13 =	simm.s32 @!p0 $0x0;
	s12 =	sadd.s32 @!p0 s17, s2  }
0x520: {  	[tilespmem:s13], [sflag:$0x3] =	stream.linear.gather @!p0 [hbm4b:s12+s13], $0x200, $0x38;
	[tilespmem:$0x1A800] =	vst v63  }
0x521: {  	s2 =	sadd.s32 @!p0 s7, s2;
	s12 =	simm.s32 @!p0 $0x400  }
0x522: {  	[tilespmem:s12], [sflag:$0x3] =	stream.linear.gather @!p0 [hbm4b:s2+s13], $0x200, $0x38;
	[tilespmem:$0x1A800] =	vst v63  }
0x523: {  	s2 =	simm.s32 $0x4800  }
0x524: {  	v1 =	vld [tilespmem:s2+$0xFFFFF000]  }
0x525: {  	v2 =	vld [tilespmem:s2+$0x0]  }
0x526: {  	s12 =	simm.s32 $0x5880  }
0x527: {  	v3 =	vld [tilespmem:s12+$0xFFFFFF80];
	_ =	sdelay $0x2  }
0x528: {  	v1 =	vadd.f32 v2, v1;
	_ =	sdelay $0x1  }
0x529: {  	v1 =	vadd.f32 v3, v1;
	_ =	sdelay $0x1  }
0x52a: {  	v1 =	vmax.f32 v1, $0.0e+00  }
0x52b: {  	[tilespmem:s12+$0xFFFFFF80] =	vst v1  }
0x52c: {  	v1 =	vld [tilespmem:s2+$0xFFFFF010]  }
0x52d: {  	v2 =	vld [tilespmem:s2+$0x10];
	_ =	sdelay $0x1  }
0x52e: {  	v3 =	vld [tilespmem:s12+$0xFFFFFF90];
	_ =	sdelay $0x2  }
0x52f: {  	v1 =	vadd.f32 v2, v1;
	_ =	sdelay $0x1  }
0x530: {  	v1 =	vadd.f32 v3, v1;
	_ =	sdelay $0x1  }
0x531: {  	v1 =	vmax.f32 v1, $0.0e+00  }
0x532: {  	[tilespmem:s12+$0xFFFFFF90] =	vst v1  }
0x533: {  	v1 =	vld [tilespmem:s2+$0xFFFFF020]  }
0x534: {  	v2 =	vld [tilespmem:s2+$0x20];
	_ =	sdelay $0x1  }
0x535: {  	v3 =	vld [tilespmem:s12+$0xFFFFFFA0];
	_ =	sdelay $0x2  }
0x536: {  	v1 =	vadd.f32 v2, v1;
	_ =	sdelay $0x1  }
0x537: {  	v1 =	vadd.f32 v3, v1;
	_ =	sdelay $0x1  }
0x538: {  	v1 =	vmax.f32 v1, $0.0e+00  }
0x539: {  	[tilespmem:s12+$0xFFFFFFA0] =	vst v1  }
0x53a: {  	v1 =	vld [tilespmem:s2+$0xFFFFF030]  }
0x53b: {  	v2 =	vld [tilespmem:s2+$0x30];
	_ =	sdelay $0x1  }
0x53c: {  	v3 =	vld [tilespmem:s12+$0xFFFFFFB0];
	_ =	sdelay $0x2  }
0x53d: {  	v1 =	vadd.f32 v2, v1;
	_ =	sdelay $0x1  }
0x53e: {  	v1 =	vadd.f32 v3, v1;
	_ =	sdelay $0x1  }
0x53f: {  	v1 =	vmax.f32 v1, $0.0e+00  }
0x540: {  	[tilespmem:s12+$0xFFFFFFB0] =	vst v1  }
0x541: {  	v1 =	vld [tilespmem:s2+$0xFFFFF040]  }
0x542: {  	v2 =	vld [tilespmem:s2+$0x40];
	_ =	sdelay $0x1  }
0x543: {  	v3 =	vld [tilespmem:s12+$0xFFFFFFC0];
	_ =	sdelay $0x2  }
0x544: {  	v1 =	vadd.f32 v2, v1;
	_ =	sdelay $0x1  }
0x545: {  	v1 =	vadd.f32 v3, v1;
	_ =	sdelay $0x1  }
0x546: {  	v1 =	vmax.f32 v1, $0.0e+00  }
0x547: {  	[tilespmem:s12+$0xFFFFFFC0] =	vst v1  }
0x548: {  	v1 =	vld [tilespmem:s2+$0xFFFFF050]  }
0x549: {  	v3 =	vld [tilespmem:s2+$0x50];
	_ =	sdelay $0x1  }
0x54a: {  	v2 =	vld [tilespmem:s12+$0xFFFFFFD0];
	_ =	sdelay $0x2  }
0x54b: {  	v1 =	vadd.f32 v3, v1;
	_ =	sdelay $0x1  }
0x54c: {  	v1 =	vadd.f32 v2, v1;
	_ =	sdelay $0x1  }
0x54d: {  	v1 =	vmax.f32 v1, $0.0e+00  }
0x54e: {  	[tilespmem:s12+$0xFFFFFFD0] =	vst v1  }
0x54f: {  	v1 =	vld [tilespmem:s2+$0xFFFFF060]  }
0x550: {  	v3 =	vld [tilespmem:s2+$0x60];
	_ =	sdelay $0x1  }
0x551: {  	v2 =	vld [tilespmem:s12+$0xFFFFFFE0];
	_ =	sdelay $0x2  }
0x552: {  	v1 =	vadd.f32 v3, v1;
	_ =	sdelay $0x1  }
0x553: {  	v1 =	vadd.f32 v2, v1;
	_ =	sdelay $0x1  }
0x554: {  	v1 =	vmax.f32 v1, $0.0e+00  }
0x555: {  	[tilespmem:s12+$0xFFFFFFE0] =	vst v1  }
0x556: {  	v1 =	vld [tilespmem:s2+$0xFFFFF070]  }
0x557: {  	v3 =	vld [tilespmem:s2+$0x70];
	_ =	sdelay $0x1  }
0x558: {  	v2 =	vld [tilespmem:s12+$0xFFFFFFF0];
	_ =	sdelay $0x2  }
0x559: {  	v1 =	vadd.f32 v3, v1;
	_ =	sdelay $0x1  }
0x55a: {  	v1 =	vadd.f32 v2, v1;
	_ =	sdelay $0x1  }
0x55b: {  	v1 =	vmax.f32 v1, $0.0e+00  }
0x55c: {  	[tilespmem:s12+$0xFFFFFFF0] =	vst v1  }
0x55d: {  	v1 =	vld [tilespmem:s2+$0xFFFFF080]  }
0x55e: {  	v3 =	vld [tilespmem:s2+$0x80];
	_ =	sdelay $0x1  }
0x55f: {  	v2 =	vld [tilespmem:s12+$0x0];
	_ =	sdelay $0x2  }
0x560: {  	v1 =	vadd.f32 v3, v1;
	_ =	sdelay $0x1  }
0x561: {  	v1 =	vadd.f32 v2, v1;
	_ =	sdelay $0x1  }
0x562: {  	v1 =	vmax.f32 v1, $0.0e+00  }
0x563: {  	[tilespmem:s12+$0x0] =	vst v1  }
0x564: {  	v1 =	vld [tilespmem:s2+$0xFFFFF090]  }
0x565: {  	v3 =	vld [tilespmem:s2+$0x90];
	_ =	sdelay $0x1  }
0x566: {  	v2 =	vld [tilespmem:s12+$0x10];
	_ =	sdelay $0x2  }
0x567: {  	v1 =	vadd.f32 v3, v1;
	_ =	sdelay $0x1  }
0x568: {  	v1 =	vadd.f32 v2, v1;
	_ =	sdelay $0x1  }
0x569: {  	v1 =	vmax.f32 v1, $0.0e+00  }
0x56a: {  	[tilespmem:s12+$0x10] =	vst v1  }
0x56b: {  	v1 =	vld [tilespmem:s2+$0xFFFFF0A0]  }
0x56c: {  	v3 =	vld [tilespmem:s2+$0xA0];
	_ =	sdelay $0x1  }
0x56d: {  	v2 =	vld [tilespmem:s12+$0x20];
	_ =	sdelay $0x2  }
0x56e: {  	v1 =	vadd.f32 v3, v1;
	_ =	sdelay $0x1  }
0x56f: {  	v1 =	vadd.f32 v2, v1;
	_ =	sdelay $0x1  }
0x570: {  	v1 =	vmax.f32 v1, $0.0e+00  }
0x571: {  	[tilespmem:s12+$0x20] =	vst v1  }
0x572: {  	v1 =	vld [tilespmem:s2+$0xFFFFF0B0]  }
0x573: {  	v3 =	vld [tilespmem:s2+$0xB0];
	_ =	sdelay $0x1  }
0x574: {  	v2 =	vld [tilespmem:s12+$0x30];
	_ =	sdelay $0x2  }
0x575: {  	v1 =	vadd.f32 v3, v1;
	_ =	sdelay $0x1  }
0x576: {  	v1 =	vadd.f32 v2, v1;
	_ =	sdelay $0x1  }
0x577: {  	v1 =	vmax.f32 v1, $0.0e+00  }
0x578: {  	[tilespmem:s12+$0x30] =	vst v1  }
0x579: {  	v1 =	vld [tilespmem:s2+$0xFFFFF0C0]  }
0x57a: {  	v3 =	vld [tilespmem:s2+$0xC0];
	_ =	sdelay $0x1  }
0x57b: {  	v2 =	vld [tilespmem:s12+$0x40];
	_ =	sdelay $0x2  }
0x57c: {  	v1 =	vadd.f32 v3, v1;
	_ =	sdelay $0x1  }
0x57d: {  	v1 =	vadd.f32 v2, v1;
	_ =	sdelay $0x1  }
0x57e: {  	v1 =	vmax.f32 v1, $0.0e+00  }
0x57f: {  	[tilespmem:s12+$0x40] =	vst v1  }
0x580: {  	v1 =	vld [tilespmem:s2+$0xFFFFF0D0]  }
0x581: {  	v3 =	vld [tilespmem:s2+$0xD0];
	_ =	sdelay $0x1  }
0x582: {  	v2 =	vld [tilespmem:s12+$0x50];
	_ =	sdelay $0x2  }
0x583: {  	v1 =	vadd.f32 v3, v1;
	_ =	sdelay $0x1  }
0x584: {  	v1 =	vadd.f32 v2, v1;
	_ =	sdelay $0x1  }
0x585: {  	v1 =	vmax.f32 v1, $0.0e+00  }
0x586: {  	[tilespmem:s12+$0x50] =	vst v1  }
0x587: {  	v3 =	vld [tilespmem:s2+$0xFFFFF0E0]  }
0x588: {  	v4 =	vld [tilespmem:s2+$0xE0];
	_ =	sdelay $0x1  }
0x589: {  	v2 =	vld [tilespmem:s12+$0x60];
	_ =	sdelay $0x1  }
0x58a: {  	s15 =	simm.s32 $0x0  }
0x58b: {  	s14 =	simm.s32 $0x4800;
	s16 =	smov.u32 s17;
	s13 =	simm.s32 $0x5880;
	v1 =	vld [tilespmem:s12+$0x70];
	v3 =	vadd.f32 v4, v3  }
.LBB2_15:
0x58c: {  	_ = 	snop  }
0x58d: {  	s15 =	sadd.s32 $0x2, s15;
	s2 =	sadd.s32 $0x100, s2;
	s12 =	sadd.s32 $0x100, s12;
	v2 =	vadd.f32 v2, v3  }
0x58e: {  	p1 =	slt.u32 s15, $0x1E  }
0x58f: {  	v2 =	vmax.f32 v2, $0.0e+00  }
0x590: {  	[tilespmem:s13+$0x60] =	vst v2  }
0x591: {  	v2 =	vld [tilespmem:s14+$0xFFFFF0F0]  }
0x592: {  	v3 =	vld [tilespmem:s14+$0xF0];
	s14 =	smov.u32 s2;
	_ =	sdelay $0x4  }
0x593: {  	v2 =	vadd.f32 v3, v2;
	_ =	sdelay $0x1  }
0x594: {  	v1 =	vadd.f32 v1, v2;
	_ =	sdelay $0x1  }
0x595: {  	v1 =	vmax.f32 v1, $0.0e+00  }
0x596: {  	[tilespmem:s13+$0x70] =	vst v1;
	s13 =	smov.u32 s12  }
0x597: {  	v1 =	vld [tilespmem:s2+$0xFFFFF000]  }
0x598: {  	v2 =	vld [tilespmem:s2+$0x0];
	_ =	sdelay $0x1  }
0x599: {  	v3 =	vld [tilespmem:s12+$0xFFFFFF80];
	_ =	sdelay $0x2  }
0x59a: {  	v1 =	vadd.f32 v2, v1;
	_ =	sdelay $0x1  }
0x59b: {  	v1 =	vadd.f32 v3, v1;
	_ =	sdelay $0x1  }
0x59c: {  	v1 =	vmax.f32 v1, $0.0e+00  }
0x59d: {  	[tilespmem:s12+$0xFFFFFF80] =	vst v1  }
0x59e: {  	v1 =	vld [tilespmem:s2+$0xFFFFF010]  }
0x59f: {  	v2 =	vld [tilespmem:s2+$0x10]  }
0x5a0: {  	v3 =	vld [tilespmem:s12+$0xFFFFFF90];
	_ =	sdelay $0x3  }
0x5a1: {  	v1 =	vadd.f32 v2, v1;
	_ =	sdelay $0x1  }
0x5a2: {  	v1 =	vadd.f32 v3, v1;
	_ =	sdelay $0x1  }
0x5a3: {  	v1 =	vmax.f32 v1, $0.0e+00  }
0x5a4: {  	[tilespmem:s12+$0xFFFFFF90] =	vst v1;
	v1 =	vld [tilespmem:s12+$0xFFFFFFA0]  }
0x5a5: {  	v2 =	vld [tilespmem:s2+$0xFFFFF020]  }
0x5a6: {  	v3 =	vld [tilespmem:s2+$0x20];
	_ =	sdelay $0x4  }
0x5a7: {  	v2 =	vadd.f32 v3, v2;
	_ =	sdelay $0x1  }
0x5a8: {  	v1 =	vadd.f32 v1, v2;
	_ =	sdelay $0x1  }
0x5a9: {  	v1 =	vmax.f32 v1, $0.0e+00  }
0x5aa: {  	[tilespmem:s12+$0xFFFFFFA0] =	vst v1;
	v1 =	vld [tilespmem:s12+$0xFFFFFFB0]  }
0x5ab: {  	v2 =	vld [tilespmem:s2+$0xFFFFF030]  }
0x5ac: {  	v3 =	vld [tilespmem:s2+$0x30];
	_ =	sdelay $0x4  }
0x5ad: {  	v2 =	vadd.f32 v3, v2;
	_ =	sdelay $0x1  }
0x5ae: {  	v1 =	vadd.f32 v1, v2;
	_ =	sdelay $0x1  }
0x5af: {  	v1 =	vmax.f32 v1, $0.0e+00  }
0x5b0: {  	[tilespmem:s12+$0xFFFFFFB0] =	vst v1;
	v1 =	vld [tilespmem:s12+$0xFFFFFFC0]  }
0x5b1: {  	v2 =	vld [tilespmem:s2+$0xFFFFF040]  }
0x5b2: {  	v3 =	vld [tilespmem:s2+$0x40];
	_ =	sdelay $0x4  }
0x5b3: {  	v2 =	vadd.f32 v3, v2;
	_ =	sdelay $0x1  }
0x5b4: {  	v1 =	vadd.f32 v1, v2;
	_ =	sdelay $0x1  }
0x5b5: {  	v1 =	vmax.f32 v1, $0.0e+00;
	v2 =	vld [tilespmem:s12+$0xFFFFFFD0]  }
0x5b6: {  	[tilespmem:s12+$0xFFFFFFC0] =	vst v1  }
0x5b7: {  	v1 =	vld [tilespmem:s2+$0xFFFFF050]  }
0x5b8: {  	v3 =	vld [tilespmem:s2+$0x50];
	_ =	sdelay $0x4  }
0x5b9: {  	v1 =	vadd.f32 v3, v1;
	_ =	sdelay $0x1  }
0x5ba: {  	v1 =	vadd.f32 v2, v1  }
0x5bb: {  	v2 =	vld [tilespmem:s12+$0xFFFFFFE0]  }
0x5bc: {  	v1 =	vmax.f32 v1, $0.0e+00  }
0x5bd: {  	[tilespmem:s12+$0xFFFFFFD0] =	vst v1  }
0x5be: {  	v1 =	vld [tilespmem:s2+$0xFFFFF060]  }
0x5bf: {  	v3 =	vld [tilespmem:s2+$0x60];
	_ =	sdelay $0x4  }
0x5c0: {  	v1 =	vadd.f32 v3, v1;
	_ =	sdelay $0x1  }
0x5c1: {  	v1 =	vadd.f32 v2, v1;
	v2 =	vld [tilespmem:s12+$0xFFFFFFF0];
	_ =	sdelay $0x1  }
0x5c2: {  	v1 =	vmax.f32 v1, $0.0e+00  }
0x5c3: {  	[tilespmem:s12+$0xFFFFFFE0] =	vst v1  }
0x5c4: {  	v1 =	vld [tilespmem:s2+$0xFFFFF070]  }
0x5c5: {  	v3 =	vld [tilespmem:s2+$0x70];
	_ =	sdelay $0x4  }
0x5c6: {  	v1 =	vadd.f32 v3, v1  }
0x5c7: {  	v3 =	vld [tilespmem:s12+$0x0]  }
0x5c8: {  	v1 =	vadd.f32 v2, v1;
	_ =	sdelay $0x1  }
0x5c9: {  	v1 =	vmax.f32 v1, $0.0e+00  }
0x5ca: {  	[tilespmem:s12+$0xFFFFFFF0] =	vst v1  }
0x5cb: {  	v1 =	vld [tilespmem:s2+$0xFFFFF080]  }
0x5cc: {  	v2 =	vld [tilespmem:s2+$0x80];
	_ =	sdelay $0x4  }
0x5cd: {  	v1 =	vadd.f32 v2, v1;
	v2 =	vld [tilespmem:s12+$0x10];
	_ =	sdelay $0x1  }
0x5ce: {  	v1 =	vadd.f32 v3, v1;
	_ =	sdelay $0x1  }
0x5cf: {  	v1 =	vmax.f32 v1, $0.0e+00  }
0x5d0: {  	[tilespmem:s12+$0x0] =	vst v1  }
0x5d1: {  	v1 =	vld [tilespmem:s2+$0xFFFFF090]  }
0x5d2: {  	v3 =	vld [tilespmem:s2+$0x90];
	_ =	sdelay $0x3  }
0x5d3: {  	v4 =	vld [tilespmem:s12+$0x20]  }
0x5d4: {  	v1 =	vadd.f32 v3, v1;
	_ =	sdelay $0x1  }
0x5d5: {  	v1 =	vadd.f32 v2, v1;
	_ =	sdelay $0x1  }
0x5d6: {  	v1 =	vmax.f32 v1, $0.0e+00  }
0x5d7: {  	[tilespmem:s12+$0x10] =	vst v1  }
0x5d8: {  	v1 =	vld [tilespmem:s2+$0xFFFFF0A0]  }
0x5d9: {  	v2 =	vld [tilespmem:s2+$0xA0];
	_ =	sdelay $0x2  }
0x5da: {  	v3 =	vld [tilespmem:s12+$0x30];
	_ =	sdelay $0x1  }
0x5db: {  	v1 =	vadd.f32 v2, v1;
	_ =	sdelay $0x1  }
0x5dc: {  	v1 =	vadd.f32 v4, v1;
	_ =	sdelay $0x1  }
0x5dd: {  	v1 =	vmax.f32 v1, $0.0e+00  }
0x5de: {  	[tilespmem:s12+$0x20] =	vst v1  }
0x5df: {  	v1 =	vld [tilespmem:s2+$0xFFFFF0B0]  }
0x5e0: {  	v2 =	vld [tilespmem:s2+$0xB0];
	_ =	sdelay $0x1  }
0x5e1: {  	v4 =	vld [tilespmem:s12+$0x40];
	_ =	sdelay $0x2  }
0x5e2: {  	v1 =	vadd.f32 v2, v1;
	_ =	sdelay $0x1  }
0x5e3: {  	v1 =	vadd.f32 v3, v1;
	_ =	sdelay $0x1  }
0x5e4: {  	v1 =	vmax.f32 v1, $0.0e+00  }
0x5e5: {  	[tilespmem:s12+$0x30] =	vst v1  }
0x5e6: {  	v1 =	vld [tilespmem:s2+$0xFFFFF0C0]  }
0x5e7: {  	v2 =	vld [tilespmem:s2+$0xC0]  }
0x5e8: {  	v3 =	vld [tilespmem:s12+$0x50];
	_ =	sdelay $0x3  }
0x5e9: {  	v1 =	vadd.f32 v2, v1;
	_ =	sdelay $0x1  }
0x5ea: {  	v1 =	vadd.f32 v4, v1;
	_ =	sdelay $0x1  }
0x5eb: {  	v1 =	vmax.f32 v1, $0.0e+00  }
0x5ec: {  	[tilespmem:s12+$0x40] =	vst v1;
	v2 =	vld [tilespmem:s12+$0x60]  }
0x5ed: {  	v1 =	vld [tilespmem:s2+$0xFFFFF0D0]  }
0x5ee: {  	v4 =	vld [tilespmem:s2+$0xD0];
	_ =	sdelay $0x4  }
0x5ef: {  	v1 =	vadd.f32 v4, v1;
	_ =	sdelay $0x1  }
0x5f0: {  	v1 =	vadd.f32 v3, v1;
	_ =	sdelay $0x1  }
0x5f1: {  	v1 =	vmax.f32 v1, $0.0e+00  }
0x5f2: {  	[tilespmem:s12+$0x50] =	vst v1;
	v1 =	vld [tilespmem:s12+$0x70]  }
0x5f3: {  	v3 =	vld [tilespmem:s2+$0xFFFFF0E0]  }
0x5f4: {  	v4 =	vld [tilespmem:s2+$0xE0]  }
.Ltmp6:
0x5f5: {  	(pc) =	sbr.rel @p1 .LBB2_15-.Ltmp6, $2  }
0x5f6: {  	_ =	sdelay $0x2  }
0x5f7: {  	v3 =	vadd.f32 v4, v3  }
0x5f8: {  	_ = 	snop  }
0x5f9: {  	v2 =	vadd.f32 v2, v3;
	_ =	sdelay $0x1  }
0x5fa: {  	v2 =	vmax.f32 v2, $0.0e+00  }
0x5fb: {  	[tilespmem:s13+$0x60] =	vst v2  }
0x5fc: {  	v2 =	vld [tilespmem:s14+$0xFFFFF0F0]  }
0x5fd: {  	v3 =	vld [tilespmem:s14+$0xF0];
	_ =	sdelay $0x4  }
0x5fe: {  	v2 =	vadd.f32 v3, v2;
	_ =	sdelay $0x1  }
0x5ff: {  	v1 =	vadd.f32 v1, v2;
	_ =	sdelay $0x1  }
0x600: {  	v1 =	vmax.f32 v1, $0.0e+00  }
0x601: {  	s2 =	simm.s32 $0x680;
	[tilespmem:s13+$0x70] =	vst v1  }
0x602: {  	[spmem:s3] =	stream.indirect.scatter.add.f32 [tilespmem:s28], [sflag:$0x5], $0x80, s2, s29, $0xb8;
	[tilespmem:$0x1A800] =	vst v63  }
0x603: {  	s15 =	simm.s32 $0x380  }
0x604: {  	[tilespmem:s25], [sflag:$0x2] =	stream.indirect.gather [hbm4b:s1+s22], $0x80, s15, s22, $0xb8;
	[tilespmem:$0x1A800] =	vst v63  }
0x605: {  	_ =	swait.ge [sflag:s26], $0x2000  }
0x606: {  	[sflag:s26] =	ssyncset.done $0x0  }
0x607: {  	[sflag:s26] =	ssyncadd.s32 $0xFFFFE000  }
0x608: {  	_ =	swait.ge [sflag:s26], $0x1000  }
0x609: {  	[sflag:s26] =	ssyncset.done $0x0  }
0x60a: {  	[sflag:s26] =	ssyncadd.s32 $0xFFFFF000  }
0x60b: {  	s17 =	sadd.s32 s10, s20;
	_ =	swait.ge [sflag:s24], $0x1000  }
0x60c: {  	s2 =	sshll.u32 s17, $0x4;
	[sflag:s24] =	ssyncset.done $0x0  }
0x60d: {  	s2 =	sadd.s32 s6, s2;
	[sflag:s24] =	ssyncadd.s32 $0xFFFFF000  }
0x60e: {  	[tilespmem:s28], [sflag:$0x2] =	stream.linear.gather [hbm4b:s2+s5], $0x1000, $0x38;
	[tilespmem:$0x1A800] =	vst v63  }
0x60f: {  	s2 =	simm.s32 $0x1800  }
0x610: {  	v1 =	vld [tilespmem:s2+$0xFFFFF000]  }
0x611: {  	v2 =	vld [tilespmem:s2+$0x0]  }
0x612: {  	s12 =	simm.s32 $0x2880  }
0x613: {  	v3 =	vld [tilespmem:s12+$0xFFFFFF80];
	_ =	sdelay $0x2  }
0x614: {  	v1 =	vadd.f32 v2, v1;
	_ =	sdelay $0x1  }
0x615: {  	v1 =	vadd.f32 v3, v1;
	_ =	sdelay $0x1  }
0x616: {  	v1 =	vmax.f32 v1, $0.0e+00  }
0x617: {  	[tilespmem:s12+$0xFFFFFF80] =	vst v1  }
0x618: {  	v1 =	vld [tilespmem:s2+$0xFFFFF010]  }
0x619: {  	v2 =	vld [tilespmem:s2+$0x10];
	_ =	sdelay $0x1  }
0x61a: {  	v3 =	vld [tilespmem:s12+$0xFFFFFF90];
	_ =	sdelay $0x2  }
0x61b: {  	v1 =	vadd.f32 v2, v1;
	_ =	sdelay $0x1  }
0x61c: {  	v1 =	vadd.f32 v3, v1;
	_ =	sdelay $0x1  }
0x61d: {  	v1 =	vmax.f32 v1, $0.0e+00  }
0x61e: {  	[tilespmem:s12+$0xFFFFFF90] =	vst v1  }
0x61f: {  	v1 =	vld [tilespmem:s2+$0xFFFFF020]  }
0x620: {  	v2 =	vld [tilespmem:s2+$0x20];
	_ =	sdelay $0x1  }
0x621: {  	v3 =	vld [tilespmem:s12+$0xFFFFFFA0];
	_ =	sdelay $0x2  }
0x622: {  	v1 =	vadd.f32 v2, v1;
	_ =	sdelay $0x1  }
0x623: {  	v1 =	vadd.f32 v3, v1;
	_ =	sdelay $0x1  }
0x624: {  	v1 =	vmax.f32 v1, $0.0e+00  }
0x625: {  	[tilespmem:s12+$0xFFFFFFA0] =	vst v1  }
0x626: {  	v1 =	vld [tilespmem:s2+$0xFFFFF030]  }
0x627: {  	v2 =	vld [tilespmem:s2+$0x30];
	_ =	sdelay $0x1  }
0x628: {  	v3 =	vld [tilespmem:s12+$0xFFFFFFB0];
	_ =	sdelay $0x2  }
0x629: {  	v1 =	vadd.f32 v2, v1;
	_ =	sdelay $0x1  }
0x62a: {  	v1 =	vadd.f32 v3, v1;
	_ =	sdelay $0x1  }
0x62b: {  	v1 =	vmax.f32 v1, $0.0e+00  }
0x62c: {  	[tilespmem:s12+$0xFFFFFFB0] =	vst v1  }
0x62d: {  	v1 =	vld [tilespmem:s2+$0xFFFFF040]  }
0x62e: {  	v2 =	vld [tilespmem:s2+$0x40];
	_ =	sdelay $0x1  }
0x62f: {  	v3 =	vld [tilespmem:s12+$0xFFFFFFC0];
	_ =	sdelay $0x2  }
0x630: {  	v1 =	vadd.f32 v2, v1;
	_ =	sdelay $0x1  }
0x631: {  	v1 =	vadd.f32 v3, v1;
	_ =	sdelay $0x1  }
0x632: {  	v1 =	vmax.f32 v1, $0.0e+00  }
0x633: {  	[tilespmem:s12+$0xFFFFFFC0] =	vst v1  }
0x634: {  	v1 =	vld [tilespmem:s2+$0xFFFFF050]  }
0x635: {  	v3 =	vld [tilespmem:s2+$0x50];
	_ =	sdelay $0x1  }
0x636: {  	v2 =	vld [tilespmem:s12+$0xFFFFFFD0];
	_ =	sdelay $0x2  }
0x637: {  	v1 =	vadd.f32 v3, v1;
	_ =	sdelay $0x1  }
0x638: {  	v1 =	vadd.f32 v2, v1;
	_ =	sdelay $0x1  }
0x639: {  	v1 =	vmax.f32 v1, $0.0e+00  }
0x63a: {  	[tilespmem:s12+$0xFFFFFFD0] =	vst v1  }
0x63b: {  	v1 =	vld [tilespmem:s2+$0xFFFFF060]  }
0x63c: {  	v3 =	vld [tilespmem:s2+$0x60];
	_ =	sdelay $0x1  }
0x63d: {  	v2 =	vld [tilespmem:s12+$0xFFFFFFE0];
	_ =	sdelay $0x2  }
0x63e: {  	v1 =	vadd.f32 v3, v1;
	_ =	sdelay $0x1  }
0x63f: {  	v1 =	vadd.f32 v2, v1;
	_ =	sdelay $0x1  }
0x640: {  	v1 =	vmax.f32 v1, $0.0e+00  }
0x641: {  	[tilespmem:s12+$0xFFFFFFE0] =	vst v1  }
0x642: {  	v1 =	vld [tilespmem:s2+$0xFFFFF070]  }
0x643: {  	v3 =	vld [tilespmem:s2+$0x70];
	_ =	sdelay $0x1  }
0x644: {  	v2 =	vld [tilespmem:s12+$0xFFFFFFF0];
	_ =	sdelay $0x2  }
0x645: {  	v1 =	vadd.f32 v3, v1;
	_ =	sdelay $0x1  }
0x646: {  	v1 =	vadd.f32 v2, v1;
	_ =	sdelay $0x1  }
0x647: {  	v1 =	vmax.f32 v1, $0.0e+00  }
0x648: {  	[tilespmem:s12+$0xFFFFFFF0] =	vst v1  }
0x649: {  	v1 =	vld [tilespmem:s2+$0xFFFFF080]  }
0x64a: {  	v3 =	vld [tilespmem:s2+$0x80];
	_ =	sdelay $0x1  }
0x64b: {  	v2 =	vld [tilespmem:s12+$0x0];
	_ =	sdelay $0x2  }
0x64c: {  	v1 =	vadd.f32 v3, v1;
	_ =	sdelay $0x1  }
0x64d: {  	v1 =	vadd.f32 v2, v1;
	_ =	sdelay $0x1  }
0x64e: {  	v1 =	vmax.f32 v1, $0.0e+00  }
0x64f: {  	[tilespmem:s12+$0x0] =	vst v1  }
0x650: {  	v1 =	vld [tilespmem:s2+$0xFFFFF090]  }
0x651: {  	v3 =	vld [tilespmem:s2+$0x90];
	_ =	sdelay $0x1  }
0x652: {  	v2 =	vld [tilespmem:s12+$0x10];
	_ =	sdelay $0x2  }
0x653: {  	v1 =	vadd.f32 v3, v1;
	_ =	sdelay $0x1  }
0x654: {  	v1 =	vadd.f32 v2, v1;
	_ =	sdelay $0x1  }
0x655: {  	v1 =	vmax.f32 v1, $0.0e+00  }
0x656: {  	[tilespmem:s12+$0x10] =	vst v1  }
0x657: {  	v1 =	vld [tilespmem:s2+$0xFFFFF0A0]  }
0x658: {  	v3 =	vld [tilespmem:s2+$0xA0];
	_ =	sdelay $0x1  }
0x659: {  	v2 =	vld [tilespmem:s12+$0x20];
	_ =	sdelay $0x2  }
0x65a: {  	v1 =	vadd.f32 v3, v1;
	_ =	sdelay $0x1  }
0x65b: {  	v1 =	vadd.f32 v2, v1;
	_ =	sdelay $0x1  }
0x65c: {  	v1 =	vmax.f32 v1, $0.0e+00  }
0x65d: {  	[tilespmem:s12+$0x20] =	vst v1  }
0x65e: {  	v1 =	vld [tilespmem:s2+$0xFFFFF0B0]  }
0x65f: {  	v3 =	vld [tilespmem:s2+$0xB0];
	_ =	sdelay $0x1  }
0x660: {  	v2 =	vld [tilespmem:s12+$0x30];
	_ =	sdelay $0x2  }
0x661: {  	v1 =	vadd.f32 v3, v1;
	_ =	sdelay $0x1  }
0x662: {  	v1 =	vadd.f32 v2, v1;
	_ =	sdelay $0x1  }
0x663: {  	v1 =	vmax.f32 v1, $0.0e+00  }
0x664: {  	[tilespmem:s12+$0x30] =	vst v1  }
0x665: {  	v1 =	vld [tilespmem:s2+$0xFFFFF0C0]  }
0x666: {  	v3 =	vld [tilespmem:s2+$0xC0];
	_ =	sdelay $0x1  }
0x667: {  	v2 =	vld [tilespmem:s12+$0x40];
	_ =	sdelay $0x2  }
0x668: {  	v1 =	vadd.f32 v3, v1;
	_ =	sdelay $0x1  }
0x669: {  	v1 =	vadd.f32 v2, v1;
	_ =	sdelay $0x1  }
0x66a: {  	v1 =	vmax.f32 v1, $0.0e+00  }
0x66b: {  	[tilespmem:s12+$0x40] =	vst v1  }
0x66c: {  	v1 =	vld [tilespmem:s2+$0xFFFFF0D0]  }
0x66d: {  	v3 =	vld [tilespmem:s2+$0xD0];
	_ =	sdelay $0x1  }
0x66e: {  	v2 =	vld [tilespmem:s12+$0x50];
	_ =	sdelay $0x2  }
0x66f: {  	v1 =	vadd.f32 v3, v1;
	_ =	sdelay $0x1  }
0x670: {  	v1 =	vadd.f32 v2, v1;
	_ =	sdelay $0x1  }
0x671: {  	v1 =	vmax.f32 v1, $0.0e+00  }
0x672: {  	[tilespmem:s12+$0x50] =	vst v1  }
0x673: {  	v3 =	vld [tilespmem:s2+$0xFFFFF0E0]  }
0x674: {  	v4 =	vld [tilespmem:s2+$0xE0];
	_ =	sdelay $0x1  }
0x675: {  	v2 =	vld [tilespmem:s12+$0x60];
	_ =	sdelay $0x2  }
0x676: {  	s14 =	simm.s32 $0x1800;
	s13 =	simm.s32 $0x2880;
	s15 =	simm.s32 $0x0;
	v1 =	vld [tilespmem:s12+$0x70];
	v3 =	vadd.f32 v4, v3  }
.LBB2_17:
0x677: {  	_ = 	snop  }
0x678: {  	s15 =	sadd.s32 $0x2, s15;
	s2 =	sadd.s32 $0x100, s2;
	s12 =	sadd.s32 $0x100, s12;
	v2 =	vadd.f32 v2, v3  }
0x679: {  	p1 =	slt.u32 s15, $0x1E  }
0x67a: {  	v2 =	vmax.f32 v2, $0.0e+00  }
0x67b: {  	[tilespmem:s13+$0x60] =	vst v2  }
0x67c: {  	v2 =	vld [tilespmem:s14+$0xFFFFF0F0]  }
0x67d: {  	v3 =	vld [tilespmem:s14+$0xF0];
	s14 =	smov.u32 s2;
	_ =	sdelay $0x4  }
0x67e: {  	v2 =	vadd.f32 v3, v2;
	_ =	sdelay $0x1  }
0x67f: {  	v1 =	vadd.f32 v1, v2;
	_ =	sdelay $0x1  }
0x680: {  	v1 =	vmax.f32 v1, $0.0e+00  }
0x681: {  	[tilespmem:s13+$0x70] =	vst v1;
	s13 =	smov.u32 s12  }
0x682: {  	v1 =	vld [tilespmem:s2+$0xFFFFF000]  }
0x683: {  	v2 =	vld [tilespmem:s2+$0x0];
	_ =	sdelay $0x1  }
0x684: {  	v3 =	vld [tilespmem:s12+$0xFFFFFF80];
	_ =	sdelay $0x2  }
0x685: {  	v1 =	vadd.f32 v2, v1;
	_ =	sdelay $0x1  }
0x686: {  	v1 =	vadd.f32 v3, v1;
	_ =	sdelay $0x1  }
0x687: {  	v1 =	vmax.f32 v1, $0.0e+00  }
0x688: {  	[tilespmem:s12+$0xFFFFFF80] =	vst v1  }
0x689: {  	v1 =	vld [tilespmem:s2+$0xFFFFF010]  }
0x68a: {  	v2 =	vld [tilespmem:s2+$0x10]  }
0x68b: {  	v3 =	vld [tilespmem:s12+$0xFFFFFF90];
	_ =	sdelay $0x3  }
0x68c: {  	v1 =	vadd.f32 v2, v1;
	_ =	sdelay $0x1  }
0x68d: {  	v1 =	vadd.f32 v3, v1;
	_ =	sdelay $0x1  }
0x68e: {  	v1 =	vmax.f32 v1, $0.0e+00  }
0x68f: {  	[tilespmem:s12+$0xFFFFFF90] =	vst v1;
	v1 =	vld [tilespmem:s12+$0xFFFFFFA0]  }
0x690: {  	v2 =	vld [tilespmem:s2+$0xFFFFF020]  }
0x691: {  	v3 =	vld [tilespmem:s2+$0x20];
	_ =	sdelay $0x4  }
0x692: {  	v2 =	vadd.f32 v3, v2;
	_ =	sdelay $0x1  }
0x693: {  	v1 =	vadd.f32 v1, v2;
	_ =	sdelay $0x1  }
0x694: {  	v1 =	vmax.f32 v1, $0.0e+00  }
0x695: {  	[tilespmem:s12+$0xFFFFFFA0] =	vst v1;
	v1 =	vld [tilespmem:s12+$0xFFFFFFB0]  }
0x696: {  	v2 =	vld [tilespmem:s2+$0xFFFFF030]  }
0x697: {  	v3 =	vld [tilespmem:s2+$0x30];
	_ =	sdelay $0x4  }
0x698: {  	v2 =	vadd.f32 v3, v2;
	_ =	sdelay $0x1  }
0x699: {  	v1 =	vadd.f32 v1, v2;
	_ =	sdelay $0x1  }
0x69a: {  	v1 =	vmax.f32 v1, $0.0e+00  }
0x69b: {  	[tilespmem:s12+$0xFFFFFFB0] =	vst v1;
	v1 =	vld [tilespmem:s12+$0xFFFFFFC0]  }
0x69c: {  	v2 =	vld [tilespmem:s2+$0xFFFFF040]  }
0x69d: {  	v3 =	vld [tilespmem:s2+$0x40];
	_ =	sdelay $0x4  }
0x69e: {  	v2 =	vadd.f32 v3, v2;
	_ =	sdelay $0x1  }
0x69f: {  	v1 =	vadd.f32 v1, v2;
	_ =	sdelay $0x1  }
0x6a0: {  	v1 =	vmax.f32 v1, $0.0e+00;
	v2 =	vld [tilespmem:s12+$0xFFFFFFD0]  }
0x6a1: {  	[tilespmem:s12+$0xFFFFFFC0] =	vst v1  }
0x6a2: {  	v1 =	vld [tilespmem:s2+$0xFFFFF050]  }
0x6a3: {  	v3 =	vld [tilespmem:s2+$0x50];
	_ =	sdelay $0x4  }
0x6a4: {  	v1 =	vadd.f32 v3, v1;
	_ =	sdelay $0x1  }
0x6a5: {  	v1 =	vadd.f32 v2, v1  }
0x6a6: {  	v2 =	vld [tilespmem:s12+$0xFFFFFFE0]  }
0x6a7: {  	v1 =	vmax.f32 v1, $0.0e+00  }
0x6a8: {  	[tilespmem:s12+$0xFFFFFFD0] =	vst v1  }
0x6a9: {  	v1 =	vld [tilespmem:s2+$0xFFFFF060]  }
0x6aa: {  	v3 =	vld [tilespmem:s2+$0x60];
	_ =	sdelay $0x4  }
0x6ab: {  	v1 =	vadd.f32 v3, v1;
	_ =	sdelay $0x1  }
0x6ac: {  	v1 =	vadd.f32 v2, v1;
	v2 =	vld [tilespmem:s12+$0xFFFFFFF0];
	_ =	sdelay $0x1  }
0x6ad: {  	v1 =	vmax.f32 v1, $0.0e+00  }
0x6ae: {  	[tilespmem:s12+$0xFFFFFFE0] =	vst v1  }
0x6af: {  	v1 =	vld [tilespmem:s2+$0xFFFFF070]  }
0x6b0: {  	v3 =	vld [tilespmem:s2+$0x70];
	_ =	sdelay $0x4  }
0x6b1: {  	v1 =	vadd.f32 v3, v1  }
0x6b2: {  	v3 =	vld [tilespmem:s12+$0x0]  }
0x6b3: {  	v1 =	vadd.f32 v2, v1;
	_ =	sdelay $0x1  }
0x6b4: {  	v1 =	vmax.f32 v1, $0.0e+00  }
0x6b5: {  	[tilespmem:s12+$0xFFFFFFF0] =	vst v1  }
0x6b6: {  	v1 =	vld [tilespmem:s2+$0xFFFFF080]  }
0x6b7: {  	v2 =	vld [tilespmem:s2+$0x80];
	_ =	sdelay $0x4  }
0x6b8: {  	v1 =	vadd.f32 v2, v1;
	v2 =	vld [tilespmem:s12+$0x10];
	_ =	sdelay $0x1  }
0x6b9: {  	v1 =	vadd.f32 v3, v1;
	_ =	sdelay $0x1  }
0x6ba: {  	v1 =	vmax.f32 v1, $0.0e+00  }
0x6bb: {  	[tilespmem:s12+$0x0] =	vst v1  }
0x6bc: {  	v1 =	vld [tilespmem:s2+$0xFFFFF090]  }
0x6bd: {  	v3 =	vld [tilespmem:s2+$0x90];
	_ =	sdelay $0x3  }
0x6be: {  	v4 =	vld [tilespmem:s12+$0x20]  }
0x6bf: {  	v1 =	vadd.f32 v3, v1;
	_ =	sdelay $0x1  }
0x6c0: {  	v1 =	vadd.f32 v2, v1;
	_ =	sdelay $0x1  }
0x6c1: {  	v1 =	vmax.f32 v1, $0.0e+00  }
0x6c2: {  	[tilespmem:s12+$0x10] =	vst v1  }
0x6c3: {  	v1 =	vld [tilespmem:s2+$0xFFFFF0A0]  }
0x6c4: {  	v2 =	vld [tilespmem:s2+$0xA0];
	_ =	sdelay $0x2  }
0x6c5: {  	v3 =	vld [tilespmem:s12+$0x30];
	_ =	sdelay $0x1  }
0x6c6: {  	v1 =	vadd.f32 v2, v1;
	_ =	sdelay $0x1  }
0x6c7: {  	v1 =	vadd.f32 v4, v1;
	_ =	sdelay $0x1  }
0x6c8: {  	v1 =	vmax.f32 v1, $0.0e+00  }
0x6c9: {  	[tilespmem:s12+$0x20] =	vst v1  }
0x6ca: {  	v1 =	vld [tilespmem:s2+$0xFFFFF0B0]  }
0x6cb: {  	v2 =	vld [tilespmem:s2+$0xB0];
	_ =	sdelay $0x1  }
0x6cc: {  	v4 =	vld [tilespmem:s12+$0x40];
	_ =	sdelay $0x2  }
0x6cd: {  	v1 =	vadd.f32 v2, v1;
	_ =	sdelay $0x1  }
0x6ce: {  	v1 =	vadd.f32 v3, v1;
	_ =	sdelay $0x1  }
0x6cf: {  	v1 =	vmax.f32 v1, $0.0e+00  }
0x6d0: {  	[tilespmem:s12+$0x30] =	vst v1  }
0x6d1: {  	v1 =	vld [tilespmem:s2+$0xFFFFF0C0]  }
0x6d2: {  	v2 =	vld [tilespmem:s2+$0xC0]  }
0x6d3: {  	v3 =	vld [tilespmem:s12+$0x50];
	_ =	sdelay $0x3  }
0x6d4: {  	v1 =	vadd.f32 v2, v1;
	_ =	sdelay $0x1  }
0x6d5: {  	v1 =	vadd.f32 v4, v1;
	_ =	sdelay $0x1  }
0x6d6: {  	v1 =	vmax.f32 v1, $0.0e+00  }
0x6d7: {  	[tilespmem:s12+$0x40] =	vst v1;
	v2 =	vld [tilespmem:s12+$0x60]  }
0x6d8: {  	v1 =	vld [tilespmem:s2+$0xFFFFF0D0]  }
0x6d9: {  	v4 =	vld [tilespmem:s2+$0xD0];
	_ =	sdelay $0x4  }
0x6da: {  	v1 =	vadd.f32 v4, v1;
	_ =	sdelay $0x1  }
0x6db: {  	v1 =	vadd.f32 v3, v1;
	_ =	sdelay $0x1  }
0x6dc: {  	v1 =	vmax.f32 v1, $0.0e+00  }
0x6dd: {  	[tilespmem:s12+$0x50] =	vst v1;
	v1 =	vld [tilespmem:s12+$0x70]  }
0x6de: {  	v3 =	vld [tilespmem:s2+$0xFFFFF0E0]  }
0x6df: {  	v4 =	vld [tilespmem:s2+$0xE0]  }
.Ltmp7:
0x6e0: {  	(pc) =	sbr.rel @p1 .LBB2_17-.Ltmp7, $2  }
0x6e1: {  	_ =	sdelay $0x2  }
0x6e2: {  	v3 =	vadd.f32 v4, v3  }
0x6e3: {  	_ = 	snop  }
0x6e4: {  	v2 =	vadd.f32 v2, v3;
	_ =	sdelay $0x1  }
0x6e5: {  	v2 =	vmax.f32 v2, $0.0e+00  }
0x6e6: {  	[tilespmem:s13+$0x60] =	vst v2  }
0x6e7: {  	v2 =	vld [tilespmem:s14+$0xFFFFF0F0]  }
0x6e8: {  	v3 =	vld [tilespmem:s14+$0xF0];
	_ =	sdelay $0x4  }
0x6e9: {  	v2 =	vadd.f32 v3, v2;
	_ =	sdelay $0x1  }
0x6ea: {  	v1 =	vadd.f32 v1, v2;
	_ =	sdelay $0x1  }
0x6eb: {  	v1 =	vmax.f32 v1, $0.0e+00  }
0x6ec: {  	s2 =	simm.s32 $0x700;
	[tilespmem:s13+$0x70] =	vst v1  }
0x6ed: {  	[spmem:s3] =	stream.indirect.scatter.add.f32 [tilespmem:s23], [sflag:$0x4], $0x80, s2, s29, $0xb8;
	[tilespmem:$0x1A800] =	vst v63  }
0x6ee: {  	s2 =	simm.s32 @p0 $0x2  }
0x6ef: {  	_ =	swait.ge @p0 [sflag:s2], $0x2000  }
0x6f0: {  	[sflag:s2] =	ssyncset.done @p0 $0x0  }
0x6f1: {  	[sflag:s2] =	ssyncadd.s32 @p0 $0xFFFFE000  }
0x6f2: {  	_ =	swait.ge @p0 [sflag:s2], $0x1000  }
0x6f3: {  	[sflag:s2] =	ssyncset.done @p0 $0x0  }
0x6f4: {  	[sflag:s2] =	ssyncadd.s32 @p0 $0xFFFFF000;
	s2 =	simm.s32 @p0 $0x4  }
0x6f5: {  	_ =	swait.ge @p0 [sflag:s2], $0x1000  }
0x6f6: {  	[sflag:s2] =	ssyncset.done @p0 $0x0  }
0x6f7: {  	[sflag:s2] =	ssyncadd.s32 @p0 $0xFFFFF000;
	s2 =	simm.s32 @!p0 $0x3  }
0x6f8: {  	_ =	swait.ge @!p0 [sflag:s2], $0x200  }
0x6f9: {  	[sflag:s2] =	ssyncset.done @!p0 $0x0  }
0x6fa: {  	[sflag:s2] =	ssyncadd.s32 @!p0 $0xFFFFFE00  }
0x6fb: {  	_ =	swait.ge @!p0 [sflag:s2], $0x200  }
0x6fc: {  	s12 =	simm.s32 @!p0 $0x0;
	[sflag:s2] =	ssyncset.done @!p0 $0x0  }
0x6fd: {  	s13 =	simm.s32 @!p0 $0x800;
	[sflag:s2] =	ssyncadd.s32 @!p0 $0xFFFFFE00;
	s2 =	simm.s32 @!p0 $0x40  }
0x6fe: {  	[tilespmem:s13], [sflag:$0x1] =	stream.indirect.gather @!p0 [hbm4b:s1+s2], $0x80, s12, s2, $0xb8;
	[tilespmem:$0x1A800] =	vst v63  }
0x6ff: {  	s2 =	simm.s32 @!p0 $0x2  }
0x700: {  	_ =	swait.ge @!p0 [sflag:s2], $0x2000  }
0x701: {  	[sflag:s2] =	ssyncset.done @!p0 $0x0  }
0x702: {  	[sflag:s2] =	ssyncadd.s32 @!p0 $0xFFFFE000  }
0x703: {  	_ =	swait.ge @!p0 [sflag:s2], $0x1000  }
0x704: {  	[sflag:s2] =	ssyncset.done @!p0 $0x0  }
0x705: {  	[sflag:s2] =	ssyncadd.s32 @!p0 $0xFFFFF000;
	s2 =	simm.s32 @!p0 $0x4  }
0x706: {  	s10 =	sadd.s32 @!p0 s10, s21;
	_ =	swait.ge @!p0 [sflag:s2], $0x1000  }
0x707: {  	s10 =	sshll.u32 @!p0 s10, $0x4;
	[sflag:s2] =	ssyncset.done @!p0 $0x0  }
0x708: {  	[sflag:s2] =	ssyncadd.s32 @!p0 $0xFFFFF000;
	s2 =	sadd.s32 @!p0 s6, s10;
	s10 =	simm.s32 @!p0 $0x2800  }
0x709: {  	[tilespmem:s10], [sflag:$0x1] =	stream.linear.gather @!p0 [hbm4b:s2+s12], $0x1000, $0x38;
	[tilespmem:$0x1A800] =	vst v63  }
0x70a: {  	s2 =	simm.s32 $0x4800  }
0x70b: {  	v1 =	vld [tilespmem:s2+$0xFFFFF000]  }
0x70c: {  	v2 =	vld [tilespmem:s2+$0x0]  }
0x70d: {  	s10 =	simm.s32 $0x5880  }
0x70e: {  	v3 =	vld [tilespmem:s10+$0xFFFFFF80];
	_ =	sdelay $0x2  }
0x70f: {  	v1 =	vadd.f32 v2, v1;
	_ =	sdelay $0x1  }
0x710: {  	v1 =	vadd.f32 v3, v1;
	_ =	sdelay $0x1  }
0x711: {  	v1 =	vmax.f32 v1, $0.0e+00  }
0x712: {  	[tilespmem:s10+$0xFFFFFF80] =	vst v1  }
0x713: {  	v1 =	vld [tilespmem:s2+$0xFFFFF010]  }
0x714: {  	v2 =	vld [tilespmem:s2+$0x10];
	_ =	sdelay $0x1  }
0x715: {  	v3 =	vld [tilespmem:s10+$0xFFFFFF90];
	_ =	sdelay $0x2  }
0x716: {  	v1 =	vadd.f32 v2, v1;
	_ =	sdelay $0x1  }
0x717: {  	v1 =	vadd.f32 v3, v1;
	_ =	sdelay $0x1  }
0x718: {  	v1 =	vmax.f32 v1, $0.0e+00  }
0x719: {  	[tilespmem:s10+$0xFFFFFF90] =	vst v1  }
0x71a: {  	v1 =	vld [tilespmem:s2+$0xFFFFF020]  }
0x71b: {  	v2 =	vld [tilespmem:s2+$0x20];
	_ =	sdelay $0x1  }
0x71c: {  	v3 =	vld [tilespmem:s10+$0xFFFFFFA0];
	_ =	sdelay $0x2  }
0x71d: {  	v1 =	vadd.f32 v2, v1;
	_ =	sdelay $0x1  }
0x71e: {  	v1 =	vadd.f32 v3, v1;
	_ =	sdelay $0x1  }
0x71f: {  	v1 =	vmax.f32 v1, $0.0e+00  }
0x720: {  	[tilespmem:s10+$0xFFFFFFA0] =	vst v1  }
0x721: {  	v1 =	vld [tilespmem:s2+$0xFFFFF030]  }
0x722: {  	v2 =	vld [tilespmem:s2+$0x30];
	_ =	sdelay $0x1  }
0x723: {  	v3 =	vld [tilespmem:s10+$0xFFFFFFB0];
	_ =	sdelay $0x2  }
0x724: {  	v1 =	vadd.f32 v2, v1;
	_ =	sdelay $0x1  }
0x725: {  	v1 =	vadd.f32 v3, v1;
	_ =	sdelay $0x1  }
0x726: {  	v1 =	vmax.f32 v1, $0.0e+00  }
0x727: {  	[tilespmem:s10+$0xFFFFFFB0] =	vst v1  }
0x728: {  	v1 =	vld [tilespmem:s2+$0xFFFFF040]  }
0x729: {  	v2 =	vld [tilespmem:s2+$0x40];
	_ =	sdelay $0x1  }
0x72a: {  	v3 =	vld [tilespmem:s10+$0xFFFFFFC0];
	_ =	sdelay $0x2  }
0x72b: {  	v1 =	vadd.f32 v2, v1;
	_ =	sdelay $0x1  }
0x72c: {  	v1 =	vadd.f32 v3, v1;
	_ =	sdelay $0x1  }
0x72d: {  	v1 =	vmax.f32 v1, $0.0e+00  }
0x72e: {  	[tilespmem:s10+$0xFFFFFFC0] =	vst v1  }
0x72f: {  	v1 =	vld [tilespmem:s2+$0xFFFFF050]  }
0x730: {  	v3 =	vld [tilespmem:s2+$0x50];
	_ =	sdelay $0x1  }
0x731: {  	v2 =	vld [tilespmem:s10+$0xFFFFFFD0];
	_ =	sdelay $0x2  }
0x732: {  	v1 =	vadd.f32 v3, v1;
	_ =	sdelay $0x1  }
0x733: {  	v1 =	vadd.f32 v2, v1;
	_ =	sdelay $0x1  }
0x734: {  	v1 =	vmax.f32 v1, $0.0e+00  }
0x735: {  	[tilespmem:s10+$0xFFFFFFD0] =	vst v1  }
0x736: {  	v1 =	vld [tilespmem:s2+$0xFFFFF060]  }
0x737: {  	v3 =	vld [tilespmem:s2+$0x60];
	_ =	sdelay $0x1  }
0x738: {  	v2 =	vld [tilespmem:s10+$0xFFFFFFE0];
	_ =	sdelay $0x2  }
0x739: {  	v1 =	vadd.f32 v3, v1;
	_ =	sdelay $0x1  }
0x73a: {  	v1 =	vadd.f32 v2, v1;
	_ =	sdelay $0x1  }
0x73b: {  	v1 =	vmax.f32 v1, $0.0e+00  }
0x73c: {  	[tilespmem:s10+$0xFFFFFFE0] =	vst v1  }
0x73d: {  	v1 =	vld [tilespmem:s2+$0xFFFFF070]  }
0x73e: {  	v3 =	vld [tilespmem:s2+$0x70];
	_ =	sdelay $0x1  }
0x73f: {  	v2 =	vld [tilespmem:s10+$0xFFFFFFF0];
	_ =	sdelay $0x2  }
0x740: {  	v1 =	vadd.f32 v3, v1;
	_ =	sdelay $0x1  }
0x741: {  	v1 =	vadd.f32 v2, v1;
	_ =	sdelay $0x1  }
0x742: {  	v1 =	vmax.f32 v1, $0.0e+00  }
0x743: {  	[tilespmem:s10+$0xFFFFFFF0] =	vst v1  }
0x744: {  	v1 =	vld [tilespmem:s2+$0xFFFFF080]  }
0x745: {  	v3 =	vld [tilespmem:s2+$0x80];
	_ =	sdelay $0x1  }
0x746: {  	v2 =	vld [tilespmem:s10+$0x0];
	_ =	sdelay $0x2  }
0x747: {  	v1 =	vadd.f32 v3, v1;
	_ =	sdelay $0x1  }
0x748: {  	v1 =	vadd.f32 v2, v1;
	_ =	sdelay $0x1  }
0x749: {  	v1 =	vmax.f32 v1, $0.0e+00  }
0x74a: {  	[tilespmem:s10+$0x0] =	vst v1  }
0x74b: {  	v1 =	vld [tilespmem:s2+$0xFFFFF090]  }
0x74c: {  	v3 =	vld [tilespmem:s2+$0x90];
	_ =	sdelay $0x1  }
0x74d: {  	v2 =	vld [tilespmem:s10+$0x10];
	_ =	sdelay $0x2  }
0x74e: {  	v1 =	vadd.f32 v3, v1;
	_ =	sdelay $0x1  }
0x74f: {  	v1 =	vadd.f32 v2, v1;
	_ =	sdelay $0x1  }
0x750: {  	v1 =	vmax.f32 v1, $0.0e+00  }
0x751: {  	[tilespmem:s10+$0x10] =	vst v1  }
0x752: {  	v1 =	vld [tilespmem:s2+$0xFFFFF0A0]  }
0x753: {  	v3 =	vld [tilespmem:s2+$0xA0];
	_ =	sdelay $0x1  }
0x754: {  	v2 =	vld [tilespmem:s10+$0x20];
	_ =	sdelay $0x2  }
0x755: {  	v1 =	vadd.f32 v3, v1;
	_ =	sdelay $0x1  }
0x756: {  	v1 =	vadd.f32 v2, v1;
	_ =	sdelay $0x1  }
0x757: {  	v1 =	vmax.f32 v1, $0.0e+00  }
0x758: {  	[tilespmem:s10+$0x20] =	vst v1  }
0x759: {  	v1 =	vld [tilespmem:s2+$0xFFFFF0B0]  }
0x75a: {  	v3 =	vld [tilespmem:s2+$0xB0];
	_ =	sdelay $0x1  }
0x75b: {  	v2 =	vld [tilespmem:s10+$0x30];
	_ =	sdelay $0x2  }
0x75c: {  	v1 =	vadd.f32 v3, v1;
	_ =	sdelay $0x1  }
0x75d: {  	v1 =	vadd.f32 v2, v1;
	_ =	sdelay $0x1  }
0x75e: {  	v1 =	vmax.f32 v1, $0.0e+00  }
0x75f: {  	[tilespmem:s10+$0x30] =	vst v1  }
0x760: {  	v1 =	vld [tilespmem:s2+$0xFFFFF0C0]  }
0x761: {  	v3 =	vld [tilespmem:s2+$0xC0];
	_ =	sdelay $0x1  }
0x762: {  	v2 =	vld [tilespmem:s10+$0x40];
	_ =	sdelay $0x2  }
0x763: {  	v1 =	vadd.f32 v3, v1;
	_ =	sdelay $0x1  }
0x764: {  	v1 =	vadd.f32 v2, v1;
	_ =	sdelay $0x1  }
0x765: {  	v1 =	vmax.f32 v1, $0.0e+00  }
0x766: {  	[tilespmem:s10+$0x40] =	vst v1  }
0x767: {  	v1 =	vld [tilespmem:s2+$0xFFFFF0D0]  }
0x768: {  	v3 =	vld [tilespmem:s2+$0xD0];
	_ =	sdelay $0x1  }
0x769: {  	v2 =	vld [tilespmem:s10+$0x50];
	_ =	sdelay $0x2  }
0x76a: {  	v1 =	vadd.f32 v3, v1;
	_ =	sdelay $0x1  }
0x76b: {  	v1 =	vadd.f32 v2, v1;
	_ =	sdelay $0x1  }
0x76c: {  	v1 =	vmax.f32 v1, $0.0e+00  }
0x76d: {  	[tilespmem:s10+$0x50] =	vst v1  }
0x76e: {  	v3 =	vld [tilespmem:s2+$0xFFFFF0E0]  }
0x76f: {  	v4 =	vld [tilespmem:s2+$0xE0];
	_ =	sdelay $0x1  }
0x770: {  	v2 =	vld [tilespmem:s10+$0x60];
	_ =	sdelay $0x2  }
0x771: {  	s14 =	simm.s32 $0x0;
	s13 =	simm.s32 $0x4800;
	s12 =	simm.s32 $0x5880;
	v1 =	vld [tilespmem:s10+$0x70];
	v3 =	vadd.f32 v4, v3  }
.LBB2_19:
0x772: {  	_ = 	snop  }
0x773: {  	s14 =	sadd.s32 $0x2, s14;
	s2 =	sadd.s32 $0x100, s2;
	s10 =	sadd.s32 $0x100, s10;
	v2 =	vadd.f32 v2, v3  }
0x774: {  	p0 =	slt.u32 s14, $0x1E  }
0x775: {  	v2 =	vmax.f32 v2, $0.0e+00  }
0x776: {  	[tilespmem:s12+$0x60] =	vst v2  }
0x777: {  	v2 =	vld [tilespmem:s13+$0xFFFFF0F0]  }
0x778: {  	v3 =	vld [tilespmem:s13+$0xF0];
	s13 =	smov.u32 s2;
	_ =	sdelay $0x4  }
0x779: {  	v2 =	vadd.f32 v3, v2;
	_ =	sdelay $0x1  }
0x77a: {  	v1 =	vadd.f32 v1, v2;
	_ =	sdelay $0x1  }
0x77b: {  	v1 =	vmax.f32 v1, $0.0e+00  }
0x77c: {  	[tilespmem:s12+$0x70] =	vst v1;
	s12 =	smov.u32 s10  }
0x77d: {  	v1 =	vld [tilespmem:s2+$0xFFFFF000]  }
0x77e: {  	v2 =	vld [tilespmem:s2+$0x0];
	_ =	sdelay $0x1  }
0x77f: {  	v3 =	vld [tilespmem:s10+$0xFFFFFF80];
	_ =	sdelay $0x2  }
0x780: {  	v1 =	vadd.f32 v2, v1;
	_ =	sdelay $0x1  }
0x781: {  	v1 =	vadd.f32 v3, v1;
	_ =	sdelay $0x1  }
0x782: {  	v1 =	vmax.f32 v1, $0.0e+00  }
0x783: {  	[tilespmem:s10+$0xFFFFFF80] =	vst v1  }
0x784: {  	v1 =	vld [tilespmem:s2+$0xFFFFF010]  }
0x785: {  	v2 =	vld [tilespmem:s2+$0x10]  }
0x786: {  	v3 =	vld [tilespmem:s10+$0xFFFFFF90];
	_ =	sdelay $0x3  }
0x787: {  	v1 =	vadd.f32 v2, v1;
	_ =	sdelay $0x1  }
0x788: {  	v1 =	vadd.f32 v3, v1;
	_ =	sdelay $0x1  }
0x789: {  	v1 =	vmax.f32 v1, $0.0e+00  }
0x78a: {  	[tilespmem:s10+$0xFFFFFF90] =	vst v1;
	v1 =	vld [tilespmem:s10+$0xFFFFFFA0]  }
0x78b: {  	v2 =	vld [tilespmem:s2+$0xFFFFF020]  }
0x78c: {  	v3 =	vld [tilespmem:s2+$0x20];
	_ =	sdelay $0x4  }
0x78d: {  	v2 =	vadd.f32 v3, v2;
	_ =	sdelay $0x1  }
0x78e: {  	v1 =	vadd.f32 v1, v2;
	_ =	sdelay $0x1  }
0x78f: {  	v1 =	vmax.f32 v1, $0.0e+00  }
0x790: {  	[tilespmem:s10+$0xFFFFFFA0] =	vst v1;
	v1 =	vld [tilespmem:s10+$0xFFFFFFB0]  }
0x791: {  	v2 =	vld [tilespmem:s2+$0xFFFFF030]  }
0x792: {  	v3 =	vld [tilespmem:s2+$0x30];
	_ =	sdelay $0x4  }
0x793: {  	v2 =	vadd.f32 v3, v2;
	_ =	sdelay $0x1  }
0x794: {  	v1 =	vadd.f32 v1, v2;
	_ =	sdelay $0x1  }
0x795: {  	v1 =	vmax.f32 v1, $0.0e+00  }
0x796: {  	[tilespmem:s10+$0xFFFFFFB0] =	vst v1;
	v1 =	vld [tilespmem:s10+$0xFFFFFFC0]  }
0x797: {  	v2 =	vld [tilespmem:s2+$0xFFFFF040]  }
0x798: {  	v3 =	vld [tilespmem:s2+$0x40];
	_ =	sdelay $0x4  }
0x799: {  	v2 =	vadd.f32 v3, v2;
	_ =	sdelay $0x1  }
0x79a: {  	v1 =	vadd.f32 v1, v2;
	_ =	sdelay $0x1  }
0x79b: {  	v1 =	vmax.f32 v1, $0.0e+00;
	v2 =	vld [tilespmem:s10+$0xFFFFFFD0]  }
0x79c: {  	[tilespmem:s10+$0xFFFFFFC0] =	vst v1  }
0x79d: {  	v1 =	vld [tilespmem:s2+$0xFFFFF050]  }
0x79e: {  	v3 =	vld [tilespmem:s2+$0x50];
	_ =	sdelay $0x4  }
0x79f: {  	v1 =	vadd.f32 v3, v1;
	_ =	sdelay $0x1  }
0x7a0: {  	v1 =	vadd.f32 v2, v1  }
0x7a1: {  	v2 =	vld [tilespmem:s10+$0xFFFFFFE0]  }
0x7a2: {  	v1 =	vmax.f32 v1, $0.0e+00  }
0x7a3: {  	[tilespmem:s10+$0xFFFFFFD0] =	vst v1  }
0x7a4: {  	v1 =	vld [tilespmem:s2+$0xFFFFF060]  }
0x7a5: {  	v3 =	vld [tilespmem:s2+$0x60];
	_ =	sdelay $0x4  }
0x7a6: {  	v1 =	vadd.f32 v3, v1;
	_ =	sdelay $0x1  }
0x7a7: {  	v1 =	vadd.f32 v2, v1;
	v2 =	vld [tilespmem:s10+$0xFFFFFFF0];
	_ =	sdelay $0x1  }
0x7a8: {  	v1 =	vmax.f32 v1, $0.0e+00  }
0x7a9: {  	[tilespmem:s10+$0xFFFFFFE0] =	vst v1  }
0x7aa: {  	v1 =	vld [tilespmem:s2+$0xFFFFF070]  }
0x7ab: {  	v3 =	vld [tilespmem:s2+$0x70];
	_ =	sdelay $0x4  }
0x7ac: {  	v1 =	vadd.f32 v3, v1  }
0x7ad: {  	v3 =	vld [tilespmem:s10+$0x0]  }
0x7ae: {  	v1 =	vadd.f32 v2, v1;
	_ =	sdelay $0x1  }
0x7af: {  	v1 =	vmax.f32 v1, $0.0e+00  }
0x7b0: {  	[tilespmem:s10+$0xFFFFFFF0] =	vst v1  }
0x7b1: {  	v1 =	vld [tilespmem:s2+$0xFFFFF080]  }
0x7b2: {  	v2 =	vld [tilespmem:s2+$0x80];
	_ =	sdelay $0x4  }
0x7b3: {  	v1 =	vadd.f32 v2, v1;
	v2 =	vld [tilespmem:s10+$0x10];
	_ =	sdelay $0x1  }
0x7b4: {  	v1 =	vadd.f32 v3, v1;
	_ =	sdelay $0x1  }
0x7b5: {  	v1 =	vmax.f32 v1, $0.0e+00  }
0x7b6: {  	[tilespmem:s10+$0x0] =	vst v1  }
0x7b7: {  	v1 =	vld [tilespmem:s2+$0xFFFFF090]  }
0x7b8: {  	v3 =	vld [tilespmem:s2+$0x90];
	_ =	sdelay $0x3  }
0x7b9: {  	v4 =	vld [tilespmem:s10+$0x20]  }
0x7ba: {  	v1 =	vadd.f32 v3, v1;
	_ =	sdelay $0x1  }
0x7bb: {  	v1 =	vadd.f32 v2, v1;
	_ =	sdelay $0x1  }
0x7bc: {  	v1 =	vmax.f32 v1, $0.0e+00  }
0x7bd: {  	[tilespmem:s10+$0x10] =	vst v1  }
0x7be: {  	v1 =	vld [tilespmem:s2+$0xFFFFF0A0]  }
0x7bf: {  	v2 =	vld [tilespmem:s2+$0xA0];
	_ =	sdelay $0x2  }
0x7c0: {  	v3 =	vld [tilespmem:s10+$0x30];
	_ =	sdelay $0x1  }
0x7c1: {  	v1 =	vadd.f32 v2, v1;
	_ =	sdelay $0x1  }
0x7c2: {  	v1 =	vadd.f32 v4, v1;
	_ =	sdelay $0x1  }
0x7c3: {  	v1 =	vmax.f32 v1, $0.0e+00  }
0x7c4: {  	[tilespmem:s10+$0x20] =	vst v1  }
0x7c5: {  	v1 =	vld [tilespmem:s2+$0xFFFFF0B0]  }
0x7c6: {  	v2 =	vld [tilespmem:s2+$0xB0];
	_ =	sdelay $0x1  }
0x7c7: {  	v4 =	vld [tilespmem:s10+$0x40];
	_ =	sdelay $0x2  }
0x7c8: {  	v1 =	vadd.f32 v2, v1;
	_ =	sdelay $0x1  }
0x7c9: {  	v1 =	vadd.f32 v3, v1;
	_ =	sdelay $0x1  }
0x7ca: {  	v1 =	vmax.f32 v1, $0.0e+00  }
0x7cb: {  	[tilespmem:s10+$0x30] =	vst v1  }
0x7cc: {  	v1 =	vld [tilespmem:s2+$0xFFFFF0C0]  }
0x7cd: {  	v2 =	vld [tilespmem:s2+$0xC0]  }
0x7ce: {  	v3 =	vld [tilespmem:s10+$0x50];
	_ =	sdelay $0x3  }
0x7cf: {  	v1 =	vadd.f32 v2, v1;
	_ =	sdelay $0x1  }
0x7d0: {  	v1 =	vadd.f32 v4, v1;
	_ =	sdelay $0x1  }
0x7d1: {  	v1 =	vmax.f32 v1, $0.0e+00  }
0x7d2: {  	[tilespmem:s10+$0x40] =	vst v1;
	v2 =	vld [tilespmem:s10+$0x60]  }
0x7d3: {  	v1 =	vld [tilespmem:s2+$0xFFFFF0D0]  }
0x7d4: {  	v4 =	vld [tilespmem:s2+$0xD0];
	_ =	sdelay $0x4  }
0x7d5: {  	v1 =	vadd.f32 v4, v1;
	_ =	sdelay $0x1  }
0x7d6: {  	v1 =	vadd.f32 v3, v1;
	_ =	sdelay $0x1  }
0x7d7: {  	v1 =	vmax.f32 v1, $0.0e+00  }
0x7d8: {  	[tilespmem:s10+$0x50] =	vst v1;
	v1 =	vld [tilespmem:s10+$0x70]  }
0x7d9: {  	v3 =	vld [tilespmem:s2+$0xFFFFF0E0]  }
0x7da: {  	v4 =	vld [tilespmem:s2+$0xE0]  }
.Ltmp8:
0x7db: {  	(pc) =	sbr.rel @p0 .LBB2_19-.Ltmp8, $2  }
0x7dc: {  	_ =	sdelay $0x2  }
0x7dd: {  	v3 =	vadd.f32 v4, v3  }
0x7de: {  	_ = 	snop  }
0x7df: {  	v2 =	vadd.f32 v2, v3;
	_ =	sdelay $0x1  }
0x7e0: {  	v2 =	vmax.f32 v2, $0.0e+00  }
0x7e1: {  	[tilespmem:s12+$0x60] =	vst v2  }
0x7e2: {  	v2 =	vld [tilespmem:s13+$0xFFFFF0F0]  }
0x7e3: {  	v3 =	vld [tilespmem:s13+$0xF0];
	_ =	sdelay $0x4  }
0x7e4: {  	s11 =	sadd.s32 $0x1, s11;
	v2 =	vadd.f32 v3, v2  }
0x7e5: {  	p0 =	sne.s32 s11, $0x14  }
.Ltmp9:
0x7e6: {  	v1 =	vadd.f32 v1, v2;
	(pc) =	sbr.rel @p0 .LBB2_4-.Ltmp9, $4  }
0x7e7: {  	_ = 	snop  }
0x7e8: {  	v1 =	vmax.f32 v1, $0.0e+00  }
0x7e9: {  	s2 =	simm.s32 $0x780;
	[tilespmem:s12+$0x70] =	vst v1  }
0x7ea: {  	[spmem:s3] =	stream.indirect.scatter.add.f32 [tilespmem:s28], [sflag:$0x5], $0x80, s2, s29, $0xb8;
	[tilespmem:$0x1A800] =	vst v63  }
0x7eb: {  	_ =	swait.ge [sflag:s24], $0x1000  }
0x7ec: {  	[sflag:s24] =	ssyncset.done $0x0  }
0x7ed: {  	[sflag:s24] =	ssyncadd.s32 $0xFFFFF000  }
0x7ee: {  	s2 =	stileid.u32;
	[bflag:$0x0] =	sbarrier.arrive $0xFFFF  }
0x7ef: {  	s12 =	simm.s32 $0x6;
	s2 =	sshll.u32 s2, $0x6;
	s13 =	rddreg [dreg:$0x5]  }
0x7f0: {  	s2 =	sor.u32 $0x1C06, s2;
	s11 =	rddreg [dreg:$0xf];
	s10 =	sshrl.u32 s13, $0x3  }
0x7f1: {  	[hbm:s11], [sflag:s2] =	dma.local [spmem:s10], $0x2800  }
0x7f2: {  	_ =	swait.ge [sflag:s12], $0x2800  }
0x7f3: {  	s15 =	rddreg [dreg:$0x1a]  }
0x7f4: {  	s17 =	rddreg [dreg:$0x10];
	s10 =	sadd.s32 $0x1, s15  }
0x7f5: {  	p0 =	sne.s32 s10, s17  }
.Ltmp10:
0x7f6: {  	_ = 	snop;
	(pc) =	sbr.rel @p0 .LBB2_1-.Ltmp10, $3  }
0x7f7: {  	_ =	sdelay $0x1  }
0x7f8: {  	[sflag:s12] =	ssyncset.done $0x0  }
0x7f9: {  	[sflag:s12] =	ssyncadd.s32 $0xFFFFD800  }
0x7fa: {  	_ =	sfence.sel $0x180000  }
0x7fb: {  	[bflag:$0x0] =	sbarrier.arrive $0xFFFF  }
0x7fc: {  	_ =	strace $0x90000047  }
0x7fd: {  	s0 =	stileid.u32;
	[bflag:$0x2] =	sbarrier.arrive $0xFFFF  }
0x7fe: {  	p0 =	sne.s32 s0, $0x0;
	s0 =	rddreg [dreg:$0x4]  }
0x7ff: {  	s0 =	sadd.s32 @!p0 $0x100000, s0  }
0x800: {  	[sflag:s0] =	ssyncadd.tile.s32 @!p0 $0x1;
	_ =	shalt  }
.Lfunc_end2:
_tile_overlayer_lowered:
.L_overlay_start_2:
0x801: {  	(tag) =	ssettag $0x2  }
0x802: {  	s0 =	rddreg [dreg:$0x0];
	s2 =	stileid.u32  }
0x803: {  	s1 =	rddreg [dreg:$0x1];
	p0 =	sne.s32 s2, $0x0  }
0x804: {  	s3 =	rddreg [dreg:$0x2];
	[bflag:$0x3] =	sbarrier.arrive $0xFFFF;
	s2 =	simm.s32 @!p0 $0x1C06  }
0x805: {  	[timem:s3], [sflag:s2] =	dma.local @!p0 [hbm:s0], s1  }
0x806: {  	s0 =	simm.s32 @!p0 $0x6  }
0x807: {  	_ =	swait.ge @!p0 [sflag:s0], s1  }
0x808: {  	s1 =	ssub.s32 @!p0 $0x0, s1;
	[sflag:s0] =	ssyncset.done @!p0 $0x0  }
0x809: {  	[sflag:s0] =	ssyncadd.s32 @!p0 s1  }
0x80a: {  	[bflag:$0x3] =	sbarrier.arrive $0xFFFF  }
0x80b: {  	_ =	shalt  }

</sc_bundles>
